<compile_context>
chip_gen: v7x
topology: tpu7x:2x2x1
jax: 0.10.2.dev20260603
libtpu: 0.0.44.dev20260713+nightly
codegen_flags: <defaults>
</compile_context>

<pallas_src>
import functools
import math

import jax
import jax.numpy as jnp
import numpy as np
from jax import lax
from jax.experimental import pallas as pl
from jax.experimental.pallas import tpu as pltpu
from jax.experimental.pallas import tpu_sc as plsc

HIDDEN = 256
ANS_NUM = 5000
OCR_NUM = 100
BATCH = 128
SEQ = 128
LN_EPS = 1e-12
LANES = 16

OCR_BASE = 5600
EMB_BASE = OCR_BASE + BATCH * OCR_NUM
TAB_BLK = 800
TAB_ROWS = EMB_BASE + TAB_BLK
OCR_BLK = 8
N_ANS_STEP = OCR_BASE // TAB_BLK
N_EMB_STEP = EMB_BASE // TAB_BLK
N_STEP = TAB_ROWS // TAB_BLK


def _make_pe(d_model=HIDDEN, max_len=SEQ):
    position = np.arange(max_len, dtype=np.float64)[:, None]
    div_term = np.exp(np.arange(0, d_model, 2, dtype=np.float64) * (-math.log(10000.0) / d_model))
    pe = np.zeros((max_len, d_model), dtype=np.float32)
    pe[:, 0::2] = np.sin(position / div_term)
    pe[:, 1::2] = np.cos(position / div_term)
    return pe


_PE2PAD = np.concatenate(
    [_make_pe(), _make_pe(), np.zeros((TAB_BLK - 2 * SEQ, HIDDEN), np.float32)], axis=0
)


def _ln(x, w, b):
    n = x.shape[-1]
    mu = jnp.mean(x, axis=-1, keepdims=True)
    var = jnp.maximum(jnp.mean(x * x, axis=-1, keepdims=True) - mu * mu, 0.0)
    return (x - mu) * lax.rsqrt(var + LN_EPS) * w + b


def _tab_body(ans_ref, ocr_ref, pe_ref, tt_ref, p_ref, o_ref):
    g = pl.program_id(0)

    @pl.when(g < N_ANS_STEP)
    def _():
        o_ref[...] = _ln(ans_ref[...], p_ref[0], p_ref[1])

    @pl.when(jnp.logical_and(g >= N_ANS_STEP, g < N_EMB_STEP))
    def _():
        y = _ln(ocr_ref[...], p_ref[2], p_ref[3])
        for i in range(OCR_BLK):
            o_ref[pl.ds(i * OCR_NUM, OCR_NUM), :] = y[i]

    @pl.when(g >= N_EMB_STEP)
    def _():
        rid = lax.broadcasted_iota(jnp.int32, (TAB_BLK, 1), 0)
        x = pe_ref[...] + jnp.where(rid < SEQ, tt_ref[0], tt_ref[1])
        o_ref[...] = _ln(x, p_ref[4], p_ref[5])


def _tab_call(ans_emb, ocr_emb, pe2, tt_table, p):
    return pl.pallas_call(
        _tab_body,
        grid=(N_STEP,),
        in_specs=[
            pl.BlockSpec((TAB_BLK, HIDDEN), lambda g: (jnp.minimum(g, N_ANS_STEP - 1), 0)),
            pl.BlockSpec((OCR_BLK, OCR_NUM, HIDDEN),
                         lambda g: (jnp.clip(g - N_ANS_STEP, 0, BATCH // OCR_BLK - 1), 0, 0)),
            pl.BlockSpec((TAB_BLK, HIDDEN), lambda g: (0, 0)),
            pl.BlockSpec((2, HIDDEN), lambda g: (0, 0)),
            pl.BlockSpec((6, HIDDEN), lambda g: (0, 0)),
        ],
        out_specs=pl.BlockSpec((TAB_BLK, HIDDEN), lambda g: (g, 0)),
        out_shape=jax.ShapeDtypeStruct((TAB_ROWS, HIDDEN), jnp.float32),
    )(ans_emb, ocr_emb, pe2, tt_table, p)


def _sc_gather(table, labels):
    info = plsc.get_sparse_core_info()
    nc, ns = info.num_cores, info.num_subcores
    nw = nc * ns
    b_per_w = BATCH // nw
    mesh = plsc.VectorSubcoreMesh(core_axis_name="c", subcore_axis_name="s")

    chunk = 64
    n_chunk = b_per_w * SEQ // chunk

    @functools.partial(
        pl.kernel,
        mesh=mesh,
        out_type=jax.ShapeDtypeStruct((BATCH, SEQ, HIDDEN), jnp.float32),
        scratch_types=[
            pltpu.VMEM((b_per_w, SEQ), jnp.int32),
            pltpu.VMEM((3, chunk), jnp.int32),
            pltpu.VMEM((3, chunk), jnp.int32),
            pltpu.VMEM((3, 2 * chunk, HIDDEN), jnp.float32),
            pltpu.SemaphoreType.DMA,
            pltpu.SemaphoreType.DMA,
        ],
    )
    def k(table_hbm, lbl_hbm, out_hbm, lbl_v, gi_v, ei_v, rows_v, sem_g, sem_s):
        wid = lax.axis_index("s") * nc + lax.axis_index("c")
        pltpu.sync_copy(lbl_hbm.at[pl.ds(wid * b_per_w, b_per_w)], lbl_v)

        def fire_gather(c):
            bi, half = c // 2, c % 2
            b = wid * b_per_w + bi
            slot = c % 3
            for j in range(chunk // LANES):
                v = lbl_v[bi, pl.ds(half * chunk + j * LANES, LANES)]
                is_ocr = v >= ANS_NUM
                gi_v[slot, pl.ds(j * LANES, LANES)] = jnp.where(
                    is_ocr, v + (OCR_BASE - ANS_NUM) + b * OCR_NUM, v)
                s_vec = lax.iota(jnp.int32, LANES) + (half * chunk + j * LANES)
                ei_v[slot, pl.ds(j * LANES, LANES)] = jnp.where(
                    is_ocr, s_vec + (EMB_BASE + SEQ), s_vec + EMB_BASE)
            g1 = pltpu.async_copy(table_hbm.at[gi_v.at[slot]],
                                  rows_v.at[slot, pl.ds(0, chunk)], sem_g)
            g2 = pltpu.async_copy(table_hbm.at[ei_v.at[slot]],
                                  rows_v.at[slot, pl.ds(chunk, chunk)], sem_g)
            return g1, g2

        gathers = [None] * n_chunk
        scats = [None] * n_chunk
        gathers[0] = fire_gather(0)
        gathers[1] = fire_gather(1)
        for c in range(n_chunk):
            slot = c % 3
            if c + 2 < n_chunk:
                if c >= 1:
                    scats[c - 1].wait()
                gathers[c + 2] = fire_gather(c + 2)
            g1, g2 = gathers[c]
            g1.wait()
            g2.wait()

            def add_row(s, carry, slot=slot):
                for h in range(HIDDEN // LANES):
                    sl = pl.ds(h * LANES, LANES)
                    plsc.addupdate(rows_v.at[slot, s, sl], rows_v[slot, s + chunk, sl])
                return carry

            lax.fori_loop(0, chunk, add_row, 0)
            bi, half = c // 2, c % 2
            b = wid * b_per_w + bi
            scats[c] = pltpu.async_copy(rows_v.at[slot, pl.ds(0, chunk)],
                                        out_hbm.at[b, pl.ds(half * chunk, chunk)], sem_s)
        scats[n_chunk - 3].wait()
        scats[n_chunk - 2].wait()
        scats[n_chunk - 1].wait()

    return k(table, labels)


def kernel(ans_emb, ocr_emb, labels, tt_table, ans_ln_w, ans_ln_b, ocr_ln_w, ocr_ln_b, emb_ln_w, emb_ln_b):
    p = jnp.stack([ans_ln_w, ans_ln_b, ocr_ln_w, ocr_ln_b, emb_ln_w, emb_ln_b])
    table = _tab_call(ans_emb, ocr_emb, jnp.asarray(_PE2PAD), tt_table, p)
    return _sc_gather(table, labels.astype(jnp.int32))

# --- scband reference (transcript-rebuilt; emitter-appended) ---
"""Pipeline reference for scband-prev-pred-embeddings-37160057045217 (READ-ONLY COPY).

The authoritative reference and input builder live on the scoring server;
editing this copy changes nothing except your own understanding.
"""

import math
import jax, jax.numpy as jnp
import numpy as np

HIDDEN = 256
ANS_NUM = 5000
OCR_NUM = 100
BATCH = 128
SEQ = 128
MAX_LEN = 512
LN_EPS = 1e-12


def layer_norm(x, w, b, eps=LN_EPS):
    mu = jnp.mean(x, axis=-1, keepdims=True)
    var = jnp.mean((x - mu) ** 2, axis=-1, keepdims=True)
    return (x - mu) / jnp.sqrt(var + eps) * w + b


def make_pe(d_model, max_len=MAX_LEN):
    position = np.arange(max_len, dtype=np.float64)[:, None]
    div_term = np.exp(np.arange(0, d_model, 2, dtype=np.float64) * (-math.log(10000.0) / d_model))
    pe = np.zeros((1, max_len, d_model), dtype=np.float32)
    pe[0, :, 0::2] = np.sin(position / div_term)
    pe[0, :, 1::2] = np.cos(position / div_term)
    return jnp.asarray(pe)


def setup_inputs(seed: int = 0) -> dict:
    key = jax.random.key(seed)
    k1, k2, k3, k4, k5, k6, k7, k8, k9 = jax.random.split(key, 9)
    ans_emb = jax.random.normal(k1, (ANS_NUM, HIDDEN), dtype=jnp.float32)
    ocr_emb = jax.random.normal(k2, (BATCH, OCR_NUM, HIDDEN), dtype=jnp.float32)
    labels = jax.random.randint(k3, (BATCH, SEQ), 0, ANS_NUM + OCR_NUM, dtype=jnp.int64)
    # token type embedding table as initialized in the torch module: row0 zeros, row1 ones
    tt_table = jnp.concatenate([jnp.zeros((1, HIDDEN), jnp.float32), jnp.ones((1, HIDDEN), jnp.float32)], axis=0)
    ans_ln_w = 1.0 + 0.1 * jax.random.normal(k4, (HIDDEN,), jnp.float32)
    ans_ln_b = 0.1 * jax.random.normal(k5, (HIDDEN,), jnp.float32)
    ocr_ln_w = 1.0 + 0.1 * jax.random.normal(k6, (HIDDEN,), jnp.float32)
    ocr_ln_b = 0.1 * jax.random.normal(k7, (HIDDEN,), jnp.float32)
    emb_ln_w = 1.0 + 0.1 * jax.random.normal(k8, (HIDDEN,), jnp.float32)
    emb_ln_b = 0.1 * jax.random.normal(k9, (HIDDEN,), jnp.float32)
    return {
        "ans_emb": ans_emb,
        "ocr_emb": ocr_emb,
        "labels": labels,
        "tt_table": tt_table,
        "ans_ln_w": ans_ln_w,
        "ans_ln_b": ans_ln_b,
        "ocr_ln_w": ocr_ln_w,
        "ocr_ln_b": ocr_ln_b,
        "emb_ln_w": emb_ln_w,
        "emb_ln_b": emb_ln_b,
    }


def reference(ans_emb, ocr_emb, labels, tt_table, ans_ln_w, ans_ln_b, ocr_ln_w, ocr_ln_b, emb_ln_w, emb_ln_b):
    batch_size, seq_len = labels.shape
    ans_num = ans_emb.shape[0]
    ans_n = layer_norm(ans_emb, ans_ln_w, ans_ln_b)
    ocr_n = layer_norm(ocr_emb, ocr_ln_w, ocr_ln_b)
    type_ids = (labels >= ans_num).astype(jnp.int32)
    tt = jnp.take(tt_table, type_ids, axis=0)  # [B, S, H]
    pe = make_pe(tt.shape[-1])[:, :seq_len, :]
    embeddings = layer_norm(tt + pe, emb_ln_w, emb_ln_b)  # dropout = identity (eval)
    full = jnp.concatenate([jnp.broadcast_to(ans_n[None], (batch_size,) + ans_n.shape), ocr_n], axis=1)
    gathered = jnp.take_along_axis(full, labels[..., None], axis=1)
    return gathered + embeddings

if __name__ == "__main__":
    import jax
    _d = setup_inputs()
    print(jax.jit(kernel)(*tuple(_d.values())))

</pallas_src>

<mosaic_0001>
#map = affine_map<(d0, d1) -> (0, 0)>
#map1 = affine_map<(d0, d1) -> (0, 0, 0)>
module attributes {stable_mosaic.version = 14 : i64} {
  func.func @k(%arg0: i32, %arg1: i32, %arg2: memref<19200x256xf32, #tpu.memory_space<hbm>>, %arg3: memref<128x128xi32, #tpu.memory_space<hbm>>, %arg4: memref<128x128x256xf32, #tpu.memory_space<hbm>>, %arg5: memref<4x128xi32, #tpu.memory_space<vmem>>, %arg6: memref<3x64xi32, #tpu.memory_space<vmem>>, %arg7: memref<3x64xi32, #tpu.memory_space<vmem>>, %arg8: memref<3x128x256xf32, #tpu.memory_space<vmem>>, %arg9: memref<!tpu.dma_semaphore, #tpu.memory_space<semaphore_mem>>, %arg10: memref<!tpu.dma_semaphore, #tpu.memory_space<semaphore_mem>>) attributes {dimension_semantics = [#tpu.dimension_semantics<core_parallel>, #tpu.dimension_semantics<subcore_parallel>], iteration_bounds = array<i64: 2, 16>, scalar_prefetch = 0 : i64, scratch_operands = 6 : i64, tpu.core_type = #tpu.core_type<sc_vector_subcore>, window_params = [{transform_indices = #map}, {transform_indices = #map}, {transform_indices = #map1}]} {
    %mul3A = arith.constant 2 : i32
    %mul3A_0 = arith.muli %arg1, %mul3A : i32
    %add3A = arith.addi %mul3A_0, %arg0 : i32
    %mul3A_1 = arith.constant 4 : i32
    %mul3A_2 = arith.muli %add3A, %mul3A_1 : i32
    "tpu.region"() ({
      %run_scoped3A = tpu.sem_alloc : memref<!tpu.dma_semaphore, #tpu.memory_space<semaphore_mem>>
      %dma_start3A_2011 = arith.constant 0 : i32
      %dma_start3A_2012 = tpu.memref_slice %arg3[%mul3A_2, %dma_start3A_2011] : memref<128x128xi32, #tpu.memory_space<hbm>> -> memref<4x128xi32, #tpu.memory_space<hbm>>
      %dma_start3A_2013 = arith.constant 0 : i32
      %dma_start3A_2014 = tpu.memref_slice %arg3[%mul3A_2, %dma_start3A_2013] : memref<128x128xi32, #tpu.memory_space<hbm>> -> memref<4x128xi32, #tpu.memory_space<hbm>>
      tpu.enqueue_dma source(%dma_start3A_2014 : memref<4x128xi32, #tpu.memory_space<hbm>>) target(%arg5 : memref<4x128xi32, #tpu.memory_space<vmem>>) target_semaphore(%run_scoped3A : memref<!tpu.dma_semaphore, #tpu.memory_space<semaphore_mem>>)
      %dma_wait3A_2015 = arith.constant 0 : i32
      %dma_wait3A_2016 = tpu.memref_slice %arg3[%mul3A_2, %dma_wait3A_2015] : memref<128x128xi32, #tpu.memory_space<hbm>> -> memref<4x128xi32, #tpu.memory_space<hbm>>
      %dma_wait3A_2017 = arith.constant 0 : i32
      %dma_wait3A_2018 = tpu.memref_slice %arg3[%mul3A_2, %dma_wait3A_2017] : memref<128x128xi32, #tpu.memory_space<hbm>> -> memref<4x128xi32, #tpu.memory_space<hbm>>
      tpu.wait_dma2 semaphore(%run_scoped3A : memref<!tpu.dma_semaphore, #tpu.memory_space<semaphore_mem>>) src(%dma_wait3A_2018 : memref<4x128xi32, #tpu.memory_space<hbm>>) dst(%arg5 : memref<4x128xi32, #tpu.memory_space<vmem>>)
      tpu.yield
    }) : () -> ()
    %mul3A_3 = arith.constant 4 : i32
    %mul3A_4 = arith.muli %add3A, %mul3A_3 : i32
    %add3A_5 = arith.constant 0 : i32
    %add3A_6 = arith.addi %mul3A_4, %add3A_5 : i32
    %get3A = arith.constant 0 : i32
    %get3A_7 = arith.index_cast %get3A : i32 to index
    %get3A_8 = arith.constant 0 : index
    %get3A_9 = tpu.vector_load %arg5[%get3A_7, %get3A_8] {strides = array<i32>} : memref<4x128xi32, #tpu.memory_space<vmem>>, vector<1x16xi32>,
    %get3A_10 = vector.shape_cast %get3A_9 : vector<1x16xi32> to vector<16xi32>
    %ge3A = arith.constant 5000 : i32
    %ge3A_11 = vector.broadcast %ge3A : i32 to vector<16xi32>
    %ge3A_12 = arith.cmpi sge, %get3A_10, %ge3A_11 : vector<16xi32>
    %add3A_13 = arith.constant 600 : i32
    %add3A_14 = vector.broadcast %add3A_13 : i32 to vector<16xi32>
    %add3A_15 = arith.addi %get3A_10, %add3A_14 : vector<16xi32>
    %mul3A_16 = arith.constant 100 : i32
    %mul3A_17 = arith.muli %add3A_6, %mul3A_16 : i32
    %add3A_18 = vector.broadcast %mul3A_17 : i32 to vector<16xi32>
    %add3A_19 = arith.addi %add3A_15, %add3A_18 : vector<16xi32>
    %select_n3A = arith.select %ge3A_12, %add3A_19, %get3A_10 : vector<16xi1>, vector<16xi32>
    %swap3A = arith.constant 0 : i32
    %swap3A_20 = arith.index_cast %swap3A : i32 to index
    %swap3A_21 = arith.constant 0 : index
    %swap3A_22 = tpu.vector_load %arg6[%swap3A_20, %swap3A_21] {strides = array<i32>} : memref<3x64xi32, #tpu.memory_space<vmem>>, vector<1x16xi32>,
    %swap3A_23 = vector.shape_cast %swap3A_22 : vector<1x16xi32> to vector<16xi32>
    %swap3A_24 = vector.shape_cast %select_n3A : vector<16xi32> to vector<1x16xi32>
    tpu.vector_store %arg6[%swap3A_20, %swap3A_21], %swap3A_24 {strides = array<i32>} : memref<3x64xi32, #tpu.memory_space<vmem>>, vector<1x16xi32>,
    %iota3A = tpu.iota {dimensions = array<i32: 0>} : vector<16xi32>
    %add3A_25 = arith.constant 0 : i32
    %add3A_26 = vector.broadcast %add3A_25 : i32 to vector<16xi32>
    %add3A_27 = arith.addi %iota3A, %add3A_26 : vector<16xi32>
    %add3A_28 = arith.constant 18528 : i32
    %add3A_29 = vector.broadcast %add3A_28 : i32 to vector<16xi32>
    %add3A_30 = arith.addi %add3A_27, %add3A_29 : vector<16xi32>
    %add3A_31 = arith.constant 18400 : i32
    %add3A_32 = vector.broadcast %add3A_31 : i32 to vector<16xi32>
    %add3A_33 = arith.addi %add3A_27, %add3A_32 : vector<16xi32>
    %select_n3A_34 = arith.select %ge3A_12, %add3A_30, %add3A_33 : vector<16xi1>, vector<16xi32>
    %swap3A_35 = arith.constant 0 : i32
    %swap3A_36 = arith.index_cast %swap3A_35 : i32 to index
    %swap3A_37 = arith.constant 0 : index
    %swap3A_38 = tpu.vector_load %arg7[%swap3A_36, %swap3A_37] {strides = array<i32>} : memref<3x64xi32, #tpu.memory_space<vmem>>, vector<1x16xi32>,
    %swap3A_39 = vector.shape_cast %swap3A_38 : vector<1x16xi32> to vector<16xi32>
    %swap3A_40 = vector.shape_cast %select_n3A_34 : vector<16xi32> to vector<1x16xi32>
    tpu.vector_store %arg7[%swap3A_36, %swap3A_37], %swap3A_40 {strides = array<i32>} : memref<3x64xi32, #tpu.memory_space<vmem>>, vector<1x16xi32>,
    %get3A_41 = arith.constant 0 : i32
    %get3A_42 = arith.index_cast %get3A_41 : i32 to index
    %get3A_43 = arith.constant 16 : index
    %get3A_44 = tpu.vector_load %arg5[%get3A_42, %get3A_43] {strides = array<i32>} : memref<4x128xi32, #tpu.memory_space<vmem>>, vector<1x16xi32>,
    %get3A_45 = vector.shape_cast %get3A_44 : vector<1x16xi32> to vector<16xi32>
    %ge3A_46 = arith.constant 5000 : i32
    %ge3A_47 = vector.broadcast %ge3A_46 : i32 to vector<16xi32>
    %ge3A_48 = arith.cmpi sge, %get3A_45, %ge3A_47 : vector<16xi32>
    %add3A_49 = arith.constant 600 : i32
    %add3A_50 = vector.broadcast %add3A_49 : i32 to vector<16xi32>
    %add3A_51 = arith.addi %get3A_45, %add3A_50 : vector<16xi32>
    %mul3A_52 = arith.constant 100 : i32
    %mul3A_53 = arith.muli %add3A_6, %mul3A_52 : i32
    %add3A_54 = vector.broadcast %mul3A_53 : i32 to vector<16xi32>
    %add3A_55 = arith.addi %add3A_51, %add3A_54 : vector<16xi32>
    %select_n3A_56 = arith.select %ge3A_48, %add3A_55, %get3A_45 : vector<16xi1>, vector<16xi32>
    %swap3A_57 = arith.constant 0 : i32
    %swap3A_58 = arith.index_cast %swap3A_57 : i32 to index
    %swap3A_59 = arith.constant 16 : index
    %swap3A_60 = tpu.vector_load %arg6[%swap3A_58, %swap3A_59] {strides = array<i32>} : memref<3x64xi32, #tpu.memory_space<vmem>>, vector<1x16xi32>,
    %swap3A_61 = vector.shape_cast %swap3A_60 : vector<1x16xi32> to vector<16xi32>
    %swap3A_62 = vector.shape_cast %select_n3A_56 : vector<16xi32> to vector<1x16xi32>
    tpu.vector_store %arg6[%swap3A_58, %swap3A_59], %swap3A_62 {strides = array<i32>} : memref<3x64xi32, #tpu.memory_space<vmem>>, vector<1x16xi32>,
    %iota3A_63 = tpu.iota {dimensions = array<i32: 0>} : vector<16xi32>
    %add3A_64 = arith.constant 16 : i32
    %add3A_65 = vector.broadcast %add3A_64 : i32 to vector<16xi32>
    %add3A_66 = arith.addi %iota3A_63, %add3A_65 : vector<16xi32>
    %add3A_67 = arith.constant 18528 : i32
    %add3A_68 = vector.broadcast %add3A_67 : i32 to vector<16xi32>
    %add3A_69 = arith.addi %add3A_66, %add3A_68 : vector<16xi32>
    %add3A_70 = arith.constant 18400 : i32
    %add3A_71 = vector.broadcast %add3A_70 : i32 to vector<16xi32>
    %add3A_72 = arith.addi %add3A_66, %add3A_71 : vector<16xi32>
    %select_n3A_73 = arith.select %ge3A_48, %add3A_69, %add3A_72 : vector<16xi1>, vector<16xi32>
    %swap3A_74 = arith.constant 0 : i32
    %swap3A_75 = arith.index_cast %swap3A_74 : i32 to index
    %swap3A_76 = arith.constant 16 : index
    %swap3A_77 = tpu.vector_load %arg7[%swap3A_75, %swap3A_76] {strides = array<i32>} : memref<3x64xi32, #tpu.memory_space<vmem>>, vector<1x16xi32>,
    %swap3A_78 = vector.shape_cast %swap3A_77 : vector<1x16xi32> to vector<16xi32>
    %swap3A_79 = vector.shape_cast %select_n3A_73 : vector<16xi32> to vector<1x16xi32>
    tpu.vector_store %arg7[%swap3A_75, %swap3A_76], %swap3A_79 {strides = array<i32>} : memref<3x64xi32, #tpu.memory_space<vmem>>, vector<1x16xi32>,
    %get3A_80 = arith.constant 0 : i32
    %get3A_81 = arith.index_cast %get3A_80 : i32 to index
    %get3A_82 = arith.constant 32 : index
    %get3A_83 = tpu.vector_load %arg5[%get3A_81, %get3A_82] {strides = array<i32>} : memref<4x128xi32, #tpu.memory_space<vmem>>, vector<1x16xi32>,
    %get3A_84 = vector.shape_cast %get3A_83 : vector<1x16xi32> to vector<16xi32>
    %ge3A_85 = arith.constant 5000 : i32
    %ge3A_86 = vector.broadcast %ge3A_85 : i32 to vector<16xi32>
    %ge3A_87 = arith.cmpi sge, %get3A_84, %ge3A_86 : vector<16xi32>
    %add3A_88 = arith.constant 600 : i32
    %add3A_89 = vector.broadcast %add3A_88 : i32 to vector<16xi32>
    %add3A_90 = arith.addi %get3A_84, %add3A_89 : vector<16xi32>
    %mul3A_91 = arith.constant 100 : i32
    %mul3A_92 = arith.muli %add3A_6, %mul3A_91 : i32
    %add3A_93 = vector.broadcast %mul3A_92 : i32 to vector<16xi32>
    %add3A_94 = arith.addi %add3A_90, %add3A_93 : vector<16xi32>
    %select_n3A_95 = arith.select %ge3A_87, %add3A_94, %get3A_84 : vector<16xi1>, vector<16xi32>
    %swap3A_96 = arith.constant 0 : i32
    %swap3A_97 = arith.index_cast %swap3A_96 : i32 to index
    %swap3A_98 = arith.constant 32 : index
    %swap3A_99 = tpu.vector_load %arg6[%swap3A_97, %swap3A_98] {strides = array<i32>} : memref<3x64xi32, #tpu.memory_space<vmem>>, vector<1x16xi32>,
    %swap3A_100 = vector.shape_cast %swap3A_99 : vector<1x16xi32> to vector<16xi32>
    %swap3A_101 = vector.shape_cast %select_n3A_95 : vector<16xi32> to vector<1x16xi32>
    tpu.vector_store %arg6[%swap3A_97, %swap3A_98], %swap3A_101 {strides = array<i32>} : memref<3x64xi32, #tpu.memory_space<vmem>>, vector<1x16xi32>,
    %iota3A_102 = tpu.iota {dimensions = array<i32: 0>} : vector<16xi32>
    %add3A_103 = arith.constant 32 : i32
    %add3A_104 = vector.broadcast %add3A_103 : i32 to vector<16xi32>
    %add3A_105 = arith.addi %iota3A_102, %add3A_104 : vector<16xi32>
    %add3A_106 = arith.constant 18528 : i32
    %add3A_107 = vector.broadcast %add3A_106 : i32 to vector<16xi32>
    %add3A_108 = arith.addi %add3A_105, %add3A_107 : vector<16xi32>
    %add3A_109 = arith.constant 18400 : i32
    %add3A_110 = vector.broadcast %add3A_109 : i32 to vector<16xi32>
    %add3A_111 = arith.addi %add3A_105, %add3A_110 : vector<16xi32>
    %select_n3A_112 = arith.select %ge3A_87, %add3A_108, %add3A_111 : vector<16xi1>, vector<16xi32>
    %swap3A_113 = arith.constant 0 : i32
    %swap3A_114 = arith.index_cast %swap3A_113 : i32 to index
    %swap3A_115 = arith.constant 32 : index
    %swap3A_116 = tpu.vector_load %arg7[%swap3A_114, %swap3A_115] {strides = array<i32>} : memref<3x64xi32, #tpu.memory_space<vmem>>, vector<1x16xi32>,
    %swap3A_117 = vector.shape_cast %swap3A_116 : vector<1x16xi32> to vector<16xi32>
    %swap3A_118 = vector.shape_cast %select_n3A_112 : vector<16xi32> to vector<1x16xi32>
    tpu.vector_store %arg7[%swap3A_114, %swap3A_115], %swap3A_118 {strides = array<i32>} : memref<3x64xi32, #tpu.memory_space<vmem>>, vector<1x16xi32>,
    %get3A_119 = arith.constant 0 : i32
    %get3A_120 = arith.index_cast %get3A_119 : i32 to index
    %get3A_121 = arith.constant 48 : index
    %get3A_122 = tpu.vector_load %arg5[%get3A_120, %get3A_121] {strides = array<i32>} : memref<4x128xi32, #tpu.memory_space<vmem>>, vector<1x16xi32>,
    %get3A_123 = vector.shape_cast %get3A_122 : vector<1x16xi32> to vector<16xi32>
    %ge3A_124 = arith.constant 5000 : i32
    %ge3A_125 = vector.broadcast %ge3A_124 : i32 to vector<16xi32>
    %ge3A_126 = arith.cmpi sge, %get3A_123, %ge3A_125 : vector<16xi32>
    %add3A_127 = arith.constant 600 : i32
    %add3A_128 = vector.broadcast %add3A_127 : i32 to vector<16xi32>
    %add3A_129 = arith.addi %get3A_123, %add3A_128 : vector<16xi32>
    %mul3A_130 = arith.constant 100 : i32
    %mul3A_131 = arith.muli %add3A_6, %mul3A_130 : i32
    %add3A_132 = vector.broadcast %mul3A_131 : i32 to vector<16xi32>
    %add3A_133 = arith.addi %add3A_129, %add3A_132 : vector<16xi32>
    %select_n3A_134 = arith.select %ge3A_126, %add3A_133, %get3A_123 : vector<16xi1>, vector<16xi32>
    %swap3A_135 = arith.constant 0 : i32
    %swap3A_136 = arith.index_cast %swap3A_135 : i32 to index
    %swap3A_137 = arith.constant 48 : index
    %swap3A_138 = tpu.vector_load %arg6[%swap3A_136, %swap3A_137] {strides = array<i32>} : memref<3x64xi32, #tpu.memory_space<vmem>>, vector<1x16xi32>,
    %swap3A_139 = vector.shape_cast %swap3A_138 : vector<1x16xi32> to vector<16xi32>
    %swap3A_140 = vector.shape_cast %select_n3A_134 : vector<16xi32> to vector<1x16xi32>
    tpu.vector_store %arg6[%swap3A_136, %swap3A_137], %swap3A_140 {strides = array<i32>} : memref<3x64xi32, #tpu.memory_space<vmem>>, vector<1x16xi32>,
    %iota3A_141 = tpu.iota {dimensions = array<i32: 0>} : vector<16xi32>
    %add3A_142 = arith.constant 48 : i32
    %add3A_143 = vector.broadcast %add3A_142 : i32 to vector<16xi32>
    %add3A_144 = arith.addi %iota3A_141, %add3A_143 : vector<16xi32>
    %add3A_145 = arith.constant 18528 : i32
    %add3A_146 = vector.broadcast %add3A_145 : i32 to vector<16xi32>
    %add3A_147 = arith.addi %add3A_144, %add3A_146 : vector<16xi32>
    %add3A_148 = arith.constant 18400 : i32
    %add3A_149 = vector.broadcast %add3A_148 : i32 to vector<16xi32>
    %add3A_150 = arith.addi %add3A_144, %add3A_149 : vector<16xi32>
    %select_n3A_151 = arith.select %ge3A_126, %add3A_147, %add3A_150 : vector<16xi1>, vector<16xi32>
    %swap3A_152 = arith.constant 0 : i32
    %swap3A_153 = arith.index_cast %swap3A_152 : i32 to index
    %swap3A_154 = arith.constant 48 : index
    %swap3A_155 = tpu.vector_load %arg7[%swap3A_153, %swap3A_154] {strides = array<i32>} : memref<3x64xi32, #tpu.memory_space<vmem>>, vector<1x16xi32>,
    %swap3A_156 = vector.shape_cast %swap3A_155 : vector<1x16xi32> to vector<16xi32>
    %swap3A_157 = vector.shape_cast %select_n3A_151 : vector<16xi32> to vector<1x16xi32>
    tpu.vector_store %arg7[%swap3A_153, %swap3A_154], %swap3A_157 {strides = array<i32>} : memref<3x64xi32, #tpu.memory_space<vmem>>, vector<1x16xi32>,
    %dma_start3A = arith.constant 0 : i32
    %dma_start3A_158 = arith.constant 0 : i32
    %dma_start3A_159 = arith.constant 0 : i32
    %dma_start3A_160 = arith.constant 0 : i32
    %dma_start3A_161 = tpu.memref_slice %arg8[%dma_start3A_158, %dma_start3A_159, %dma_start3A_160] : memref<3x128x256xf32, #tpu.memory_space<vmem>> -> memref<1x64x256xf32, #tpu.memory_space<vmem>>
    %dma_start3A_162 = tpu.memref_squeeze %dma_start3A_161 : memref<1x64x256xf32, #tpu.memory_space<vmem>> -> memref<64x256xf32, #tpu.memory_space<vmem>>
    %dma_start3A_163 = arith.constant 0 : i32
    %dma_start3A_164 = tpu.memref_slice %arg6[%dma_start3A, %dma_start3A_163] : memref<3x64xi32, #tpu.memory_space<vmem>> -> memref<1x64xi32, #tpu.memory_space<vmem>>
    %dma_start3A_165 = tpu.memref_squeeze %dma_start3A_164 : memref<1x64xi32, #tpu.memory_space<vmem>> -> memref<64xi32, #tpu.memory_space<vmem>>
    %dma_start3A_166 = arith.constant 0 : i32
    %dma_start3A_167 = arith.constant 0 : i32
    %dma_start3A_168 = tpu.memref_slice %arg2[%dma_start3A_166, %dma_start3A_167] : memref<19200x256xf32, #tpu.memory_space<hbm>> -> memref<19200x256xf32, #tpu.memory_space<hbm>>
    tpu.enqueue_indirect_dma source(%dma_start3A_168 : memref<19200x256xf32, #tpu.memory_space<hbm>>) target(%dma_start3A_162 : memref<64x256xf32, #tpu.memory_space<vmem>>) offsets(%dma_start3A_165 : memref<64xi32, #tpu.memory_space<vmem>>) semaphore(%arg9 : memref<!tpu.dma_semaphore, #tpu.memory_space<semaphore_mem>>)
    %dma_start3A_169 = arith.constant 0 : i32
    %dma_start3A_170 = arith.constant 0 : i32
    %dma_start3A_171 = arith.constant 64 : i32
    %dma_start3A_172 = arith.constant 0 : i32
    %dma_start3A_173 = tpu.memref_slice %arg8[%dma_start3A_170, %dma_start3A_171, %dma_start3A_172] : memref<3x128x256xf32, #tpu.memory_space<vmem>> -> memref<1x64x256xf32, #tpu.memory_space<vmem>>
    %dma_start3A_174 = tpu.memref_squeeze %dma_start3A_173 : memref<1x64x256xf32, #tpu.memory_space<vmem>> -> memref<64x256xf32, #tpu.memory_space<vmem>>
    %dma_start3A_175 = arith.constant 0 : i32
    %dma_start3A_176 = tpu.memref_slice %arg7[%dma_start3A_169, %dma_start3A_175] : memref<3x64xi32, #tpu.memory_space<vmem>> -> memref<1x64xi32, #tpu.memory_space<vmem>>
    %dma_start3A_177 = tpu.memref_squeeze %dma_start3A_176 : memref<1x64xi32, #tpu.memory_space<vmem>> -> memref<64xi32, #tpu.memory_space<vmem>>
    %dma_start3A_178 = arith.constant 0 : i32
    %dma_start3A_179 = arith.constant 0 : i32
    %dma_start3A_180 = tpu.memref_slice %arg2[%dma_start3A_178, %dma_start3A_179] : memref<19200x256xf32, #tpu.memory_space<hbm>> -> memref<19200x256xf32, #tpu.memory_space<hbm>>
    tpu.enqueue_indirect_dma source(%dma_start3A_180 : memref<19200x256xf32, #tpu.memory_space<hbm>>) target(%dma_start3A_174 : memref<64x256xf32, #tpu.memory_space<vmem>>) offsets(%dma_start3A_177 : memref<64xi32, #tpu.memory_space<vmem>>) semaphore(%arg9 : memref<!tpu.dma_semaphore, #tpu.memory_space<semaphore_mem>>)
    %mul3A_181 = arith.constant 4 : i32
    %mul3A_182 = arith.muli %add3A, %mul3A_181 : i32
    %add3A_183 = arith.constant 0 : i32
    %add3A_184 = arith.addi %mul3A_182, %add3A_183 : i32
    %get3A_185 = arith.constant 0 : i32
    %get3A_186 = arith.index_cast %get3A_185 : i32 to index
    %get3A_187 = arith.constant 64 : index
    %get3A_188 = tpu.vector_load %arg5[%get3A_186, %get3A_187] {strides = array<i32>} : memref<4x128xi32, #tpu.memory_space<vmem>>, vector<1x16xi32>,
    %get3A_189 = vector.shape_cast %get3A_188 : vector<1x16xi32> to vector<16xi32>
    %ge3A_190 = arith.constant 5000 : i32
    %ge3A_191 = vector.broadcast %ge3A_190 : i32 to vector<16xi32>
    %ge3A_192 = arith.cmpi sge, %get3A_189, %ge3A_191 : vector<16xi32>
    %add3A_193 = arith.constant 600 : i32
    %add3A_194 = vector.broadcast %add3A_193 : i32 to vector<16xi32>
    %add3A_195 = arith.addi %get3A_189, %add3A_194 : vector<16xi32>
    %mul3A_196 = arith.constant 100 : i32
    %mul3A_197 = arith.muli %add3A_184, %mul3A_196 : i32
    %add3A_198 = vector.broadcast %mul3A_197 : i32 to vector<16xi32>
    %add3A_199 = arith.addi %add3A_195, %add3A_198 : vector<16xi32>
    %select_n3A_200 = arith.select %ge3A_192, %add3A_199, %get3A_189 : vector<16xi1>, vector<16xi32>
    %swap3A_201 = arith.constant 1 : i32
    %swap3A_202 = arith.index_cast %swap3A_201 : i32 to index
    %swap3A_203 = arith.constant 0 : index
    %swap3A_204 = tpu.vector_load %arg6[%swap3A_202, %swap3A_203] {strides = array<i32>} : memref<3x64xi32, #tpu.memory_space<vmem>>, vector<1x16xi32>,
    %swap3A_205 = vector.shape_cast %swap3A_204 : vector<1x16xi32> to vector<16xi32>
    %swap3A_206 = vector.shape_cast %select_n3A_200 : vector<16xi32> to vector<1x16xi32>
    tpu.vector_store %arg6[%swap3A_202, %swap3A_203], %swap3A_206 {strides = array<i32>} : memref<3x64xi32, #tpu.memory_space<vmem>>, vector<1x16xi32>,
    %iota3A_207 = tpu.iota {dimensions = array<i32: 0>} : vector<16xi32>
    %add3A_208 = arith.constant 64 : i32
    %add3A_209 = vector.broadcast %add3A_208 : i32 to vector<16xi32>
    %add3A_210 = arith.addi %iota3A_207, %add3A_209 : vector<16xi32>
    %add3A_211 = arith.constant 18528 : i32
    %add3A_212 = vector.broadcast %add3A_211 : i32 to vector<16xi32>
    %add3A_213 = arith.addi %add3A_210, %add3A_212 : vector<16xi32>
    %add3A_214 = arith.constant 18400 : i32
    %add3A_215 = vector.broadcast %add3A_214 : i32 to vector<16xi32>
    %add3A_216 = arith.addi %add3A_210, %add3A_215 : vector<16xi32>
    %select_n3A_217 = arith.select %ge3A_192, %add3A_213, %add3A_216 : vector<16xi1>, vector<16xi32>
    %swap3A_218 = arith.constant 1 : i32
    %swap3A_219 = arith.index_cast %swap3A_218 : i32 to index
    %swap3A_220 = arith.constant 0 : index
    %swap3A_221 = tpu.vector_load %arg7[%swap3A_219, %swap3A_220] {strides = array<i32>} : memref<3x64xi32, #tpu.memory_space<vmem>>, vector<1x16xi32>,
    %swap3A_222 = vector.shape_cast %swap3A_221 : vector<1x16xi32> to vector<16xi32>
    %swap3A_223 = vector.shape_cast %select_n3A_217 : vector<16xi32> to vector<1x16xi32>
    tpu.vector_store %arg7[%swap3A_219, %swap3A_220], %swap3A_223 {strides = array<i32>} : memref<3x64xi32, #tpu.memory_space<vmem>>, vector<1x16xi32>,
    %get3A_224 = arith.constant 0 : i32
    %get3A_225 = arith.index_cast %get3A_224 : i32 to index
    %get3A_226 = arith.constant 80 : index
    %get3A_227 = tpu.vector_load %arg5[%get3A_225, %get3A_226] {strides = array<i32>} : memref<4x128xi32, #tpu.memory_space<vmem>>, vector<1x16xi32>,
    %get3A_228 = vector.shape_cast %get3A_227 : vector<1x16xi32> to vector<16xi32>
    %ge3A_229 = arith.constant 5000 : i32
    %ge3A_230 = vector.broadcast %ge3A_229 : i32 to vector<16xi32>
    %ge3A_231 = arith.cmpi sge, %get3A_228, %ge3A_230 : vector<16xi32>
    %add3A_232 = arith.constant 600 : i32
    %add3A_233 = vector.broadcast %add3A_232 : i32 to vector<16xi32>
    %add3A_234 = arith.addi %get3A_228, %add3A_233 : vector<16xi32>
    %mul3A_235 = arith.constant 100 : i32
    %mul3A_236 = arith.muli %add3A_184, %mul3A_235 : i32
    %add3A_237 = vector.broadcast %mul3A_236 : i32 to vector<16xi32>
    %add3A_238 = arith.addi %add3A_234, %add3A_237 : vector<16xi32>
    %select_n3A_239 = arith.select %ge3A_231, %add3A_238, %get3A_228 : vector<16xi1>, vector<16xi32>
    %swap3A_240 = arith.constant 1 : i32
    %swap3A_241 = arith.index_cast %swap3A_240 : i32 to index
    %swap3A_242 = arith.constant 16 : index
    %swap3A_243 = tpu.vector_load %arg6[%swap3A_241, %swap3A_242] {strides = array<i32>} : memref<3x64xi32, #tpu.memory_space<vmem>>, vector<1x16xi32>,
    %swap3A_244 = vector.shape_cast %swap3A_243 : vector<1x16xi32> to vector<16xi32>
    %swap3A_245 = vector.shape_cast %select_n3A_239 : vector<16xi32> to vector<1x16xi32>
    tpu.vector_store %arg6[%swap3A_241, %swap3A_242], %swap3A_245 {strides = array<i32>} : memref<3x64xi32, #tpu.memory_space<vmem>>, vector<1x16xi32>,
    %iota3A_246 = tpu.iota {dimensions = array<i32: 0>} : vector<16xi32>
    %add3A_247 = arith.constant 80 : i32
    %add3A_248 = vector.broadcast %add3A_247 : i32 to vector<16xi32>
    %add3A_249 = arith.addi %iota3A_246, %add3A_248 : vector<16xi32>
    %add3A_250 = arith.constant 18528 : i32
    %add3A_251 = vector.broadcast %add3A_250 : i32 to vector<16xi32>
    %add3A_252 = arith.addi %add3A_249, %add3A_251 : vector<16xi32>
    %add3A_253 = arith.constant 18400 : i32
    %add3A_254 = vector.broadcast %add3A_253 : i32 to vector<16xi32>
    %add3A_255 = arith.addi %add3A_249, %add3A_254 : vector<16xi32>
    %select_n3A_256 = arith.select %ge3A_231, %add3A_252, %add3A_255 : vector<16xi1>, vector<16xi32>
    %swap3A_257 = arith.constant 1 : i32
    %swap3A_258 = arith.index_cast %swap3A_257 : i32 to index
    %swap3A_259 = arith.constant 16 : index
    %swap3A_260 = tpu.vector_load %arg7[%swap3A_258, %swap3A_259] {strides = array<i32>} : memref<3x64xi32, #tpu.memory_space<vmem>>, vector<1x16xi32>,
    %swap3A_261 = vector.shape_cast %swap3A_260 : vector<1x16xi32> to vector<16xi32>
    %swap3A_262 = vector.shape_cast %select_n3A_256 : vector<16xi32> to vector<1x16xi32>
    tpu.vector_store %arg7[%swap3A_258, %swap3A_259], %swap3A_262 {strides = array<i32>} : memref<3x64xi32, #tpu.memory_space<vmem>>, vector<1x16xi32>,
    %get3A_263 = arith.constant 0 : i32
    %get3A_264 = arith.index_cast %get3A_263 : i32 to index
    %get3A_265 = arith.constant 96 : index
    %get3A_266 = tpu.vector_load %arg5[%get3A_264, %get3A_265] {strides = array<i32>} : memref<4x128xi32, #tpu.memory_space<vmem>>, vector<1x16xi32>,
    %get3A_267 = vector.shape_cast %get3A_266 : vector<1x16xi32> to vector<16xi32>
    %ge3A_268 = arith.constant 5000 : i32
    %ge3A_269 = vector.broadcast %ge3A_268 : i32 to vector<16xi32>
    %ge3A_270 = arith.cmpi sge, %get3A_267, %ge3A_269 : vector<16xi32>
    %add3A_271 = arith.constant 600 : i32
    %add3A_272 = vector.broadcast %add3A_271 : i32 to vector<16xi32>
    %add3A_273 = arith.addi %get3A_267, %add3A_272 : vector<16xi32>
    %mul3A_274 = arith.constant 100 : i32
    %mul3A_275 = arith.muli %add3A_184, %mul3A_274 : i32
    %add3A_276 = vector.broadcast %mul3A_275 : i32 to vector<16xi32>
    %add3A_277 = arith.addi %add3A_273, %add3A_276 : vector<16xi32>
    %select_n3A_278 = arith.select %ge3A_270, %add3A_277, %get3A_267 : vector<16xi1>, vector<16xi32>
    %swap3A_279 = arith.constant 1 : i32
    %swap3A_280 = arith.index_cast %swap3A_279 : i32 to index
    %swap3A_281 = arith.constant 32 : index
    %swap3A_282 = tpu.vector_load %arg6[%swap3A_280, %swap3A_281] {strides = array<i32>} : memref<3x64xi32, #tpu.memory_space<vmem>>, vector<1x16xi32>,
    %swap3A_283 = vector.shape_cast %swap3A_282 : vector<1x16xi32> to vector<16xi32>
    %swap3A_284 = vector.shape_cast %select_n3A_278 : vector<16xi32> to vector<1x16xi32>
    tpu.vector_store %arg6[%swap3A_280, %swap3A_281], %swap3A_284 {strides = array<i32>} : memref<3x64xi32, #tpu.memory_space<vmem>>, vector<1x16xi32>,
    %iota3A_285 = tpu.iota {dimensions = array<i32: 0>} : vector<16xi32>
    %add3A_286 = arith.constant 96 : i32
    %add3A_287 = vector.broadcast %add3A_286 : i32 to vector<16xi32>
    %add3A_288 = arith.addi %iota3A_285, %add3A_287 : vector<16xi32>
    %add3A_289 = arith.constant 18528 : i32
    %add3A_290 = vector.broadcast %add3A_289 : i32 to vector<16xi32>
    %add3A_291 = arith.addi %add3A_288, %add3A_290 : vector<16xi32>
    %add3A_292 = arith.constant 18400 : i32
    %add3A_293 = vector.broadcast %add3A_292 : i32 to vector<16xi32>
    %add3A_294 = arith.addi %add3A_288, %add3A_293 : vector<16xi32>
    %select_n3A_295 = arith.select %ge3A_270, %add3A_291, %add3A_294 : vector<16xi1>, vector<16xi32>
    %swap3A_296 = arith.constant 1 : i32
    %swap3A_297 = arith.index_cast %swap3A_296 : i32 to index
    %swap3A_298 = arith.constant 32 : index
    %swap3A_299 = tpu.vector_load %arg7[%swap3A_297, %swap3A_298] {strides = array<i32>} : memref<3x64xi32, #tpu.memory_space<vmem>>, vector<1x16xi32>,
    %swap3A_300 = vector.shape_cast %swap3A_299 : vector<1x16xi32> to vector<16xi32>
    %swap3A_301 = vector.shape_cast %select_n3A_295 : vector<16xi32> to vector<1x16xi32>
    tpu.vector_store %arg7[%swap3A_297, %swap3A_298], %swap3A_301 {strides = array<i32>} : memref<3x64xi32, #tpu.memory_space<vmem>>, vector<1x16xi32>,
    %get3A_302 = arith.constant 0 : i32
    %get3A_303 = arith.index_cast %get3A_302 : i32 to index
    %get3A_304 = arith.constant 112 : index
    %get3A_305 = tpu.vector_load %arg5[%get3A_303, %get3A_304] {strides = array<i32>} : memref<4x128xi32, #tpu.memory_space<vmem>>, vector<1x16xi32>,
    %get3A_306 = vector.shape_cast %get3A_305 : vector<1x16xi32> to vector<16xi32>
    %ge3A_307 = arith.constant 5000 : i32
    %ge3A_308 = vector.broadcast %ge3A_307 : i32 to vector<16xi32>
    %ge3A_309 = arith.cmpi sge, %get3A_306, %ge3A_308 : vector<16xi32>
    %add3A_310 = arith.constant 600 : i32
    %add3A_311 = vector.broadcast %add3A_310 : i32 to vector<16xi32>
    %add3A_312 = arith.addi %get3A_306, %add3A_311 : vector<16xi32>
    %mul3A_313 = arith.constant 100 : i32
    %mul3A_314 = arith.muli %add3A_184, %mul3A_313 : i32
    %add3A_315 = vector.broadcast %mul3A_314 : i32 to vector<16xi32>
    %add3A_316 = arith.addi %add3A_312, %add3A_315 : vector<16xi32>
    %select_n3A_317 = arith.select %ge3A_309, %add3A_316, %get3A_306 : vector<16xi1>, vector<16xi32>
    %swap3A_318 = arith.constant 1 : i32
    %swap3A_319 = arith.index_cast %swap3A_318 : i32 to index
    %swap3A_320 = arith.constant 48 : index
    %swap3A_321 = tpu.vector_load %arg6[%swap3A_319, %swap3A_320] {strides = array<i32>} : memref<3x64xi32, #tpu.memory_space<vmem>>, vector<1x16xi32>,
    %swap3A_322 = vector.shape_cast %swap3A_321 : vector<1x16xi32> to vector<16xi32>
    %swap3A_323 = vector.shape_cast %select_n3A_317 : vector<16xi32> to vector<1x16xi32>
    tpu.vector_store %arg6[%swap3A_319, %swap3A_320], %swap3A_323 {strides = array<i32>} : memref<3x64xi32, #tpu.memory_space<vmem>>, vector<1x16xi32>,
    %iota3A_324 = tpu.iota {dimensions = array<i32: 0>} : vector<16xi32>
    %add3A_325 = arith.constant 112 : i32
    %add3A_326 = vector.broadcast %add3A_325 : i32 to vector<16xi32>
    %add3A_327 = arith.addi %iota3A_324, %add3A_326 : vector<16xi32>
    %add3A_328 = arith.constant 18528 : i32
    %add3A_329 = vector.broadcast %add3A_328 : i32 to vector<16xi32>
    %add3A_330 = arith.addi %add3A_327, %add3A_329 : vector<16xi32>
    %add3A_331 = arith.constant 18400 : i32
    %add3A_332 = vector.broadcast %add3A_331 : i32 to vector<16xi32>
    %add3A_333 = arith.addi %add3A_327, %add3A_332 : vector<16xi32>
    %select_n3A_334 = arith.select %ge3A_309, %add3A_330, %add3A_333 : vector<16xi1>, vector<16xi32>
    %swap3A_335 = arith.constant 1 : i32
    %swap3A_336 = arith.index_cast %swap3A_335 : i32 to index
    %swap3A_337 = arith.constant 48 : index
    %swap3A_338 = tpu.vector_load %arg7[%swap3A_336, %swap3A_337] {strides = array<i32>} : memref<3x64xi32, #tpu.memory_space<vmem>>, vector<1x16xi32>,
    %swap3A_339 = vector.shape_cast %swap3A_338 : vector<1x16xi32> to vector<16xi32>
    %swap3A_340 = vector.shape_cast %select_n3A_334 : vector<16xi32> to vector<1x16xi32>
    tpu.vector_store %arg7[%swap3A_336, %swap3A_337], %swap3A_340 {strides = array<i32>} : memref<3x64xi32, #tpu.memory_space<vmem>>, vector<1x16xi32>,
    %dma_start3A_341 = arith.constant 1 : i32
    %dma_start3A_342 = arith.constant 1 : i32
    %dma_start3A_343 = arith.constant 0 : i32
    %dma_start3A_344 = arith.constant 0 : i32
    %dma_start3A_345 = tpu.memref_slice %arg8[%dma_start3A_342, %dma_start3A_343, %dma_start3A_344] : memref<3x128x256xf32, #tpu.memory_space<vmem>> -> memref<1x64x256xf32, #tpu.memory_space<vmem>>
    %dma_start3A_346 = tpu.memref_squeeze %dma_start3A_345 : memref<1x64x256xf32, #tpu.memory_space<vmem>> -> memref<64x256xf32, #tpu.memory_space<vmem>>
    %dma_start3A_347 = arith.constant 0 : i32
    %dma_start3A_348 = tpu.memref_slice %arg6[%dma_start3A_341, %dma_start3A_347] : memref<3x64xi32, #tpu.memory_space<vmem>> -> memref<1x64xi32, #tpu.memory_space<vmem>>
    %dma_start3A_349 = tpu.memref_squeeze %dma_start3A_348 : memref<1x64xi32, #tpu.memory_space<vmem>> -> memref<64xi32, #tpu.memory_space<vmem>>
    %dma_start3A_350 = arith.constant 0 : i32
    %dma_start3A_351 = arith.constant 0 : i32
    %dma_start3A_352 = tpu.memref_slice %arg2[%dma_start3A_350, %dma_start3A_351] : memref<19200x256xf32, #tpu.memory_space<hbm>> -> memref<19200x256xf32, #tpu.memory_space<hbm>>
    tpu.enqueue_indirect_dma source(%dma_start3A_352 : memref<19200x256xf32, #tpu.memory_space<hbm>>) target(%dma_start3A_346 : memref<64x256xf32, #tpu.memory_space<vmem>>) offsets(%dma_start3A_349 : memref<64xi32, #tpu.memory_space<vmem>>) semaphore(%arg9 : memref<!tpu.dma_semaphore, #tpu.memory_space<semaphore_mem>>)
    %dma_start3A_353 = arith.constant 1 : i32
    %dma_start3A_354 = arith.constant 1 : i32
    %dma_start3A_355 = arith.constant 64 : i32
    %dma_start3A_356 = arith.constant 0 : i32
    %dma_start3A_357 = tpu.memref_slice %arg8[%dma_start3A_354, %dma_start3A_355, %dma_start3A_356] : memref<3x128x256xf32, #tpu.memory_space<vmem>> -> memref<1x64x256xf32, #tpu.memory_space<vmem>>
    %dma_start3A_358 = tpu.memref_squeeze %dma_start3A_357 : memref<1x64x256xf32, #tpu.memory_space<vmem>> -> memref<64x256xf32, #tpu.memory_space<vmem>>
    %dma_start3A_359 = arith.constant 0 : i32
    %dma_start3A_360 = tpu.memref_slice %arg7[%dma_start3A_353, %dma_start3A_359] : memref<3x64xi32, #tpu.memory_space<vmem>> -> memref<1x64xi32, #tpu.memory_space<vmem>>
    %dma_start3A_361 = tpu.memref_squeeze %dma_start3A_360 : memref<1x64xi32, #tpu.memory_space<vmem>> -> memref<64xi32, #tpu.memory_space<vmem>>
    %dma_start3A_362 = arith.constant 0 : i32
    %dma_start3A_363 = arith.constant 0 : i32
    %dma_start3A_364 = tpu.memref_slice %arg2[%dma_start3A_362, %dma_start3A_363] : memref<19200x256xf32, #tpu.memory_space<hbm>> -> memref<19200x256xf32, #tpu.memory_space<hbm>>
    tpu.enqueue_indirect_dma source(%dma_start3A_364 : memref<19200x256xf32, #tpu.memory_space<hbm>>) target(%dma_start3A_358 : memref<64x256xf32, #tpu.memory_space<vmem>>) offsets(%dma_start3A_361 : memref<64xi32, #tpu.memory_space<vmem>>) semaphore(%arg9 : memref<!tpu.dma_semaphore, #tpu.memory_space<semaphore_mem>>)
    %mul3A_365 = arith.constant 4 : i32
    %mul3A_366 = arith.muli %add3A, %mul3A_365 : i32
    %add3A_367 = arith.constant 1 : i32
    %add3A_368 = arith.addi %mul3A_366, %add3A_367 : i32
    %get3A_369 = arith.constant 1 : i32
    %get3A_370 = arith.index_cast %get3A_369 : i32 to index
    %get3A_371 = arith.constant 0 : index
    %get3A_372 = tpu.vector_load %arg5[%get3A_370, %get3A_371] {strides = array<i32>} : memref<4x128xi32, #tpu.memory_space<vmem>>, vector<1x16xi32>,
    %get3A_373 = vector.shape_cast %get3A_372 : vector<1x16xi32> to vector<16xi32>
    %ge3A_374 = arith.constant 5000 : i32
    %ge3A_375 = vector.broadcast %ge3A_374 : i32 to vector<16xi32>
    %ge3A_376 = arith.cmpi sge, %get3A_373, %ge3A_375 : vector<16xi32>
    %add3A_377 = arith.constant 600 : i32
    %add3A_378 = vector.broadcast %add3A_377 : i32 to vector<16xi32>
    %add3A_379 = arith.addi %get3A_373, %add3A_378 : vector<16xi32>
    %mul3A_380 = arith.constant 100 : i32
    %mul3A_381 = arith.muli %add3A_368, %mul3A_380 : i32
    %add3A_382 = vector.broadcast %mul3A_381 : i32 to vector<16xi32>
    %add3A_383 = arith.addi %add3A_379, %add3A_382 : vector<16xi32>
    %select_n3A_384 = arith.select %ge3A_376, %add3A_383, %get3A_373 : vector<16xi1>, vector<16xi32>
    %swap3A_385 = arith.constant 2 : i32
    %swap3A_386 = arith.index_cast %swap3A_385 : i32 to index
    %swap3A_387 = arith.constant 0 : index
    %swap3A_388 = tpu.vector_load %arg6[%swap3A_386, %swap3A_387] {strides = array<i32>} : memref<3x64xi32, #tpu.memory_space<vmem>>, vector<1x16xi32>,
    %swap3A_389 = vector.shape_cast %swap3A_388 : vector<1x16xi32> to vector<16xi32>
    %swap3A_390 = vector.shape_cast %select_n3A_384 : vector<16xi32> to vector<1x16xi32>
    tpu.vector_store %arg6[%swap3A_386, %swap3A_387], %swap3A_390 {strides = array<i32>} : memref<3x64xi32, #tpu.memory_space<vmem>>, vector<1x16xi32>,
    %iota3A_391 = tpu.iota {dimensions = array<i32: 0>} : vector<16xi32>
    %add3A_392 = arith.constant 0 : i32
    %add3A_393 = vector.broadcast %add3A_392 : i32 to vector<16xi32>
    %add3A_394 = arith.addi %iota3A_391, %add3A_393 : vector<16xi32>
    %add3A_395 = arith.constant 18528 : i32
    %add3A_396 = vector.broadcast %add3A_395 : i32 to vector<16xi32>
    %add3A_397 = arith.addi %add3A_394, %add3A_396 : vector<16xi32>
    %add3A_398 = arith.constant 18400 : i32
    %add3A_399 = vector.broadcast %add3A_398 : i32 to vector<16xi32>
    %add3A_400 = arith.addi %add3A_394, %add3A_399 : vector<16xi32>
    %select_n3A_401 = arith.select %ge3A_376, %add3A_397, %add3A_400 : vector<16xi1>, vector<16xi32>
    %swap3A_402 = arith.constant 2 : i32
    %swap3A_403 = arith.index_cast %swap3A_402 : i32 to index
    %swap3A_404 = arith.constant 0 : index
    %swap3A_405 = tpu.vector_load %arg7[%swap3A_403, %swap3A_404] {strides = array<i32>} : memref<3x64xi32, #tpu.memory_space<vmem>>, vector<1x16xi32>,
    %swap3A_406 = vector.shape_cast %swap3A_405 : vector<1x16xi32> to vector<16xi32>
    %swap3A_407 = vector.shape_cast %select_n3A_401 : vector<16xi32> to vector<1x16xi32>
    tpu.vector_store %arg7[%swap3A_403, %swap3A_404], %swap3A_407 {strides = array<i32>} : memref<3x64xi32, #tpu.memory_space<vmem>>, vector<1x16xi32>,
    %get3A_408 = arith.constant 1 : i32
    %get3A_409 = arith.index_cast %get3A_408 : i32 to index
    %get3A_410 = arith.constant 16 : index
    %get3A_411 = tpu.vector_load %arg5[%get3A_409, %get3A_410] {strides = array<i32>} : memref<4x128xi32, #tpu.memory_space<vmem>>, vector<1x16xi32>,
    %get3A_412 = vector.shape_cast %get3A_411 : vector<1x16xi32> to vector<16xi32>
    %ge3A_413 = arith.constant 5000 : i32
    %ge3A_414 = vector.broadcast %ge3A_413 : i32 to vector<16xi32>
    %ge3A_415 = arith.cmpi sge, %get3A_412, %ge3A_414 : vector<16xi32>
    %add3A_416 = arith.constant 600 : i32
    %add3A_417 = vector.broadcast %add3A_416 : i32 to vector<16xi32>
    %add3A_418 = arith.addi %get3A_412, %add3A_417 : vector<16xi32>
    %mul3A_419 = arith.constant 100 : i32
    %mul3A_420 = arith.muli %add3A_368, %mul3A_419 : i32
    %add3A_421 = vector.broadcast %mul3A_420 : i32 to vector<16xi32>
    %add3A_422 = arith.addi %add3A_418, %add3A_421 : vector<16xi32>
    %select_n3A_423 = arith.select %ge3A_415, %add3A_422, %get3A_412 : vector<16xi1>, vector<16xi32>
    %swap3A_424 = arith.constant 2 : i32
    %swap3A_425 = arith.index_cast %swap3A_424 : i32 to index
    %swap3A_426 = arith.constant 16 : index
    %swap3A_427 = tpu.vector_load %arg6[%swap3A_425, %swap3A_426] {strides = array<i32>} : memref<3x64xi32, #tpu.memory_space<vmem>>, vector<1x16xi32>,
    %swap3A_428 = vector.shape_cast %swap3A_427 : vector<1x16xi32> to vector<16xi32>
    %swap3A_429 = vector.shape_cast %select_n3A_423 : vector<16xi32> to vector<1x16xi32>
    tpu.vector_store %arg6[%swap3A_425, %swap3A_426], %swap3A_429 {strides = array<i32>} : memref<3x64xi32, #tpu.memory_space<vmem>>, vector<1x16xi32>,
    %iota3A_430 = tpu.iota {dimensions = array<i32: 0>} : vector<16xi32>
    %add3A_431 = arith.constant 16 : i32
    %add3A_432 = vector.broadcast %add3A_431 : i32 to vector<16xi32>
    %add3A_433 = arith.addi %iota3A_430, %add3A_432 : vector<16xi32>
    %add3A_434 = arith.constant 18528 : i32
    %add3A_435 = vector.broadcast %add3A_434 : i32 to vector<16xi32>
    %add3A_436 = arith.addi %add3A_433, %add3A_435 : vector<16xi32>
    %add3A_437 = arith.constant 18400 : i32
    %add3A_438 = vector.broadcast %add3A_437 : i32 to vector<16xi32>
    %add3A_439 = arith.addi %add3A_433, %add3A_438 : vector<16xi32>
    %select_n3A_440 = arith.select %ge3A_415, %add3A_436, %add3A_439 : vector<16xi1>, vector<16xi32>
    %swap3A_441 = arith.constant 2 : i32
    %swap3A_442 = arith.index_cast %swap3A_441 : i32 to index
    %swap3A_443 = arith.constant 16 : index
    %swap3A_444 = tpu.vector_load %arg7[%swap3A_442, %swap3A_443] {strides = array<i32>} : memref<3x64xi32, #tpu.memory_space<vmem>>, vector<1x16xi32>,
    %swap3A_445 = vector.shape_cast %swap3A_444 : vector<1x16xi32> to vector<16xi32>
    %swap3A_446 = vector.shape_cast %select_n3A_440 : vector<16xi32> to vector<1x16xi32>
    tpu.vector_store %arg7[%swap3A_442, %swap3A_443], %swap3A_446 {strides = array<i32>} : memref<3x64xi32, #tpu.memory_space<vmem>>, vector<1x16xi32>,
    %get3A_447 = arith.constant 1 : i32
    %get3A_448 = arith.index_cast %get3A_447 : i32 to index
    %get3A_449 = arith.constant 32 : index
    %get3A_450 = tpu.vector_load %arg5[%get3A_448, %get3A_449] {strides = array<i32>} : memref<4x128xi32, #tpu.memory_space<vmem>>, vector<1x16xi32>,
    %get3A_451 = vector.shape_cast %get3A_450 : vector<1x16xi32> to vector<16xi32>
    %ge3A_452 = arith.constant 5000 : i32
    %ge3A_453 = vector.broadcast %ge3A_452 : i32 to vector<16xi32>
    %ge3A_454 = arith.cmpi sge, %get3A_451, %ge3A_453 : vector<16xi32>
    %add3A_455 = arith.constant 600 : i32
    %add3A_456 = vector.broadcast %add3A_455 : i32 to vector<16xi32>
    %add3A_457 = arith.addi %get3A_451, %add3A_456 : vector<16xi32>
    %mul3A_458 = arith.constant 100 : i32
    %mul3A_459 = arith.muli %add3A_368, %mul3A_458 : i32
    %add3A_460 = vector.broadcast %mul3A_459 : i32 to vector<16xi32>
    %add3A_461 = arith.addi %add3A_457, %add3A_460 : vector<16xi32>
    %select_n3A_462 = arith.select %ge3A_454, %add3A_461, %get3A_451 : vector<16xi1>, vector<16xi32>
    %swap3A_463 = arith.constant 2 : i32
    %swap3A_464 = arith.index_cast %swap3A_463 : i32 to index
    %swap3A_465 = arith.constant 32 : index
    %swap3A_466 = tpu.vector_load %arg6[%swap3A_464, %swap3A_465] {strides = array<i32>} : memref<3x64xi32, #tpu.memory_space<vmem>>, vector<1x16xi32>,
    %swap3A_467 = vector.shape_cast %swap3A_466 : vector<1x16xi32> to vector<16xi32>
    %swap3A_468 = vector.shape_cast %select_n3A_462 : vector<16xi32> to vector<1x16xi32>
    tpu.vector_store %arg6[%swap3A_464, %swap3A_465], %swap3A_468 {strides = array<i32>} : memref<3x64xi32, #tpu.memory_space<vmem>>, vector<1x16xi32>,
    %iota3A_469 = tpu.iota {dimensions = array<i32: 0>} : vector<16xi32>
    %add3A_470 = arith.constant 32 : i32
    %add3A_471 = vector.broadcast %add3A_470 : i32 to vector<16xi32>
    %add3A_472 = arith.addi %iota3A_469, %add3A_471 : vector<16xi32>
    %add3A_473 = arith.constant 18528 : i32
    %add3A_474 = vector.broadcast %add3A_473 : i32 to vector<16xi32>
    %add3A_475 = arith.addi %add3A_472, %add3A_474 : vector<16xi32>
    %add3A_476 = arith.constant 18400 : i32
    %add3A_477 = vector.broadcast %add3A_476 : i32 to vector<16xi32>
    %add3A_478 = arith.addi %add3A_472, %add3A_477 : vector<16xi32>
    %select_n3A_479 = arith.select %ge3A_454, %add3A_475, %add3A_478 : vector<16xi1>, vector<16xi32>
    %swap3A_480 = arith.constant 2 : i32
    %swap3A_481 = arith.index_cast %swap3A_480 : i32 to index
    %swap3A_482 = arith.constant 32 : index
    %swap3A_483 = tpu.vector_load %arg7[%swap3A_481, %swap3A_482] {strides = array<i32>} : memref<3x64xi32, #tpu.memory_space<vmem>>, vector<1x16xi32>,
    %swap3A_484 = vector.shape_cast %swap3A_483 : vector<1x16xi32> to vector<16xi32>
    %swap3A_485 = vector.shape_cast %select_n3A_479 : vector<16xi32> to vector<1x16xi32>
    tpu.vector_store %arg7[%swap3A_481, %swap3A_482], %swap3A_485 {strides = array<i32>} : memref<3x64xi32, #tpu.memory_space<vmem>>, vector<1x16xi32>,
    %get3A_486 = arith.constant 1 : i32
    %get3A_487 = arith.index_cast %get3A_486 : i32 to index
    %get3A_488 = arith.constant 48 : index
    %get3A_489 = tpu.vector_load %arg5[%get3A_487, %get3A_488] {strides = array<i32>} : memref<4x128xi32, #tpu.memory_space<vmem>>, vector<1x16xi32>,
    %get3A_490 = vector.shape_cast %get3A_489 : vector<1x16xi32> to vector<16xi32>
    %ge3A_491 = arith.constant 5000 : i32
    %ge3A_492 = vector.broadcast %ge3A_491 : i32 to vector<16xi32>
    %ge3A_493 = arith.cmpi sge, %get3A_490, %ge3A_492 : vector<16xi32>
    %add3A_494 = arith.constant 600 : i32
    %add3A_495 = vector.broadcast %add3A_494 : i32 to vector<16xi32>
    %add3A_496 = arith.addi %get3A_490, %add3A_495 : vector<16xi32>
    %mul3A_497 = arith.constant 100 : i32
    %mul3A_498 = arith.muli %add3A_368, %mul3A_497 : i32
    %add3A_499 = vector.broadcast %mul3A_498 : i32 to vector<16xi32>
    %add3A_500 = arith.addi %add3A_496, %add3A_499 : vector<16xi32>
    %select_n3A_501 = arith.select %ge3A_493, %add3A_500, %get3A_490 : vector<16xi1>, vector<16xi32>
    %swap3A_502 = arith.constant 2 : i32
    %swap3A_503 = arith.index_cast %swap3A_502 : i32 to index
    %swap3A_504 = arith.constant 48 : index
    %swap3A_505 = tpu.vector_load %arg6[%swap3A_503, %swap3A_504] {strides = array<i32>} : memref<3x64xi32, #tpu.memory_space<vmem>>, vector<1x16xi32>,
    %swap3A_506 = vector.shape_cast %swap3A_505 : vector<1x16xi32> to vector<16xi32>
    %swap3A_507 = vector.shape_cast %select_n3A_501 : vector<16xi32> to vector<1x16xi32>
    tpu.vector_store %arg6[%swap3A_503, %swap3A_504], %swap3A_507 {strides = array<i32>} : memref<3x64xi32, #tpu.memory_space<vmem>>, vector<1x16xi32>,
    %iota3A_508 = tpu.iota {dimensions = array<i32: 0>} : vector<16xi32>
    %add3A_509 = arith.constant 48 : i32
    %add3A_510 = vector.broadcast %add3A_509 : i32 to vector<16xi32>
    %add3A_511 = arith.addi %iota3A_508, %add3A_510 : vector<16xi32>
    %add3A_512 = arith.constant 18528 : i32
    %add3A_513 = vector.broadcast %add3A_512 : i32 to vector<16xi32>
    %add3A_514 = arith.addi %add3A_511, %add3A_513 : vector<16xi32>
    %add3A_515 = arith.constant 18400 : i32
    %add3A_516 = vector.broadcast %add3A_515 : i32 to vector<16xi32>
    %add3A_517 = arith.addi %add3A_511, %add3A_516 : vector<16xi32>
    %select_n3A_518 = arith.select %ge3A_493, %add3A_514, %add3A_517 : vector<16xi1>, vector<16xi32>
    %swap3A_519 = arith.constant 2 : i32
    %swap3A_520 = arith.index_cast %swap3A_519 : i32 to index
    %swap3A_521 = arith.constant 48 : index
    %swap3A_522 = tpu.vector_load %arg7[%swap3A_520, %swap3A_521] {strides = array<i32>} : memref<3x64xi32, #tpu.memory_space<vmem>>, vector<1x16xi32>,
    %swap3A_523 = vector.shape_cast %swap3A_522 : vector<1x16xi32> to vector<16xi32>
    %swap3A_524 = vector.shape_cast %select_n3A_518 : vector<16xi32> to vector<1x16xi32>
    tpu.vector_store %arg7[%swap3A_520, %swap3A_521], %swap3A_524 {strides = array<i32>} : memref<3x64xi32, #tpu.memory_space<vmem>>, vector<1x16xi32>,
    %dma_start3A_525 = arith.constant 2 : i32
    %dma_start3A_526 = arith.constant 2 : i32
    %dma_start3A_527 = arith.constant 0 : i32
    %dma_start3A_528 = arith.constant 0 : i32
    %dma_start3A_529 = tpu.memref_slice %arg8[%dma_start3A_526, %dma_start3A_527, %dma_start3A_528] : memref<3x128x256xf32, #tpu.memory_space<vmem>> -> memref<1x64x256xf32, #tpu.memory_space<vmem>>
    %dma_start3A_530 = tpu.memref_squeeze %dma_start3A_529 : memref<1x64x256xf32, #tpu.memory_space<vmem>> -> memref<64x256xf32, #tpu.memory_space<vmem>>
    %dma_start3A_531 = arith.constant 0 : i32
    %dma_start3A_532 = tpu.memref_slice %arg6[%dma_start3A_525, %dma_start3A_531] : memref<3x64xi32, #tpu.memory_space<vmem>> -> memref<1x64xi32, #tpu.memory_space<vmem>>
    %dma_start3A_533 = tpu.memref_squeeze %dma_start3A_532 : memref<1x64xi32, #tpu.memory_space<vmem>> -> memref<64xi32, #tpu.memory_space<vmem>>
    %dma_start3A_534 = arith.constant 0 : i32
    %dma_start3A_535 = arith.constant 0 : i32
    %dma_start3A_536 = tpu.memref_slice %arg2[%dma_start3A_534, %dma_start3A_535] : memref<19200x256xf32, #tpu.memory_space<hbm>> -> memref<19200x256xf32, #tpu.memory_space<hbm>>
    tpu.enqueue_indirect_dma source(%dma_start3A_536 : memref<19200x256xf32, #tpu.memory_space<hbm>>) target(%dma_start3A_530 : memref<64x256xf32, #tpu.memory_space<vmem>>) offsets(%dma_start3A_533 : memref<64xi32, #tpu.memory_space<vmem>>) semaphore(%arg9 : memref<!tpu.dma_semaphore, #tpu.memory_space<semaphore_mem>>)
    %dma_start3A_537 = arith.constant 2 : i32
    %dma_start3A_538 = arith.constant 2 : i32
    %dma_start3A_539 = arith.constant 64 : i32
    %dma_start3A_540 = arith.constant 0 : i32
    %dma_start3A_541 = tpu.memref_slice %arg8[%dma_start3A_538, %dma_start3A_539, %dma_start3A_540] : memref<3x128x256xf32, #tpu.memory_space<vmem>> -> memref<1x64x256xf32, #tpu.memory_space<vmem>>
    %dma_start3A_542 = tpu.memref_squeeze %dma_start3A_541 : memref<1x64x256xf32, #tpu.memory_space<vmem>> -> memref<64x256xf32, #tpu.memory_space<vmem>>
    %dma_start3A_543 = arith.constant 0 : i32
    %dma_start3A_544 = tpu.memref_slice %arg7[%dma_start3A_537, %dma_start3A_543] : memref<3x64xi32, #tpu.memory_space<vmem>> -> memref<1x64xi32, #tpu.memory_space<vmem>>
    %dma_start3A_545 = tpu.memref_squeeze %dma_start3A_544 : memref<1x64xi32, #tpu.memory_space<vmem>> -> memref<64xi32, #tpu.memory_space<vmem>>
    %dma_start3A_546 = arith.constant 0 : i32
    %dma_start3A_547 = arith.constant 0 : i32
    %dma_start3A_548 = tpu.memref_slice %arg2[%dma_start3A_546, %dma_start3A_547] : memref<19200x256xf32, #tpu.memory_space<hbm>> -> memref<19200x256xf32, #tpu.memory_space<hbm>>
    tpu.enqueue_indirect_dma source(%dma_start3A_548 : memref<19200x256xf32, #tpu.memory_space<hbm>>) target(%dma_start3A_542 : memref<64x256xf32, #tpu.memory_space<vmem>>) offsets(%dma_start3A_545 : memref<64xi32, #tpu.memory_space<vmem>>) semaphore(%arg9 : memref<!tpu.dma_semaphore, #tpu.memory_space<semaphore_mem>>)
    %dma_wait3A = arith.constant 0 : i32
    %dma_wait3A_549 = arith.constant 0 : i32
    %dma_wait3A_550 = arith.constant 0 : i32
    %dma_wait3A_551 = arith.constant 0 : i32
    %dma_wait3A_552 = tpu.memref_slice %arg8[%dma_wait3A_549, %dma_wait3A_550, %dma_wait3A_551] : memref<3x128x256xf32, #tpu.memory_space<vmem>> -> memref<1x64x256xf32, #tpu.memory_space<vmem>>
    %dma_wait3A_553 = tpu.memref_squeeze %dma_wait3A_552 : memref<1x64x256xf32, #tpu.memory_space<vmem>> -> memref<64x256xf32, #tpu.memory_space<vmem>>
    %dma_wait3A_554 = arith.constant 0 : i32
    %dma_wait3A_555 = tpu.memref_slice %arg6[%dma_wait3A, %dma_wait3A_554] : memref<3x64xi32, #tpu.memory_space<vmem>> -> memref<1x64xi32, #tpu.memory_space<vmem>>
    %dma_wait3A_556 = tpu.memref_squeeze %dma_wait3A_555 : memref<1x64xi32, #tpu.memory_space<vmem>> -> memref<64xi32, #tpu.memory_space<vmem>>
    %dma_wait3A_557 = arith.constant 0 : i32
    %dma_wait3A_558 = arith.constant 0 : i32
    %dma_wait3A_559 = tpu.memref_slice %arg2[%dma_wait3A_557, %dma_wait3A_558] : memref<19200x256xf32, #tpu.memory_space<hbm>> -> memref<19200x256xf32, #tpu.memory_space<hbm>>
    tpu.wait_indirect_dma semaphore(%arg9 : memref<!tpu.dma_semaphore, #tpu.memory_space<semaphore_mem>>) src(%dma_wait3A_559 : memref<19200x256xf32, #tpu.memory_space<hbm>>) dst(%dma_wait3A_553 : memref<64x256xf32, #tpu.memory_space<vmem>>)
    %dma_wait3A_560 = arith.constant 0 : i32
    %dma_wait3A_561 = arith.constant 0 : i32
    %dma_wait3A_562 = arith.constant 64 : i32
    %dma_wait3A_563 = arith.constant 0 : i32
    %dma_wait3A_564 = tpu.memref_slice %arg8[%dma_wait3A_561, %dma_wait3A_562, %dma_wait3A_563] : memref<3x128x256xf32, #tpu.memory_space<vmem>> -> memref<1x64x256xf32, #tpu.memory_space<vmem>>
    %dma_wait3A_565 = tpu.memref_squeeze %dma_wait3A_564 : memref<1x64x256xf32, #tpu.memory_space<vmem>> -> memref<64x256xf32, #tpu.memory_space<vmem>>
    %dma_wait3A_566 = arith.constant 0 : i32
    %dma_wait3A_567 = tpu.memref_slice %arg7[%dma_wait3A_560, %dma_wait3A_566] : memref<3x64xi32, #tpu.memory_space<vmem>> -> memref<1x64xi32, #tpu.memory_space<vmem>>
    %dma_wait3A_568 = tpu.memref_squeeze %dma_wait3A_567 : memref<1x64xi32, #tpu.memory_space<vmem>> -> memref<64xi32, #tpu.memory_space<vmem>>
    %dma_wait3A_569 = arith.constant 0 : i32
    %dma_wait3A_570 = arith.constant 0 : i32
    %dma_wait3A_571 = tpu.memref_slice %arg2[%dma_wait3A_569, %dma_wait3A_570] : memref<19200x256xf32, #tpu.memory_space<hbm>> -> memref<19200x256xf32, #tpu.memory_space<hbm>>
    tpu.wait_indirect_dma semaphore(%arg9 : memref<!tpu.dma_semaphore, #tpu.memory_space<semaphore_mem>>) src(%dma_wait3A_571 : memref<19200x256xf32, #tpu.memory_space<hbm>>) dst(%dma_wait3A_565 : memref<64x256xf32, #tpu.memory_space<vmem>>)
    %scan3A = arith.constant 0 : i32
    %scan3A_572 = arith.constant 0 : i32
    %scan3A_573 = arith.constant 64 : i32
    %scan3A_574 = arith.addi %scan3A_572, %scan3A_573 : i32
    %scan3A_575 = arith.constant 1 : i32
    scf.for %scan3A_2011 = %scan3A_572 to %scan3A_574 step %scan3A_575  : i32 {
      %add3A_2012 = arith.constant 64 : i32
      %add3A_2013 = arith.addi %scan3A_2011, %add3A_2012 : i32
      %get3A_2014 = arith.constant 0 : i32
      %get3A_2015 = arith.index_cast %get3A_2014 : i32 to index
      %get3A_2016 = arith.index_cast %add3A_2013 : i32 to index
      %get3A_2017 = arith.constant 0 : index
      %get3A_2018 = tpu.vector_load %arg8[%get3A_2015, %get3A_2016, %get3A_2017] {strides = array<i32>} : memref<3x128x256xf32, #tpu.memory_space<vmem>>, vector<1x1x16xf32>,
      %get3A_2019 = vector.shape_cast %get3A_2018 : vector<1x1x16xf32> to vector<16xf32>
      %swap3A_2020 = arith.constant 0 : i32
      %swap3A_2021 = arith.index_cast %swap3A_2020 : i32 to index
      %swap3A_2022 = arith.index_cast %scan3A_2011 : i32 to index
      %swap3A_2023 = arith.constant 0 : index
      %swap3A_2024 = tpu.vector_load %arg8[%swap3A_2021, %swap3A_2022, %swap3A_2023] {strides = array<i32>} : memref<3x128x256xf32, #tpu.memory_space<vmem>>, vector<1x1x16xf32>,
      %swap3A_2025 = vector.shape_cast %swap3A_2024 : vector<1x1x16xf32> to vector<16xf32>
      %swap3A_2026 = vector.shape_cast %get3A_2019 : vector<16xf32> to vector<1x1x16xf32>
      tpu.vector_store %arg8[%swap3A_2021, %swap3A_2022, %swap3A_2023], %swap3A_2026 {add = true, strides = array<i32>} : memref<3x128x256xf32, #tpu.memory_space<vmem>>, vector<1x1x16xf32>,
      %add3A_2027 = arith.constant 64 : i32
      %add3A_2028 = arith.addi %scan3A_2011, %add3A_2027 : i32
      %get3A_2029 = arith.constant 0 : i32
      %get3A_2030 = arith.index_cast %get3A_2029 : i32 to index
      %get3A_2031 = arith.index_cast %add3A_2028 : i32 to index
      %get3A_2032 = arith.constant 16 : index
      %get3A_2033 = tpu.vector_load %arg8[%get3A_2030, %get3A_2031, %get3A_2032] {strides = array<i32>} : memref<3x128x256xf32, #tpu.memory_space<vmem>>, vector<1x1x16xf32>,
      %get3A_2034 = vector.shape_cast %get3A_2033 : vector<1x1x16xf32> to vector<16xf32>
      %swap3A_2035 = arith.constant 0 : i32
      %swap3A_2036 = arith.index_cast %swap3A_2035 : i32 to index
      %swap3A_2037 = arith.index_cast %scan3A_2011 : i32 to index
      %swap3A_2038 = arith.constant 16 : index
      %swap3A_2039 = tpu.vector_load %arg8[%swap3A_2036, %swap3A_2037, %swap3A_2038] {strides = array<i32>} : memref<3x128x256xf32, #tpu.memory_space<vmem>>, vector<1x1x16xf32>,
      %swap3A_2040 = vector.shape_cast %swap3A_2039 : vector<1x1x16xf32> to vector<16xf32>
      %swap3A_2041 = vector.shape_cast %get3A_2034 : vector<16xf32> to vector<1x1x16xf32>
      tpu.vector_store %arg8[%swap3A_2036, %swap3A_2037, %swap3A_2038], %swap3A_2041 {add = true, strides = array<i32>} : memref<3x128x256xf32, #tpu.memory_space<vmem>>, vector<1x1x16xf32>,
      %add3A_2042 = arith.constant 64 : i32
      %add3A_2043 = arith.addi %scan3A_2011, %add3A_2042 : i32
      %get3A_2044 = arith.constant 0 : i32
      %get3A_2045 = arith.index_cast %get3A_2044 : i32 to index
      %get3A_2046 = arith.index_cast %add3A_2043 : i32 to index
      %get3A_2047 = arith.constant 32 : index
      %get3A_2048 = tpu.vector_load %arg8[%get3A_2045, %get3A_2046, %get3A_2047] {strides = array<i32>} : memref<3x128x256xf32, #tpu.memory_space<vmem>>, vector<1x1x16xf32>,
      %get3A_2049 = vector.shape_cast %get3A_2048 : vector<1x1x16xf32> to vector<16xf32>
      %swap3A_2050 = arith.constant 0 : i32
      %swap3A_2051 = arith.index_cast %swap3A_2050 : i32 to index
      %swap3A_2052 = arith.index_cast %scan3A_2011 : i32 to index
      %swap3A_2053 = arith.constant 32 : index
      %swap3A_2054 = tpu.vector_load %arg8[%swap3A_2051, %swap3A_2052, %swap3A_2053] {strides = array<i32>} : memref<3x128x256xf32, #tpu.memory_space<vmem>>, vector<1x1x16xf32>,
      %swap3A_2055 = vector.shape_cast %swap3A_2054 : vector<1x1x16xf32> to vector<16xf32>
      %swap3A_2056 = vector.shape_cast %get3A_2049 : vector<16xf32> to vector<1x1x16xf32>
      tpu.vector_store %arg8[%swap3A_2051, %swap3A_2052, %swap3A_2053], %swap3A_2056 {add = true, strides = array<i32>} : memref<3x128x256xf32, #tpu.memory_space<vmem>>, vector<1x1x16xf32>,
      %add3A_2057 = arith.constant 64 : i32
      %add3A_2058 = arith.addi %scan3A_2011, %add3A_2057 : i32
      %get3A_2059 = arith.constant 0 : i32
      %get3A_2060 = arith.index_cast %get3A_2059 : i32 to index
      %get3A_2061 = arith.index_cast %add3A_2058 : i32 to index
      %get3A_2062 = arith.constant 48 : index
      %get3A_2063 = tpu.vector_load %arg8[%get3A_2060, %get3A_2061, %get3A_2062] {strides = array<i32>} : memref<3x128x256xf32, #tpu.memory_space<vmem>>, vector<1x1x16xf32>,
      %get3A_2064 = vector.shape_cast %get3A_2063 : vector<1x1x16xf32> to vector<16xf32>
      %swap3A_2065 = arith.constant 0 : i32
      %swap3A_2066 = arith.index_cast %swap3A_2065 : i32 to index
      %swap3A_2067 = arith.index_cast %scan3A_2011 : i32 to index
      %swap3A_2068 = arith.constant 48 : index
      %swap3A_2069 = tpu.vector_load %arg8[%swap3A_2066, %swap3A_2067, %swap3A_2068] {strides = array<i32>} : memref<3x128x256xf32, #tpu.memory_space<vmem>>, vector<1x1x16xf32>,
      %swap3A_2070 = vector.shape_cast %swap3A_2069 : vector<1x1x16xf32> to vector<16xf32>
      %swap3A_2071 = vector.shape_cast %get3A_2064 : vector<16xf32> to vector<1x1x16xf32>
      tpu.vector_store %arg8[%swap3A_2066, %swap3A_2067, %swap3A_2068], %swap3A_2071 {add = true, strides = array<i32>} : memref<3x128x256xf32, #tpu.memory_space<vmem>>, vector<1x1x16xf32>,
      %add3A_2072 = arith.constant 64 : i32
      %add3A_2073 = arith.addi %scan3A_2011, %add3A_2072 : i32
      %get3A_2074 = arith.constant 0 : i32
      %get3A_2075 = arith.index_cast %get3A_2074 : i32 to index
      %get3A_2076 = arith.index_cast %add3A_2073 : i32 to index
      %get3A_2077 = arith.constant 64 : index
      %get3A_2078 = tpu.vector_load %arg8[%get3A_2075, %get3A_2076, %get3A_2077] {strides = array<i32>} : memref<3x128x256xf32, #tpu.memory_space<vmem>>, vector<1x1x16xf32>,
      %get3A_2079 = vector.shape_cast %get3A_2078 : vector<1x1x16xf32> to vector<16xf32>
      %swap3A_2080 = arith.constant 0 : i32
      %swap3A_2081 = arith.index_cast %swap3A_2080 : i32 to index
      %swap3A_2082 = arith.index_cast %scan3A_2011 : i32 to index
      %swap3A_2083 = arith.constant 64 : index
      %swap3A_2084 = tpu.vector_load %arg8[%swap3A_2081, %swap3A_2082, %swap3A_2083] {strides = array<i32>} : memref<3x128x256xf32, #tpu.memory_space<vmem>>, vector<1x1x16xf32>,
      %swap3A_2085 = vector.shape_cast %swap3A_2084 : vector<1x1x16xf32> to vector<16xf32>
      %swap3A_2086 = vector.shape_cast %get3A_2079 : vector<16xf32> to vector<1x1x16xf32>
      tpu.vector_store %arg8[%swap3A_2081, %swap3A_2082, %swap3A_2083], %swap3A_2086 {add = true, strides = array<i32>} : memref<3x128x256xf32, #tpu.memory_space<vmem>>, vector<1x1x16xf32>,
      %add3A_2087 = arith.constant 64 : i32
      %add3A_2088 = arith.addi %scan3A_2011, %add3A_2087 : i32
      %get3A_2089 = arith.constant 0 : i32
      %get3A_2090 = arith.index_cast %get3A_2089 : i32 to index
      %get3A_2091 = arith.index_cast %add3A_2088 : i32 to index
      %get3A_2092 = arith.constant 80 : index
      %get3A_2093 = tpu.vector_load %arg8[%get3A_2090, %get3A_2091, %get3A_2092] {strides = array<i32>} : memref<3x128x256xf32, #tpu.memory_space<vmem>>, vector<1x1x16xf32>,
      %get3A_2094 = vector.shape_cast %get3A_2093 : vector<1x1x16xf32> to vector<16xf32>
      %swap3A_2095 = arith.constant 0 : i32
      %swap3A_2096 = arith.index_cast %swap3A_2095 : i32 to index
      %swap3A_2097 = arith.index_cast %scan3A_2011 : i32 to index
      %swap3A_2098 = arith.constant 80 : index
      %swap3A_2099 = tpu.vector_load %arg8[%swap3A_2096, %swap3A_2097, %swap3A_2098] {strides = array<i32>} : memref<3x128x256xf32, #tpu.memory_space<vmem>>, vector<1x1x16xf32>,
      %swap3A_2100 = vector.shape_cast %swap3A_2099 : vector<1x1x16xf32> to vector<16xf32>
      %swap3A_2101 = vector.shape_cast %get3A_2094 : vector<16xf32> to vector<1x1x16xf32>
      tpu.vector_store %arg8[%swap3A_2096, %swap3A_2097, %swap3A_2098], %swap3A_2101 {add = true, strides = array<i32>} : memref<3x128x256xf32, #tpu.memory_space<vmem>>, vector<1x1x16xf32>,
      %add3A_2102 = arith.constant 64 : i32
      %add3A_2103 = arith.addi %scan3A_2011, %add3A_2102 : i32
      %get3A_2104 = arith.constant 0 : i32
      %get3A_2105 = arith.index_cast %get3A_2104 : i32 to index
      %get3A_2106 = arith.index_cast %add3A_2103 : i32 to index
      %get3A_2107 = arith.constant 96 : index
      %get3A_2108 = tpu.vector_load %arg8[%get3A_2105, %get3A_2106, %get3A_2107] {strides = array<i32>} : memref<3x128x256xf32, #tpu.memory_space<vmem>>, vector<1x1x16xf32>,
      %get3A_2109 = vector.shape_cast %get3A_2108 : vector<1x1x16xf32> to vector<16xf32>
      %swap3A_2110 = arith.constant 0 : i32
      %swap3A_2111 = arith.index_cast %swap3A_2110 : i32 to index
      %swap3A_2112 = arith.index_cast %scan3A_2011 : i32 to index
      %swap3A_2113 = arith.constant 96 : index
      %swap3A_2114 = tpu.vector_load %arg8[%swap3A_2111, %swap3A_2112, %swap3A_2113] {strides = array<i32>} : memref<3x128x256xf32, #tpu.memory_space<vmem>>, vector<1x1x16xf32>,
      %swap3A_2115 = vector.shape_cast %swap3A_2114 : vector<1x1x16xf32> to vector<16xf32>
      %swap3A_2116 = vector.shape_cast %get3A_2109 : vector<16xf32> to vector<1x1x16xf32>
      tpu.vector_store %arg8[%swap3A_2111, %swap3A_2112, %swap3A_2113], %swap3A_2116 {add = true, strides = array<i32>} : memref<3x128x256xf32, #tpu.memory_space<vmem>>, vector<1x1x16xf32>,
      %add3A_2117 = arith.constant 64 : i32
      %add3A_2118 = arith.addi %scan3A_2011, %add3A_2117 : i32
      %get3A_2119 = arith.constant 0 : i32
      %get3A_2120 = arith.index_cast %get3A_2119 : i32 to index
      %get3A_2121 = arith.index_cast %add3A_2118 : i32 to index
      %get3A_2122 = arith.constant 112 : index
      %get3A_2123 = tpu.vector_load %arg8[%get3A_2120, %get3A_2121, %get3A_2122] {strides = array<i32>} : memref<3x128x256xf32, #tpu.memory_space<vmem>>, vector<1x1x16xf32>,
      %get3A_2124 = vector.shape_cast %get3A_2123 : vector<1x1x16xf32> to vector<16xf32>
      %swap3A_2125 = arith.constant 0 : i32
      %swap3A_2126 = arith.index_cast %swap3A_2125 : i32 to index
      %swap3A_2127 = arith.index_cast %scan3A_2011 : i32 to index
      %swap3A_2128 = arith.constant 112 : index
      %swap3A_2129 = tpu.vector_load %arg8[%swap3A_2126, %swap3A_2127, %swap3A_2128] {strides = array<i32>} : memref<3x128x256xf32, #tpu.memory_space<vmem>>, vector<1x1x16xf32>,
      %swap3A_2130 = vector.shape_cast %swap3A_2129 : vector<1x1x16xf32> to vector<16xf32>
      %swap3A_2131 = vector.shape_cast %get3A_2124 : vector<16xf32> to vector<1x1x16xf32>
      tpu.vector_store %arg8[%swap3A_2126, %swap3A_2127, %swap3A_2128], %swap3A_2131 {add = true, strides = array<i32>} : memref<3x128x256xf32, #tpu.memory_space<vmem>>, vector<1x1x16xf32>,
      %add3A_2132 = arith.constant 64 : i32
      %add3A_2133 = arith.addi %scan3A_2011, %add3A_2132 : i32
      %get3A_2134 = arith.constant 0 : i32
      %get3A_2135 = arith.index_cast %get3A_2134 : i32 to index
      %get3A_2136 = arith.index_cast %add3A_2133 : i32 to index
      %get3A_2137 = arith.constant 128 : index
      %get3A_2138 = tpu.vector_load %arg8[%get3A_2135, %get3A_2136, %get3A_2137] {strides = array<i32>} : memref<3x128x256xf32, #tpu.memory_space<vmem>>, vector<1x1x16xf32>,
      %get3A_2139 = vector.shape_cast %get3A_2138 : vector<1x1x16xf32> to vector<16xf32>
      %swap3A_2140 = arith.constant 0 : i32
      %swap3A_2141 = arith.index_cast %swap3A_2140 : i32 to index
      %swap3A_2142 = arith.index_cast %scan3A_2011 : i32 to index
      %swap3A_2143 = arith.constant 128 : index
      %swap3A_2144 = tpu.vector_load %arg8[%swap3A_2141, %swap3A_2142, %swap3A_2143] {strides = array<i32>} : memref<3x128x256xf32, #tpu.memory_space<vmem>>, vector<1x1x16xf32>,
      %swap3A_2145 = vector.shape_cast %swap3A_2144 : vector<1x1x16xf32> to vector<16xf32>
      %swap3A_2146 = vector.shape_cast %get3A_2139 : vector<16xf32> to vector<1x1x16xf32>
      tpu.vector_store %arg8[%swap3A_2141, %swap3A_2142, %swap3A_2143], %swap3A_2146 {add = true, strides = array<i32>} : memref<3x128x256xf32, #tpu.memory_space<vmem>>, vector<1x1x16xf32>,
      %add3A_2147 = arith.constant 64 : i32
      %add3A_2148 = arith.addi %scan3A_2011, %add3A_2147 : i32
      %get3A_2149 = arith.constant 0 : i32
      %get3A_2150 = arith.index_cast %get3A_2149 : i32 to index
      %get3A_2151 = arith.index_cast %add3A_2148 : i32 to index
      %get3A_2152 = arith.constant 144 : index
      %get3A_2153 = tpu.vector_load %arg8[%get3A_2150, %get3A_2151, %get3A_2152] {strides = array<i32>} : memref<3x128x256xf32, #tpu.memory_space<vmem>>, vector<1x1x16xf32>,
      %get3A_2154 = vector.shape_cast %get3A_2153 : vector<1x1x16xf32> to vector<16xf32>
      %swap3A_2155 = arith.constant 0 : i32
      %swap3A_2156 = arith.index_cast %swap3A_2155 : i32 to index
      %swap3A_2157 = arith.index_cast %scan3A_2011 : i32 to index
      %swap3A_2158 = arith.constant 144 : index
      %swap3A_2159 = tpu.vector_load %arg8[%swap3A_2156, %swap3A_2157, %swap3A_2158] {strides = array<i32>} : memref<3x128x256xf32, #tpu.memory_space<vmem>>, vector<1x1x16xf32>,
      %swap3A_2160 = vector.shape_cast %swap3A_2159 : vector<1x1x16xf32> to vector<16xf32>
      %swap3A_2161 = vector.shape_cast %get3A_2154 : vector<16xf32> to vector<1x1x16xf32>
      tpu.vector_store %arg8[%swap3A_2156, %swap3A_2157, %swap3A_2158], %swap3A_2161 {add = true, strides = array<i32>} : memref<3x128x256xf32, #tpu.memory_space<vmem>>, vector<1x1x16xf32>,
      %add3A_2162 = arith.constant 64 : i32
      %add3A_2163 = arith.addi %scan3A_2011, %add3A_2162 : i32
      %get3A_2164 = arith.constant 0 : i32
      %get3A_2165 = arith.index_cast %get3A_2164 : i32 to index
      %get3A_2166 = arith.index_cast %add3A_2163 : i32 to index
      %get3A_2167 = arith.constant 160 : index
      %get3A_2168 = tpu.vector_load %arg8[%get3A_2165, %get3A_2166, %get3A_2167] {strides = array<i32>} : memref<3x128x256xf32, #tpu.memory_space<vmem>>, vector<1x1x16xf32>,
      %get3A_2169 = vector.shape_cast %get3A_2168 : vector<1x1x16xf32> to vector<16xf32>
      %swap3A_2170 = arith.constant 0 : i32
      %swap3A_2171 = arith.index_cast %swap3A_2170 : i32 to index
      %swap3A_2172 = arith.index_cast %scan3A_2011 : i32 to index
      %swap3A_2173 = arith.constant 160 : index
      %swap3A_2174 = tpu.vector_load %arg8[%swap3A_2171, %swap3A_2172, %swap3A_2173] {strides = array<i32>} : memref<3x128x256xf32, #tpu.memory_space<vmem>>, vector<1x1x16xf32>,
      %swap3A_2175 = vector.shape_cast %swap3A_2174 : vector<1x1x16xf32> to vector<16xf32>
      %swap3A_2176 = vector.shape_cast %get3A_2169 : vector<16xf32> to vector<1x1x16xf32>
      tpu.vector_store %arg8[%swap3A_2171, %swap3A_2172, %swap3A_2173], %swap3A_2176 {add = true, strides = array<i32>} : memref<3x128x256xf32, #tpu.memory_space<vmem>>, vector<1x1x16xf32>,
      %add3A_2177 = arith.constant 64 : i32
      %add3A_2178 = arith.addi %scan3A_2011, %add3A_2177 : i32
      %get3A_2179 = arith.constant 0 : i32
      %get3A_2180 = arith.index_cast %get3A_2179 : i32 to index
      %get3A_2181 = arith.index_cast %add3A_2178 : i32 to index
      %get3A_2182 = arith.constant 176 : index
      %get3A_2183 = tpu.vector_load %arg8[%get3A_2180, %get3A_2181, %get3A_2182] {strides = array<i32>} : memref<3x128x256xf32, #tpu.memory_space<vmem>>, vector<1x1x16xf32>,
      %get3A_2184 = vector.shape_cast %get3A_2183 : vector<1x1x16xf32> to vector<16xf32>
      %swap3A_2185 = arith.constant 0 : i32
      %swap3A_2186 = arith.index_cast %swap3A_2185 : i32 to index
      %swap3A_2187 = arith.index_cast %scan3A_2011 : i32 to index
      %swap3A_2188 = arith.constant 176 : index
      %swap3A_2189 = tpu.vector_load %arg8[%swap3A_2186, %swap3A_2187, %swap3A_2188] {strides = array<i32>} : memref<3x128x256xf32, #tpu.memory_space<vmem>>, vector<1x1x16xf32>,
      %swap3A_2190 = vector.shape_cast %swap3A_2189 : vector<1x1x16xf32> to vector<16xf32>
      %swap3A_2191 = vector.shape_cast %get3A_2184 : vector<16xf32> to vector<1x1x16xf32>
      tpu.vector_store %arg8[%swap3A_2186, %swap3A_2187, %swap3A_2188], %swap3A_2191 {add = true, strides = array<i32>} : memref<3x128x256xf32, #tpu.memory_space<vmem>>, vector<1x1x16xf32>,
      %add3A_2192 = arith.constant 64 : i32
      %add3A_2193 = arith.addi %scan3A_2011, %add3A_2192 : i32
      %get3A_2194 = arith.constant 0 : i32
      %get3A_2195 = arith.index_cast %get3A_2194 : i32 to index
      %get3A_2196 = arith.index_cast %add3A_2193 : i32 to index
      %get3A_2197 = arith.constant 192 : index
      %get3A_2198 = tpu.vector_load %arg8[%get3A_2195, %get3A_2196, %get3A_2197] {strides = array<i32>} : memref<3x128x256xf32, #tpu.memory_space<vmem>>, vector<1x1x16xf32>,
      %get3A_2199 = vector.shape_cast %get3A_2198 : vector<1x1x16xf32> to vector<16xf32>
      %swap3A_2200 = arith.constant 0 : i32
      %swap3A_2201 = arith.index_cast %swap3A_2200 : i32 to index
      %swap3A_2202 = arith.index_cast %scan3A_2011 : i32 to index
      %swap3A_2203 = arith.constant 192 : index
      %swap3A_2204 = tpu.vector_load %arg8[%swap3A_2201, %swap3A_2202, %swap3A_2203] {strides = array<i32>} : memref<3x128x256xf32, #tpu.memory_space<vmem>>, vector<1x1x16xf32>,
      %swap3A_2205 = vector.shape_cast %swap3A_2204 : vector<1x1x16xf32> to vector<16xf32>
      %swap3A_2206 = vector.shape_cast %get3A_2199 : vector<16xf32> to vector<1x1x16xf32>
      tpu.vector_store %arg8[%swap3A_2201, %swap3A_2202, %swap3A_2203], %swap3A_2206 {add = true, strides = array<i32>} : memref<3x128x256xf32, #tpu.memory_space<vmem>>, vector<1x1x16xf32>,
      %add3A_2207 = arith.constant 64 : i32
      %add3A_2208 = arith.addi %scan3A_2011, %add3A_2207 : i32
      %get3A_2209 = arith.constant 0 : i32
      %get3A_2210 = arith.index_cast %get3A_2209 : i32 to index
      %get3A_2211 = arith.index_cast %add3A_2208 : i32 to index
      %get3A_2212 = arith.constant 208 : index
      %get3A_2213 = tpu.vector_load %arg8[%get3A_2210, %get3A_2211, %get3A_2212] {strides = array<i32>} : memref<3x128x256xf32, #tpu.memory_space<vmem>>, vector<1x1x16xf32>,
      %get3A_2214 = vector.shape_cast %get3A_2213 : vector<1x1x16xf32> to vector<16xf32>
      %swap3A_2215 = arith.constant 0 : i32
      %swap3A_2216 = arith.index_cast %swap3A_2215 : i32 to index
      %swap3A_2217 = arith.index_cast %scan3A_2011 : i32 to index
      %swap3A_2218 = arith.constant 208 : index
      %swap3A_2219 = tpu.vector_load %arg8[%swap3A_2216, %swap3A_2217, %swap3A_2218] {strides = array<i32>} : memref<3x128x256xf32, #tpu.memory_space<vmem>>, vector<1x1x16xf32>,
      %swap3A_2220 = vector.shape_cast %swap3A_2219 : vector<1x1x16xf32> to vector<16xf32>
      %swap3A_2221 = vector.shape_cast %get3A_2214 : vector<16xf32> to vector<1x1x16xf32>
      tpu.vector_store %arg8[%swap3A_2216, %swap3A_2217, %swap3A_2218], %swap3A_2221 {add = true, strides = array<i32>} : memref<3x128x256xf32, #tpu.memory_space<vmem>>, vector<1x1x16xf32>,
      %add3A_2222 = arith.constant 64 : i32
      %add3A_2223 = arith.addi %scan3A_2011, %add3A_2222 : i32
      %get3A_2224 = arith.constant 0 : i32
      %get3A_2225 = arith.index_cast %get3A_2224 : i32 to index
      %get3A_2226 = arith.index_cast %add3A_2223 : i32 to index
      %get3A_2227 = arith.constant 224 : index
      %get3A_2228 = tpu.vector_load %arg8[%get3A_2225, %get3A_2226, %get3A_2227] {strides = array<i32>} : memref<3x128x256xf32, #tpu.memory_space<vmem>>, vector<1x1x16xf32>,
      %get3A_2229 = vector.shape_cast %get3A_2228 : vector<1x1x16xf32> to vector<16xf32>
      %swap3A_2230 = arith.constant 0 : i32
      %swap3A_2231 = arith.index_cast %swap3A_2230 : i32 to index
      %swap3A_2232 = arith.index_cast %scan3A_2011 : i32 to index
      %swap3A_2233 = arith.constant 224 : index
      %swap3A_2234 = tpu.vector_load %arg8[%swap3A_2231, %swap3A_2232, %swap3A_2233] {strides = array<i32>} : memref<3x128x256xf32, #tpu.memory_space<vmem>>, vector<1x1x16xf32>,
      %swap3A_2235 = vector.shape_cast %swap3A_2234 : vector<1x1x16xf32> to vector<16xf32>
      %swap3A_2236 = vector.shape_cast %get3A_2229 : vector<16xf32> to vector<1x1x16xf32>
      tpu.vector_store %arg8[%swap3A_2231, %swap3A_2232, %swap3A_2233], %swap3A_2236 {add = true, strides = array<i32>} : memref<3x128x256xf32, #tpu.memory_space<vmem>>, vector<1x1x16xf32>,
      %add3A_2237 = arith.constant 64 : i32
      %add3A_2238 = arith.addi %scan3A_2011, %add3A_2237 : i32
      %get3A_2239 = arith.constant 0 : i32
      %get3A_2240 = arith.index_cast %get3A_2239 : i32 to index
      %get3A_2241 = arith.index_cast %add3A_2238 : i32 to index
      %get3A_2242 = arith.constant 240 : index
      %get3A_2243 = tpu.vector_load %arg8[%get3A_2240, %get3A_2241, %get3A_2242] {strides = array<i32>} : memref<3x128x256xf32, #tpu.memory_space<vmem>>, vector<1x1x16xf32>,
      %get3A_2244 = vector.shape_cast %get3A_2243 : vector<1x1x16xf32> to vector<16xf32>
      %swap3A_2245 = arith.constant 0 : i32
      %swap3A_2246 = arith.index_cast %swap3A_2245 : i32 to index
      %swap3A_2247 = arith.index_cast %scan3A_2011 : i32 to index
      %swap3A_2248 = arith.constant 240 : index
      %swap3A_2249 = tpu.vector_load %arg8[%swap3A_2246, %swap3A_2247, %swap3A_2248] {strides = array<i32>} : memref<3x128x256xf32, #tpu.memory_space<vmem>>, vector<1x1x16xf32>,
      %swap3A_2250 = vector.shape_cast %swap3A_2249 : vector<1x1x16xf32> to vector<16xf32>
      %swap3A_2251 = vector.shape_cast %get3A_2244 : vector<16xf32> to vector<1x1x16xf32>
      tpu.vector_store %arg8[%swap3A_2246, %swap3A_2247, %swap3A_2248], %swap3A_2251 {add = true, strides = array<i32>} : memref<3x128x256xf32, #tpu.memory_space<vmem>>, vector<1x1x16xf32>,
    }
    %scan3A_576 = arith.constant 64 : i32
    %mul3A_577 = arith.constant 4 : i32
    %mul3A_578 = arith.muli %add3A, %mul3A_577 : i32
    %add3A_579 = arith.constant 0 : i32
    %add3A_580 = arith.addi %mul3A_578, %add3A_579 : i32
    %dma_start3A_581 = arith.constant 0 : i32
    %dma_start3A_582 = arith.constant 0 : i32
    %dma_start3A_583 = arith.constant 0 : i32
    %dma_start3A_584 = tpu.memref_slice %arg8[%dma_start3A_581, %dma_start3A_582, %dma_start3A_583] : memref<3x128x256xf32, #tpu.memory_space<vmem>> -> memref<1x64x256xf32, #tpu.memory_space<vmem>>
    %dma_start3A_585 = tpu.memref_squeeze %dma_start3A_584 : memref<1x64x256xf32, #tpu.memory_space<vmem>> -> memref<64x256xf32, #tpu.memory_space<vmem>>
    %dma_start3A_586 = arith.constant 0 : i32
    %dma_start3A_587 = arith.constant 0 : i32
    %dma_start3A_588 = tpu.memref_slice %arg4[%add3A_580, %dma_start3A_586, %dma_start3A_587] : memref<128x128x256xf32, #tpu.memory_space<hbm>> -> memref<1x64x256xf32, #tpu.memory_space<hbm>>
    %dma_start3A_589 = tpu.memref_squeeze %dma_start3A_588 : memref<1x64x256xf32, #tpu.memory_space<hbm>> -> memref<64x256xf32, #tpu.memory_space<hbm>>
    %dma_start3A_590 = arith.constant 0 : i32
    %dma_start3A_591 = arith.constant 0 : i32
    %dma_start3A_592 = tpu.memref_slice %arg4[%add3A_580, %dma_start3A_590, %dma_start3A_591] : memref<128x128x256xf32, #tpu.memory_space<hbm>> -> memref<1x64x256xf32, #tpu.memory_space<hbm>>
    %dma_start3A_593 = tpu.memref_squeeze %dma_start3A_592 : memref<1x64x256xf32, #tpu.memory_space<hbm>> -> memref<64x256xf32, #tpu.memory_space<hbm>>
    %dma_start3A_594 = arith.constant 0 : i32
    %dma_start3A_595 = arith.constant 0 : i32
    %dma_start3A_596 = tpu.memref_slice %arg8[%dma_start3A_581, %dma_start3A_594, %dma_start3A_595] : memref<3x128x256xf32, #tpu.memory_space<vmem>> -> memref<1x64x256xf32, #tpu.memory_space<vmem>>
    %dma_start3A_597 = tpu.memref_squeeze %dma_start3A_596 : memref<1x64x256xf32, #tpu.memory_space<vmem>> -> memref<64x256xf32, #tpu.memory_space<vmem>>
    tpu.enqueue_dma source(%dma_start3A_597 : memref<64x256xf32, #tpu.memory_space<vmem>>) target(%dma_start3A_593 : memref<64x256xf32, #tpu.memory_space<hbm>>) target_semaphore(%arg10 : memref<!tpu.dma_semaphore, #tpu.memory_space<semaphore_mem>>)
    %dma_wait3A_598 = arith.constant 0 : i32
    %dma_wait3A_599 = arith.constant 0 : i32
    %dma_wait3A_600 = arith.constant 0 : i32
    %dma_wait3A_601 = tpu.memref_slice %arg8[%dma_wait3A_598, %dma_wait3A_599, %dma_wait3A_600] : memref<3x128x256xf32, #tpu.memory_space<vmem>> -> memref<1x64x256xf32, #tpu.memory_space<vmem>>
    %dma_wait3A_602 = tpu.memref_squeeze %dma_wait3A_601 : memref<1x64x256xf32, #tpu.memory_space<vmem>> -> memref<64x256xf32, #tpu.memory_space<vmem>>
    %dma_wait3A_603 = arith.constant 0 : i32
    %dma_wait3A_604 = arith.constant 0 : i32
    %dma_wait3A_605 = tpu.memref_slice %arg4[%add3A_580, %dma_wait3A_603, %dma_wait3A_604] : memref<128x128x256xf32, #tpu.memory_space<hbm>> -> memref<1x64x256xf32, #tpu.memory_space<hbm>>
    %dma_wait3A_606 = tpu.memref_squeeze %dma_wait3A_605 : memref<1x64x256xf32, #tpu.memory_space<hbm>> -> memref<64x256xf32, #tpu.memory_space<hbm>>
    %dma_wait3A_607 = arith.constant 0 : i32
    %dma_wait3A_608 = arith.constant 0 : i32
    %dma_wait3A_609 = tpu.memref_slice %arg4[%add3A_580, %dma_wait3A_607, %dma_wait3A_608] : memref<128x128x256xf32, #tpu.memory_space<hbm>> -> memref<1x64x256xf32, #tpu.memory_space<hbm>>
    %dma_wait3A_610 = tpu.memref_squeeze %dma_wait3A_609 : memref<1x64x256xf32, #tpu.memory_space<hbm>> -> memref<64x256xf32, #tpu.memory_space<hbm>>
    %dma_wait3A_611 = arith.constant 0 : i32
    %dma_wait3A_612 = arith.constant 0 : i32
    %dma_wait3A_613 = tpu.memref_slice %arg8[%dma_wait3A_598, %dma_wait3A_611, %dma_wait3A_612] : memref<3x128x256xf32, #tpu.memory_space<vmem>> -> memref<1x64x256xf32, #tpu.memory_space<vmem>>
    %dma_wait3A_614 = tpu.memref_squeeze %dma_wait3A_613 : memref<1x64x256xf32, #tpu.memory_space<vmem>> -> memref<64x256xf32, #tpu.memory_space<vmem>>
    tpu.wait_dma2 semaphore(%arg10 : memref<!tpu.dma_semaphore, #tpu.memory_space<semaphore_mem>>) src(%dma_wait3A_614 : memref<64x256xf32, #tpu.memory_space<vmem>>) dst(%dma_wait3A_610 : memref<64x256xf32, #tpu.memory_space<hbm>>)
    %mul3A_615 = arith.constant 4 : i32
    %mul3A_616 = arith.muli %add3A, %mul3A_615 : i32
    %add3A_617 = arith.constant 1 : i32
    %add3A_618 = arith.addi %mul3A_616, %add3A_617 : i32
    %get3A_619 = arith.constant 1 : i32
    %get3A_620 = arith.index_cast %get3A_619 : i32 to index
    %get3A_621 = arith.constant 64 : index
    %get3A_622 = tpu.vector_load %arg5[%get3A_620, %get3A_621] {strides = array<i32>} : memref<4x128xi32, #tpu.memory_space<vmem>>, vector<1x16xi32>,
    %get3A_623 = vector.shape_cast %get3A_622 : vector<1x16xi32> to vector<16xi32>
    %ge3A_624 = arith.constant 5000 : i32
    %ge3A_625 = vector.broadcast %ge3A_624 : i32 to vector<16xi32>
    %ge3A_626 = arith.cmpi sge, %get3A_623, %ge3A_625 : vector<16xi32>
    %add3A_627 = arith.constant 600 : i32
    %add3A_628 = vector.broadcast %add3A_627 : i32 to vector<16xi32>
    %add3A_629 = arith.addi %get3A_623, %add3A_628 : vector<16xi32>
    %mul3A_630 = arith.constant 100 : i32
    %mul3A_631 = arith.muli %add3A_618, %mul3A_630 : i32
    %add3A_632 = vector.broadcast %mul3A_631 : i32 to vector<16xi32>
    %add3A_633 = arith.addi %add3A_629, %add3A_632 : vector<16xi32>
    %select_n3A_634 = arith.select %ge3A_626, %add3A_633, %get3A_623 : vector<16xi1>, vector<16xi32>
    %swap3A_635 = arith.constant 0 : i32
    %swap3A_636 = arith.index_cast %swap3A_635 : i32 to index
    %swap3A_637 = arith.constant 0 : index
    %swap3A_638 = tpu.vector_load %arg6[%swap3A_636, %swap3A_637] {strides = array<i32>} : memref<3x64xi32, #tpu.memory_space<vmem>>, vector<1x16xi32>,
    %swap3A_639 = vector.shape_cast %swap3A_638 : vector<1x16xi32> to vector<16xi32>
    %swap3A_640 = vector.shape_cast %select_n3A_634 : vector<16xi32> to vector<1x16xi32>
    tpu.vector_store %arg6[%swap3A_636, %swap3A_637], %swap3A_640 {strides = array<i32>} : memref<3x64xi32, #tpu.memory_space<vmem>>, vector<1x16xi32>,
    %iota3A_641 = tpu.iota {dimensions = array<i32: 0>} : vector<16xi32>
    %add3A_642 = arith.constant 64 : i32
    %add3A_643 = vector.broadcast %add3A_642 : i32 to vector<16xi32>
    %add3A_644 = arith.addi %iota3A_641, %add3A_643 : vector<16xi32>
    %add3A_645 = arith.constant 18528 : i32
    %add3A_646 = vector.broadcast %add3A_645 : i32 to vector<16xi32>
    %add3A_647 = arith.addi %add3A_644, %add3A_646 : vector<16xi32>
    %add3A_648 = arith.constant 18400 : i32
    %add3A_649 = vector.broadcast %add3A_648 : i32 to vector<16xi32>
    %add3A_650 = arith.addi %add3A_644, %add3A_649 : vector<16xi32>
    %select_n3A_651 = arith.select %ge3A_626, %add3A_647, %add3A_650 : vector<16xi1>, vector<16xi32>
    %swap3A_652 = arith.constant 0 : i32
    %swap3A_653 = arith.index_cast %swap3A_652 : i32 to index
    %swap3A_654 = arith.constant 0 : index
    %swap3A_655 = tpu.vector_load %arg7[%swap3A_653, %swap3A_654] {strides = array<i32>} : memref<3x64xi32, #tpu.memory_space<vmem>>, vector<1x16xi32>,
    %swap3A_656 = vector.shape_cast %swap3A_655 : vector<1x16xi32> to vector<16xi32>
    %swap3A_657 = vector.shape_cast %select_n3A_651 : vector<16xi32> to vector<1x16xi32>
    tpu.vector_store %arg7[%swap3A_653, %swap3A_654], %swap3A_657 {strides = array<i32>} : memref<3x64xi32, #tpu.memory_space<vmem>>, vector<1x16xi32>,
    %get3A_658 = arith.constant 1 : i32
    %get3A_659 = arith.index_cast %get3A_658 : i32 to index
    %get3A_660 = arith.constant 80 : index
    %get3A_661 = tpu.vector_load %arg5[%get3A_659, %get3A_660] {strides = array<i32>} : memref<4x128xi32, #tpu.memory_space<vmem>>, vector<1x16xi32>,
    %get3A_662 = vector.shape_cast %get3A_661 : vector<1x16xi32> to vector<16xi32>
    %ge3A_663 = arith.constant 5000 : i32
    %ge3A_664 = vector.broadcast %ge3A_663 : i32 to vector<16xi32>
    %ge3A_665 = arith.cmpi sge, %get3A_662, %ge3A_664 : vector<16xi32>
    %add3A_666 = arith.constant 600 : i32
    %add3A_667 = vector.broadcast %add3A_666 : i32 to vector<16xi32>
    %add3A_668 = arith.addi %get3A_662, %add3A_667 : vector<16xi32>
    %mul3A_669 = arith.constant 100 : i32
    %mul3A_670 = arith.muli %add3A_618, %mul3A_669 : i32
    %add3A_671 = vector.broadcast %mul3A_670 : i32 to vector<16xi32>
    %add3A_672 = arith.addi %add3A_668, %add3A_671 : vector<16xi32>
    %select_n3A_673 = arith.select %ge3A_665, %add3A_672, %get3A_662 : vector<16xi1>, vector<16xi32>
    %swap3A_674 = arith.constant 0 : i32
    %swap3A_675 = arith.index_cast %swap3A_674 : i32 to index
    %swap3A_676 = arith.constant 16 : index
    %swap3A_677 = tpu.vector_load %arg6[%swap3A_675, %swap3A_676] {strides = array<i32>} : memref<3x64xi32, #tpu.memory_space<vmem>>, vector<1x16xi32>,
    %swap3A_678 = vector.shape_cast %swap3A_677 : vector<1x16xi32> to vector<16xi32>
    %swap3A_679 = vector.shape_cast %select_n3A_673 : vector<16xi32> to vector<1x16xi32>
    tpu.vector_store %arg6[%swap3A_675, %swap3A_676], %swap3A_679 {strides = array<i32>} : memref<3x64xi32, #tpu.memory_space<vmem>>, vector<1x16xi32>,
    %iota3A_680 = tpu.iota {dimensions = array<i32: 0>} : vector<16xi32>
    %add3A_681 = arith.constant 80 : i32
    %add3A_682 = vector.broadcast %add3A_681 : i32 to vector<16xi32>
    %add3A_683 = arith.addi %iota3A_680, %add3A_682 : vector<16xi32>
    %add3A_684 = arith.constant 18528 : i32
    %add3A_685 = vector.broadcast %add3A_684 : i32 to vector<16xi32>
    %add3A_686 = arith.addi %add3A_683, %add3A_685 : vector<16xi32>
    %add3A_687 = arith.constant 18400 : i32
    %add3A_688 = vector.broadcast %add3A_687 : i32 to vector<16xi32>
    %add3A_689 = arith.addi %add3A_683, %add3A_688 : vector<16xi32>
    %select_n3A_690 = arith.select %ge3A_665, %add3A_686, %add3A_689 : vector<16xi1>, vector<16xi32>
    %swap3A_691 = arith.constant 0 : i32
    %swap3A_692 = arith.index_cast %swap3A_691 : i32 to index
    %swap3A_693 = arith.constant 16 : index
    %swap3A_694 = tpu.vector_load %arg7[%swap3A_692, %swap3A_693] {strides = array<i32>} : memref<3x64xi32, #tpu.memory_space<vmem>>, vector<1x16xi32>,
    %swap3A_695 = vector.shape_cast %swap3A_694 : vector<1x16xi32> to vector<16xi32>
    %swap3A_696 = vector.shape_cast %select_n3A_690 : vector<16xi32> to vector<1x16xi32>
    tpu.vector_store %arg7[%swap3A_692, %swap3A_693], %swap3A_696 {strides = array<i32>} : memref<3x64xi32, #tpu.memory_space<vmem>>, vector<1x16xi32>,
    %get3A_697 = arith.constant 1 : i32
    %get3A_698 = arith.index_cast %get3A_697 : i32 to index
    %get3A_699 = arith.constant 96 : index
    %get3A_700 = tpu.vector_load %arg5[%get3A_698, %get3A_699] {strides = array<i32>} : memref<4x128xi32, #tpu.memory_space<vmem>>, vector<1x16xi32>,
    %get3A_701 = vector.shape_cast %get3A_700 : vector<1x16xi32> to vector<16xi32>
    %ge3A_702 = arith.constant 5000 : i32
    %ge3A_703 = vector.broadcast %ge3A_702 : i32 to vector<16xi32>
    %ge3A_704 = arith.cmpi sge, %get3A_701, %ge3A_703 : vector<16xi32>
    %add3A_705 = arith.constant 600 : i32
    %add3A_706 = vector.broadcast %add3A_705 : i32 to vector<16xi32>
    %add3A_707 = arith.addi %get3A_701, %add3A_706 : vector<16xi32>
    %mul3A_708 = arith.constant 100 : i32
    %mul3A_709 = arith.muli %add3A_618, %mul3A_708 : i32
    %add3A_710 = vector.broadcast %mul3A_709 : i32 to vector<16xi32>
    %add3A_711 = arith.addi %add3A_707, %add3A_710 : vector<16xi32>
    %select_n3A_712 = arith.select %ge3A_704, %add3A_711, %get3A_701 : vector<16xi1>, vector<16xi32>
    %swap3A_713 = arith.constant 0 : i32
    %swap3A_714 = arith.index_cast %swap3A_713 : i32 to index
    %swap3A_715 = arith.constant 32 : index
    %swap3A_716 = tpu.vector_load %arg6[%swap3A_714, %swap3A_715] {strides = array<i32>} : memref<3x64xi32, #tpu.memory_space<vmem>>, vector<1x16xi32>,
    %swap3A_717 = vector.shape_cast %swap3A_716 : vector<1x16xi32> to vector<16xi32>
    %swap3A_718 = vector.shape_cast %select_n3A_712 : vector<16xi32> to vector<1x16xi32>
    tpu.vector_store %arg6[%swap3A_714, %swap3A_715], %swap3A_718 {strides = array<i32>} : memref<3x64xi32, #tpu.memory_space<vmem>>, vector<1x16xi32>,
    %iota3A_719 = tpu.iota {dimensions = array<i32: 0>} : vector<16xi32>
    %add3A_720 = arith.constant 96 : i32
    %add3A_721 = vector.broadcast %add3A_720 : i32 to vector<16xi32>
    %add3A_722 = arith.addi %iota3A_719, %add3A_721 : vector<16xi32>
    %add3A_723 = arith.constant 18528 : i32
    %add3A_724 = vector.broadcast %add3A_723 : i32 to vector<16xi32>
    %add3A_725 = arith.addi %add3A_722, %add3A_724 : vector<16xi32>
    %add3A_726 = arith.constant 18400 : i32
    %add3A_727 = vector.broadcast %add3A_726 : i32 to vector<16xi32>
    %add3A_728 = arith.addi %add3A_722, %add3A_727 : vector<16xi32>
    %select_n3A_729 = arith.select %ge3A_704, %add3A_725, %add3A_728 : vector<16xi1>, vector<16xi32>
    %swap3A_730 = arith.constant 0 : i32
    %swap3A_731 = arith.index_cast %swap3A_730 : i32 to index
    %swap3A_732 = arith.constant 32 : index
    %swap3A_733 = tpu.vector_load %arg7[%swap3A_731, %swap3A_732] {strides = array<i32>} : memref<3x64xi32, #tpu.memory_space<vmem>>, vector<1x16xi32>,
    %swap3A_734 = vector.shape_cast %swap3A_733 : vector<1x16xi32> to vector<16xi32>
    %swap3A_735 = vector.shape_cast %select_n3A_729 : vector<16xi32> to vector<1x16xi32>
    tpu.vector_store %arg7[%swap3A_731, %swap3A_732], %swap3A_735 {strides = array<i32>} : memref<3x64xi32, #tpu.memory_space<vmem>>, vector<1x16xi32>,
    %get3A_736 = arith.constant 1 : i32
    %get3A_737 = arith.index_cast %get3A_736 : i32 to index
    %get3A_738 = arith.constant 112 : index
    %get3A_739 = tpu.vector_load %arg5[%get3A_737, %get3A_738] {strides = array<i32>} : memref<4x128xi32, #tpu.memory_space<vmem>>, vector<1x16xi32>,
    %get3A_740 = vector.shape_cast %get3A_739 : vector<1x16xi32> to vector<16xi32>
    %ge3A_741 = arith.constant 5000 : i32
    %ge3A_742 = vector.broadcast %ge3A_741 : i32 to vector<16xi32>
    %ge3A_743 = arith.cmpi sge, %get3A_740, %ge3A_742 : vector<16xi32>
    %add3A_744 = arith.constant 600 : i32
    %add3A_745 = vector.broadcast %add3A_744 : i32 to vector<16xi32>
    %add3A_746 = arith.addi %get3A_740, %add3A_745 : vector<16xi32>
    %mul3A_747 = arith.constant 100 : i32
    %mul3A_748 = arith.muli %add3A_618, %mul3A_747 : i32
    %add3A_749 = vector.broadcast %mul3A_748 : i32 to vector<16xi32>
    %add3A_750 = arith.addi %add3A_746, %add3A_749 : vector<16xi32>
    %select_n3A_751 = arith.select %ge3A_743, %add3A_750, %get3A_740 : vector<16xi1>, vector<16xi32>
    %swap3A_752 = arith.constant 0 : i32
    %swap3A_753 = arith.index_cast %swap3A_752 : i32 to index
    %swap3A_754 = arith.constant 48 : index
    %swap3A_755 = tpu.vector_load %arg6[%swap3A_753, %swap3A_754] {strides = array<i32>} : memref<3x64xi32, #tpu.memory_space<vmem>>, vector<1x16xi32>,
    %swap3A_756 = vector.shape_cast %swap3A_755 : vector<1x16xi32> to vector<16xi32>
    %swap3A_757 = vector.shape_cast %select_n3A_751 : vector<16xi32> to vector<1x16xi32>
    tpu.vector_store %arg6[%swap3A_753, %swap3A_754], %swap3A_757 {strides = array<i32>} : memref<3x64xi32, #tpu.memory_space<vmem>>, vector<1x16xi32>,
    %iota3A_758 = tpu.iota {dimensions = array<i32: 0>} : vector<16xi32>
    %add3A_759 = arith.constant 112 : i32
    %add3A_760 = vector.broadcast %add3A_759 : i32 to vector<16xi32>
    %add3A_761 = arith.addi %iota3A_758, %add3A_760 : vector<16xi32>
    %add3A_762 = arith.constant 18528 : i32
    %add3A_763 = vector.broadcast %add3A_762 : i32 to vector<16xi32>
    %add3A_764 = arith.addi %add3A_761, %add3A_763 : vector<16xi32>
    %add3A_765 = arith.constant 18400 : i32
    %add3A_766 = vector.broadcast %add3A_765 : i32 to vector<16xi32>
    %add3A_767 = arith.addi %add3A_761, %add3A_766 : vector<16xi32>
    %select_n3A_768 = arith.select %ge3A_743, %add3A_764, %add3A_767 : vector<16xi1>, vector<16xi32>
    %swap3A_769 = arith.constant 0 : i32
    %swap3A_770 = arith.index_cast %swap3A_769 : i32 to index
    %swap3A_771 = arith.constant 48 : index
    %swap3A_772 = tpu.vector_load %arg7[%swap3A_770, %swap3A_771] {strides = array<i32>} : memref<3x64xi32, #tpu.memory_space<vmem>>, vector<1x16xi32>,
    %swap3A_773 = vector.shape_cast %swap3A_772 : vector<1x16xi32> to vector<16xi32>
    %swap3A_774 = vector.shape_cast %select_n3A_768 : vector<16xi32> to vector<1x16xi32>
    tpu.vector_store %arg7[%swap3A_770, %swap3A_771], %swap3A_774 {strides = array<i32>} : memref<3x64xi32, #tpu.memory_space<vmem>>, vector<1x16xi32>,
    %dma_start3A_775 = arith.constant 0 : i32
    %dma_start3A_776 = arith.constant 0 : i32
    %dma_start3A_777 = arith.constant 0 : i32
    %dma_start3A_778 = arith.constant 0 : i32
    %dma_start3A_779 = tpu.memref_slice %arg8[%dma_start3A_776, %dma_start3A_777, %dma_start3A_778] : memref<3x128x256xf32, #tpu.memory_space<vmem>> -> memref<1x64x256xf32, #tpu.memory_space<vmem>>
    %dma_start3A_780 = tpu.memref_squeeze %dma_start3A_779 : memref<1x64x256xf32, #tpu.memory_space<vmem>> -> memref<64x256xf32, #tpu.memory_space<vmem>>
    %dma_start3A_781 = arith.constant 0 : i32
    %dma_start3A_782 = tpu.memref_slice %arg6[%dma_start3A_775, %dma_start3A_781] : memref<3x64xi32, #tpu.memory_space<vmem>> -> memref<1x64xi32, #tpu.memory_space<vmem>>
    %dma_start3A_783 = tpu.memref_squeeze %dma_start3A_782 : memref<1x64xi32, #tpu.memory_space<vmem>> -> memref<64xi32, #tpu.memory_space<vmem>>
    %dma_start3A_784 = arith.constant 0 : i32
    %dma_start3A_785 = arith.constant 0 : i32
    %dma_start3A_786 = tpu.memref_slice %arg2[%dma_start3A_784, %dma_start3A_785] : memref<19200x256xf32, #tpu.memory_space<hbm>> -> memref<19200x256xf32, #tpu.memory_space<hbm>>
    tpu.enqueue_indirect_dma source(%dma_start3A_786 : memref<19200x256xf32, #tpu.memory_space<hbm>>) target(%dma_start3A_780 : memref<64x256xf32, #tpu.memory_space<vmem>>) offsets(%dma_start3A_783 : memref<64xi32, #tpu.memory_space<vmem>>) semaphore(%arg9 : memref<!tpu.dma_semaphore, #tpu.memory_space<semaphore_mem>>)
    %dma_start3A_787 = arith.constant 0 : i32
    %dma_start3A_788 = arith.constant 0 : i32
    %dma_start3A_789 = arith.constant 64 : i32
    %dma_start3A_790 = arith.constant 0 : i32
    %dma_start3A_791 = tpu.memref_slice %arg8[%dma_start3A_788, %dma_start3A_789, %dma_start3A_790] : memref<3x128x256xf32, #tpu.memory_space<vmem>> -> memref<1x64x256xf32, #tpu.memory_space<vmem>>
    %dma_start3A_792 = tpu.memref_squeeze %dma_start3A_791 : memref<1x64x256xf32, #tpu.memory_space<vmem>> -> memref<64x256xf32, #tpu.memory_space<vmem>>
    %dma_start3A_793 = arith.constant 0 : i32
    %dma_start3A_794 = tpu.memref_slice %arg7[%dma_start3A_787, %dma_start3A_793] : memref<3x64xi32, #tpu.memory_space<vmem>> -> memref<1x64xi32, #tpu.memory_space<vmem>>
    %dma_start3A_795 = tpu.memref_squeeze %dma_start3A_794 : memref<1x64xi32, #tpu.memory_space<vmem>> -> memref<64xi32, #tpu.memory_space<vmem>>
    %dma_start3A_796 = arith.constant 0 : i32
    %dma_start3A_797 = arith.constant 0 : i32
    %dma_start3A_798 = tpu.memref_slice %arg2[%dma_start3A_796, %dma_start3A_797] : memref<19200x256xf32, #tpu.memory_space<hbm>> -> memref<19200x256xf32, #tpu.memory_space<hbm>>
    tpu.enqueue_indirect_dma source(%dma_start3A_798 : memref<19200x256xf32, #tpu.memory_space<hbm>>) target(%dma_start3A_792 : memref<64x256xf32, #tpu.memory_space<vmem>>) offsets(%dma_start3A_795 : memref<64xi32, #tpu.memory_space<vmem>>) semaphore(%arg9 : memref<!tpu.dma_semaphore, #tpu.memory_space<semaphore_mem>>)
    %dma_wait3A_799 = arith.constant 1 : i32
    %dma_wait3A_800 = arith.constant 1 : i32
    %dma_wait3A_801 = arith.constant 0 : i32
    %dma_wait3A_802 = arith.constant 0 : i32
    %dma_wait3A_803 = tpu.memref_slice %arg8[%dma_wait3A_800, %dma_wait3A_801, %dma_wait3A_802] : memref<3x128x256xf32, #tpu.memory_space<vmem>> -> memref<1x64x256xf32, #tpu.memory_space<vmem>>
    %dma_wait3A_804 = tpu.memref_squeeze %dma_wait3A_803 : memref<1x64x256xf32, #tpu.memory_space<vmem>> -> memref<64x256xf32, #tpu.memory_space<vmem>>
    %dma_wait3A_805 = arith.constant 0 : i32
    %dma_wait3A_806 = tpu.memref_slice %arg6[%dma_wait3A_799, %dma_wait3A_805] : memref<3x64xi32, #tpu.memory_space<vmem>> -> memref<1x64xi32, #tpu.memory_space<vmem>>
    %dma_wait3A_807 = tpu.memref_squeeze %dma_wait3A_806 : memref<1x64xi32, #tpu.memory_space<vmem>> -> memref<64xi32, #tpu.memory_space<vmem>>
    %dma_wait3A_808 = arith.constant 0 : i32
    %dma_wait3A_809 = arith.constant 0 : i32
    %dma_wait3A_810 = tpu.memref_slice %arg2[%dma_wait3A_808, %dma_wait3A_809] : memref<19200x256xf32, #tpu.memory_space<hbm>> -> memref<19200x256xf32, #tpu.memory_space<hbm>>
    tpu.wait_indirect_dma semaphore(%arg9 : memref<!tpu.dma_semaphore, #tpu.memory_space<semaphore_mem>>) src(%dma_wait3A_810 : memref<19200x256xf32, #tpu.memory_space<hbm>>) dst(%dma_wait3A_804 : memref<64x256xf32, #tpu.memory_space<vmem>>)
    %dma_wait3A_811 = arith.constant 1 : i32
    %dma_wait3A_812 = arith.constant 1 : i32
    %dma_wait3A_813 = arith.constant 64 : i32
    %dma_wait3A_814 = arith.constant 0 : i32
    %dma_wait3A_815 = tpu.memref_slice %arg8[%dma_wait3A_812, %dma_wait3A_813, %dma_wait3A_814] : memref<3x128x256xf32, #tpu.memory_space<vmem>> -> memref<1x64x256xf32, #tpu.memory_space<vmem>>
    %dma_wait3A_816 = tpu.memref_squeeze %dma_wait3A_815 : memref<1x64x256xf32, #tpu.memory_space<vmem>> -> memref<64x256xf32, #tpu.memory_space<vmem>>
    %dma_wait3A_817 = arith.constant 0 : i32
    %dma_wait3A_818 = tpu.memref_slice %arg7[%dma_wait3A_811, %dma_wait3A_817] : memref<3x64xi32, #tpu.memory_space<vmem>> -> memref<1x64xi32, #tpu.memory_space<vmem>>
    %dma_wait3A_819 = tpu.memref_squeeze %dma_wait3A_818 : memref<1x64xi32, #tpu.memory_space<vmem>> -> memref<64xi32, #tpu.memory_space<vmem>>
    %dma_wait3A_820 = arith.constant 0 : i32
    %dma_wait3A_821 = arith.constant 0 : i32
    %dma_wait3A_822 = tpu.memref_slice %arg2[%dma_wait3A_820, %dma_wait3A_821] : memref<19200x256xf32, #tpu.memory_space<hbm>> -> memref<19200x256xf32, #tpu.memory_space<hbm>>
    tpu.wait_indirect_dma semaphore(%arg9 : memref<!tpu.dma_semaphore, #tpu.memory_space<semaphore_mem>>) src(%dma_wait3A_822 : memref<19200x256xf32, #tpu.memory_space<hbm>>) dst(%dma_wait3A_816 : memref<64x256xf32, #tpu.memory_space<vmem>>)
    %scan3A_823 = arith.constant 0 : i32
    %scan3A_824 = arith.constant 0 : i32
    %scan3A_825 = arith.constant 64 : i32
    %scan3A_826 = arith.addi %scan3A_824, %scan3A_825 : i32
    %scan3A_827 = arith.constant 1 : i32
    scf.for %scan3A_2011 = %scan3A_824 to %scan3A_826 step %scan3A_827  : i32 {
      %add3A_2012 = arith.constant 64 : i32
      %add3A_2013 = arith.addi %scan3A_2011, %add3A_2012 : i32
      %get3A_2014 = arith.constant 1 : i32
      %get3A_2015 = arith.index_cast %get3A_2014 : i32 to index
      %get3A_2016 = arith.index_cast %add3A_2013 : i32 to index
      %get3A_2017 = arith.constant 0 : index
      %get3A_2018 = tpu.vector_load %arg8[%get3A_2015, %get3A_2016, %get3A_2017] {strides = array<i32>} : memref<3x128x256xf32, #tpu.memory_space<vmem>>, vector<1x1x16xf32>,
      %get3A_2019 = vector.shape_cast %get3A_2018 : vector<1x1x16xf32> to vector<16xf32>
      %swap3A_2020 = arith.constant 1 : i32
      %swap3A_2021 = arith.index_cast %swap3A_2020 : i32 to index
      %swap3A_2022 = arith.index_cast %scan3A_2011 : i32 to index
      %swap3A_2023 = arith.constant 0 : index
      %swap3A_2024 = tpu.vector_load %arg8[%swap3A_2021, %swap3A_2022, %swap3A_2023] {strides = array<i32>} : memref<3x128x256xf32, #tpu.memory_space<vmem>>, vector<1x1x16xf32>,
      %swap3A_2025 = vector.shape_cast %swap3A_2024 : vector<1x1x16xf32> to vector<16xf32>
      %swap3A_2026 = vector.shape_cast %get3A_2019 : vector<16xf32> to vector<1x1x16xf32>
      tpu.vector_store %arg8[%swap3A_2021, %swap3A_2022, %swap3A_2023], %swap3A_2026 {add = true, strides = array<i32>} : memref<3x128x256xf32, #tpu.memory_space<vmem>>, vector<1x1x16xf32>,
      %add3A_2027 = arith.constant 64 : i32
      %add3A_2028 = arith.addi %scan3A_2011, %add3A_2027 : i32
      %get3A_2029 = arith.constant 1 : i32
      %get3A_2030 = arith.index_cast %get3A_2029 : i32 to index
      %get3A_2031 = arith.index_cast %add3A_2028 : i32 to index
      %get3A_2032 = arith.constant 16 : index
      %get3A_2033 = tpu.vector_load %arg8[%get3A_2030, %get3A_2031, %get3A_2032] {strides = array<i32>} : memref<3x128x256xf32, #tpu.memory_space<vmem>>, vector<1x1x16xf32>,
      %get3A_2034 = vector.shape_cast %get3A_2033 : vector<1x1x16xf32> to vector<16xf32>
      %swap3A_2035 = arith.constant 1 : i32
      %swap3A_2036 = arith.index_cast %swap3A_2035 : i32 to index
      %swap3A_2037 = arith.index_cast %scan3A_2011 : i32 to index
      %swap3A_2038 = arith.constant 16 : index
      %swap3A_2039 = tpu.vector_load %arg8[%swap3A_2036, %swap3A_2037, %swap3A_2038] {strides = array<i32>} : memref<3x128x256xf32, #tpu.memory_space<vmem>>, vector<1x1x16xf32>,
      %swap3A_2040 = vector.shape_cast %swap3A_2039 : vector<1x1x16xf32> to vector<16xf32>
      %swap3A_2041 = vector.shape_cast %get3A_2034 : vector<16xf32> to vector<1x1x16xf32>
      tpu.vector_store %arg8[%swap3A_2036, %swap3A_2037, %swap3A_2038], %swap3A_2041 {add = true, strides = array<i32>} : memref<3x128x256xf32, #tpu.memory_space<vmem>>, vector<1x1x16xf32>,
      %add3A_2042 = arith.constant 64 : i32
      %add3A_2043 = arith.addi %scan3A_2011, %add3A_2042 : i32
      %get3A_2044 = arith.constant 1 : i32
      %get3A_2045 = arith.index_cast %get3A_2044 : i32 to index
      %get3A_2046 = arith.index_cast %add3A_2043 : i32 to index
      %get3A_2047 = arith.constant 32 : index
      %get3A_2048 = tpu.vector_load %arg8[%get3A_2045, %get3A_2046, %get3A_2047] {strides = array<i32>} : memref<3x128x256xf32, #tpu.memory_space<vmem>>, vector<1x1x16xf32>,
      %get3A_2049 = vector.shape_cast %get3A_2048 : vector<1x1x16xf32> to vector<16xf32>
      %swap3A_2050 = arith.constant 1 : i32
      %swap3A_2051 = arith.index_cast %swap3A_2050 : i32 to index
      %swap3A_2052 = arith.index_cast %scan3A_2011 : i32 to index
      %swap3A_2053 = arith.constant 32 : index
      %swap3A_2054 = tpu.vector_load %arg8[%swap3A_2051, %swap3A_2052, %swap3A_2053] {strides = array<i32>} : memref<3x128x256xf32, #tpu.memory_space<vmem>>, vector<1x1x16xf32>,
      %swap3A_2055 = vector.shape_cast %swap3A_2054 : vector<1x1x16xf32> to vector<16xf32>
      %swap3A_2056 = vector.shape_cast %get3A_2049 : vector<16xf32> to vector<1x1x16xf32>
      tpu.vector_store %arg8[%swap3A_2051, %swap3A_2052, %swap3A_2053], %swap3A_2056 {add = true, strides = array<i32>} : memref<3x128x256xf32, #tpu.memory_space<vmem>>, vector<1x1x16xf32>,
      %add3A_2057 = arith.constant 64 : i32
      %add3A_2058 = arith.addi %scan3A_2011, %add3A_2057 : i32
      %get3A_2059 = arith.constant 1 : i32
      %get3A_2060 = arith.index_cast %get3A_2059 : i32 to index
      %get3A_2061 = arith.index_cast %add3A_2058 : i32 to index
      %get3A_2062 = arith.constant 48 : index
      %get3A_2063 = tpu.vector_load %arg8[%get3A_2060, %get3A_2061, %get3A_2062] {strides = array<i32>} : memref<3x128x256xf32, #tpu.memory_space<vmem>>, vector<1x1x16xf32>,
      %get3A_2064 = vector.shape_cast %get3A_2063 : vector<1x1x16xf32> to vector<16xf32>
      %swap3A_2065 = arith.constant 1 : i32
      %swap3A_2066 = arith.index_cast %swap3A_2065 : i32 to index
      %swap3A_2067 = arith.index_cast %scan3A_2011 : i32 to index
      %swap3A_2068 = arith.constant 48 : index
      %swap3A_2069 = tpu.vector_load %arg8[%swap3A_2066, %swap3A_2067, %swap3A_2068] {strides = array<i32>} : memref<3x128x256xf32, #tpu.memory_space<vmem>>, vector<1x1x16xf32>,
      %swap3A_2070 = vector.shape_cast %swap3A_2069 : vector<1x1x16xf32> to vector<16xf32>
      %swap3A_2071 = vector.shape_cast %get3A_2064 : vector<16xf32> to vector<1x1x16xf32>
      tpu.vector_store %arg8[%swap3A_2066, %swap3A_2067, %swap3A_2068], %swap3A_2071 {add = true, strides = array<i32>} : memref<3x128x256xf32, #tpu.memory_space<vmem>>, vector<1x1x16xf32>,
      %add3A_2072 = arith.constant 64 : i32
      %add3A_2073 = arith.addi %scan3A_2011, %add3A_2072 : i32
      %get3A_2074 = arith.constant 1 : i32
      %get3A_2075 = arith.index_cast %get3A_2074 : i32 to index
      %get3A_2076 = arith.index_cast %add3A_2073 : i32 to index
      %get3A_2077 = arith.constant 64 : index
      %get3A_2078 = tpu.vector_load %arg8[%get3A_2075, %get3A_2076, %get3A_2077] {strides = array<i32>} : memref<3x128x256xf32, #tpu.memory_space<vmem>>, vector<1x1x16xf32>,
      %get3A_2079 = vector.shape_cast %get3A_2078 : vector<1x1x16xf32> to vector<16xf32>
      %swap3A_2080 = arith.constant 1 : i32
      %swap3A_2081 = arith.index_cast %swap3A_2080 : i32 to index
      %swap3A_2082 = arith.index_cast %scan3A_2011 : i32 to index
      %swap3A_2083 = arith.constant 64 : index
      %swap3A_2084 = tpu.vector_load %arg8[%swap3A_2081, %swap3A_2082, %swap3A_2083] {strides = array<i32>} : memref<3x128x256xf32, #tpu.memory_space<vmem>>, vector<1x1x16xf32>,
      %swap3A_2085 = vector.shape_cast %swap3A_2084 : vector<1x1x16xf32> to vector<16xf32>
      %swap3A_2086 = vector.shape_cast %get3A_2079 : vector<16xf32> to vector<1x1x16xf32>
      tpu.vector_store %arg8[%swap3A_2081, %swap3A_2082, %swap3A_2083], %swap3A_2086 {add = true, strides = array<i32>} : memref<3x128x256xf32, #tpu.memory_space<vmem>>, vector<1x1x16xf32>,
      %add3A_2087 = arith.constant 64 : i32
      %add3A_2088 = arith.addi %scan3A_2011, %add3A_2087 : i32
      %get3A_2089 = arith.constant 1 : i32
      %get3A_2090 = arith.index_cast %get3A_2089 : i32 to index
      %get3A_2091 = arith.index_cast %add3A_2088 : i32 to index
      %get3A_2092 = arith.constant 80 : index
      %get3A_2093 = tpu.vector_load %arg8[%get3A_2090, %get3A_2091, %get3A_2092] {strides = array<i32>} : memref<3x128x256xf32, #tpu.memory_space<vmem>>, vector<1x1x16xf32>,
      %get3A_2094 = vector.shape_cast %get3A_2093 : vector<1x1x16xf32> to vector<16xf32>
      %swap3A_2095 = arith.constant 1 : i32
      %swap3A_2096 = arith.index_cast %swap3A_2095 : i32 to index
      %swap3A_2097 = arith.index_cast %scan3A_2011 : i32 to index
      %swap3A_2098 = arith.constant 80 : index
      %swap3A_2099 = tpu.vector_load %arg8[%swap3A_2096, %swap3A_2097, %swap3A_2098] {strides = array<i32>} : memref<3x128x256xf32, #tpu.memory_space<vmem>>, vector<1x1x16xf32>,
      %swap3A_2100 = vector.shape_cast %swap3A_2099 : vector<1x1x16xf32> to vector<16xf32>
      %swap3A_2101 = vector.shape_cast %get3A_2094 : vector<16xf32> to vector<1x1x16xf32>
      tpu.vector_store %arg8[%swap3A_2096, %swap3A_2097, %swap3A_2098], %swap3A_2101 {add = true, strides = array<i32>} : memref<3x128x256xf32, #tpu.memory_space<vmem>>, vector<1x1x16xf32>,
      %add3A_2102 = arith.constant 64 : i32
      %add3A_2103 = arith.addi %scan3A_2011, %add3A_2102 : i32
      %get3A_2104 = arith.constant 1 : i32
      %get3A_2105 = arith.index_cast %get3A_2104 : i32 to index
      %get3A_2106 = arith.index_cast %add3A_2103 : i32 to index
      %get3A_2107 = arith.constant 96 : index
      %get3A_2108 = tpu.vector_load %arg8[%get3A_2105, %get3A_2106, %get3A_2107] {strides = array<i32>} : memref<3x128x256xf32, #tpu.memory_space<vmem>>, vector<1x1x16xf32>,
      %get3A_2109 = vector.shape_cast %get3A_2108 : vector<1x1x16xf32> to vector<16xf32>
      %swap3A_2110 = arith.constant 1 : i32
      %swap3A_2111 = arith.index_cast %swap3A_2110 : i32 to index
      %swap3A_2112 = arith.index_cast %scan3A_2011 : i32 to index
      %swap3A_2113 = arith.constant 96 : index
      %swap3A_2114 = tpu.vector_load %arg8[%swap3A_2111, %swap3A_2112, %swap3A_2113] {strides = array<i32>} : memref<3x128x256xf32, #tpu.memory_space<vmem>>, vector<1x1x16xf32>,
      %swap3A_2115 = vector.shape_cast %swap3A_2114 : vector<1x1x16xf32> to vector<16xf32>
      %swap3A_2116 = vector.shape_cast %get3A_2109 : vector<16xf32> to vector<1x1x16xf32>
      tpu.vector_store %arg8[%swap3A_2111, %swap3A_2112, %swap3A_2113], %swap3A_2116 {add = true, strides = array<i32>} : memref<3x128x256xf32, #tpu.memory_space<vmem>>, vector<1x1x16xf32>,
      %add3A_2117 = arith.constant 64 : i32
      %add3A_2118 = arith.addi %scan3A_2011, %add3A_2117 : i32
      %get3A_2119 = arith.constant 1 : i32
      %get3A_2120 = arith.index_cast %get3A_2119 : i32 to index
      %get3A_2121 = arith.index_cast %add3A_2118 : i32 to index
      %get3A_2122 = arith.constant 112 : index
      %get3A_2123 = tpu.vector_load %arg8[%get3A_2120, %get3A_2121, %get3A_2122] {strides = array<i32>} : memref<3x128x256xf32, #tpu.memory_space<vmem>>, vector<1x1x16xf32>,
      %get3A_2124 = vector.shape_cast %get3A_2123 : vector<1x1x16xf32> to vector<16xf32>
      %swap3A_2125 = arith.constant 1 : i32
      %swap3A_2126 = arith.index_cast %swap3A_2125 : i32 to index
      %swap3A_2127 = arith.index_cast %scan3A_2011 : i32 to index
      %swap3A_2128 = arith.constant 112 : index
      %swap3A_2129 = tpu.vector_load %arg8[%swap3A_2126, %swap3A_2127, %swap3A_2128] {strides = array<i32>} : memref<3x128x256xf32, #tpu.memory_space<vmem>>, vector<1x1x16xf32>,
      %swap3A_2130 = vector.shape_cast %swap3A_2129 : vector<1x1x16xf32> to vector<16xf32>
      %swap3A_2131 = vector.shape_cast %get3A_2124 : vector<16xf32> to vector<1x1x16xf32>
      tpu.vector_store %arg8[%swap3A_2126, %swap3A_2127, %swap3A_2128], %swap3A_2131 {add = true, strides = array<i32>} : memref<3x128x256xf32, #tpu.memory_space<vmem>>, vector<1x1x16xf32>,
      %add3A_2132 = arith.constant 64 : i32
      %add3A_2133 = arith.addi %scan3A_2011, %add3A_2132 : i32
      %get3A_2134 = arith.constant 1 : i32
      %get3A_2135 = arith.index_cast %get3A_2134 : i32 to index
      %get3A_2136 = arith.index_cast %add3A_2133 : i32 to index
      %get3A_2137 = arith.constant 128 : index
      %get3A_2138 = tpu.vector_load %arg8[%get3A_2135, %get3A_2136, %get3A_2137] {strides = array<i32>} : memref<3x128x256xf32, #tpu.memory_space<vmem>>, vector<1x1x16xf32>,
      %get3A_2139 = vector.shape_cast %get3A_2138 : vector<1x1x16xf32> to vector<16xf32>
      %swap3A_2140 = arith.constant 1 : i32
      %swap3A_2141 = arith.index_cast %swap3A_2140 : i32 to index
      %swap3A_2142 = arith.index_cast %scan3A_2011 : i32 to index
      %swap3A_2143 = arith.constant 128 : index
      %swap3A_2144 = tpu.vector_load %arg8[%swap3A_2141, %swap3A_2142, %swap3A_2143] {strides = array<i32>} : memref<3x128x256xf32, #tpu.memory_space<vmem>>, vector<1x1x16xf32>,
      %swap3A_2145 = vector.shape_cast %swap3A_2144 : vector<1x1x16xf32> to vector<16xf32>
      %swap3A_2146 = vector.shape_cast %get3A_2139 : vector<16xf32> to vector<1x1x16xf32>
      tpu.vector_store %arg8[%swap3A_2141, %swap3A_2142, %swap3A_2143], %swap3A_2146 {add = true, strides = array<i32>} : memref<3x128x256xf32, #tpu.memory_space<vmem>>, vector<1x1x16xf32>,
      %add3A_2147 = arith.constant 64 : i32
      %add3A_2148 = arith.addi %scan3A_2011, %add3A_2147 : i32
      %get3A_2149 = arith.constant 1 : i32
      %get3A_2150 = arith.index_cast %get3A_2149 : i32 to index
      %get3A_2151 = arith.index_cast %add3A_2148 : i32 to index
      %get3A_2152 = arith.constant 144 : index
      %get3A_2153 = tpu.vector_load %arg8[%get3A_2150, %get3A_2151, %get3A_2152] {strides = array<i32>} : memref<3x128x256xf32, #tpu.memory_space<vmem>>, vector<1x1x16xf32>,
      %get3A_2154 = vector.shape_cast %get3A_2153 : vector<1x1x16xf32> to vector<16xf32>
      %swap3A_2155 = arith.constant 1 : i32
      %swap3A_2156 = arith.index_cast %swap3A_2155 : i32 to index
      %swap3A_2157 = arith.index_cast %scan3A_2011 : i32 to index
      %swap3A_2158 = arith.constant 144 : index
      %swap3A_2159 = tpu.vector_load %arg8[%swap3A_2156, %swap3A_2157, %swap3A_2158] {strides = array<i32>} : memref<3x128x256xf32, #tpu.memory_space<vmem>>, vector<1x1x16xf32>,
      %swap3A_2160 = vector.shape_cast %swap3A_2159 : vector<1x1x16xf32> to vector<16xf32>
      %swap3A_2161 = vector.shape_cast %get3A_2154 : vector<16xf32> to vector<1x1x16xf32>
      tpu.vector_store %arg8[%swap3A_2156, %swap3A_2157, %swap3A_2158], %swap3A_2161 {add = true, strides = array<i32>} : memref<3x128x256xf32, #tpu.memory_space<vmem>>, vector<1x1x16xf32>,
      %add3A_2162 = arith.constant 64 : i32
      %add3A_2163 = arith.addi %scan3A_2011, %add3A_2162 : i32
      %get3A_2164 = arith.constant 1 : i32
      %get3A_2165 = arith.index_cast %get3A_2164 : i32 to index
      %get3A_2166 = arith.index_cast %add3A_2163 : i32 to index
      %get3A_2167 = arith.constant 160 : index
      %get3A_2168 = tpu.vector_load %arg8[%get3A_2165, %get3A_2166, %get3A_2167] {strides = array<i32>} : memref<3x128x256xf32, #tpu.memory_space<vmem>>, vector<1x1x16xf32>,
      %get3A_2169 = vector.shape_cast %get3A_2168 : vector<1x1x16xf32> to vector<16xf32>
      %swap3A_2170 = arith.constant 1 : i32
      %swap3A_2171 = arith.index_cast %swap3A_2170 : i32 to index
      %swap3A_2172 = arith.index_cast %scan3A_2011 : i32 to index
      %swap3A_2173 = arith.constant 160 : index
      %swap3A_2174 = tpu.vector_load %arg8[%swap3A_2171, %swap3A_2172, %swap3A_2173] {strides = array<i32>} : memref<3x128x256xf32, #tpu.memory_space<vmem>>, vector<1x1x16xf32>,
      %swap3A_2175 = vector.shape_cast %swap3A_2174 : vector<1x1x16xf32> to vector<16xf32>
      %swap3A_2176 = vector.shape_cast %get3A_2169 : vector<16xf32> to vector<1x1x16xf32>
      tpu.vector_store %arg8[%swap3A_2171, %swap3A_2172, %swap3A_2173], %swap3A_2176 {add = true, strides = array<i32>} : memref<3x128x256xf32, #tpu.memory_space<vmem>>, vector<1x1x16xf32>,
      %add3A_2177 = arith.constant 64 : i32
      %add3A_2178 = arith.addi %scan3A_2011, %add3A_2177 : i32
      %get3A_2179 = arith.constant 1 : i32
      %get3A_2180 = arith.index_cast %get3A_2179 : i32 to index
      %get3A_2181 = arith.index_cast %add3A_2178 : i32 to index
      %get3A_2182 = arith.constant 176 : index
      %get3A_2183 = tpu.vector_load %arg8[%get3A_2180, %get3A_2181, %get3A_2182] {strides = array<i32>} : memref<3x128x256xf32, #tpu.memory_space<vmem>>, vector<1x1x16xf32>,
      %get3A_2184 = vector.shape_cast %get3A_2183 : vector<1x1x16xf32> to vector<16xf32>
      %swap3A_2185 = arith.constant 1 : i32
      %swap3A_2186 = arith.index_cast %swap3A_2185 : i32 to index
      %swap3A_2187 = arith.index_cast %scan3A_2011 : i32 to index
      %swap3A_2188 = arith.constant 176 : index
      %swap3A_2189 = tpu.vector_load %arg8[%swap3A_2186, %swap3A_2187, %swap3A_2188] {strides = array<i32>} : memref<3x128x256xf32, #tpu.memory_space<vmem>>, vector<1x1x16xf32>,
      %swap3A_2190 = vector.shape_cast %swap3A_2189 : vector<1x1x16xf32> to vector<16xf32>
      %swap3A_2191 = vector.shape_cast %get3A_2184 : vector<16xf32> to vector<1x1x16xf32>
      tpu.vector_store %arg8[%swap3A_2186, %swap3A_2187, %swap3A_2188], %swap3A_2191 {add = true, strides = array<i32>} : memref<3x128x256xf32, #tpu.memory_space<vmem>>, vector<1x1x16xf32>,
      %add3A_2192 = arith.constant 64 : i32
      %add3A_2193 = arith.addi %scan3A_2011, %add3A_2192 : i32
      %get3A_2194 = arith.constant 1 : i32
      %get3A_2195 = arith.index_cast %get3A_2194 : i32 to index
      %get3A_2196 = arith.index_cast %add3A_2193 : i32 to index
      %get3A_2197 = arith.constant 192 : index
      %get3A_2198 = tpu.vector_load %arg8[%get3A_2195, %get3A_2196, %get3A_2197] {strides = array<i32>} : memref<3x128x256xf32, #tpu.memory_space<vmem>>, vector<1x1x16xf32>,
      %get3A_2199 = vector.shape_cast %get3A_2198 : vector<1x1x16xf32> to vector<16xf32>
      %swap3A_2200 = arith.constant 1 : i32
      %swap3A_2201 = arith.index_cast %swap3A_2200 : i32 to index
      %swap3A_2202 = arith.index_cast %scan3A_2011 : i32 to index
      %swap3A_2203 = arith.constant 192 : index
      %swap3A_2204 = tpu.vector_load %arg8[%swap3A_2201, %swap3A_2202, %swap3A_2203] {strides = array<i32>} : memref<3x128x256xf32, #tpu.memory_space<vmem>>, vector<1x1x16xf32>,
      %swap3A_2205 = vector.shape_cast %swap3A_2204 : vector<1x1x16xf32> to vector<16xf32>
      %swap3A_2206 = vector.shape_cast %get3A_2199 : vector<16xf32> to vector<1x1x16xf32>
      tpu.vector_store %arg8[%swap3A_2201, %swap3A_2202, %swap3A_2203], %swap3A_2206 {add = true, strides = array<i32>} : memref<3x128x256xf32, #tpu.memory_space<vmem>>, vector<1x1x16xf32>,
      %add3A_2207 = arith.constant 64 : i32
      %add3A_2208 = arith.addi %scan3A_2011, %add3A_2207 : i32
      %get3A_2209 = arith.constant 1 : i32
      %get3A_2210 = arith.index_cast %get3A_2209 : i32 to index
      %get3A_2211 = arith.index_cast %add3A_2208 : i32 to index
      %get3A_2212 = arith.constant 208 : index
      %get3A_2213 = tpu.vector_load %arg8[%get3A_2210, %get3A_2211, %get3A_2212] {strides = array<i32>} : memref<3x128x256xf32, #tpu.memory_space<vmem>>, vector<1x1x16xf32>,
      %get3A_2214 = vector.shape_cast %get3A_2213 : vector<1x1x16xf32> to vector<16xf32>
      %swap3A_2215 = arith.constant 1 : i32
      %swap3A_2216 = arith.index_cast %swap3A_2215 : i32 to index
      %swap3A_2217 = arith.index_cast %scan3A_2011 : i32 to index
      %swap3A_2218 = arith.constant 208 : index
      %swap3A_2219 = tpu.vector_load %arg8[%swap3A_2216, %swap3A_2217, %swap3A_2218] {strides = array<i32>} : memref<3x128x256xf32, #tpu.memory_space<vmem>>, vector<1x1x16xf32>,
      %swap3A_2220 = vector.shape_cast %swap3A_2219 : vector<1x1x16xf32> to vector<16xf32>
      %swap3A_2221 = vector.shape_cast %get3A_2214 : vector<16xf32> to vector<1x1x16xf32>
      tpu.vector_store %arg8[%swap3A_2216, %swap3A_2217, %swap3A_2218], %swap3A_2221 {add = true, strides = array<i32>} : memref<3x128x256xf32, #tpu.memory_space<vmem>>, vector<1x1x16xf32>,
      %add3A_2222 = arith.constant 64 : i32
      %add3A_2223 = arith.addi %scan3A_2011, %add3A_2222 : i32
      %get3A_2224 = arith.constant 1 : i32
      %get3A_2225 = arith.index_cast %get3A_2224 : i32 to index
      %get3A_2226 = arith.index_cast %add3A_2223 : i32 to index
      %get3A_2227 = arith.constant 224 : index
      %get3A_2228 = tpu.vector_load %arg8[%get3A_2225, %get3A_2226, %get3A_2227] {strides = array<i32>} : memref<3x128x256xf32, #tpu.memory_space<vmem>>, vector<1x1x16xf32>,
      %get3A_2229 = vector.shape_cast %get3A_2228 : vector<1x1x16xf32> to vector<16xf32>
      %swap3A_2230 = arith.constant 1 : i32
      %swap3A_2231 = arith.index_cast %swap3A_2230 : i32 to index
      %swap3A_2232 = arith.index_cast %scan3A_2011 : i32 to index
      %swap3A_2233 = arith.constant 224 : index
      %swap3A_2234 = tpu.vector_load %arg8[%swap3A_2231, %swap3A_2232, %swap3A_2233] {strides = array<i32>} : memref<3x128x256xf32, #tpu.memory_space<vmem>>, vector<1x1x16xf32>,
      %swap3A_2235 = vector.shape_cast %swap3A_2234 : vector<1x1x16xf32> to vector<16xf32>
      %swap3A_2236 = vector.shape_cast %get3A_2229 : vector<16xf32> to vector<1x1x16xf32>
      tpu.vector_store %arg8[%swap3A_2231, %swap3A_2232, %swap3A_2233], %swap3A_2236 {add = true, strides = array<i32>} : memref<3x128x256xf32, #tpu.memory_space<vmem>>, vector<1x1x16xf32>,
      %add3A_2237 = arith.constant 64 : i32
      %add3A_2238 = arith.addi %scan3A_2011, %add3A_2237 : i32
      %get3A_2239 = arith.constant 1 : i32
      %get3A_2240 = arith.index_cast %get3A_2239 : i32 to index
      %get3A_2241 = arith.index_cast %add3A_2238 : i32 to index
      %get3A_2242 = arith.constant 240 : index
      %get3A_2243 = tpu.vector_load %arg8[%get3A_2240, %get3A_2241, %get3A_2242] {strides = array<i32>} : memref<3x128x256xf32, #tpu.memory_space<vmem>>, vector<1x1x16xf32>,
      %get3A_2244 = vector.shape_cast %get3A_2243 : vector<1x1x16xf32> to vector<16xf32>
      %swap3A_2245 = arith.constant 1 : i32
      %swap3A_2246 = arith.index_cast %swap3A_2245 : i32 to index
      %swap3A_2247 = arith.index_cast %scan3A_2011 : i32 to index
      %swap3A_2248 = arith.constant 240 : index
      %swap3A_2249 = tpu.vector_load %arg8[%swap3A_2246, %swap3A_2247, %swap3A_2248] {strides = array<i32>} : memref<3x128x256xf32, #tpu.memory_space<vmem>>, vector<1x1x16xf32>,
      %swap3A_2250 = vector.shape_cast %swap3A_2249 : vector<1x1x16xf32> to vector<16xf32>
      %swap3A_2251 = vector.shape_cast %get3A_2244 : vector<16xf32> to vector<1x1x16xf32>
      tpu.vector_store %arg8[%swap3A_2246, %swap3A_2247, %swap3A_2248], %swap3A_2251 {add = true, strides = array<i32>} : memref<3x128x256xf32, #tpu.memory_space<vmem>>, vector<1x1x16xf32>,
    }
    %scan3A_828 = arith.constant 64 : i32
    %mul3A_829 = arith.constant 4 : i32
    %mul3A_830 = arith.muli %add3A, %mul3A_829 : i32
    %add3A_831 = arith.constant 0 : i32
    %add3A_832 = arith.addi %mul3A_830, %add3A_831 : i32
    %dma_start3A_833 = arith.constant 1 : i32
    %dma_start3A_834 = arith.constant 0 : i32
    %dma_start3A_835 = arith.constant 0 : i32
    %dma_start3A_836 = tpu.memref_slice %arg8[%dma_start3A_833, %dma_start3A_834, %dma_start3A_835] : memref<3x128x256xf32, #tpu.memory_space<vmem>> -> memref<1x64x256xf32, #tpu.memory_space<vmem>>
    %dma_start3A_837 = tpu.memref_squeeze %dma_start3A_836 : memref<1x64x256xf32, #tpu.memory_space<vmem>> -> memref<64x256xf32, #tpu.memory_space<vmem>>
    %dma_start3A_838 = arith.constant 64 : i32
    %dma_start3A_839 = arith.constant 0 : i32
    %dma_start3A_840 = tpu.memref_slice %arg4[%add3A_832, %dma_start3A_838, %dma_start3A_839] : memref<128x128x256xf32, #tpu.memory_space<hbm>> -> memref<1x64x256xf32, #tpu.memory_space<hbm>>
    %dma_start3A_841 = tpu.memref_squeeze %dma_start3A_840 : memref<1x64x256xf32, #tpu.memory_space<hbm>> -> memref<64x256xf32, #tpu.memory_space<hbm>>
    %dma_start3A_842 = arith.constant 64 : i32
    %dma_start3A_843 = arith.constant 0 : i32
    %dma_start3A_844 = tpu.memref_slice %arg4[%add3A_832, %dma_start3A_842, %dma_start3A_843] : memref<128x128x256xf32, #tpu.memory_space<hbm>> -> memref<1x64x256xf32, #tpu.memory_space<hbm>>
    %dma_start3A_845 = tpu.memref_squeeze %dma_start3A_844 : memref<1x64x256xf32, #tpu.memory_space<hbm>> -> memref<64x256xf32, #tpu.memory_space<hbm>>
    %dma_start3A_846 = arith.constant 0 : i32
    %dma_start3A_847 = arith.constant 0 : i32
    %dma_start3A_848 = tpu.memref_slice %arg8[%dma_start3A_833, %dma_start3A_846, %dma_start3A_847] : memref<3x128x256xf32, #tpu.memory_space<vmem>> -> memref<1x64x256xf32, #tpu.memory_space<vmem>>
    %dma_start3A_849 = tpu.memref_squeeze %dma_start3A_848 : memref<1x64x256xf32, #tpu.memory_space<vmem>> -> memref<64x256xf32, #tpu.memory_space<vmem>>
    tpu.enqueue_dma source(%dma_start3A_849 : memref<64x256xf32, #tpu.memory_space<vmem>>) target(%dma_start3A_845 : memref<64x256xf32, #tpu.memory_space<hbm>>) target_semaphore(%arg10 : memref<!tpu.dma_semaphore, #tpu.memory_space<semaphore_mem>>)
    %dma_wait3A_850 = arith.constant 1 : i32
    %dma_wait3A_851 = arith.constant 0 : i32
    %dma_wait3A_852 = arith.constant 0 : i32
    %dma_wait3A_853 = tpu.memref_slice %arg8[%dma_wait3A_850, %dma_wait3A_851, %dma_wait3A_852] : memref<3x128x256xf32, #tpu.memory_space<vmem>> -> memref<1x64x256xf32, #tpu.memory_space<vmem>>
    %dma_wait3A_854 = tpu.memref_squeeze %dma_wait3A_853 : memref<1x64x256xf32, #tpu.memory_space<vmem>> -> memref<64x256xf32, #tpu.memory_space<vmem>>
    %dma_wait3A_855 = arith.constant 64 : i32
    %dma_wait3A_856 = arith.constant 0 : i32
    %dma_wait3A_857 = tpu.memref_slice %arg4[%add3A_832, %dma_wait3A_855, %dma_wait3A_856] : memref<128x128x256xf32, #tpu.memory_space<hbm>> -> memref<1x64x256xf32, #tpu.memory_space<hbm>>
    %dma_wait3A_858 = tpu.memref_squeeze %dma_wait3A_857 : memref<1x64x256xf32, #tpu.memory_space<hbm>> -> memref<64x256xf32, #tpu.memory_space<hbm>>
    %dma_wait3A_859 = arith.constant 64 : i32
    %dma_wait3A_860 = arith.constant 0 : i32
    %dma_wait3A_861 = tpu.memref_slice %arg4[%add3A_832, %dma_wait3A_859, %dma_wait3A_860] : memref<128x128x256xf32, #tpu.memory_space<hbm>> -> memref<1x64x256xf32, #tpu.memory_space<hbm>>
    %dma_wait3A_862 = tpu.memref_squeeze %dma_wait3A_861 : memref<1x64x256xf32, #tpu.memory_space<hbm>> -> memref<64x256xf32, #tpu.memory_space<hbm>>
    %dma_wait3A_863 = arith.constant 0 : i32
    %dma_wait3A_864 = arith.constant 0 : i32
    %dma_wait3A_865 = tpu.memref_slice %arg8[%dma_wait3A_850, %dma_wait3A_863, %dma_wait3A_864] : memref<3x128x256xf32, #tpu.memory_space<vmem>> -> memref<1x64x256xf32, #tpu.memory_space<vmem>>
    %dma_wait3A_866 = tpu.memref_squeeze %dma_wait3A_865 : memref<1x64x256xf32, #tpu.memory_space<vmem>> -> memref<64x256xf32, #tpu.memory_space<vmem>>
    tpu.wait_dma2 semaphore(%arg10 : memref<!tpu.dma_semaphore, #tpu.memory_space<semaphore_mem>>) src(%dma_wait3A_866 : memref<64x256xf32, #tpu.memory_space<vmem>>) dst(%dma_wait3A_862 : memref<64x256xf32, #tpu.memory_space<hbm>>)
    %mul3A_867 = arith.constant 4 : i32
    %mul3A_868 = arith.muli %add3A, %mul3A_867 : i32
    %add3A_869 = arith.constant 2 : i32
    %add3A_870 = arith.addi %mul3A_868, %add3A_869 : i32
    %get3A_871 = arith.constant 2 : i32
    %get3A_872 = arith.index_cast %get3A_871 : i32 to index
    %get3A_873 = arith.constant 0 : index
    %get3A_874 = tpu.vector_load %arg5[%get3A_872, %get3A_873] {strides = array<i32>} : memref<4x128xi32, #tpu.memory_space<vmem>>, vector<1x16xi32>,
    %get3A_875 = vector.shape_cast %get3A_874 : vector<1x16xi32> to vector<16xi32>
    %ge3A_876 = arith.constant 5000 : i32
    %ge3A_877 = vector.broadcast %ge3A_876 : i32 to vector<16xi32>
    %ge3A_878 = arith.cmpi sge, %get3A_875, %ge3A_877 : vector<16xi32>
    %add3A_879 = arith.constant 600 : i32
    %add3A_880 = vector.broadcast %add3A_879 : i32 to vector<16xi32>
    %add3A_881 = arith.addi %get3A_875, %add3A_880 : vector<16xi32>
    %mul3A_882 = arith.constant 100 : i32
    %mul3A_883 = arith.muli %add3A_870, %mul3A_882 : i32
    %add3A_884 = vector.broadcast %mul3A_883 : i32 to vector<16xi32>
    %add3A_885 = arith.addi %add3A_881, %add3A_884 : vector<16xi32>
    %select_n3A_886 = arith.select %ge3A_878, %add3A_885, %get3A_875 : vector<16xi1>, vector<16xi32>
    %swap3A_887 = arith.constant 1 : i32
    %swap3A_888 = arith.index_cast %swap3A_887 : i32 to index
    %swap3A_889 = arith.constant 0 : index
    %swap3A_890 = tpu.vector_load %arg6[%swap3A_888, %swap3A_889] {strides = array<i32>} : memref<3x64xi32, #tpu.memory_space<vmem>>, vector<1x16xi32>,
    %swap3A_891 = vector.shape_cast %swap3A_890 : vector<1x16xi32> to vector<16xi32>
    %swap3A_892 = vector.shape_cast %select_n3A_886 : vector<16xi32> to vector<1x16xi32>
    tpu.vector_store %arg6[%swap3A_888, %swap3A_889], %swap3A_892 {strides = array<i32>} : memref<3x64xi32, #tpu.memory_space<vmem>>, vector<1x16xi32>,
    %iota3A_893 = tpu.iota {dimensions = array<i32: 0>} : vector<16xi32>
    %add3A_894 = arith.constant 0 : i32
    %add3A_895 = vector.broadcast %add3A_894 : i32 to vector<16xi32>
    %add3A_896 = arith.addi %iota3A_893, %add3A_895 : vector<16xi32>
    %add3A_897 = arith.constant 18528 : i32
    %add3A_898 = vector.broadcast %add3A_897 : i32 to vector<16xi32>
    %add3A_899 = arith.addi %add3A_896, %add3A_898 : vector<16xi32>
    %add3A_900 = arith.constant 18400 : i32
    %add3A_901 = vector.broadcast %add3A_900 : i32 to vector<16xi32>
    %add3A_902 = arith.addi %add3A_896, %add3A_901 : vector<16xi32>
    %select_n3A_903 = arith.select %ge3A_878, %add3A_899, %add3A_902 : vector<16xi1>, vector<16xi32>
    %swap3A_904 = arith.constant 1 : i32
    %swap3A_905 = arith.index_cast %swap3A_904 : i32 to index
    %swap3A_906 = arith.constant 0 : index
    %swap3A_907 = tpu.vector_load %arg7[%swap3A_905, %swap3A_906] {strides = array<i32>} : memref<3x64xi32, #tpu.memory_space<vmem>>, vector<1x16xi32>,
    %swap3A_908 = vector.shape_cast %swap3A_907 : vector<1x16xi32> to vector<16xi32>
    %swap3A_909 = vector.shape_cast %select_n3A_903 : vector<16xi32> to vector<1x16xi32>
    tpu.vector_store %arg7[%swap3A_905, %swap3A_906], %swap3A_909 {strides = array<i32>} : memref<3x64xi32, #tpu.memory_space<vmem>>, vector<1x16xi32>,
    %get3A_910 = arith.constant 2 : i32
    %get3A_911 = arith.index_cast %get3A_910 : i32 to index
    %get3A_912 = arith.constant 16 : index
    %get3A_913 = tpu.vector_load %arg5[%get3A_911, %get3A_912] {strides = array<i32>} : memref<4x128xi32, #tpu.memory_space<vmem>>, vector<1x16xi32>,
    %get3A_914 = vector.shape_cast %get3A_913 : vector<1x16xi32> to vector<16xi32>
    %ge3A_915 = arith.constant 5000 : i32
    %ge3A_916 = vector.broadcast %ge3A_915 : i32 to vector<16xi32>
    %ge3A_917 = arith.cmpi sge, %get3A_914, %ge3A_916 : vector<16xi32>
    %add3A_918 = arith.constant 600 : i32
    %add3A_919 = vector.broadcast %add3A_918 : i32 to vector<16xi32>
    %add3A_920 = arith.addi %get3A_914, %add3A_919 : vector<16xi32>
    %mul3A_921 = arith.constant 100 : i32
    %mul3A_922 = arith.muli %add3A_870, %mul3A_921 : i32
    %add3A_923 = vector.broadcast %mul3A_922 : i32 to vector<16xi32>
    %add3A_924 = arith.addi %add3A_920, %add3A_923 : vector<16xi32>
    %select_n3A_925 = arith.select %ge3A_917, %add3A_924, %get3A_914 : vector<16xi1>, vector<16xi32>
    %swap3A_926 = arith.constant 1 : i32
    %swap3A_927 = arith.index_cast %swap3A_926 : i32 to index
    %swap3A_928 = arith.constant 16 : index
    %swap3A_929 = tpu.vector_load %arg6[%swap3A_927, %swap3A_928] {strides = array<i32>} : memref<3x64xi32, #tpu.memory_space<vmem>>, vector<1x16xi32>,
    %swap3A_930 = vector.shape_cast %swap3A_929 : vector<1x16xi32> to vector<16xi32>
    %swap3A_931 = vector.shape_cast %select_n3A_925 : vector<16xi32> to vector<1x16xi32>
    tpu.vector_store %arg6[%swap3A_927, %swap3A_928], %swap3A_931 {strides = array<i32>} : memref<3x64xi32, #tpu.memory_space<vmem>>, vector<1x16xi32>,
    %iota3A_932 = tpu.iota {dimensions = array<i32: 0>} : vector<16xi32>
    %add3A_933 = arith.constant 16 : i32
    %add3A_934 = vector.broadcast %add3A_933 : i32 to vector<16xi32>
    %add3A_935 = arith.addi %iota3A_932, %add3A_934 : vector<16xi32>
    %add3A_936 = arith.constant 18528 : i32
    %add3A_937 = vector.broadcast %add3A_936 : i32 to vector<16xi32>
    %add3A_938 = arith.addi %add3A_935, %add3A_937 : vector<16xi32>
    %add3A_939 = arith.constant 18400 : i32
    %add3A_940 = vector.broadcast %add3A_939 : i32 to vector<16xi32>
    %add3A_941 = arith.addi %add3A_935, %add3A_940 : vector<16xi32>
    %select_n3A_942 = arith.select %ge3A_917, %add3A_938, %add3A_941 : vector<16xi1>, vector<16xi32>
    %swap3A_943 = arith.constant 1 : i32
    %swap3A_944 = arith.index_cast %swap3A_943 : i32 to index
    %swap3A_945 = arith.constant 16 : index
    %swap3A_946 = tpu.vector_load %arg7[%swap3A_944, %swap3A_945] {strides = array<i32>} : memref<3x64xi32, #tpu.memory_space<vmem>>, vector<1x16xi32>,
    %swap3A_947 = vector.shape_cast %swap3A_946 : vector<1x16xi32> to vector<16xi32>
    %swap3A_948 = vector.shape_cast %select_n3A_942 : vector<16xi32> to vector<1x16xi32>
    tpu.vector_store %arg7[%swap3A_944, %swap3A_945], %swap3A_948 {strides = array<i32>} : memref<3x64xi32, #tpu.memory_space<vmem>>, vector<1x16xi32>,
    %get3A_949 = arith.constant 2 : i32
    %get3A_950 = arith.index_cast %get3A_949 : i32 to index
    %get3A_951 = arith.constant 32 : index
    %get3A_952 = tpu.vector_load %arg5[%get3A_950, %get3A_951] {strides = array<i32>} : memref<4x128xi32, #tpu.memory_space<vmem>>, vector<1x16xi32>,
    %get3A_953 = vector.shape_cast %get3A_952 : vector<1x16xi32> to vector<16xi32>
    %ge3A_954 = arith.constant 5000 : i32
    %ge3A_955 = vector.broadcast %ge3A_954 : i32 to vector<16xi32>
    %ge3A_956 = arith.cmpi sge, %get3A_953, %ge3A_955 : vector<16xi32>
    %add3A_957 = arith.constant 600 : i32
    %add3A_958 = vector.broadcast %add3A_957 : i32 to vector<16xi32>
    %add3A_959 = arith.addi %get3A_953, %add3A_958 : vector<16xi32>
    %mul3A_960 = arith.constant 100 : i32
    %mul3A_961 = arith.muli %add3A_870, %mul3A_960 : i32
    %add3A_962 = vector.broadcast %mul3A_961 : i32 to vector<16xi32>
    %add3A_963 = arith.addi %add3A_959, %add3A_962 : vector<16xi32>
    %select_n3A_964 = arith.select %ge3A_956, %add3A_963, %get3A_953 : vector<16xi1>, vector<16xi32>
    %swap3A_965 = arith.constant 1 : i32
    %swap3A_966 = arith.index_cast %swap3A_965 : i32 to index
    %swap3A_967 = arith.constant 32 : index
    %swap3A_968 = tpu.vector_load %arg6[%swap3A_966, %swap3A_967] {strides = array<i32>} : memref<3x64xi32, #tpu.memory_space<vmem>>, vector<1x16xi32>,
    %swap3A_969 = vector.shape_cast %swap3A_968 : vector<1x16xi32> to vector<16xi32>
    %swap3A_970 = vector.shape_cast %select_n3A_964 : vector<16xi32> to vector<1x16xi32>
    tpu.vector_store %arg6[%swap3A_966, %swap3A_967], %swap3A_970 {strides = array<i32>} : memref<3x64xi32, #tpu.memory_space<vmem>>, vector<1x16xi32>,
    %iota3A_971 = tpu.iota {dimensions = array<i32: 0>} : vector<16xi32>
    %add3A_972 = arith.constant 32 : i32
    %add3A_973 = vector.broadcast %add3A_972 : i32 to vector<16xi32>
    %add3A_974 = arith.addi %iota3A_971, %add3A_973 : vector<16xi32>
    %add3A_975 = arith.constant 18528 : i32
    %add3A_976 = vector.broadcast %add3A_975 : i32 to vector<16xi32>
    %add3A_977 = arith.addi %add3A_974, %add3A_976 : vector<16xi32>
    %add3A_978 = arith.constant 18400 : i32
    %add3A_979 = vector.broadcast %add3A_978 : i32 to vector<16xi32>
    %add3A_980 = arith.addi %add3A_974, %add3A_979 : vector<16xi32>
    %select_n3A_981 = arith.select %ge3A_956, %add3A_977, %add3A_980 : vector<16xi1>, vector<16xi32>
    %swap3A_982 = arith.constant 1 : i32
    %swap3A_983 = arith.index_cast %swap3A_982 : i32 to index
    %swap3A_984 = arith.constant 32 : index
    %swap3A_985 = tpu.vector_load %arg7[%swap3A_983, %swap3A_984] {strides = array<i32>} : memref<3x64xi32, #tpu.memory_space<vmem>>, vector<1x16xi32>,
    %swap3A_986 = vector.shape_cast %swap3A_985 : vector<1x16xi32> to vector<16xi32>
    %swap3A_987 = vector.shape_cast %select_n3A_981 : vector<16xi32> to vector<1x16xi32>
    tpu.vector_store %arg7[%swap3A_983, %swap3A_984], %swap3A_987 {strides = array<i32>} : memref<3x64xi32, #tpu.memory_space<vmem>>, vector<1x16xi32>,
    %get3A_988 = arith.constant 2 : i32
    %get3A_989 = arith.index_cast %get3A_988 : i32 to index
    %get3A_990 = arith.constant 48 : index
    %get3A_991 = tpu.vector_load %arg5[%get3A_989, %get3A_990] {strides = array<i32>} : memref<4x128xi32, #tpu.memory_space<vmem>>, vector<1x16xi32>,
    %get3A_992 = vector.shape_cast %get3A_991 : vector<1x16xi32> to vector<16xi32>
    %ge3A_993 = arith.constant 5000 : i32
    %ge3A_994 = vector.broadcast %ge3A_993 : i32 to vector<16xi32>
    %ge3A_995 = arith.cmpi sge, %get3A_992, %ge3A_994 : vector<16xi32>
    %add3A_996 = arith.constant 600 : i32
    %add3A_997 = vector.broadcast %add3A_996 : i32 to vector<16xi32>
    %add3A_998 = arith.addi %get3A_992, %add3A_997 : vector<16xi32>
    %mul3A_999 = arith.constant 100 : i32
    %mul3A_1000 = arith.muli %add3A_870, %mul3A_999 : i32
    %add3A_1001 = vector.broadcast %mul3A_1000 : i32 to vector<16xi32>
    %add3A_1002 = arith.addi %add3A_998, %add3A_1001 : vector<16xi32>
    %select_n3A_1003 = arith.select %ge3A_995, %add3A_1002, %get3A_992 : vector<16xi1>, vector<16xi32>
    %swap3A_1004 = arith.constant 1 : i32
    %swap3A_1005 = arith.index_cast %swap3A_1004 : i32 to index
    %swap3A_1006 = arith.constant 48 : index
    %swap3A_1007 = tpu.vector_load %arg6[%swap3A_1005, %swap3A_1006] {strides = array<i32>} : memref<3x64xi32, #tpu.memory_space<vmem>>, vector<1x16xi32>,
    %swap3A_1008 = vector.shape_cast %swap3A_1007 : vector<1x16xi32> to vector<16xi32>
    %swap3A_1009 = vector.shape_cast %select_n3A_1003 : vector<16xi32> to vector<1x16xi32>
    tpu.vector_store %arg6[%swap3A_1005, %swap3A_1006], %swap3A_1009 {strides = array<i32>} : memref<3x64xi32, #tpu.memory_space<vmem>>, vector<1x16xi32>,
    %iota3A_1010 = tpu.iota {dimensions = array<i32: 0>} : vector<16xi32>
    %add3A_1011 = arith.constant 48 : i32
    %add3A_1012 = vector.broadcast %add3A_1011 : i32 to vector<16xi32>
    %add3A_1013 = arith.addi %iota3A_1010, %add3A_1012 : vector<16xi32>
    %add3A_1014 = arith.constant 18528 : i32
    %add3A_1015 = vector.broadcast %add3A_1014 : i32 to vector<16xi32>
    %add3A_1016 = arith.addi %add3A_1013, %add3A_1015 : vector<16xi32>
    %add3A_1017 = arith.constant 18400 : i32
    %add3A_1018 = vector.broadcast %add3A_1017 : i32 to vector<16xi32>
    %add3A_1019 = arith.addi %add3A_1013, %add3A_1018 : vector<16xi32>
    %select_n3A_1020 = arith.select %ge3A_995, %add3A_1016, %add3A_1019 : vector<16xi1>, vector<16xi32>
    %swap3A_1021 = arith.constant 1 : i32
    %swap3A_1022 = arith.index_cast %swap3A_1021 : i32 to index
    %swap3A_1023 = arith.constant 48 : index
    %swap3A_1024 = tpu.vector_load %arg7[%swap3A_1022, %swap3A_1023] {strides = array<i32>} : memref<3x64xi32, #tpu.memory_space<vmem>>, vector<1x16xi32>,
    %swap3A_1025 = vector.shape_cast %swap3A_1024 : vector<1x16xi32> to vector<16xi32>
    %swap3A_1026 = vector.shape_cast %select_n3A_1020 : vector<16xi32> to vector<1x16xi32>
    tpu.vector_store %arg7[%swap3A_1022, %swap3A_1023], %swap3A_1026 {strides = array<i32>} : memref<3x64xi32, #tpu.memory_space<vmem>>, vector<1x16xi32>,
    %dma_start3A_1027 = arith.constant 1 : i32
    %dma_start3A_1028 = arith.constant 1 : i32
    %dma_start3A_1029 = arith.constant 0 : i32
    %dma_start3A_1030 = arith.constant 0 : i32
    %dma_start3A_1031 = tpu.memref_slice %arg8[%dma_start3A_1028, %dma_start3A_1029, %dma_start3A_1030] : memref<3x128x256xf32, #tpu.memory_space<vmem>> -> memref<1x64x256xf32, #tpu.memory_space<vmem>>
    %dma_start3A_1032 = tpu.memref_squeeze %dma_start3A_1031 : memref<1x64x256xf32, #tpu.memory_space<vmem>> -> memref<64x256xf32, #tpu.memory_space<vmem>>
    %dma_start3A_1033 = arith.constant 0 : i32
    %dma_start3A_1034 = tpu.memref_slice %arg6[%dma_start3A_1027, %dma_start3A_1033] : memref<3x64xi32, #tpu.memory_space<vmem>> -> memref<1x64xi32, #tpu.memory_space<vmem>>
    %dma_start3A_1035 = tpu.memref_squeeze %dma_start3A_1034 : memref<1x64xi32, #tpu.memory_space<vmem>> -> memref<64xi32, #tpu.memory_space<vmem>>
    %dma_start3A_1036 = arith.constant 0 : i32
    %dma_start3A_1037 = arith.constant 0 : i32
    %dma_start3A_1038 = tpu.memref_slice %arg2[%dma_start3A_1036, %dma_start3A_1037] : memref<19200x256xf32, #tpu.memory_space<hbm>> -> memref<19200x256xf32, #tpu.memory_space<hbm>>
    tpu.enqueue_indirect_dma source(%dma_start3A_1038 : memref<19200x256xf32, #tpu.memory_space<hbm>>) target(%dma_start3A_1032 : memref<64x256xf32, #tpu.memory_space<vmem>>) offsets(%dma_start3A_1035 : memref<64xi32, #tpu.memory_space<vmem>>) semaphore(%arg9 : memref<!tpu.dma_semaphore, #tpu.memory_space<semaphore_mem>>)
    %dma_start3A_1039 = arith.constant 1 : i32
    %dma_start3A_1040 = arith.constant 1 : i32
    %dma_start3A_1041 = arith.constant 64 : i32
    %dma_start3A_1042 = arith.constant 0 : i32
    %dma_start3A_1043 = tpu.memref_slice %arg8[%dma_start3A_1040, %dma_start3A_1041, %dma_start3A_1042] : memref<3x128x256xf32, #tpu.memory_space<vmem>> -> memref<1x64x256xf32, #tpu.memory_space<vmem>>
    %dma_start3A_1044 = tpu.memref_squeeze %dma_start3A_1043 : memref<1x64x256xf32, #tpu.memory_space<vmem>> -> memref<64x256xf32, #tpu.memory_space<vmem>>
    %dma_start3A_1045 = arith.constant 0 : i32
    %dma_start3A_1046 = tpu.memref_slice %arg7[%dma_start3A_1039, %dma_start3A_1045] : memref<3x64xi32, #tpu.memory_space<vmem>> -> memref<1x64xi32, #tpu.memory_space<vmem>>
    %dma_start3A_1047 = tpu.memref_squeeze %dma_start3A_1046 : memref<1x64xi32, #tpu.memory_space<vmem>> -> memref<64xi32, #tpu.memory_space<vmem>>
    %dma_start3A_1048 = arith.constant 0 : i32
    %dma_start3A_1049 = arith.constant 0 : i32
    %dma_start3A_1050 = tpu.memref_slice %arg2[%dma_start3A_1048, %dma_start3A_1049] : memref<19200x256xf32, #tpu.memory_space<hbm>> -> memref<19200x256xf32, #tpu.memory_space<hbm>>
    tpu.enqueue_indirect_dma source(%dma_start3A_1050 : memref<19200x256xf32, #tpu.memory_space<hbm>>) target(%dma_start3A_1044 : memref<64x256xf32, #tpu.memory_space<vmem>>) offsets(%dma_start3A_1047 : memref<64xi32, #tpu.memory_space<vmem>>) semaphore(%arg9 : memref<!tpu.dma_semaphore, #tpu.memory_space<semaphore_mem>>)
    %dma_wait3A_1051 = arith.constant 2 : i32
    %dma_wait3A_1052 = arith.constant 2 : i32
    %dma_wait3A_1053 = arith.constant 0 : i32
    %dma_wait3A_1054 = arith.constant 0 : i32
    %dma_wait3A_1055 = tpu.memref_slice %arg8[%dma_wait3A_1052, %dma_wait3A_1053, %dma_wait3A_1054] : memref<3x128x256xf32, #tpu.memory_space<vmem>> -> memref<1x64x256xf32, #tpu.memory_space<vmem>>
    %dma_wait3A_1056 = tpu.memref_squeeze %dma_wait3A_1055 : memref<1x64x256xf32, #tpu.memory_space<vmem>> -> memref<64x256xf32, #tpu.memory_space<vmem>>
    %dma_wait3A_1057 = arith.constant 0 : i32
    %dma_wait3A_1058 = tpu.memref_slice %arg6[%dma_wait3A_1051, %dma_wait3A_1057] : memref<3x64xi32, #tpu.memory_space<vmem>> -> memref<1x64xi32, #tpu.memory_space<vmem>>
    %dma_wait3A_1059 = tpu.memref_squeeze %dma_wait3A_1058 : memref<1x64xi32, #tpu.memory_space<vmem>> -> memref<64xi32, #tpu.memory_space<vmem>>
    %dma_wait3A_1060 = arith.constant 0 : i32
    %dma_wait3A_1061 = arith.constant 0 : i32
    %dma_wait3A_1062 = tpu.memref_slice %arg2[%dma_wait3A_1060, %dma_wait3A_1061] : memref<19200x256xf32, #tpu.memory_space<hbm>> -> memref<19200x256xf32, #tpu.memory_space<hbm>>
    tpu.wait_indirect_dma semaphore(%arg9 : memref<!tpu.dma_semaphore, #tpu.memory_space<semaphore_mem>>) src(%dma_wait3A_1062 : memref<19200x256xf32, #tpu.memory_space<hbm>>) dst(%dma_wait3A_1056 : memref<64x256xf32, #tpu.memory_space<vmem>>)
    %dma_wait3A_1063 = arith.constant 2 : i32
    %dma_wait3A_1064 = arith.constant 2 : i32
    %dma_wait3A_1065 = arith.constant 64 : i32
    %dma_wait3A_1066 = arith.constant 0 : i32
    %dma_wait3A_1067 = tpu.memref_slice %arg8[%dma_wait3A_1064, %dma_wait3A_1065, %dma_wait3A_1066] : memref<3x128x256xf32, #tpu.memory_space<vmem>> -> memref<1x64x256xf32, #tpu.memory_space<vmem>>
    %dma_wait3A_1068 = tpu.memref_squeeze %dma_wait3A_1067 : memref<1x64x256xf32, #tpu.memory_space<vmem>> -> memref<64x256xf32, #tpu.memory_space<vmem>>
    %dma_wait3A_1069 = arith.constant 0 : i32
    %dma_wait3A_1070 = tpu.memref_slice %arg7[%dma_wait3A_1063, %dma_wait3A_1069] : memref<3x64xi32, #tpu.memory_space<vmem>> -> memref<1x64xi32, #tpu.memory_space<vmem>>
    %dma_wait3A_1071 = tpu.memref_squeeze %dma_wait3A_1070 : memref<1x64xi32, #tpu.memory_space<vmem>> -> memref<64xi32, #tpu.memory_space<vmem>>
    %dma_wait3A_1072 = arith.constant 0 : i32
    %dma_wait3A_1073 = arith.constant 0 : i32
    %dma_wait3A_1074 = tpu.memref_slice %arg2[%dma_wait3A_1072, %dma_wait3A_1073] : memref<19200x256xf32, #tpu.memory_space<hbm>> -> memref<19200x256xf32, #tpu.memory_space<hbm>>
    tpu.wait_indirect_dma semaphore(%arg9 : memref<!tpu.dma_semaphore, #tpu.memory_space<semaphore_mem>>) src(%dma_wait3A_1074 : memref<19200x256xf32, #tpu.memory_space<hbm>>) dst(%dma_wait3A_1068 : memref<64x256xf32, #tpu.memory_space<vmem>>)
    %scan3A_1075 = arith.constant 0 : i32
    %scan3A_1076 = arith.constant 0 : i32
    %scan3A_1077 = arith.constant 64 : i32
    %scan3A_1078 = arith.addi %scan3A_1076, %scan3A_1077 : i32
    %scan3A_1079 = arith.constant 1 : i32
    scf.for %scan3A_2011 = %scan3A_1076 to %scan3A_1078 step %scan3A_1079  : i32 {
      %add3A_2012 = arith.constant 64 : i32
      %add3A_2013 = arith.addi %scan3A_2011, %add3A_2012 : i32
      %get3A_2014 = arith.constant 2 : i32
      %get3A_2015 = arith.index_cast %get3A_2014 : i32 to index
      %get3A_2016 = arith.index_cast %add3A_2013 : i32 to index
      %get3A_2017 = arith.constant 0 : index
      %get3A_2018 = tpu.vector_load %arg8[%get3A_2015, %get3A_2016, %get3A_2017] {strides = array<i32>} : memref<3x128x256xf32, #tpu.memory_space<vmem>>, vector<1x1x16xf32>,
      %get3A_2019 = vector.shape_cast %get3A_2018 : vector<1x1x16xf32> to vector<16xf32>
      %swap3A_2020 = arith.constant 2 : i32
      %swap3A_2021 = arith.index_cast %swap3A_2020 : i32 to index
      %swap3A_2022 = arith.index_cast %scan3A_2011 : i32 to index
      %swap3A_2023 = arith.constant 0 : index
      %swap3A_2024 = tpu.vector_load %arg8[%swap3A_2021, %swap3A_2022, %swap3A_2023] {strides = array<i32>} : memref<3x128x256xf32, #tpu.memory_space<vmem>>, vector<1x1x16xf32>,
      %swap3A_2025 = vector.shape_cast %swap3A_2024 : vector<1x1x16xf32> to vector<16xf32>
      %swap3A_2026 = vector.shape_cast %get3A_2019 : vector<16xf32> to vector<1x1x16xf32>
      tpu.vector_store %arg8[%swap3A_2021, %swap3A_2022, %swap3A_2023], %swap3A_2026 {add = true, strides = array<i32>} : memref<3x128x256xf32, #tpu.memory_space<vmem>>, vector<1x1x16xf32>,
      %add3A_2027 = arith.constant 64 : i32
      %add3A_2028 = arith.addi %scan3A_2011, %add3A_2027 : i32
      %get3A_2029 = arith.constant 2 : i32
      %get3A_2030 = arith.index_cast %get3A_2029 : i32 to index
      %get3A_2031 = arith.index_cast %add3A_2028 : i32 to index
      %get3A_2032 = arith.constant 16 : index
      %get3A_2033 = tpu.vector_load %arg8[%get3A_2030, %get3A_2031, %get3A_2032] {strides = array<i32>} : memref<3x128x256xf32, #tpu.memory_space<vmem>>, vector<1x1x16xf32>,
      %get3A_2034 = vector.shape_cast %get3A_2033 : vector<1x1x16xf32> to vector<16xf32>
      %swap3A_2035 = arith.constant 2 : i32
      %swap3A_2036 = arith.index_cast %swap3A_2035 : i32 to index
      %swap3A_2037 = arith.index_cast %scan3A_2011 : i32 to index
      %swap3A_2038 = arith.constant 16 : index
      %swap3A_2039 = tpu.vector_load %arg8[%swap3A_2036, %swap3A_2037, %swap3A_2038] {strides = array<i32>} : memref<3x128x256xf32, #tpu.memory_space<vmem>>, vector<1x1x16xf32>,
      %swap3A_2040 = vector.shape_cast %swap3A_2039 : vector<1x1x16xf32> to vector<16xf32>
      %swap3A_2041 = vector.shape_cast %get3A_2034 : vector<16xf32> to vector<1x1x16xf32>
      tpu.vector_store %arg8[%swap3A_2036, %swap3A_2037, %swap3A_2038], %swap3A_2041 {add = true, strides = array<i32>} : memref<3x128x256xf32, #tpu.memory_space<vmem>>, vector<1x1x16xf32>,
      %add3A_2042 = arith.constant 64 : i32
      %add3A_2043 = arith.addi %scan3A_2011, %add3A_2042 : i32
      %get3A_2044 = arith.constant 2 : i32
      %get3A_2045 = arith.index_cast %get3A_2044 : i32 to index
      %get3A_2046 = arith.index_cast %add3A_2043 : i32 to index
      %get3A_2047 = arith.constant 32 : index
      %get3A_2048 = tpu.vector_load %arg8[%get3A_2045, %get3A_2046, %get3A_2047] {strides = array<i32>} : memref<3x128x256xf32, #tpu.memory_space<vmem>>, vector<1x1x16xf32>,
      %get3A_2049 = vector.shape_cast %get3A_2048 : vector<1x1x16xf32> to vector<16xf32>
      %swap3A_2050 = arith.constant 2 : i32
      %swap3A_2051 = arith.index_cast %swap3A_2050 : i32 to index
      %swap3A_2052 = arith.index_cast %scan3A_2011 : i32 to index
      %swap3A_2053 = arith.constant 32 : index
      %swap3A_2054 = tpu.vector_load %arg8[%swap3A_2051, %swap3A_2052, %swap3A_2053] {strides = array<i32>} : memref<3x128x256xf32, #tpu.memory_space<vmem>>, vector<1x1x16xf32>,
      %swap3A_2055 = vector.shape_cast %swap3A_2054 : vector<1x1x16xf32> to vector<16xf32>
      %swap3A_2056 = vector.shape_cast %get3A_2049 : vector<16xf32> to vector<1x1x16xf32>
      tpu.vector_store %arg8[%swap3A_2051, %swap3A_2052, %swap3A_2053], %swap3A_2056 {add = true, strides = array<i32>} : memref<3x128x256xf32, #tpu.memory_space<vmem>>, vector<1x1x16xf32>,
      %add3A_2057 = arith.constant 64 : i32
      %add3A_2058 = arith.addi %scan3A_2011, %add3A_2057 : i32
      %get3A_2059 = arith.constant 2 : i32
      %get3A_2060 = arith.index_cast %get3A_2059 : i32 to index
      %get3A_2061 = arith.index_cast %add3A_2058 : i32 to index
      %get3A_2062 = arith.constant 48 : index
      %get3A_2063 = tpu.vector_load %arg8[%get3A_2060, %get3A_2061, %get3A_2062] {strides = array<i32>} : memref<3x128x256xf32, #tpu.memory_space<vmem>>, vector<1x1x16xf32>,
      %get3A_2064 = vector.shape_cast %get3A_2063 : vector<1x1x16xf32> to vector<16xf32>
      %swap3A_2065 = arith.constant 2 : i32
      %swap3A_2066 = arith.index_cast %swap3A_2065 : i32 to index
      %swap3A_2067 = arith.index_cast %scan3A_2011 : i32 to index
      %swap3A_2068 = arith.constant 48 : index
      %swap3A_2069 = tpu.vector_load %arg8[%swap3A_2066, %swap3A_2067, %swap3A_2068] {strides = array<i32>} : memref<3x128x256xf32, #tpu.memory_space<vmem>>, vector<1x1x16xf32>,
      %swap3A_2070 = vector.shape_cast %swap3A_2069 : vector<1x1x16xf32> to vector<16xf32>
      %swap3A_2071 = vector.shape_cast %get3A_2064 : vector<16xf32> to vector<1x1x16xf32>
      tpu.vector_store %arg8[%swap3A_2066, %swap3A_2067, %swap3A_2068], %swap3A_2071 {add = true, strides = array<i32>} : memref<3x128x256xf32, #tpu.memory_space<vmem>>, vector<1x1x16xf32>,
      %add3A_2072 = arith.constant 64 : i32
      %add3A_2073 = arith.addi %scan3A_2011, %add3A_2072 : i32
      %get3A_2074 = arith.constant 2 : i32
      %get3A_2075 = arith.index_cast %get3A_2074 : i32 to index
      %get3A_2076 = arith.index_cast %add3A_2073 : i32 to index
      %get3A_2077 = arith.constant 64 : index
      %get3A_2078 = tpu.vector_load %arg8[%get3A_2075, %get3A_2076, %get3A_2077] {strides = array<i32>} : memref<3x128x256xf32, #tpu.memory_space<vmem>>, vector<1x1x16xf32>,
      %get3A_2079 = vector.shape_cast %get3A_2078 : vector<1x1x16xf32> to vector<16xf32>
      %swap3A_2080 = arith.constant 2 : i32
      %swap3A_2081 = arith.index_cast %swap3A_2080 : i32 to index
      %swap3A_2082 = arith.index_cast %scan3A_2011 : i32 to index
      %swap3A_2083 = arith.constant 64 : index
      %swap3A_2084 = tpu.vector_load %arg8[%swap3A_2081, %swap3A_2082, %swap3A_2083] {strides = array<i32>} : memref<3x128x256xf32, #tpu.memory_space<vmem>>, vector<1x1x16xf32>,
      %swap3A_2085 = vector.shape_cast %swap3A_2084 : vector<1x1x16xf32> to vector<16xf32>
      %swap3A_2086 = vector.shape_cast %get3A_2079 : vector<16xf32> to vector<1x1x16xf32>
      tpu.vector_store %arg8[%swap3A_2081, %swap3A_2082, %swap3A_2083], %swap3A_2086 {add = true, strides = array<i32>} : memref<3x128x256xf32, #tpu.memory_space<vmem>>, vector<1x1x16xf32>,
      %add3A_2087 = arith.constant 64 : i32
      %add3A_2088 = arith.addi %scan3A_2011, %add3A_2087 : i32
      %get3A_2089 = arith.constant 2 : i32
      %get3A_2090 = arith.index_cast %get3A_2089 : i32 to index
      %get3A_2091 = arith.index_cast %add3A_2088 : i32 to index
      %get3A_2092 = arith.constant 80 : index
      %get3A_2093 = tpu.vector_load %arg8[%get3A_2090, %get3A_2091, %get3A_2092] {strides = array<i32>} : memref<3x128x256xf32, #tpu.memory_space<vmem>>, vector<1x1x16xf32>,
      %get3A_2094 = vector.shape_cast %get3A_2093 : vector<1x1x16xf32> to vector<16xf32>
      %swap3A_2095 = arith.constant 2 : i32
      %swap3A_2096 = arith.index_cast %swap3A_2095 : i32 to index
      %swap3A_2097 = arith.index_cast %scan3A_2011 : i32 to index
      %swap3A_2098 = arith.constant 80 : index
      %swap3A_2099 = tpu.vector_load %arg8[%swap3A_2096, %swap3A_2097, %swap3A_2098] {strides = array<i32>} : memref<3x128x256xf32, #tpu.memory_space<vmem>>, vector<1x1x16xf32>,
      %swap3A_2100 = vector.shape_cast %swap3A_2099 : vector<1x1x16xf32> to vector<16xf32>
      %swap3A_2101 = vector.shape_cast %get3A_2094 : vector<16xf32> to vector<1x1x16xf32>
      tpu.vector_store %arg8[%swap3A_2096, %swap3A_2097, %swap3A_2098], %swap3A_2101 {add = true, strides = array<i32>} : memref<3x128x256xf32, #tpu.memory_space<vmem>>, vector<1x1x16xf32>,
      %add3A_2102 = arith.constant 64 : i32
      %add3A_2103 = arith.addi %scan3A_2011, %add3A_2102 : i32
      %get3A_2104 = arith.constant 2 : i32
      %get3A_2105 = arith.index_cast %get3A_2104 : i32 to index
      %get3A_2106 = arith.index_cast %add3A_2103 : i32 to index
      %get3A_2107 = arith.constant 96 : index
      %get3A_2108 = tpu.vector_load %arg8[%get3A_2105, %get3A_2106, %get3A_2107] {strides = array<i32>} : memref<3x128x256xf32, #tpu.memory_space<vmem>>, vector<1x1x16xf32>,
      %get3A_2109 = vector.shape_cast %get3A_2108 : vector<1x1x16xf32> to vector<16xf32>
      %swap3A_2110 = arith.constant 2 : i32
      %swap3A_2111 = arith.index_cast %swap3A_2110 : i32 to index
      %swap3A_2112 = arith.index_cast %scan3A_2011 : i32 to index
      %swap3A_2113 = arith.constant 96 : index
      %swap3A_2114 = tpu.vector_load %arg8[%swap3A_2111, %swap3A_2112, %swap3A_2113] {strides = array<i32>} : memref<3x128x256xf32, #tpu.memory_space<vmem>>, vector<1x1x16xf32>,
      %swap3A_2115 = vector.shape_cast %swap3A_2114 : vector<1x1x16xf32> to vector<16xf32>
      %swap3A_2116 = vector.shape_cast %get3A_2109 : vector<16xf32> to vector<1x1x16xf32>
      tpu.vector_store %arg8[%swap3A_2111, %swap3A_2112, %swap3A_2113], %swap3A_2116 {add = true, strides = array<i32>} : memref<3x128x256xf32, #tpu.memory_space<vmem>>, vector<1x1x16xf32>,
      %add3A_2117 = arith.constant 64 : i32
      %add3A_2118 = arith.addi %scan3A_2011, %add3A_2117 : i32
      %get3A_2119 = arith.constant 2 : i32
      %get3A_2120 = arith.index_cast %get3A_2119 : i32 to index
      %get3A_2121 = arith.index_cast %add3A_2118 : i32 to index
      %get3A_2122 = arith.constant 112 : index
      %get3A_2123 = tpu.vector_load %arg8[%get3A_2120, %get3A_2121, %get3A_2122] {strides = array<i32>} : memref<3x128x256xf32, #tpu.memory_space<vmem>>, vector<1x1x16xf32>,
      %get3A_2124 = vector.shape_cast %get3A_2123 : vector<1x1x16xf32> to vector<16xf32>
      %swap3A_2125 = arith.constant 2 : i32
      %swap3A_2126 = arith.index_cast %swap3A_2125 : i32 to index
      %swap3A_2127 = arith.index_cast %scan3A_2011 : i32 to index
      %swap3A_2128 = arith.constant 112 : index
      %swap3A_2129 = tpu.vector_load %arg8[%swap3A_2126, %swap3A_2127, %swap3A_2128] {strides = array<i32>} : memref<3x128x256xf32, #tpu.memory_space<vmem>>, vector<1x1x16xf32>,
      %swap3A_2130 = vector.shape_cast %swap3A_2129 : vector<1x1x16xf32> to vector<16xf32>
      %swap3A_2131 = vector.shape_cast %get3A_2124 : vector<16xf32> to vector<1x1x16xf32>
      tpu.vector_store %arg8[%swap3A_2126, %swap3A_2127, %swap3A_2128], %swap3A_2131 {add = true, strides = array<i32>} : memref<3x128x256xf32, #tpu.memory_space<vmem>>, vector<1x1x16xf32>,
      %add3A_2132 = arith.constant 64 : i32
      %add3A_2133 = arith.addi %scan3A_2011, %add3A_2132 : i32
      %get3A_2134 = arith.constant 2 : i32
      %get3A_2135 = arith.index_cast %get3A_2134 : i32 to index
      %get3A_2136 = arith.index_cast %add3A_2133 : i32 to index
      %get3A_2137 = arith.constant 128 : index
      %get3A_2138 = tpu.vector_load %arg8[%get3A_2135, %get3A_2136, %get3A_2137] {strides = array<i32>} : memref<3x128x256xf32, #tpu.memory_space<vmem>>, vector<1x1x16xf32>,
      %get3A_2139 = vector.shape_cast %get3A_2138 : vector<1x1x16xf32> to vector<16xf32>
      %swap3A_2140 = arith.constant 2 : i32
      %swap3A_2141 = arith.index_cast %swap3A_2140 : i32 to index
      %swap3A_2142 = arith.index_cast %scan3A_2011 : i32 to index
      %swap3A_2143 = arith.constant 128 : index
      %swap3A_2144 = tpu.vector_load %arg8[%swap3A_2141, %swap3A_2142, %swap3A_2143] {strides = array<i32>} : memref<3x128x256xf32, #tpu.memory_space<vmem>>, vector<1x1x16xf32>,
      %swap3A_2145 = vector.shape_cast %swap3A_2144 : vector<1x1x16xf32> to vector<16xf32>
      %swap3A_2146 = vector.shape_cast %get3A_2139 : vector<16xf32> to vector<1x1x16xf32>
      tpu.vector_store %arg8[%swap3A_2141, %swap3A_2142, %swap3A_2143], %swap3A_2146 {add = true, strides = array<i32>} : memref<3x128x256xf32, #tpu.memory_space<vmem>>, vector<1x1x16xf32>,
      %add3A_2147 = arith.constant 64 : i32
      %add3A_2148 = arith.addi %scan3A_2011, %add3A_2147 : i32
      %get3A_2149 = arith.constant 2 : i32
      %get3A_2150 = arith.index_cast %get3A_2149 : i32 to index
      %get3A_2151 = arith.index_cast %add3A_2148 : i32 to index
      %get3A_2152 = arith.constant 144 : index
      %get3A_2153 = tpu.vector_load %arg8[%get3A_2150, %get3A_2151, %get3A_2152] {strides = array<i32>} : memref<3x128x256xf32, #tpu.memory_space<vmem>>, vector<1x1x16xf32>,
      %get3A_2154 = vector.shape_cast %get3A_2153 : vector<1x1x16xf32> to vector<16xf32>
      %swap3A_2155 = arith.constant 2 : i32
      %swap3A_2156 = arith.index_cast %swap3A_2155 : i32 to index
      %swap3A_2157 = arith.index_cast %scan3A_2011 : i32 to index
      %swap3A_2158 = arith.constant 144 : index
      %swap3A_2159 = tpu.vector_load %arg8[%swap3A_2156, %swap3A_2157, %swap3A_2158] {strides = array<i32>} : memref<3x128x256xf32, #tpu.memory_space<vmem>>, vector<1x1x16xf32>,
      %swap3A_2160 = vector.shape_cast %swap3A_2159 : vector<1x1x16xf32> to vector<16xf32>
      %swap3A_2161 = vector.shape_cast %get3A_2154 : vector<16xf32> to vector<1x1x16xf32>
      tpu.vector_store %arg8[%swap3A_2156, %swap3A_2157, %swap3A_2158], %swap3A_2161 {add = true, strides = array<i32>} : memref<3x128x256xf32, #tpu.memory_space<vmem>>, vector<1x1x16xf32>,
      %add3A_2162 = arith.constant 64 : i32
      %add3A_2163 = arith.addi %scan3A_2011, %add3A_2162 : i32
      %get3A_2164 = arith.constant 2 : i32
      %get3A_2165 = arith.index_cast %get3A_2164 : i32 to index
      %get3A_2166 = arith.index_cast %add3A_2163 : i32 to index
      %get3A_2167 = arith.constant 160 : index
      %get3A_2168 = tpu.vector_load %arg8[%get3A_2165, %get3A_2166, %get3A_2167] {strides = array<i32>} : memref<3x128x256xf32, #tpu.memory_space<vmem>>, vector<1x1x16xf32>,
      %get3A_2169 = vector.shape_cast %get3A_2168 : vector<1x1x16xf32> to vector<16xf32>
      %swap3A_2170 = arith.constant 2 : i32
      %swap3A_2171 = arith.index_cast %swap3A_2170 : i32 to index
      %swap3A_2172 = arith.index_cast %scan3A_2011 : i32 to index
      %swap3A_2173 = arith.constant 160 : index
      %swap3A_2174 = tpu.vector_load %arg8[%swap3A_2171, %swap3A_2172, %swap3A_2173] {strides = array<i32>} : memref<3x128x256xf32, #tpu.memory_space<vmem>>, vector<1x1x16xf32>,
      %swap3A_2175 = vector.shape_cast %swap3A_2174 : vector<1x1x16xf32> to vector<16xf32>
      %swap3A_2176 = vector.shape_cast %get3A_2169 : vector<16xf32> to vector<1x1x16xf32>
      tpu.vector_store %arg8[%swap3A_2171, %swap3A_2172, %swap3A_2173], %swap3A_2176 {add = true, strides = array<i32>} : memref<3x128x256xf32, #tpu.memory_space<vmem>>, vector<1x1x16xf32>,
      %add3A_2177 = arith.constant 64 : i32
      %add3A_2178 = arith.addi %scan3A_2011, %add3A_2177 : i32
      %get3A_2179 = arith.constant 2 : i32
      %get3A_2180 = arith.index_cast %get3A_2179 : i32 to index
      %get3A_2181 = arith.index_cast %add3A_2178 : i32 to index
      %get3A_2182 = arith.constant 176 : index
      %get3A_2183 = tpu.vector_load %arg8[%get3A_2180, %get3A_2181, %get3A_2182] {strides = array<i32>} : memref<3x128x256xf32, #tpu.memory_space<vmem>>, vector<1x1x16xf32>,
      %get3A_2184 = vector.shape_cast %get3A_2183 : vector<1x1x16xf32> to vector<16xf32>
      %swap3A_2185 = arith.constant 2 : i32
      %swap3A_2186 = arith.index_cast %swap3A_2185 : i32 to index
      %swap3A_2187 = arith.index_cast %scan3A_2011 : i32 to index
      %swap3A_2188 = arith.constant 176 : index
      %swap3A_2189 = tpu.vector_load %arg8[%swap3A_2186, %swap3A_2187, %swap3A_2188] {strides = array<i32>} : memref<3x128x256xf32, #tpu.memory_space<vmem>>, vector<1x1x16xf32>,
      %swap3A_2190 = vector.shape_cast %swap3A_2189 : vector<1x1x16xf32> to vector<16xf32>
      %swap3A_2191 = vector.shape_cast %get3A_2184 : vector<16xf32> to vector<1x1x16xf32>
      tpu.vector_store %arg8[%swap3A_2186, %swap3A_2187, %swap3A_2188], %swap3A_2191 {add = true, strides = array<i32>} : memref<3x128x256xf32, #tpu.memory_space<vmem>>, vector<1x1x16xf32>,
      %add3A_2192 = arith.constant 64 : i32
      %add3A_2193 = arith.addi %scan3A_2011, %add3A_2192 : i32
      %get3A_2194 = arith.constant 2 : i32
      %get3A_2195 = arith.index_cast %get3A_2194 : i32 to index
      %get3A_2196 = arith.index_cast %add3A_2193 : i32 to index
      %get3A_2197 = arith.constant 192 : index
      %get3A_2198 = tpu.vector_load %arg8[%get3A_2195, %get3A_2196, %get3A_2197] {strides = array<i32>} : memref<3x128x256xf32, #tpu.memory_space<vmem>>, vector<1x1x16xf32>,
      %get3A_2199 = vector.shape_cast %get3A_2198 : vector<1x1x16xf32> to vector<16xf32>
      %swap3A_2200 = arith.constant 2 : i32
      %swap3A_2201 = arith.index_cast %swap3A_2200 : i32 to index
      %swap3A_2202 = arith.index_cast %scan3A_2011 : i32 to index
      %swap3A_2203 = arith.constant 192 : index
      %swap3A_2204 = tpu.vector_load %arg8[%swap3A_2201, %swap3A_2202, %swap3A_2203] {strides = array<i32>} : memref<3x128x256xf32, #tpu.memory_space<vmem>>, vector<1x1x16xf32>,
      %swap3A_2205 = vector.shape_cast %swap3A_2204 : vector<1x1x16xf32> to vector<16xf32>
      %swap3A_2206 = vector.shape_cast %get3A_2199 : vector<16xf32> to vector<1x1x16xf32>
      tpu.vector_store %arg8[%swap3A_2201, %swap3A_2202, %swap3A_2203], %swap3A_2206 {add = true, strides = array<i32>} : memref<3x128x256xf32, #tpu.memory_space<vmem>>, vector<1x1x16xf32>,
      %add3A_2207 = arith.constant 64 : i32
      %add3A_2208 = arith.addi %scan3A_2011, %add3A_2207 : i32
      %get3A_2209 = arith.constant 2 : i32
      %get3A_2210 = arith.index_cast %get3A_2209 : i32 to index
      %get3A_2211 = arith.index_cast %add3A_2208 : i32 to index
      %get3A_2212 = arith.constant 208 : index
      %get3A_2213 = tpu.vector_load %arg8[%get3A_2210, %get3A_2211, %get3A_2212] {strides = array<i32>} : memref<3x128x256xf32, #tpu.memory_space<vmem>>, vector<1x1x16xf32>,
      %get3A_2214 = vector.shape_cast %get3A_2213 : vector<1x1x16xf32> to vector<16xf32>
      %swap3A_2215 = arith.constant 2 : i32
      %swap3A_2216 = arith.index_cast %swap3A_2215 : i32 to index
      %swap3A_2217 = arith.index_cast %scan3A_2011 : i32 to index
      %swap3A_2218 = arith.constant 208 : index
      %swap3A_2219 = tpu.vector_load %arg8[%swap3A_2216, %swap3A_2217, %swap3A_2218] {strides = array<i32>} : memref<3x128x256xf32, #tpu.memory_space<vmem>>, vector<1x1x16xf32>,
      %swap3A_2220 = vector.shape_cast %swap3A_2219 : vector<1x1x16xf32> to vector<16xf32>
      %swap3A_2221 = vector.shape_cast %get3A_2214 : vector<16xf32> to vector<1x1x16xf32>
      tpu.vector_store %arg8[%swap3A_2216, %swap3A_2217, %swap3A_2218], %swap3A_2221 {add = true, strides = array<i32>} : memref<3x128x256xf32, #tpu.memory_space<vmem>>, vector<1x1x16xf32>,
      %add3A_2222 = arith.constant 64 : i32
      %add3A_2223 = arith.addi %scan3A_2011, %add3A_2222 : i32
      %get3A_2224 = arith.constant 2 : i32
      %get3A_2225 = arith.index_cast %get3A_2224 : i32 to index
      %get3A_2226 = arith.index_cast %add3A_2223 : i32 to index
      %get3A_2227 = arith.constant 224 : index
      %get3A_2228 = tpu.vector_load %arg8[%get3A_2225, %get3A_2226, %get3A_2227] {strides = array<i32>} : memref<3x128x256xf32, #tpu.memory_space<vmem>>, vector<1x1x16xf32>,
      %get3A_2229 = vector.shape_cast %get3A_2228 : vector<1x1x16xf32> to vector<16xf32>
      %swap3A_2230 = arith.constant 2 : i32
      %swap3A_2231 = arith.index_cast %swap3A_2230 : i32 to index
      %swap3A_2232 = arith.index_cast %scan3A_2011 : i32 to index
      %swap3A_2233 = arith.constant 224 : index
      %swap3A_2234 = tpu.vector_load %arg8[%swap3A_2231, %swap3A_2232, %swap3A_2233] {strides = array<i32>} : memref<3x128x256xf32, #tpu.memory_space<vmem>>, vector<1x1x16xf32>,
      %swap3A_2235 = vector.shape_cast %swap3A_2234 : vector<1x1x16xf32> to vector<16xf32>
      %swap3A_2236 = vector.shape_cast %get3A_2229 : vector<16xf32> to vector<1x1x16xf32>
      tpu.vector_store %arg8[%swap3A_2231, %swap3A_2232, %swap3A_2233], %swap3A_2236 {add = true, strides = array<i32>} : memref<3x128x256xf32, #tpu.memory_space<vmem>>, vector<1x1x16xf32>,
      %add3A_2237 = arith.constant 64 : i32
      %add3A_2238 = arith.addi %scan3A_2011, %add3A_2237 : i32
      %get3A_2239 = arith.constant 2 : i32
      %get3A_2240 = arith.index_cast %get3A_2239 : i32 to index
      %get3A_2241 = arith.index_cast %add3A_2238 : i32 to index
      %get3A_2242 = arith.constant 240 : index
      %get3A_2243 = tpu.vector_load %arg8[%get3A_2240, %get3A_2241, %get3A_2242] {strides = array<i32>} : memref<3x128x256xf32, #tpu.memory_space<vmem>>, vector<1x1x16xf32>,
      %get3A_2244 = vector.shape_cast %get3A_2243 : vector<1x1x16xf32> to vector<16xf32>
      %swap3A_2245 = arith.constant 2 : i32
      %swap3A_2246 = arith.index_cast %swap3A_2245 : i32 to index
      %swap3A_2247 = arith.index_cast %scan3A_2011 : i32 to index
      %swap3A_2248 = arith.constant 240 : index
      %swap3A_2249 = tpu.vector_load %arg8[%swap3A_2246, %swap3A_2247, %swap3A_2248] {strides = array<i32>} : memref<3x128x256xf32, #tpu.memory_space<vmem>>, vector<1x1x16xf32>,
      %swap3A_2250 = vector.shape_cast %swap3A_2249 : vector<1x1x16xf32> to vector<16xf32>
      %swap3A_2251 = vector.shape_cast %get3A_2244 : vector<16xf32> to vector<1x1x16xf32>
      tpu.vector_store %arg8[%swap3A_2246, %swap3A_2247, %swap3A_2248], %swap3A_2251 {add = true, strides = array<i32>} : memref<3x128x256xf32, #tpu.memory_space<vmem>>, vector<1x1x16xf32>,
    }
    %scan3A_1080 = arith.constant 64 : i32
    %mul3A_1081 = arith.constant 4 : i32
    %mul3A_1082 = arith.muli %add3A, %mul3A_1081 : i32
    %add3A_1083 = arith.constant 1 : i32
    %add3A_1084 = arith.addi %mul3A_1082, %add3A_1083 : i32
    %dma_start3A_1085 = arith.constant 2 : i32
    %dma_start3A_1086 = arith.constant 0 : i32
    %dma_start3A_1087 = arith.constant 0 : i32
    %dma_start3A_1088 = tpu.memref_slice %arg8[%dma_start3A_1085, %dma_start3A_1086, %dma_start3A_1087] : memref<3x128x256xf32, #tpu.memory_space<vmem>> -> memref<1x64x256xf32, #tpu.memory_space<vmem>>
    %dma_start3A_1089 = tpu.memref_squeeze %dma_start3A_1088 : memref<1x64x256xf32, #tpu.memory_space<vmem>> -> memref<64x256xf32, #tpu.memory_space<vmem>>
    %dma_start3A_1090 = arith.constant 0 : i32
    %dma_start3A_1091 = arith.constant 0 : i32
    %dma_start3A_1092 = tpu.memref_slice %arg4[%add3A_1084, %dma_start3A_1090, %dma_start3A_1091] : memref<128x128x256xf32, #tpu.memory_space<hbm>> -> memref<1x64x256xf32, #tpu.memory_space<hbm>>
    %dma_start3A_1093 = tpu.memref_squeeze %dma_start3A_1092 : memref<1x64x256xf32, #tpu.memory_space<hbm>> -> memref<64x256xf32, #tpu.memory_space<hbm>>
    %dma_start3A_1094 = arith.constant 0 : i32
    %dma_start3A_1095 = arith.constant 0 : i32
    %dma_start3A_1096 = tpu.memref_slice %arg4[%add3A_1084, %dma_start3A_1094, %dma_start3A_1095] : memref<128x128x256xf32, #tpu.memory_space<hbm>> -> memref<1x64x256xf32, #tpu.memory_space<hbm>>
    %dma_start3A_1097 = tpu.memref_squeeze %dma_start3A_1096 : memref<1x64x256xf32, #tpu.memory_space<hbm>> -> memref<64x256xf32, #tpu.memory_space<hbm>>
    %dma_start3A_1098 = arith.constant 0 : i32
    %dma_start3A_1099 = arith.constant 0 : i32
    %dma_start3A_1100 = tpu.memref_slice %arg8[%dma_start3A_1085, %dma_start3A_1098, %dma_start3A_1099] : memref<3x128x256xf32, #tpu.memory_space<vmem>> -> memref<1x64x256xf32, #tpu.memory_space<vmem>>
    %dma_start3A_1101 = tpu.memref_squeeze %dma_start3A_1100 : memref<1x64x256xf32, #tpu.memory_space<vmem>> -> memref<64x256xf32, #tpu.memory_space<vmem>>
    tpu.enqueue_dma source(%dma_start3A_1101 : memref<64x256xf32, #tpu.memory_space<vmem>>) target(%dma_start3A_1097 : memref<64x256xf32, #tpu.memory_space<hbm>>) target_semaphore(%arg10 : memref<!tpu.dma_semaphore, #tpu.memory_space<semaphore_mem>>)
    %dma_wait3A_1102 = arith.constant 2 : i32
    %dma_wait3A_1103 = arith.constant 0 : i32
    %dma_wait3A_1104 = arith.constant 0 : i32
    %dma_wait3A_1105 = tpu.memref_slice %arg8[%dma_wait3A_1102, %dma_wait3A_1103, %dma_wait3A_1104] : memref<3x128x256xf32, #tpu.memory_space<vmem>> -> memref<1x64x256xf32, #tpu.memory_space<vmem>>
    %dma_wait3A_1106 = tpu.memref_squeeze %dma_wait3A_1105 : memref<1x64x256xf32, #tpu.memory_space<vmem>> -> memref<64x256xf32, #tpu.memory_space<vmem>>
    %dma_wait3A_1107 = arith.constant 0 : i32
    %dma_wait3A_1108 = arith.constant 0 : i32
    %dma_wait3A_1109 = tpu.memref_slice %arg4[%add3A_1084, %dma_wait3A_1107, %dma_wait3A_1108] : memref<128x128x256xf32, #tpu.memory_space<hbm>> -> memref<1x64x256xf32, #tpu.memory_space<hbm>>
    %dma_wait3A_1110 = tpu.memref_squeeze %dma_wait3A_1109 : memref<1x64x256xf32, #tpu.memory_space<hbm>> -> memref<64x256xf32, #tpu.memory_space<hbm>>
    %dma_wait3A_1111 = arith.constant 0 : i32
    %dma_wait3A_1112 = arith.constant 0 : i32
    %dma_wait3A_1113 = tpu.memref_slice %arg4[%add3A_1084, %dma_wait3A_1111, %dma_wait3A_1112] : memref<128x128x256xf32, #tpu.memory_space<hbm>> -> memref<1x64x256xf32, #tpu.memory_space<hbm>>
    %dma_wait3A_1114 = tpu.memref_squeeze %dma_wait3A_1113 : memref<1x64x256xf32, #tpu.memory_space<hbm>> -> memref<64x256xf32, #tpu.memory_space<hbm>>
    %dma_wait3A_1115 = arith.constant 0 : i32
    %dma_wait3A_1116 = arith.constant 0 : i32
    %dma_wait3A_1117 = tpu.memref_slice %arg8[%dma_wait3A_1102, %dma_wait3A_1115, %dma_wait3A_1116] : memref<3x128x256xf32, #tpu.memory_space<vmem>> -> memref<1x64x256xf32, #tpu.memory_space<vmem>>
    %dma_wait3A_1118 = tpu.memref_squeeze %dma_wait3A_1117 : memref<1x64x256xf32, #tpu.memory_space<vmem>> -> memref<64x256xf32, #tpu.memory_space<vmem>>
    tpu.wait_dma2 semaphore(%arg10 : memref<!tpu.dma_semaphore, #tpu.memory_space<semaphore_mem>>) src(%dma_wait3A_1118 : memref<64x256xf32, #tpu.memory_space<vmem>>) dst(%dma_wait3A_1114 : memref<64x256xf32, #tpu.memory_space<hbm>>)
    %mul3A_1119 = arith.constant 4 : i32
    %mul3A_1120 = arith.muli %add3A, %mul3A_1119 : i32
    %add3A_1121 = arith.constant 2 : i32
    %add3A_1122 = arith.addi %mul3A_1120, %add3A_1121 : i32
    %get3A_1123 = arith.constant 2 : i32
    %get3A_1124 = arith.index_cast %get3A_1123 : i32 to index
    %get3A_1125 = arith.constant 64 : index
    %get3A_1126 = tpu.vector_load %arg5[%get3A_1124, %get3A_1125] {strides = array<i32>} : memref<4x128xi32, #tpu.memory_space<vmem>>, vector<1x16xi32>,
    %get3A_1127 = vector.shape_cast %get3A_1126 : vector<1x16xi32> to vector<16xi32>
    %ge3A_1128 = arith.constant 5000 : i32
    %ge3A_1129 = vector.broadcast %ge3A_1128 : i32 to vector<16xi32>
    %ge3A_1130 = arith.cmpi sge, %get3A_1127, %ge3A_1129 : vector<16xi32>
    %add3A_1131 = arith.constant 600 : i32
    %add3A_1132 = vector.broadcast %add3A_1131 : i32 to vector<16xi32>
    %add3A_1133 = arith.addi %get3A_1127, %add3A_1132 : vector<16xi32>
    %mul3A_1134 = arith.constant 100 : i32
    %mul3A_1135 = arith.muli %add3A_1122, %mul3A_1134 : i32
    %add3A_1136 = vector.broadcast %mul3A_1135 : i32 to vector<16xi32>
    %add3A_1137 = arith.addi %add3A_1133, %add3A_1136 : vector<16xi32>
    %select_n3A_1138 = arith.select %ge3A_1130, %add3A_1137, %get3A_1127 : vector<16xi1>, vector<16xi32>
    %swap3A_1139 = arith.constant 2 : i32
    %swap3A_1140 = arith.index_cast %swap3A_1139 : i32 to index
    %swap3A_1141 = arith.constant 0 : index
    %swap3A_1142 = tpu.vector_load %arg6[%swap3A_1140, %swap3A_1141] {strides = array<i32>} : memref<3x64xi32, #tpu.memory_space<vmem>>, vector<1x16xi32>,
    %swap3A_1143 = vector.shape_cast %swap3A_1142 : vector<1x16xi32> to vector<16xi32>
    %swap3A_1144 = vector.shape_cast %select_n3A_1138 : vector<16xi32> to vector<1x16xi32>
    tpu.vector_store %arg6[%swap3A_1140, %swap3A_1141], %swap3A_1144 {strides = array<i32>} : memref<3x64xi32, #tpu.memory_space<vmem>>, vector<1x16xi32>,
    %iota3A_1145 = tpu.iota {dimensions = array<i32: 0>} : vector<16xi32>
    %add3A_1146 = arith.constant 64 : i32
    %add3A_1147 = vector.broadcast %add3A_1146 : i32 to vector<16xi32>
    %add3A_1148 = arith.addi %iota3A_1145, %add3A_1147 : vector<16xi32>
    %add3A_1149 = arith.constant 18528 : i32
    %add3A_1150 = vector.broadcast %add3A_1149 : i32 to vector<16xi32>
    %add3A_1151 = arith.addi %add3A_1148, %add3A_1150 : vector<16xi32>
    %add3A_1152 = arith.constant 18400 : i32
    %add3A_1153 = vector.broadcast %add3A_1152 : i32 to vector<16xi32>
    %add3A_1154 = arith.addi %add3A_1148, %add3A_1153 : vector<16xi32>
    %select_n3A_1155 = arith.select %ge3A_1130, %add3A_1151, %add3A_1154 : vector<16xi1>, vector<16xi32>
    %swap3A_1156 = arith.constant 2 : i32
    %swap3A_1157 = arith.index_cast %swap3A_1156 : i32 to index
    %swap3A_1158 = arith.constant 0 : index
    %swap3A_1159 = tpu.vector_load %arg7[%swap3A_1157, %swap3A_1158] {strides = array<i32>} : memref<3x64xi32, #tpu.memory_space<vmem>>, vector<1x16xi32>,
    %swap3A_1160 = vector.shape_cast %swap3A_1159 : vector<1x16xi32> to vector<16xi32>
    %swap3A_1161 = vector.shape_cast %select_n3A_1155 : vector<16xi32> to vector<1x16xi32>
    tpu.vector_store %arg7[%swap3A_1157, %swap3A_1158], %swap3A_1161 {strides = array<i32>} : memref<3x64xi32, #tpu.memory_space<vmem>>, vector<1x16xi32>,
    %get3A_1162 = arith.constant 2 : i32
    %get3A_1163 = arith.index_cast %get3A_1162 : i32 to index
    %get3A_1164 = arith.constant 80 : index
    %get3A_1165 = tpu.vector_load %arg5[%get3A_1163, %get3A_1164] {strides = array<i32>} : memref<4x128xi32, #tpu.memory_space<vmem>>, vector<1x16xi32>,
    %get3A_1166 = vector.shape_cast %get3A_1165 : vector<1x16xi32> to vector<16xi32>
    %ge3A_1167 = arith.constant 5000 : i32
    %ge3A_1168 = vector.broadcast %ge3A_1167 : i32 to vector<16xi32>
    %ge3A_1169 = arith.cmpi sge, %get3A_1166, %ge3A_1168 : vector<16xi32>
    %add3A_1170 = arith.constant 600 : i32
    %add3A_1171 = vector.broadcast %add3A_1170 : i32 to vector<16xi32>
    %add3A_1172 = arith.addi %get3A_1166, %add3A_1171 : vector<16xi32>
    %mul3A_1173 = arith.constant 100 : i32
    %mul3A_1174 = arith.muli %add3A_1122, %mul3A_1173 : i32
    %add3A_1175 = vector.broadcast %mul3A_1174 : i32 to vector<16xi32>
    %add3A_1176 = arith.addi %add3A_1172, %add3A_1175 : vector<16xi32>
    %select_n3A_1177 = arith.select %ge3A_1169, %add3A_1176, %get3A_1166 : vector<16xi1>, vector<16xi32>
    %swap3A_1178 = arith.constant 2 : i32
    %swap3A_1179 = arith.index_cast %swap3A_1178 : i32 to index
    %swap3A_1180 = arith.constant 16 : index
    %swap3A_1181 = tpu.vector_load %arg6[%swap3A_1179, %swap3A_1180] {strides = array<i32>} : memref<3x64xi32, #tpu.memory_space<vmem>>, vector<1x16xi32>,
    %swap3A_1182 = vector.shape_cast %swap3A_1181 : vector<1x16xi32> to vector<16xi32>
    %swap3A_1183 = vector.shape_cast %select_n3A_1177 : vector<16xi32> to vector<1x16xi32>
    tpu.vector_store %arg6[%swap3A_1179, %swap3A_1180], %swap3A_1183 {strides = array<i32>} : memref<3x64xi32, #tpu.memory_space<vmem>>, vector<1x16xi32>,
    %iota3A_1184 = tpu.iota {dimensions = array<i32: 0>} : vector<16xi32>
    %add3A_1185 = arith.constant 80 : i32
    %add3A_1186 = vector.broadcast %add3A_1185 : i32 to vector<16xi32>
    %add3A_1187 = arith.addi %iota3A_1184, %add3A_1186 : vector<16xi32>
    %add3A_1188 = arith.constant 18528 : i32
    %add3A_1189 = vector.broadcast %add3A_1188 : i32 to vector<16xi32>
    %add3A_1190 = arith.addi %add3A_1187, %add3A_1189 : vector<16xi32>
    %add3A_1191 = arith.constant 18400 : i32
    %add3A_1192 = vector.broadcast %add3A_1191 : i32 to vector<16xi32>
    %add3A_1193 = arith.addi %add3A_1187, %add3A_1192 : vector<16xi32>
    %select_n3A_1194 = arith.select %ge3A_1169, %add3A_1190, %add3A_1193 : vector<16xi1>, vector<16xi32>
    %swap3A_1195 = arith.constant 2 : i32
    %swap3A_1196 = arith.index_cast %swap3A_1195 : i32 to index
    %swap3A_1197 = arith.constant 16 : index
    %swap3A_1198 = tpu.vector_load %arg7[%swap3A_1196, %swap3A_1197] {strides = array<i32>} : memref<3x64xi32, #tpu.memory_space<vmem>>, vector<1x16xi32>,
    %swap3A_1199 = vector.shape_cast %swap3A_1198 : vector<1x16xi32> to vector<16xi32>
    %swap3A_1200 = vector.shape_cast %select_n3A_1194 : vector<16xi32> to vector<1x16xi32>
    tpu.vector_store %arg7[%swap3A_1196, %swap3A_1197], %swap3A_1200 {strides = array<i32>} : memref<3x64xi32, #tpu.memory_space<vmem>>, vector<1x16xi32>,
    %get3A_1201 = arith.constant 2 : i32
    %get3A_1202 = arith.index_cast %get3A_1201 : i32 to index
    %get3A_1203 = arith.constant 96 : index
    %get3A_1204 = tpu.vector_load %arg5[%get3A_1202, %get3A_1203] {strides = array<i32>} : memref<4x128xi32, #tpu.memory_space<vmem>>, vector<1x16xi32>,
    %get3A_1205 = vector.shape_cast %get3A_1204 : vector<1x16xi32> to vector<16xi32>
    %ge3A_1206 = arith.constant 5000 : i32
    %ge3A_1207 = vector.broadcast %ge3A_1206 : i32 to vector<16xi32>
    %ge3A_1208 = arith.cmpi sge, %get3A_1205, %ge3A_1207 : vector<16xi32>
    %add3A_1209 = arith.constant 600 : i32
    %add3A_1210 = vector.broadcast %add3A_1209 : i32 to vector<16xi32>
    %add3A_1211 = arith.addi %get3A_1205, %add3A_1210 : vector<16xi32>
    %mul3A_1212 = arith.constant 100 : i32
    %mul3A_1213 = arith.muli %add3A_1122, %mul3A_1212 : i32
    %add3A_1214 = vector.broadcast %mul3A_1213 : i32 to vector<16xi32>
    %add3A_1215 = arith.addi %add3A_1211, %add3A_1214 : vector<16xi32>
    %select_n3A_1216 = arith.select %ge3A_1208, %add3A_1215, %get3A_1205 : vector<16xi1>, vector<16xi32>
    %swap3A_1217 = arith.constant 2 : i32
    %swap3A_1218 = arith.index_cast %swap3A_1217 : i32 to index
    %swap3A_1219 = arith.constant 32 : index
    %swap3A_1220 = tpu.vector_load %arg6[%swap3A_1218, %swap3A_1219] {strides = array<i32>} : memref<3x64xi32, #tpu.memory_space<vmem>>, vector<1x16xi32>,
    %swap3A_1221 = vector.shape_cast %swap3A_1220 : vector<1x16xi32> to vector<16xi32>
    %swap3A_1222 = vector.shape_cast %select_n3A_1216 : vector<16xi32> to vector<1x16xi32>
    tpu.vector_store %arg6[%swap3A_1218, %swap3A_1219], %swap3A_1222 {strides = array<i32>} : memref<3x64xi32, #tpu.memory_space<vmem>>, vector<1x16xi32>,
    %iota3A_1223 = tpu.iota {dimensions = array<i32: 0>} : vector<16xi32>
    %add3A_1224 = arith.constant 96 : i32
    %add3A_1225 = vector.broadcast %add3A_1224 : i32 to vector<16xi32>
    %add3A_1226 = arith.addi %iota3A_1223, %add3A_1225 : vector<16xi32>
    %add3A_1227 = arith.constant 18528 : i32
    %add3A_1228 = vector.broadcast %add3A_1227 : i32 to vector<16xi32>
    %add3A_1229 = arith.addi %add3A_1226, %add3A_1228 : vector<16xi32>
    %add3A_1230 = arith.constant 18400 : i32
    %add3A_1231 = vector.broadcast %add3A_1230 : i32 to vector<16xi32>
    %add3A_1232 = arith.addi %add3A_1226, %add3A_1231 : vector<16xi32>
    %select_n3A_1233 = arith.select %ge3A_1208, %add3A_1229, %add3A_1232 : vector<16xi1>, vector<16xi32>
    %swap3A_1234 = arith.constant 2 : i32
    %swap3A_1235 = arith.index_cast %swap3A_1234 : i32 to index
    %swap3A_1236 = arith.constant 32 : index
    %swap3A_1237 = tpu.vector_load %arg7[%swap3A_1235, %swap3A_1236] {strides = array<i32>} : memref<3x64xi32, #tpu.memory_space<vmem>>, vector<1x16xi32>,
    %swap3A_1238 = vector.shape_cast %swap3A_1237 : vector<1x16xi32> to vector<16xi32>
    %swap3A_1239 = vector.shape_cast %select_n3A_1233 : vector<16xi32> to vector<1x16xi32>
    tpu.vector_store %arg7[%swap3A_1235, %swap3A_1236], %swap3A_1239 {strides = array<i32>} : memref<3x64xi32, #tpu.memory_space<vmem>>, vector<1x16xi32>,
    %get3A_1240 = arith.constant 2 : i32
    %get3A_1241 = arith.index_cast %get3A_1240 : i32 to index
    %get3A_1242 = arith.constant 112 : index
    %get3A_1243 = tpu.vector_load %arg5[%get3A_1241, %get3A_1242] {strides = array<i32>} : memref<4x128xi32, #tpu.memory_space<vmem>>, vector<1x16xi32>,
    %get3A_1244 = vector.shape_cast %get3A_1243 : vector<1x16xi32> to vector<16xi32>
    %ge3A_1245 = arith.constant 5000 : i32
    %ge3A_1246 = vector.broadcast %ge3A_1245 : i32 to vector<16xi32>
    %ge3A_1247 = arith.cmpi sge, %get3A_1244, %ge3A_1246 : vector<16xi32>
    %add3A_1248 = arith.constant 600 : i32
    %add3A_1249 = vector.broadcast %add3A_1248 : i32 to vector<16xi32>
    %add3A_1250 = arith.addi %get3A_1244, %add3A_1249 : vector<16xi32>
    %mul3A_1251 = arith.constant 100 : i32
    %mul3A_1252 = arith.muli %add3A_1122, %mul3A_1251 : i32
    %add3A_1253 = vector.broadcast %mul3A_1252 : i32 to vector<16xi32>
    %add3A_1254 = arith.addi %add3A_1250, %add3A_1253 : vector<16xi32>
    %select_n3A_1255 = arith.select %ge3A_1247, %add3A_1254, %get3A_1244 : vector<16xi1>, vector<16xi32>
    %swap3A_1256 = arith.constant 2 : i32
    %swap3A_1257 = arith.index_cast %swap3A_1256 : i32 to index
    %swap3A_1258 = arith.constant 48 : index
    %swap3A_1259 = tpu.vector_load %arg6[%swap3A_1257, %swap3A_1258] {strides = array<i32>} : memref<3x64xi32, #tpu.memory_space<vmem>>, vector<1x16xi32>,
    %swap3A_1260 = vector.shape_cast %swap3A_1259 : vector<1x16xi32> to vector<16xi32>
    %swap3A_1261 = vector.shape_cast %select_n3A_1255 : vector<16xi32> to vector<1x16xi32>
    tpu.vector_store %arg6[%swap3A_1257, %swap3A_1258], %swap3A_1261 {strides = array<i32>} : memref<3x64xi32, #tpu.memory_space<vmem>>, vector<1x16xi32>,
    %iota3A_1262 = tpu.iota {dimensions = array<i32: 0>} : vector<16xi32>
    %add3A_1263 = arith.constant 112 : i32
    %add3A_1264 = vector.broadcast %add3A_1263 : i32 to vector<16xi32>
    %add3A_1265 = arith.addi %iota3A_1262, %add3A_1264 : vector<16xi32>
    %add3A_1266 = arith.constant 18528 : i32
    %add3A_1267 = vector.broadcast %add3A_1266 : i32 to vector<16xi32>
    %add3A_1268 = arith.addi %add3A_1265, %add3A_1267 : vector<16xi32>
    %add3A_1269 = arith.constant 18400 : i32
    %add3A_1270 = vector.broadcast %add3A_1269 : i32 to vector<16xi32>
    %add3A_1271 = arith.addi %add3A_1265, %add3A_1270 : vector<16xi32>
    %select_n3A_1272 = arith.select %ge3A_1247, %add3A_1268, %add3A_1271 : vector<16xi1>, vector<16xi32>
    %swap3A_1273 = arith.constant 2 : i32
    %swap3A_1274 = arith.index_cast %swap3A_1273 : i32 to index
    %swap3A_1275 = arith.constant 48 : index
    %swap3A_1276 = tpu.vector_load %arg7[%swap3A_1274, %swap3A_1275] {strides = array<i32>} : memref<3x64xi32, #tpu.memory_space<vmem>>, vector<1x16xi32>,
    %swap3A_1277 = vector.shape_cast %swap3A_1276 : vector<1x16xi32> to vector<16xi32>
    %swap3A_1278 = vector.shape_cast %select_n3A_1272 : vector<16xi32> to vector<1x16xi32>
    tpu.vector_store %arg7[%swap3A_1274, %swap3A_1275], %swap3A_1278 {strides = array<i32>} : memref<3x64xi32, #tpu.memory_space<vmem>>, vector<1x16xi32>,
    %dma_start3A_1279 = arith.constant 2 : i32
    %dma_start3A_1280 = arith.constant 2 : i32
    %dma_start3A_1281 = arith.constant 0 : i32
    %dma_start3A_1282 = arith.constant 0 : i32
    %dma_start3A_1283 = tpu.memref_slice %arg8[%dma_start3A_1280, %dma_start3A_1281, %dma_start3A_1282] : memref<3x128x256xf32, #tpu.memory_space<vmem>> -> memref<1x64x256xf32, #tpu.memory_space<vmem>>
    %dma_start3A_1284 = tpu.memref_squeeze %dma_start3A_1283 : memref<1x64x256xf32, #tpu.memory_space<vmem>> -> memref<64x256xf32, #tpu.memory_space<vmem>>
    %dma_start3A_1285 = arith.constant 0 : i32
    %dma_start3A_1286 = tpu.memref_slice %arg6[%dma_start3A_1279, %dma_start3A_1285] : memref<3x64xi32, #tpu.memory_space<vmem>> -> memref<1x64xi32, #tpu.memory_space<vmem>>
    %dma_start3A_1287 = tpu.memref_squeeze %dma_start3A_1286 : memref<1x64xi32, #tpu.memory_space<vmem>> -> memref<64xi32, #tpu.memory_space<vmem>>
    %dma_start3A_1288 = arith.constant 0 : i32
    %dma_start3A_1289 = arith.constant 0 : i32
    %dma_start3A_1290 = tpu.memref_slice %arg2[%dma_start3A_1288, %dma_start3A_1289] : memref<19200x256xf32, #tpu.memory_space<hbm>> -> memref<19200x256xf32, #tpu.memory_space<hbm>>
    tpu.enqueue_indirect_dma source(%dma_start3A_1290 : memref<19200x256xf32, #tpu.memory_space<hbm>>) target(%dma_start3A_1284 : memref<64x256xf32, #tpu.memory_space<vmem>>) offsets(%dma_start3A_1287 : memref<64xi32, #tpu.memory_space<vmem>>) semaphore(%arg9 : memref<!tpu.dma_semaphore, #tpu.memory_space<semaphore_mem>>)
    %dma_start3A_1291 = arith.constant 2 : i32
    %dma_start3A_1292 = arith.constant 2 : i32
    %dma_start3A_1293 = arith.constant 64 : i32
    %dma_start3A_1294 = arith.constant 0 : i32
    %dma_start3A_1295 = tpu.memref_slice %arg8[%dma_start3A_1292, %dma_start3A_1293, %dma_start3A_1294] : memref<3x128x256xf32, #tpu.memory_space<vmem>> -> memref<1x64x256xf32, #tpu.memory_space<vmem>>
    %dma_start3A_1296 = tpu.memref_squeeze %dma_start3A_1295 : memref<1x64x256xf32, #tpu.memory_space<vmem>> -> memref<64x256xf32, #tpu.memory_space<vmem>>
    %dma_start3A_1297 = arith.constant 0 : i32
    %dma_start3A_1298 = tpu.memref_slice %arg7[%dma_start3A_1291, %dma_start3A_1297] : memref<3x64xi32, #tpu.memory_space<vmem>> -> memref<1x64xi32, #tpu.memory_space<vmem>>
    %dma_start3A_1299 = tpu.memref_squeeze %dma_start3A_1298 : memref<1x64xi32, #tpu.memory_space<vmem>> -> memref<64xi32, #tpu.memory_space<vmem>>
    %dma_start3A_1300 = arith.constant 0 : i32
    %dma_start3A_1301 = arith.constant 0 : i32
    %dma_start3A_1302 = tpu.memref_slice %arg2[%dma_start3A_1300, %dma_start3A_1301] : memref<19200x256xf32, #tpu.memory_space<hbm>> -> memref<19200x256xf32, #tpu.memory_space<hbm>>
    tpu.enqueue_indirect_dma source(%dma_start3A_1302 : memref<19200x256xf32, #tpu.memory_space<hbm>>) target(%dma_start3A_1296 : memref<64x256xf32, #tpu.memory_space<vmem>>) offsets(%dma_start3A_1299 : memref<64xi32, #tpu.memory_space<vmem>>) semaphore(%arg9 : memref<!tpu.dma_semaphore, #tpu.memory_space<semaphore_mem>>)
    %dma_wait3A_1303 = arith.constant 0 : i32
    %dma_wait3A_1304 = arith.constant 0 : i32
    %dma_wait3A_1305 = arith.constant 0 : i32
    %dma_wait3A_1306 = arith.constant 0 : i32
    %dma_wait3A_1307 = tpu.memref_slice %arg8[%dma_wait3A_1304, %dma_wait3A_1305, %dma_wait3A_1306] : memref<3x128x256xf32, #tpu.memory_space<vmem>> -> memref<1x64x256xf32, #tpu.memory_space<vmem>>
    %dma_wait3A_1308 = tpu.memref_squeeze %dma_wait3A_1307 : memref<1x64x256xf32, #tpu.memory_space<vmem>> -> memref<64x256xf32, #tpu.memory_space<vmem>>
    %dma_wait3A_1309 = arith.constant 0 : i32
    %dma_wait3A_1310 = tpu.memref_slice %arg6[%dma_wait3A_1303, %dma_wait3A_1309] : memref<3x64xi32, #tpu.memory_space<vmem>> -> memref<1x64xi32, #tpu.memory_space<vmem>>
    %dma_wait3A_1311 = tpu.memref_squeeze %dma_wait3A_1310 : memref<1x64xi32, #tpu.memory_space<vmem>> -> memref<64xi32, #tpu.memory_space<vmem>>
    %dma_wait3A_1312 = arith.constant 0 : i32
    %dma_wait3A_1313 = arith.constant 0 : i32
    %dma_wait3A_1314 = tpu.memref_slice %arg2[%dma_wait3A_1312, %dma_wait3A_1313] : memref<19200x256xf32, #tpu.memory_space<hbm>> -> memref<19200x256xf32, #tpu.memory_space<hbm>>
    tpu.wait_indirect_dma semaphore(%arg9 : memref<!tpu.dma_semaphore, #tpu.memory_space<semaphore_mem>>) src(%dma_wait3A_1314 : memref<19200x256xf32, #tpu.memory_space<hbm>>) dst(%dma_wait3A_1308 : memref<64x256xf32, #tpu.memory_space<vmem>>)
    %dma_wait3A_1315 = arith.constant 0 : i32
    %dma_wait3A_1316 = arith.constant 0 : i32
    %dma_wait3A_1317 = arith.constant 64 : i32
    %dma_wait3A_1318 = arith.constant 0 : i32
    %dma_wait3A_1319 = tpu.memref_slice %arg8[%dma_wait3A_1316, %dma_wait3A_1317, %dma_wait3A_1318] : memref<3x128x256xf32, #tpu.memory_space<vmem>> -> memref<1x64x256xf32, #tpu.memory_space<vmem>>
    %dma_wait3A_1320 = tpu.memref_squeeze %dma_wait3A_1319 : memref<1x64x256xf32, #tpu.memory_space<vmem>> -> memref<64x256xf32, #tpu.memory_space<vmem>>
    %dma_wait3A_1321 = arith.constant 0 : i32
    %dma_wait3A_1322 = tpu.memref_slice %arg7[%dma_wait3A_1315, %dma_wait3A_1321] : memref<3x64xi32, #tpu.memory_space<vmem>> -> memref<1x64xi32, #tpu.memory_space<vmem>>
    %dma_wait3A_1323 = tpu.memref_squeeze %dma_wait3A_1322 : memref<1x64xi32, #tpu.memory_space<vmem>> -> memref<64xi32, #tpu.memory_space<vmem>>
    %dma_wait3A_1324 = arith.constant 0 : i32
    %dma_wait3A_1325 = arith.constant 0 : i32
    %dma_wait3A_1326 = tpu.memref_slice %arg2[%dma_wait3A_1324, %dma_wait3A_1325] : memref<19200x256xf32, #tpu.memory_space<hbm>> -> memref<19200x256xf32, #tpu.memory_space<hbm>>
    tpu.wait_indirect_dma semaphore(%arg9 : memref<!tpu.dma_semaphore, #tpu.memory_space<semaphore_mem>>) src(%dma_wait3A_1326 : memref<19200x256xf32, #tpu.memory_space<hbm>>) dst(%dma_wait3A_1320 : memref<64x256xf32, #tpu.memory_space<vmem>>)
    %scan3A_1327 = arith.constant 0 : i32
    %scan3A_1328 = arith.constant 0 : i32
    %scan3A_1329 = arith.constant 64 : i32
    %scan3A_1330 = arith.addi %scan3A_1328, %scan3A_1329 : i32
    %scan3A_1331 = arith.constant 1 : i32
    scf.for %scan3A_2011 = %scan3A_1328 to %scan3A_1330 step %scan3A_1331  : i32 {
      %add3A_2012 = arith.constant 64 : i32
      %add3A_2013 = arith.addi %scan3A_2011, %add3A_2012 : i32
      %get3A_2014 = arith.constant 0 : i32
      %get3A_2015 = arith.index_cast %get3A_2014 : i32 to index
      %get3A_2016 = arith.index_cast %add3A_2013 : i32 to index
      %get3A_2017 = arith.constant 0 : index
      %get3A_2018 = tpu.vector_load %arg8[%get3A_2015, %get3A_2016, %get3A_2017] {strides = array<i32>} : memref<3x128x256xf32, #tpu.memory_space<vmem>>, vector<1x1x16xf32>,
      %get3A_2019 = vector.shape_cast %get3A_2018 : vector<1x1x16xf32> to vector<16xf32>
      %swap3A_2020 = arith.constant 0 : i32
      %swap3A_2021 = arith.index_cast %swap3A_2020 : i32 to index
      %swap3A_2022 = arith.index_cast %scan3A_2011 : i32 to index
      %swap3A_2023 = arith.constant 0 : index
      %swap3A_2024 = tpu.vector_load %arg8[%swap3A_2021, %swap3A_2022, %swap3A_2023] {strides = array<i32>} : memref<3x128x256xf32, #tpu.memory_space<vmem>>, vector<1x1x16xf32>,
      %swap3A_2025 = vector.shape_cast %swap3A_2024 : vector<1x1x16xf32> to vector<16xf32>
      %swap3A_2026 = vector.shape_cast %get3A_2019 : vector<16xf32> to vector<1x1x16xf32>
      tpu.vector_store %arg8[%swap3A_2021, %swap3A_2022, %swap3A_2023], %swap3A_2026 {add = true, strides = array<i32>} : memref<3x128x256xf32, #tpu.memory_space<vmem>>, vector<1x1x16xf32>,
      %add3A_2027 = arith.constant 64 : i32
      %add3A_2028 = arith.addi %scan3A_2011, %add3A_2027 : i32
      %get3A_2029 = arith.constant 0 : i32
      %get3A_2030 = arith.index_cast %get3A_2029 : i32 to index
      %get3A_2031 = arith.index_cast %add3A_2028 : i32 to index
      %get3A_2032 = arith.constant 16 : index
      %get3A_2033 = tpu.vector_load %arg8[%get3A_2030, %get3A_2031, %get3A_2032] {strides = array<i32>} : memref<3x128x256xf32, #tpu.memory_space<vmem>>, vector<1x1x16xf32>,
      %get3A_2034 = vector.shape_cast %get3A_2033 : vector<1x1x16xf32> to vector<16xf32>
      %swap3A_2035 = arith.constant 0 : i32
      %swap3A_2036 = arith.index_cast %swap3A_2035 : i32 to index
      %swap3A_2037 = arith.index_cast %scan3A_2011 : i32 to index
      %swap3A_2038 = arith.constant 16 : index
      %swap3A_2039 = tpu.vector_load %arg8[%swap3A_2036, %swap3A_2037, %swap3A_2038] {strides = array<i32>} : memref<3x128x256xf32, #tpu.memory_space<vmem>>, vector<1x1x16xf32>,
      %swap3A_2040 = vector.shape_cast %swap3A_2039 : vector<1x1x16xf32> to vector<16xf32>
      %swap3A_2041 = vector.shape_cast %get3A_2034 : vector<16xf32> to vector<1x1x16xf32>
      tpu.vector_store %arg8[%swap3A_2036, %swap3A_2037, %swap3A_2038], %swap3A_2041 {add = true, strides = array<i32>} : memref<3x128x256xf32, #tpu.memory_space<vmem>>, vector<1x1x16xf32>,
      %add3A_2042 = arith.constant 64 : i32
      %add3A_2043 = arith.addi %scan3A_2011, %add3A_2042 : i32
      %get3A_2044 = arith.constant 0 : i32
      %get3A_2045 = arith.index_cast %get3A_2044 : i32 to index
      %get3A_2046 = arith.index_cast %add3A_2043 : i32 to index
      %get3A_2047 = arith.constant 32 : index
      %get3A_2048 = tpu.vector_load %arg8[%get3A_2045, %get3A_2046, %get3A_2047] {strides = array<i32>} : memref<3x128x256xf32, #tpu.memory_space<vmem>>, vector<1x1x16xf32>,
      %get3A_2049 = vector.shape_cast %get3A_2048 : vector<1x1x16xf32> to vector<16xf32>
      %swap3A_2050 = arith.constant 0 : i32
      %swap3A_2051 = arith.index_cast %swap3A_2050 : i32 to index
      %swap3A_2052 = arith.index_cast %scan3A_2011 : i32 to index
      %swap3A_2053 = arith.constant 32 : index
      %swap3A_2054 = tpu.vector_load %arg8[%swap3A_2051, %swap3A_2052, %swap3A_2053] {strides = array<i32>} : memref<3x128x256xf32, #tpu.memory_space<vmem>>, vector<1x1x16xf32>,
      %swap3A_2055 = vector.shape_cast %swap3A_2054 : vector<1x1x16xf32> to vector<16xf32>
      %swap3A_2056 = vector.shape_cast %get3A_2049 : vector<16xf32> to vector<1x1x16xf32>
      tpu.vector_store %arg8[%swap3A_2051, %swap3A_2052, %swap3A_2053], %swap3A_2056 {add = true, strides = array<i32>} : memref<3x128x256xf32, #tpu.memory_space<vmem>>, vector<1x1x16xf32>,
      %add3A_2057 = arith.constant 64 : i32
      %add3A_2058 = arith.addi %scan3A_2011, %add3A_2057 : i32
      %get3A_2059 = arith.constant 0 : i32
      %get3A_2060 = arith.index_cast %get3A_2059 : i32 to index
      %get3A_2061 = arith.index_cast %add3A_2058 : i32 to index
      %get3A_2062 = arith.constant 48 : index
      %get3A_2063 = tpu.vector_load %arg8[%get3A_2060, %get3A_2061, %get3A_2062] {strides = array<i32>} : memref<3x128x256xf32, #tpu.memory_space<vmem>>, vector<1x1x16xf32>,
      %get3A_2064 = vector.shape_cast %get3A_2063 : vector<1x1x16xf32> to vector<16xf32>
      %swap3A_2065 = arith.constant 0 : i32
      %swap3A_2066 = arith.index_cast %swap3A_2065 : i32 to index
      %swap3A_2067 = arith.index_cast %scan3A_2011 : i32 to index
      %swap3A_2068 = arith.constant 48 : index
      %swap3A_2069 = tpu.vector_load %arg8[%swap3A_2066, %swap3A_2067, %swap3A_2068] {strides = array<i32>} : memref<3x128x256xf32, #tpu.memory_space<vmem>>, vector<1x1x16xf32>,
      %swap3A_2070 = vector.shape_cast %swap3A_2069 : vector<1x1x16xf32> to vector<16xf32>
      %swap3A_2071 = vector.shape_cast %get3A_2064 : vector<16xf32> to vector<1x1x16xf32>
      tpu.vector_store %arg8[%swap3A_2066, %swap3A_2067, %swap3A_2068], %swap3A_2071 {add = true, strides = array<i32>} : memref<3x128x256xf32, #tpu.memory_space<vmem>>, vector<1x1x16xf32>,
      %add3A_2072 = arith.constant 64 : i32
      %add3A_2073 = arith.addi %scan3A_2011, %add3A_2072 : i32
      %get3A_2074 = arith.constant 0 : i32
      %get3A_2075 = arith.index_cast %get3A_2074 : i32 to index
      %get3A_2076 = arith.index_cast %add3A_2073 : i32 to index
      %get3A_2077 = arith.constant 64 : index
      %get3A_2078 = tpu.vector_load %arg8[%get3A_2075, %get3A_2076, %get3A_2077] {strides = array<i32>} : memref<3x128x256xf32, #tpu.memory_space<vmem>>, vector<1x1x16xf32>,
      %get3A_2079 = vector.shape_cast %get3A_2078 : vector<1x1x16xf32> to vector<16xf32>
      %swap3A_2080 = arith.constant 0 : i32
      %swap3A_2081 = arith.index_cast %swap3A_2080 : i32 to index
      %swap3A_2082 = arith.index_cast %scan3A_2011 : i32 to index
      %swap3A_2083 = arith.constant 64 : index
      %swap3A_2084 = tpu.vector_load %arg8[%swap3A_2081, %swap3A_2082, %swap3A_2083] {strides = array<i32>} : memref<3x128x256xf32, #tpu.memory_space<vmem>>, vector<1x1x16xf32>,
      %swap3A_2085 = vector.shape_cast %swap3A_2084 : vector<1x1x16xf32> to vector<16xf32>
      %swap3A_2086 = vector.shape_cast %get3A_2079 : vector<16xf32> to vector<1x1x16xf32>
      tpu.vector_store %arg8[%swap3A_2081, %swap3A_2082, %swap3A_2083], %swap3A_2086 {add = true, strides = array<i32>} : memref<3x128x256xf32, #tpu.memory_space<vmem>>, vector<1x1x16xf32>,
      %add3A_2087 = arith.constant 64 : i32
      %add3A_2088 = arith.addi %scan3A_2011, %add3A_2087 : i32
      %get3A_2089 = arith.constant 0 : i32
      %get3A_2090 = arith.index_cast %get3A_2089 : i32 to index
      %get3A_2091 = arith.index_cast %add3A_2088 : i32 to index
      %get3A_2092 = arith.constant 80 : index
      %get3A_2093 = tpu.vector_load %arg8[%get3A_2090, %get3A_2091, %get3A_2092] {strides = array<i32>} : memref<3x128x256xf32, #tpu.memory_space<vmem>>, vector<1x1x16xf32>,
      %get3A_2094 = vector.shape_cast %get3A_2093 : vector<1x1x16xf32> to vector<16xf32>
      %swap3A_2095 = arith.constant 0 : i32
      %swap3A_2096 = arith.index_cast %swap3A_2095 : i32 to index
      %swap3A_2097 = arith.index_cast %scan3A_2011 : i32 to index
      %swap3A_2098 = arith.constant 80 : index
      %swap3A_2099 = tpu.vector_load %arg8[%swap3A_2096, %swap3A_2097, %swap3A_2098] {strides = array<i32>} : memref<3x128x256xf32, #tpu.memory_space<vmem>>, vector<1x1x16xf32>,
      %swap3A_2100 = vector.shape_cast %swap3A_2099 : vector<1x1x16xf32> to vector<16xf32>
      %swap3A_2101 = vector.shape_cast %get3A_2094 : vector<16xf32> to vector<1x1x16xf32>
      tpu.vector_store %arg8[%swap3A_2096, %swap3A_2097, %swap3A_2098], %swap3A_2101 {add = true, strides = array<i32>} : memref<3x128x256xf32, #tpu.memory_space<vmem>>, vector<1x1x16xf32>,
      %add3A_2102 = arith.constant 64 : i32
      %add3A_2103 = arith.addi %scan3A_2011, %add3A_2102 : i32
      %get3A_2104 = arith.constant 0 : i32
      %get3A_2105 = arith.index_cast %get3A_2104 : i32 to index
      %get3A_2106 = arith.index_cast %add3A_2103 : i32 to index
      %get3A_2107 = arith.constant 96 : index
      %get3A_2108 = tpu.vector_load %arg8[%get3A_2105, %get3A_2106, %get3A_2107] {strides = array<i32>} : memref<3x128x256xf32, #tpu.memory_space<vmem>>, vector<1x1x16xf32>,
      %get3A_2109 = vector.shape_cast %get3A_2108 : vector<1x1x16xf32> to vector<16xf32>
      %swap3A_2110 = arith.constant 0 : i32
      %swap3A_2111 = arith.index_cast %swap3A_2110 : i32 to index
      %swap3A_2112 = arith.index_cast %scan3A_2011 : i32 to index
      %swap3A_2113 = arith.constant 96 : index
      %swap3A_2114 = tpu.vector_load %arg8[%swap3A_2111, %swap3A_2112, %swap3A_2113] {strides = array<i32>} : memref<3x128x256xf32, #tpu.memory_space<vmem>>, vector<1x1x16xf32>,
      %swap3A_2115 = vector.shape_cast %swap3A_2114 : vector<1x1x16xf32> to vector<16xf32>
      %swap3A_2116 = vector.shape_cast %get3A_2109 : vector<16xf32> to vector<1x1x16xf32>
      tpu.vector_store %arg8[%swap3A_2111, %swap3A_2112, %swap3A_2113], %swap3A_2116 {add = true, strides = array<i32>} : memref<3x128x256xf32, #tpu.memory_space<vmem>>, vector<1x1x16xf32>,
      %add3A_2117 = arith.constant 64 : i32
      %add3A_2118 = arith.addi %scan3A_2011, %add3A_2117 : i32
      %get3A_2119 = arith.constant 0 : i32
      %get3A_2120 = arith.index_cast %get3A_2119 : i32 to index
      %get3A_2121 = arith.index_cast %add3A_2118 : i32 to index
      %get3A_2122 = arith.constant 112 : index
      %get3A_2123 = tpu.vector_load %arg8[%get3A_2120, %get3A_2121, %get3A_2122] {strides = array<i32>} : memref<3x128x256xf32, #tpu.memory_space<vmem>>, vector<1x1x16xf32>,
      %get3A_2124 = vector.shape_cast %get3A_2123 : vector<1x1x16xf32> to vector<16xf32>
      %swap3A_2125 = arith.constant 0 : i32
      %swap3A_2126 = arith.index_cast %swap3A_2125 : i32 to index
      %swap3A_2127 = arith.index_cast %scan3A_2011 : i32 to index
      %swap3A_2128 = arith.constant 112 : index
      %swap3A_2129 = tpu.vector_load %arg8[%swap3A_2126, %swap3A_2127, %swap3A_2128] {strides = array<i32>} : memref<3x128x256xf32, #tpu.memory_space<vmem>>, vector<1x1x16xf32>,
      %swap3A_2130 = vector.shape_cast %swap3A_2129 : vector<1x1x16xf32> to vector<16xf32>
      %swap3A_2131 = vector.shape_cast %get3A_2124 : vector<16xf32> to vector<1x1x16xf32>
      tpu.vector_store %arg8[%swap3A_2126, %swap3A_2127, %swap3A_2128], %swap3A_2131 {add = true, strides = array<i32>} : memref<3x128x256xf32, #tpu.memory_space<vmem>>, vector<1x1x16xf32>,
      %add3A_2132 = arith.constant 64 : i32
      %add3A_2133 = arith.addi %scan3A_2011, %add3A_2132 : i32
      %get3A_2134 = arith.constant 0 : i32
      %get3A_2135 = arith.index_cast %get3A_2134 : i32 to index
      %get3A_2136 = arith.index_cast %add3A_2133 : i32 to index
      %get3A_2137 = arith.constant 128 : index
      %get3A_2138 = tpu.vector_load %arg8[%get3A_2135, %get3A_2136, %get3A_2137] {strides = array<i32>} : memref<3x128x256xf32, #tpu.memory_space<vmem>>, vector<1x1x16xf32>,
      %get3A_2139 = vector.shape_cast %get3A_2138 : vector<1x1x16xf32> to vector<16xf32>
      %swap3A_2140 = arith.constant 0 : i32
      %swap3A_2141 = arith.index_cast %swap3A_2140 : i32 to index
      %swap3A_2142 = arith.index_cast %scan3A_2011 : i32 to index
      %swap3A_2143 = arith.constant 128 : index
      %swap3A_2144 = tpu.vector_load %arg8[%swap3A_2141, %swap3A_2142, %swap3A_2143] {strides = array<i32>} : memref<3x128x256xf32, #tpu.memory_space<vmem>>, vector<1x1x16xf32>,
      %swap3A_2145 = vector.shape_cast %swap3A_2144 : vector<1x1x16xf32> to vector<16xf32>
      %swap3A_2146 = vector.shape_cast %get3A_2139 : vector<16xf32> to vector<1x1x16xf32>
      tpu.vector_store %arg8[%swap3A_2141, %swap3A_2142, %swap3A_2143], %swap3A_2146 {add = true, strides = array<i32>} : memref<3x128x256xf32, #tpu.memory_space<vmem>>, vector<1x1x16xf32>,
      %add3A_2147 = arith.constant 64 : i32
      %add3A_2148 = arith.addi %scan3A_2011, %add3A_2147 : i32
      %get3A_2149 = arith.constant 0 : i32
      %get3A_2150 = arith.index_cast %get3A_2149 : i32 to index
      %get3A_2151 = arith.index_cast %add3A_2148 : i32 to index
      %get3A_2152 = arith.constant 144 : index
      %get3A_2153 = tpu.vector_load %arg8[%get3A_2150, %get3A_2151, %get3A_2152] {strides = array<i32>} : memref<3x128x256xf32, #tpu.memory_space<vmem>>, vector<1x1x16xf32>,
      %get3A_2154 = vector.shape_cast %get3A_2153 : vector<1x1x16xf32> to vector<16xf32>
      %swap3A_2155 = arith.constant 0 : i32
      %swap3A_2156 = arith.index_cast %swap3A_2155 : i32 to index
      %swap3A_2157 = arith.index_cast %scan3A_2011 : i32 to index
      %swap3A_2158 = arith.constant 144 : index
      %swap3A_2159 = tpu.vector_load %arg8[%swap3A_2156, %swap3A_2157, %swap3A_2158] {strides = array<i32>} : memref<3x128x256xf32, #tpu.memory_space<vmem>>, vector<1x1x16xf32>,
      %swap3A_2160 = vector.shape_cast %swap3A_2159 : vector<1x1x16xf32> to vector<16xf32>
      %swap3A_2161 = vector.shape_cast %get3A_2154 : vector<16xf32> to vector<1x1x16xf32>
      tpu.vector_store %arg8[%swap3A_2156, %swap3A_2157, %swap3A_2158], %swap3A_2161 {add = true, strides = array<i32>} : memref<3x128x256xf32, #tpu.memory_space<vmem>>, vector<1x1x16xf32>,
      %add3A_2162 = arith.constant 64 : i32
      %add3A_2163 = arith.addi %scan3A_2011, %add3A_2162 : i32
      %get3A_2164 = arith.constant 0 : i32
      %get3A_2165 = arith.index_cast %get3A_2164 : i32 to index
      %get3A_2166 = arith.index_cast %add3A_2163 : i32 to index
      %get3A_2167 = arith.constant 160 : index
      %get3A_2168 = tpu.vector_load %arg8[%get3A_2165, %get3A_2166, %get3A_2167] {strides = array<i32>} : memref<3x128x256xf32, #tpu.memory_space<vmem>>, vector<1x1x16xf32>,
      %get3A_2169 = vector.shape_cast %get3A_2168 : vector<1x1x16xf32> to vector<16xf32>
      %swap3A_2170 = arith.constant 0 : i32
      %swap3A_2171 = arith.index_cast %swap3A_2170 : i32 to index
      %swap3A_2172 = arith.index_cast %scan3A_2011 : i32 to index
      %swap3A_2173 = arith.constant 160 : index
      %swap3A_2174 = tpu.vector_load %arg8[%swap3A_2171, %swap3A_2172, %swap3A_2173] {strides = array<i32>} : memref<3x128x256xf32, #tpu.memory_space<vmem>>, vector<1x1x16xf32>,
      %swap3A_2175 = vector.shape_cast %swap3A_2174 : vector<1x1x16xf32> to vector<16xf32>
      %swap3A_2176 = vector.shape_cast %get3A_2169 : vector<16xf32> to vector<1x1x16xf32>
      tpu.vector_store %arg8[%swap3A_2171, %swap3A_2172, %swap3A_2173], %swap3A_2176 {add = true, strides = array<i32>} : memref<3x128x256xf32, #tpu.memory_space<vmem>>, vector<1x1x16xf32>,
      %add3A_2177 = arith.constant 64 : i32
      %add3A_2178 = arith.addi %scan3A_2011, %add3A_2177 : i32
      %get3A_2179 = arith.constant 0 : i32
      %get3A_2180 = arith.index_cast %get3A_2179 : i32 to index
      %get3A_2181 = arith.index_cast %add3A_2178 : i32 to index
      %get3A_2182 = arith.constant 176 : index
      %get3A_2183 = tpu.vector_load %arg8[%get3A_2180, %get3A_2181, %get3A_2182] {strides = array<i32>} : memref<3x128x256xf32, #tpu.memory_space<vmem>>, vector<1x1x16xf32>,
      %get3A_2184 = vector.shape_cast %get3A_2183 : vector<1x1x16xf32> to vector<16xf32>
      %swap3A_2185 = arith.constant 0 : i32
      %swap3A_2186 = arith.index_cast %swap3A_2185 : i32 to index
      %swap3A_2187 = arith.index_cast %scan3A_2011 : i32 to index
      %swap3A_2188 = arith.constant 176 : index
      %swap3A_2189 = tpu.vector_load %arg8[%swap3A_2186, %swap3A_2187, %swap3A_2188] {strides = array<i32>} : memref<3x128x256xf32, #tpu.memory_space<vmem>>, vector<1x1x16xf32>,
      %swap3A_2190 = vector.shape_cast %swap3A_2189 : vector<1x1x16xf32> to vector<16xf32>
      %swap3A_2191 = vector.shape_cast %get3A_2184 : vector<16xf32> to vector<1x1x16xf32>
      tpu.vector_store %arg8[%swap3A_2186, %swap3A_2187, %swap3A_2188], %swap3A_2191 {add = true, strides = array<i32>} : memref<3x128x256xf32, #tpu.memory_space<vmem>>, vector<1x1x16xf32>,
      %add3A_2192 = arith.constant 64 : i32
      %add3A_2193 = arith.addi %scan3A_2011, %add3A_2192 : i32
      %get3A_2194 = arith.constant 0 : i32
      %get3A_2195 = arith.index_cast %get3A_2194 : i32 to index
      %get3A_2196 = arith.index_cast %add3A_2193 : i32 to index
      %get3A_2197 = arith.constant 192 : index
      %get3A_2198 = tpu.vector_load %arg8[%get3A_2195, %get3A_2196, %get3A_2197] {strides = array<i32>} : memref<3x128x256xf32, #tpu.memory_space<vmem>>, vector<1x1x16xf32>,
      %get3A_2199 = vector.shape_cast %get3A_2198 : vector<1x1x16xf32> to vector<16xf32>
      %swap3A_2200 = arith.constant 0 : i32
      %swap3A_2201 = arith.index_cast %swap3A_2200 : i32 to index
      %swap3A_2202 = arith.index_cast %scan3A_2011 : i32 to index
      %swap3A_2203 = arith.constant 192 : index
      %swap3A_2204 = tpu.vector_load %arg8[%swap3A_2201, %swap3A_2202, %swap3A_2203] {strides = array<i32>} : memref<3x128x256xf32, #tpu.memory_space<vmem>>, vector<1x1x16xf32>,
      %swap3A_2205 = vector.shape_cast %swap3A_2204 : vector<1x1x16xf32> to vector<16xf32>
      %swap3A_2206 = vector.shape_cast %get3A_2199 : vector<16xf32> to vector<1x1x16xf32>
      tpu.vector_store %arg8[%swap3A_2201, %swap3A_2202, %swap3A_2203], %swap3A_2206 {add = true, strides = array<i32>} : memref<3x128x256xf32, #tpu.memory_space<vmem>>, vector<1x1x16xf32>,
      %add3A_2207 = arith.constant 64 : i32
      %add3A_2208 = arith.addi %scan3A_2011, %add3A_2207 : i32
      %get3A_2209 = arith.constant 0 : i32
      %get3A_2210 = arith.index_cast %get3A_2209 : i32 to index
      %get3A_2211 = arith.index_cast %add3A_2208 : i32 to index
      %get3A_2212 = arith.constant 208 : index
      %get3A_2213 = tpu.vector_load %arg8[%get3A_2210, %get3A_2211, %get3A_2212] {strides = array<i32>} : memref<3x128x256xf32, #tpu.memory_space<vmem>>, vector<1x1x16xf32>,
      %get3A_2214 = vector.shape_cast %get3A_2213 : vector<1x1x16xf32> to vector<16xf32>
      %swap3A_2215 = arith.constant 0 : i32
      %swap3A_2216 = arith.index_cast %swap3A_2215 : i32 to index
      %swap3A_2217 = arith.index_cast %scan3A_2011 : i32 to index
      %swap3A_2218 = arith.constant 208 : index
      %swap3A_2219 = tpu.vector_load %arg8[%swap3A_2216, %swap3A_2217, %swap3A_2218] {strides = array<i32>} : memref<3x128x256xf32, #tpu.memory_space<vmem>>, vector<1x1x16xf32>,
      %swap3A_2220 = vector.shape_cast %swap3A_2219 : vector<1x1x16xf32> to vector<16xf32>
      %swap3A_2221 = vector.shape_cast %get3A_2214 : vector<16xf32> to vector<1x1x16xf32>
      tpu.vector_store %arg8[%swap3A_2216, %swap3A_2217, %swap3A_2218], %swap3A_2221 {add = true, strides = array<i32>} : memref<3x128x256xf32, #tpu.memory_space<vmem>>, vector<1x1x16xf32>,
      %add3A_2222 = arith.constant 64 : i32
      %add3A_2223 = arith.addi %scan3A_2011, %add3A_2222 : i32
      %get3A_2224 = arith.constant 0 : i32
      %get3A_2225 = arith.index_cast %get3A_2224 : i32 to index
      %get3A_2226 = arith.index_cast %add3A_2223 : i32 to index
      %get3A_2227 = arith.constant 224 : index
      %get3A_2228 = tpu.vector_load %arg8[%get3A_2225, %get3A_2226, %get3A_2227] {strides = array<i32>} : memref<3x128x256xf32, #tpu.memory_space<vmem>>, vector<1x1x16xf32>,
      %get3A_2229 = vector.shape_cast %get3A_2228 : vector<1x1x16xf32> to vector<16xf32>
      %swap3A_2230 = arith.constant 0 : i32
      %swap3A_2231 = arith.index_cast %swap3A_2230 : i32 to index
      %swap3A_2232 = arith.index_cast %scan3A_2011 : i32 to index
      %swap3A_2233 = arith.constant 224 : index
      %swap3A_2234 = tpu.vector_load %arg8[%swap3A_2231, %swap3A_2232, %swap3A_2233] {strides = array<i32>} : memref<3x128x256xf32, #tpu.memory_space<vmem>>, vector<1x1x16xf32>,
      %swap3A_2235 = vector.shape_cast %swap3A_2234 : vector<1x1x16xf32> to vector<16xf32>
      %swap3A_2236 = vector.shape_cast %get3A_2229 : vector<16xf32> to vector<1x1x16xf32>
      tpu.vector_store %arg8[%swap3A_2231, %swap3A_2232, %swap3A_2233], %swap3A_2236 {add = true, strides = array<i32>} : memref<3x128x256xf32, #tpu.memory_space<vmem>>, vector<1x1x16xf32>,
      %add3A_2237 = arith.constant 64 : i32
      %add3A_2238 = arith.addi %scan3A_2011, %add3A_2237 : i32
      %get3A_2239 = arith.constant 0 : i32
      %get3A_2240 = arith.index_cast %get3A_2239 : i32 to index
      %get3A_2241 = arith.index_cast %add3A_2238 : i32 to index
      %get3A_2242 = arith.constant 240 : index
      %get3A_2243 = tpu.vector_load %arg8[%get3A_2240, %get3A_2241, %get3A_2242] {strides = array<i32>} : memref<3x128x256xf32, #tpu.memory_space<vmem>>, vector<1x1x16xf32>,
      %get3A_2244 = vector.shape_cast %get3A_2243 : vector<1x1x16xf32> to vector<16xf32>
      %swap3A_2245 = arith.constant 0 : i32
      %swap3A_2246 = arith.index_cast %swap3A_2245 : i32 to index
      %swap3A_2247 = arith.index_cast %scan3A_2011 : i32 to index
      %swap3A_2248 = arith.constant 240 : index
      %swap3A_2249 = tpu.vector_load %arg8[%swap3A_2246, %swap3A_2247, %swap3A_2248] {strides = array<i32>} : memref<3x128x256xf32, #tpu.memory_space<vmem>>, vector<1x1x16xf32>,
      %swap3A_2250 = vector.shape_cast %swap3A_2249 : vector<1x1x16xf32> to vector<16xf32>
      %swap3A_2251 = vector.shape_cast %get3A_2244 : vector<16xf32> to vector<1x1x16xf32>
      tpu.vector_store %arg8[%swap3A_2246, %swap3A_2247, %swap3A_2248], %swap3A_2251 {add = true, strides = array<i32>} : memref<3x128x256xf32, #tpu.memory_space<vmem>>, vector<1x1x16xf32>,
    }
    %scan3A_1332 = arith.constant 64 : i32
    %mul3A_1333 = arith.constant 4 : i32
    %mul3A_1334 = arith.muli %add3A, %mul3A_1333 : i32
    %add3A_1335 = arith.constant 1 : i32
    %add3A_1336 = arith.addi %mul3A_1334, %add3A_1335 : i32
    %dma_start3A_1337 = arith.constant 0 : i32
    %dma_start3A_1338 = arith.constant 0 : i32
    %dma_start3A_1339 = arith.constant 0 : i32
    %dma_start3A_1340 = tpu.memref_slice %arg8[%dma_start3A_1337, %dma_start3A_1338, %dma_start3A_1339] : memref<3x128x256xf32, #tpu.memory_space<vmem>> -> memref<1x64x256xf32, #tpu.memory_space<vmem>>
    %dma_start3A_1341 = tpu.memref_squeeze %dma_start3A_1340 : memref<1x64x256xf32, #tpu.memory_space<vmem>> -> memref<64x256xf32, #tpu.memory_space<vmem>>
    %dma_start3A_1342 = arith.constant 64 : i32
    %dma_start3A_1343 = arith.constant 0 : i32
    %dma_start3A_1344 = tpu.memref_slice %arg4[%add3A_1336, %dma_start3A_1342, %dma_start3A_1343] : memref<128x128x256xf32, #tpu.memory_space<hbm>> -> memref<1x64x256xf32, #tpu.memory_space<hbm>>
    %dma_start3A_1345 = tpu.memref_squeeze %dma_start3A_1344 : memref<1x64x256xf32, #tpu.memory_space<hbm>> -> memref<64x256xf32, #tpu.memory_space<hbm>>
    %dma_start3A_1346 = arith.constant 64 : i32
    %dma_start3A_1347 = arith.constant 0 : i32
    %dma_start3A_1348 = tpu.memref_slice %arg4[%add3A_1336, %dma_start3A_1346, %dma_start3A_1347] : memref<128x128x256xf32, #tpu.memory_space<hbm>> -> memref<1x64x256xf32, #tpu.memory_space<hbm>>
    %dma_start3A_1349 = tpu.memref_squeeze %dma_start3A_1348 : memref<1x64x256xf32, #tpu.memory_space<hbm>> -> memref<64x256xf32, #tpu.memory_space<hbm>>
    %dma_start3A_1350 = arith.constant 0 : i32
    %dma_start3A_1351 = arith.constant 0 : i32
    %dma_start3A_1352 = tpu.memref_slice %arg8[%dma_start3A_1337, %dma_start3A_1350, %dma_start3A_1351] : memref<3x128x256xf32, #tpu.memory_space<vmem>> -> memref<1x64x256xf32, #tpu.memory_space<vmem>>
    %dma_start3A_1353 = tpu.memref_squeeze %dma_start3A_1352 : memref<1x64x256xf32, #tpu.memory_space<vmem>> -> memref<64x256xf32, #tpu.memory_space<vmem>>
    tpu.enqueue_dma source(%dma_start3A_1353 : memref<64x256xf32, #tpu.memory_space<vmem>>) target(%dma_start3A_1349 : memref<64x256xf32, #tpu.memory_space<hbm>>) target_semaphore(%arg10 : memref<!tpu.dma_semaphore, #tpu.memory_space<semaphore_mem>>)
    %dma_wait3A_1354 = arith.constant 0 : i32
    %dma_wait3A_1355 = arith.constant 0 : i32
    %dma_wait3A_1356 = arith.constant 0 : i32
    %dma_wait3A_1357 = tpu.memref_slice %arg8[%dma_wait3A_1354, %dma_wait3A_1355, %dma_wait3A_1356] : memref<3x128x256xf32, #tpu.memory_space<vmem>> -> memref<1x64x256xf32, #tpu.memory_space<vmem>>
    %dma_wait3A_1358 = tpu.memref_squeeze %dma_wait3A_1357 : memref<1x64x256xf32, #tpu.memory_space<vmem>> -> memref<64x256xf32, #tpu.memory_space<vmem>>
    %dma_wait3A_1359 = arith.constant 64 : i32
    %dma_wait3A_1360 = arith.constant 0 : i32
    %dma_wait3A_1361 = tpu.memref_slice %arg4[%add3A_1336, %dma_wait3A_1359, %dma_wait3A_1360] : memref<128x128x256xf32, #tpu.memory_space<hbm>> -> memref<1x64x256xf32, #tpu.memory_space<hbm>>
    %dma_wait3A_1362 = tpu.memref_squeeze %dma_wait3A_1361 : memref<1x64x256xf32, #tpu.memory_space<hbm>> -> memref<64x256xf32, #tpu.memory_space<hbm>>
    %dma_wait3A_1363 = arith.constant 64 : i32
    %dma_wait3A_1364 = arith.constant 0 : i32
    %dma_wait3A_1365 = tpu.memref_slice %arg4[%add3A_1336, %dma_wait3A_1363, %dma_wait3A_1364] : memref<128x128x256xf32, #tpu.memory_space<hbm>> -> memref<1x64x256xf32, #tpu.memory_space<hbm>>
    %dma_wait3A_1366 = tpu.memref_squeeze %dma_wait3A_1365 : memref<1x64x256xf32, #tpu.memory_space<hbm>> -> memref<64x256xf32, #tpu.memory_space<hbm>>
    %dma_wait3A_1367 = arith.constant 0 : i32
    %dma_wait3A_1368 = arith.constant 0 : i32
    %dma_wait3A_1369 = tpu.memref_slice %arg8[%dma_wait3A_1354, %dma_wait3A_1367, %dma_wait3A_1368] : memref<3x128x256xf32, #tpu.memory_space<vmem>> -> memref<1x64x256xf32, #tpu.memory_space<vmem>>
    %dma_wait3A_1370 = tpu.memref_squeeze %dma_wait3A_1369 : memref<1x64x256xf32, #tpu.memory_space<vmem>> -> memref<64x256xf32, #tpu.memory_space<vmem>>
    tpu.wait_dma2 semaphore(%arg10 : memref<!tpu.dma_semaphore, #tpu.memory_space<semaphore_mem>>) src(%dma_wait3A_1370 : memref<64x256xf32, #tpu.memory_space<vmem>>) dst(%dma_wait3A_1366 : memref<64x256xf32, #tpu.memory_space<hbm>>)
    %mul3A_1371 = arith.constant 4 : i32
    %mul3A_1372 = arith.muli %add3A, %mul3A_1371 : i32
    %add3A_1373 = arith.constant 3 : i32
    %add3A_1374 = arith.addi %mul3A_1372, %add3A_1373 : i32
    %get3A_1375 = arith.constant 3 : i32
    %get3A_1376 = arith.index_cast %get3A_1375 : i32 to index
    %get3A_1377 = arith.constant 0 : index
    %get3A_1378 = tpu.vector_load %arg5[%get3A_1376, %get3A_1377] {strides = array<i32>} : memref<4x128xi32, #tpu.memory_space<vmem>>, vector<1x16xi32>,
    %get3A_1379 = vector.shape_cast %get3A_1378 : vector<1x16xi32> to vector<16xi32>
    %ge3A_1380 = arith.constant 5000 : i32
    %ge3A_1381 = vector.broadcast %ge3A_1380 : i32 to vector<16xi32>
    %ge3A_1382 = arith.cmpi sge, %get3A_1379, %ge3A_1381 : vector<16xi32>
    %add3A_1383 = arith.constant 600 : i32
    %add3A_1384 = vector.broadcast %add3A_1383 : i32 to vector<16xi32>
    %add3A_1385 = arith.addi %get3A_1379, %add3A_1384 : vector<16xi32>
    %mul3A_1386 = arith.constant 100 : i32
    %mul3A_1387 = arith.muli %add3A_1374, %mul3A_1386 : i32
    %add3A_1388 = vector.broadcast %mul3A_1387 : i32 to vector<16xi32>
    %add3A_1389 = arith.addi %add3A_1385, %add3A_1388 : vector<16xi32>
    %select_n3A_1390 = arith.select %ge3A_1382, %add3A_1389, %get3A_1379 : vector<16xi1>, vector<16xi32>
    %swap3A_1391 = arith.constant 0 : i32
    %swap3A_1392 = arith.index_cast %swap3A_1391 : i32 to index
    %swap3A_1393 = arith.constant 0 : index
    %swap3A_1394 = tpu.vector_load %arg6[%swap3A_1392, %swap3A_1393] {strides = array<i32>} : memref<3x64xi32, #tpu.memory_space<vmem>>, vector<1x16xi32>,
    %swap3A_1395 = vector.shape_cast %swap3A_1394 : vector<1x16xi32> to vector<16xi32>
    %swap3A_1396 = vector.shape_cast %select_n3A_1390 : vector<16xi32> to vector<1x16xi32>
    tpu.vector_store %arg6[%swap3A_1392, %swap3A_1393], %swap3A_1396 {strides = array<i32>} : memref<3x64xi32, #tpu.memory_space<vmem>>, vector<1x16xi32>,
    %iota3A_1397 = tpu.iota {dimensions = array<i32: 0>} : vector<16xi32>
    %add3A_1398 = arith.constant 0 : i32
    %add3A_1399 = vector.broadcast %add3A_1398 : i32 to vector<16xi32>
    %add3A_1400 = arith.addi %iota3A_1397, %add3A_1399 : vector<16xi32>
    %add3A_1401 = arith.constant 18528 : i32
    %add3A_1402 = vector.broadcast %add3A_1401 : i32 to vector<16xi32>
    %add3A_1403 = arith.addi %add3A_1400, %add3A_1402 : vector<16xi32>
    %add3A_1404 = arith.constant 18400 : i32
    %add3A_1405 = vector.broadcast %add3A_1404 : i32 to vector<16xi32>
    %add3A_1406 = arith.addi %add3A_1400, %add3A_1405 : vector<16xi32>
    %select_n3A_1407 = arith.select %ge3A_1382, %add3A_1403, %add3A_1406 : vector<16xi1>, vector<16xi32>
    %swap3A_1408 = arith.constant 0 : i32
    %swap3A_1409 = arith.index_cast %swap3A_1408 : i32 to index
    %swap3A_1410 = arith.constant 0 : index
    %swap3A_1411 = tpu.vector_load %arg7[%swap3A_1409, %swap3A_1410] {strides = array<i32>} : memref<3x64xi32, #tpu.memory_space<vmem>>, vector<1x16xi32>,
    %swap3A_1412 = vector.shape_cast %swap3A_1411 : vector<1x16xi32> to vector<16xi32>
    %swap3A_1413 = vector.shape_cast %select_n3A_1407 : vector<16xi32> to vector<1x16xi32>
    tpu.vector_store %arg7[%swap3A_1409, %swap3A_1410], %swap3A_1413 {strides = array<i32>} : memref<3x64xi32, #tpu.memory_space<vmem>>, vector<1x16xi32>,
    %get3A_1414 = arith.constant 3 : i32
    %get3A_1415 = arith.index_cast %get3A_1414 : i32 to index
    %get3A_1416 = arith.constant 16 : index
    %get3A_1417 = tpu.vector_load %arg5[%get3A_1415, %get3A_1416] {strides = array<i32>} : memref<4x128xi32, #tpu.memory_space<vmem>>, vector<1x16xi32>,
    %get3A_1418 = vector.shape_cast %get3A_1417 : vector<1x16xi32> to vector<16xi32>
    %ge3A_1419 = arith.constant 5000 : i32
    %ge3A_1420 = vector.broadcast %ge3A_1419 : i32 to vector<16xi32>
    %ge3A_1421 = arith.cmpi sge, %get3A_1418, %ge3A_1420 : vector<16xi32>
    %add3A_1422 = arith.constant 600 : i32
    %add3A_1423 = vector.broadcast %add3A_1422 : i32 to vector<16xi32>
    %add3A_1424 = arith.addi %get3A_1418, %add3A_1423 : vector<16xi32>
    %mul3A_1425 = arith.constant 100 : i32
    %mul3A_1426 = arith.muli %add3A_1374, %mul3A_1425 : i32
    %add3A_1427 = vector.broadcast %mul3A_1426 : i32 to vector<16xi32>
    %add3A_1428 = arith.addi %add3A_1424, %add3A_1427 : vector<16xi32>
    %select_n3A_1429 = arith.select %ge3A_1421, %add3A_1428, %get3A_1418 : vector<16xi1>, vector<16xi32>
    %swap3A_1430 = arith.constant 0 : i32
    %swap3A_1431 = arith.index_cast %swap3A_1430 : i32 to index
    %swap3A_1432 = arith.constant 16 : index
    %swap3A_1433 = tpu.vector_load %arg6[%swap3A_1431, %swap3A_1432] {strides = array<i32>} : memref<3x64xi32, #tpu.memory_space<vmem>>, vector<1x16xi32>,
    %swap3A_1434 = vector.shape_cast %swap3A_1433 : vector<1x16xi32> to vector<16xi32>
    %swap3A_1435 = vector.shape_cast %select_n3A_1429 : vector<16xi32> to vector<1x16xi32>
    tpu.vector_store %arg6[%swap3A_1431, %swap3A_1432], %swap3A_1435 {strides = array<i32>} : memref<3x64xi32, #tpu.memory_space<vmem>>, vector<1x16xi32>,
    %iota3A_1436 = tpu.iota {dimensions = array<i32: 0>} : vector<16xi32>
    %add3A_1437 = arith.constant 16 : i32
    %add3A_1438 = vector.broadcast %add3A_1437 : i32 to vector<16xi32>
    %add3A_1439 = arith.addi %iota3A_1436, %add3A_1438 : vector<16xi32>
    %add3A_1440 = arith.constant 18528 : i32
    %add3A_1441 = vector.broadcast %add3A_1440 : i32 to vector<16xi32>
    %add3A_1442 = arith.addi %add3A_1439, %add3A_1441 : vector<16xi32>
    %add3A_1443 = arith.constant 18400 : i32
    %add3A_1444 = vector.broadcast %add3A_1443 : i32 to vector<16xi32>
    %add3A_1445 = arith.addi %add3A_1439, %add3A_1444 : vector<16xi32>
    %select_n3A_1446 = arith.select %ge3A_1421, %add3A_1442, %add3A_1445 : vector<16xi1>, vector<16xi32>
    %swap3A_1447 = arith.constant 0 : i32
    %swap3A_1448 = arith.index_cast %swap3A_1447 : i32 to index
    %swap3A_1449 = arith.constant 16 : index
    %swap3A_1450 = tpu.vector_load %arg7[%swap3A_1448, %swap3A_1449] {strides = array<i32>} : memref<3x64xi32, #tpu.memory_space<vmem>>, vector<1x16xi32>,
    %swap3A_1451 = vector.shape_cast %swap3A_1450 : vector<1x16xi32> to vector<16xi32>
    %swap3A_1452 = vector.shape_cast %select_n3A_1446 : vector<16xi32> to vector<1x16xi32>
    tpu.vector_store %arg7[%swap3A_1448, %swap3A_1449], %swap3A_1452 {strides = array<i32>} : memref<3x64xi32, #tpu.memory_space<vmem>>, vector<1x16xi32>,
    %get3A_1453 = arith.constant 3 : i32
    %get3A_1454 = arith.index_cast %get3A_1453 : i32 to index
    %get3A_1455 = arith.constant 32 : index
    %get3A_1456 = tpu.vector_load %arg5[%get3A_1454, %get3A_1455] {strides = array<i32>} : memref<4x128xi32, #tpu.memory_space<vmem>>, vector<1x16xi32>,
    %get3A_1457 = vector.shape_cast %get3A_1456 : vector<1x16xi32> to vector<16xi32>
    %ge3A_1458 = arith.constant 5000 : i32
    %ge3A_1459 = vector.broadcast %ge3A_1458 : i32 to vector<16xi32>
    %ge3A_1460 = arith.cmpi sge, %get3A_1457, %ge3A_1459 : vector<16xi32>
    %add3A_1461 = arith.constant 600 : i32
    %add3A_1462 = vector.broadcast %add3A_1461 : i32 to vector<16xi32>
    %add3A_1463 = arith.addi %get3A_1457, %add3A_1462 : vector<16xi32>
    %mul3A_1464 = arith.constant 100 : i32
    %mul3A_1465 = arith.muli %add3A_1374, %mul3A_1464 : i32
    %add3A_1466 = vector.broadcast %mul3A_1465 : i32 to vector<16xi32>
    %add3A_1467 = arith.addi %add3A_1463, %add3A_1466 : vector<16xi32>
    %select_n3A_1468 = arith.select %ge3A_1460, %add3A_1467, %get3A_1457 : vector<16xi1>, vector<16xi32>
    %swap3A_1469 = arith.constant 0 : i32
    %swap3A_1470 = arith.index_cast %swap3A_1469 : i32 to index
    %swap3A_1471 = arith.constant 32 : index
    %swap3A_1472 = tpu.vector_load %arg6[%swap3A_1470, %swap3A_1471] {strides = array<i32>} : memref<3x64xi32, #tpu.memory_space<vmem>>, vector<1x16xi32>,
    %swap3A_1473 = vector.shape_cast %swap3A_1472 : vector<1x16xi32> to vector<16xi32>
    %swap3A_1474 = vector.shape_cast %select_n3A_1468 : vector<16xi32> to vector<1x16xi32>
    tpu.vector_store %arg6[%swap3A_1470, %swap3A_1471], %swap3A_1474 {strides = array<i32>} : memref<3x64xi32, #tpu.memory_space<vmem>>, vector<1x16xi32>,
    %iota3A_1475 = tpu.iota {dimensions = array<i32: 0>} : vector<16xi32>
    %add3A_1476 = arith.constant 32 : i32
    %add3A_1477 = vector.broadcast %add3A_1476 : i32 to vector<16xi32>
    %add3A_1478 = arith.addi %iota3A_1475, %add3A_1477 : vector<16xi32>
    %add3A_1479 = arith.constant 18528 : i32
    %add3A_1480 = vector.broadcast %add3A_1479 : i32 to vector<16xi32>
    %add3A_1481 = arith.addi %add3A_1478, %add3A_1480 : vector<16xi32>
    %add3A_1482 = arith.constant 18400 : i32
    %add3A_1483 = vector.broadcast %add3A_1482 : i32 to vector<16xi32>
    %add3A_1484 = arith.addi %add3A_1478, %add3A_1483 : vector<16xi32>
    %select_n3A_1485 = arith.select %ge3A_1460, %add3A_1481, %add3A_1484 : vector<16xi1>, vector<16xi32>
    %swap3A_1486 = arith.constant 0 : i32
    %swap3A_1487 = arith.index_cast %swap3A_1486 : i32 to index
    %swap3A_1488 = arith.constant 32 : index
    %swap3A_1489 = tpu.vector_load %arg7[%swap3A_1487, %swap3A_1488] {strides = array<i32>} : memref<3x64xi32, #tpu.memory_space<vmem>>, vector<1x16xi32>,
    %swap3A_1490 = vector.shape_cast %swap3A_1489 : vector<1x16xi32> to vector<16xi32>
    %swap3A_1491 = vector.shape_cast %select_n3A_1485 : vector<16xi32> to vector<1x16xi32>
    tpu.vector_store %arg7[%swap3A_1487, %swap3A_1488], %swap3A_1491 {strides = array<i32>} : memref<3x64xi32, #tpu.memory_space<vmem>>, vector<1x16xi32>,
    %get3A_1492 = arith.constant 3 : i32
    %get3A_1493 = arith.index_cast %get3A_1492 : i32 to index
    %get3A_1494 = arith.constant 48 : index
    %get3A_1495 = tpu.vector_load %arg5[%get3A_1493, %get3A_1494] {strides = array<i32>} : memref<4x128xi32, #tpu.memory_space<vmem>>, vector<1x16xi32>,
    %get3A_1496 = vector.shape_cast %get3A_1495 : vector<1x16xi32> to vector<16xi32>
    %ge3A_1497 = arith.constant 5000 : i32
    %ge3A_1498 = vector.broadcast %ge3A_1497 : i32 to vector<16xi32>
    %ge3A_1499 = arith.cmpi sge, %get3A_1496, %ge3A_1498 : vector<16xi32>
    %add3A_1500 = arith.constant 600 : i32
    %add3A_1501 = vector.broadcast %add3A_1500 : i32 to vector<16xi32>
    %add3A_1502 = arith.addi %get3A_1496, %add3A_1501 : vector<16xi32>
    %mul3A_1503 = arith.constant 100 : i32
    %mul3A_1504 = arith.muli %add3A_1374, %mul3A_1503 : i32
    %add3A_1505 = vector.broadcast %mul3A_1504 : i32 to vector<16xi32>
    %add3A_1506 = arith.addi %add3A_1502, %add3A_1505 : vector<16xi32>
    %select_n3A_1507 = arith.select %ge3A_1499, %add3A_1506, %get3A_1496 : vector<16xi1>, vector<16xi32>
    %swap3A_1508 = arith.constant 0 : i32
    %swap3A_1509 = arith.index_cast %swap3A_1508 : i32 to index
    %swap3A_1510 = arith.constant 48 : index
    %swap3A_1511 = tpu.vector_load %arg6[%swap3A_1509, %swap3A_1510] {strides = array<i32>} : memref<3x64xi32, #tpu.memory_space<vmem>>, vector<1x16xi32>,
    %swap3A_1512 = vector.shape_cast %swap3A_1511 : vector<1x16xi32> to vector<16xi32>
    %swap3A_1513 = vector.shape_cast %select_n3A_1507 : vector<16xi32> to vector<1x16xi32>
    tpu.vector_store %arg6[%swap3A_1509, %swap3A_1510], %swap3A_1513 {strides = array<i32>} : memref<3x64xi32, #tpu.memory_space<vmem>>, vector<1x16xi32>,
    %iota3A_1514 = tpu.iota {dimensions = array<i32: 0>} : vector<16xi32>
    %add3A_1515 = arith.constant 48 : i32
    %add3A_1516 = vector.broadcast %add3A_1515 : i32 to vector<16xi32>
    %add3A_1517 = arith.addi %iota3A_1514, %add3A_1516 : vector<16xi32>
    %add3A_1518 = arith.constant 18528 : i32
    %add3A_1519 = vector.broadcast %add3A_1518 : i32 to vector<16xi32>
    %add3A_1520 = arith.addi %add3A_1517, %add3A_1519 : vector<16xi32>
    %add3A_1521 = arith.constant 18400 : i32
    %add3A_1522 = vector.broadcast %add3A_1521 : i32 to vector<16xi32>
    %add3A_1523 = arith.addi %add3A_1517, %add3A_1522 : vector<16xi32>
    %select_n3A_1524 = arith.select %ge3A_1499, %add3A_1520, %add3A_1523 : vector<16xi1>, vector<16xi32>
    %swap3A_1525 = arith.constant 0 : i32
    %swap3A_1526 = arith.index_cast %swap3A_1525 : i32 to index
    %swap3A_1527 = arith.constant 48 : index
    %swap3A_1528 = tpu.vector_load %arg7[%swap3A_1526, %swap3A_1527] {strides = array<i32>} : memref<3x64xi32, #tpu.memory_space<vmem>>, vector<1x16xi32>,
    %swap3A_1529 = vector.shape_cast %swap3A_1528 : vector<1x16xi32> to vector<16xi32>
    %swap3A_1530 = vector.shape_cast %select_n3A_1524 : vector<16xi32> to vector<1x16xi32>
    tpu.vector_store %arg7[%swap3A_1526, %swap3A_1527], %swap3A_1530 {strides = array<i32>} : memref<3x64xi32, #tpu.memory_space<vmem>>, vector<1x16xi32>,
    %dma_start3A_1531 = arith.constant 0 : i32
    %dma_start3A_1532 = arith.constant 0 : i32
    %dma_start3A_1533 = arith.constant 0 : i32
    %dma_start3A_1534 = arith.constant 0 : i32
    %dma_start3A_1535 = tpu.memref_slice %arg8[%dma_start3A_1532, %dma_start3A_1533, %dma_start3A_1534] : memref<3x128x256xf32, #tpu.memory_space<vmem>> -> memref<1x64x256xf32, #tpu.memory_space<vmem>>
    %dma_start3A_1536 = tpu.memref_squeeze %dma_start3A_1535 : memref<1x64x256xf32, #tpu.memory_space<vmem>> -> memref<64x256xf32, #tpu.memory_space<vmem>>
    %dma_start3A_1537 = arith.constant 0 : i32
    %dma_start3A_1538 = tpu.memref_slice %arg6[%dma_start3A_1531, %dma_start3A_1537] : memref<3x64xi32, #tpu.memory_space<vmem>> -> memref<1x64xi32, #tpu.memory_space<vmem>>
    %dma_start3A_1539 = tpu.memref_squeeze %dma_start3A_1538 : memref<1x64xi32, #tpu.memory_space<vmem>> -> memref<64xi32, #tpu.memory_space<vmem>>
    %dma_start3A_1540 = arith.constant 0 : i32
    %dma_start3A_1541 = arith.constant 0 : i32
    %dma_start3A_1542 = tpu.memref_slice %arg2[%dma_start3A_1540, %dma_start3A_1541] : memref<19200x256xf32, #tpu.memory_space<hbm>> -> memref<19200x256xf32, #tpu.memory_space<hbm>>
    tpu.enqueue_indirect_dma source(%dma_start3A_1542 : memref<19200x256xf32, #tpu.memory_space<hbm>>) target(%dma_start3A_1536 : memref<64x256xf32, #tpu.memory_space<vmem>>) offsets(%dma_start3A_1539 : memref<64xi32, #tpu.memory_space<vmem>>) semaphore(%arg9 : memref<!tpu.dma_semaphore, #tpu.memory_space<semaphore_mem>>)
    %dma_start3A_1543 = arith.constant 0 : i32
    %dma_start3A_1544 = arith.constant 0 : i32
    %dma_start3A_1545 = arith.constant 64 : i32
    %dma_start3A_1546 = arith.constant 0 : i32
    %dma_start3A_1547 = tpu.memref_slice %arg8[%dma_start3A_1544, %dma_start3A_1545, %dma_start3A_1546] : memref<3x128x256xf32, #tpu.memory_space<vmem>> -> memref<1x64x256xf32, #tpu.memory_space<vmem>>
    %dma_start3A_1548 = tpu.memref_squeeze %dma_start3A_1547 : memref<1x64x256xf32, #tpu.memory_space<vmem>> -> memref<64x256xf32, #tpu.memory_space<vmem>>
    %dma_start3A_1549 = arith.constant 0 : i32
    %dma_start3A_1550 = tpu.memref_slice %arg7[%dma_start3A_1543, %dma_start3A_1549] : memref<3x64xi32, #tpu.memory_space<vmem>> -> memref<1x64xi32, #tpu.memory_space<vmem>>
    %dma_start3A_1551 = tpu.memref_squeeze %dma_start3A_1550 : memref<1x64xi32, #tpu.memory_space<vmem>> -> memref<64xi32, #tpu.memory_space<vmem>>
    %dma_start3A_1552 = arith.constant 0 : i32
    %dma_start3A_1553 = arith.constant 0 : i32
    %dma_start3A_1554 = tpu.memref_slice %arg2[%dma_start3A_1552, %dma_start3A_1553] : memref<19200x256xf32, #tpu.memory_space<hbm>> -> memref<19200x256xf32, #tpu.memory_space<hbm>>
    tpu.enqueue_indirect_dma source(%dma_start3A_1554 : memref<19200x256xf32, #tpu.memory_space<hbm>>) target(%dma_start3A_1548 : memref<64x256xf32, #tpu.memory_space<vmem>>) offsets(%dma_start3A_1551 : memref<64xi32, #tpu.memory_space<vmem>>) semaphore(%arg9 : memref<!tpu.dma_semaphore, #tpu.memory_space<semaphore_mem>>)
    %dma_wait3A_1555 = arith.constant 1 : i32
    %dma_wait3A_1556 = arith.constant 1 : i32
    %dma_wait3A_1557 = arith.constant 0 : i32
    %dma_wait3A_1558 = arith.constant 0 : i32
    %dma_wait3A_1559 = tpu.memref_slice %arg8[%dma_wait3A_1556, %dma_wait3A_1557, %dma_wait3A_1558] : memref<3x128x256xf32, #tpu.memory_space<vmem>> -> memref<1x64x256xf32, #tpu.memory_space<vmem>>
    %dma_wait3A_1560 = tpu.memref_squeeze %dma_wait3A_1559 : memref<1x64x256xf32, #tpu.memory_space<vmem>> -> memref<64x256xf32, #tpu.memory_space<vmem>>
    %dma_wait3A_1561 = arith.constant 0 : i32
    %dma_wait3A_1562 = tpu.memref_slice %arg6[%dma_wait3A_1555, %dma_wait3A_1561] : memref<3x64xi32, #tpu.memory_space<vmem>> -> memref<1x64xi32, #tpu.memory_space<vmem>>
    %dma_wait3A_1563 = tpu.memref_squeeze %dma_wait3A_1562 : memref<1x64xi32, #tpu.memory_space<vmem>> -> memref<64xi32, #tpu.memory_space<vmem>>
    %dma_wait3A_1564 = arith.constant 0 : i32
    %dma_wait3A_1565 = arith.constant 0 : i32
    %dma_wait3A_1566 = tpu.memref_slice %arg2[%dma_wait3A_1564, %dma_wait3A_1565] : memref<19200x256xf32, #tpu.memory_space<hbm>> -> memref<19200x256xf32, #tpu.memory_space<hbm>>
    tpu.wait_indirect_dma semaphore(%arg9 : memref<!tpu.dma_semaphore, #tpu.memory_space<semaphore_mem>>) src(%dma_wait3A_1566 : memref<19200x256xf32, #tpu.memory_space<hbm>>) dst(%dma_wait3A_1560 : memref<64x256xf32, #tpu.memory_space<vmem>>)
    %dma_wait3A_1567 = arith.constant 1 : i32
    %dma_wait3A_1568 = arith.constant 1 : i32
    %dma_wait3A_1569 = arith.constant 64 : i32
    %dma_wait3A_1570 = arith.constant 0 : i32
    %dma_wait3A_1571 = tpu.memref_slice %arg8[%dma_wait3A_1568, %dma_wait3A_1569, %dma_wait3A_1570] : memref<3x128x256xf32, #tpu.memory_space<vmem>> -> memref<1x64x256xf32, #tpu.memory_space<vmem>>
    %dma_wait3A_1572 = tpu.memref_squeeze %dma_wait3A_1571 : memref<1x64x256xf32, #tpu.memory_space<vmem>> -> memref<64x256xf32, #tpu.memory_space<vmem>>
    %dma_wait3A_1573 = arith.constant 0 : i32
    %dma_wait3A_1574 = tpu.memref_slice %arg7[%dma_wait3A_1567, %dma_wait3A_1573] : memref<3x64xi32, #tpu.memory_space<vmem>> -> memref<1x64xi32, #tpu.memory_space<vmem>>
    %dma_wait3A_1575 = tpu.memref_squeeze %dma_wait3A_1574 : memref<1x64xi32, #tpu.memory_space<vmem>> -> memref<64xi32, #tpu.memory_space<vmem>>
    %dma_wait3A_1576 = arith.constant 0 : i32
    %dma_wait3A_1577 = arith.constant 0 : i32
    %dma_wait3A_1578 = tpu.memref_slice %arg2[%dma_wait3A_1576, %dma_wait3A_1577] : memref<19200x256xf32, #tpu.memory_space<hbm>> -> memref<19200x256xf32, #tpu.memory_space<hbm>>
    tpu.wait_indirect_dma semaphore(%arg9 : memref<!tpu.dma_semaphore, #tpu.memory_space<semaphore_mem>>) src(%dma_wait3A_1578 : memref<19200x256xf32, #tpu.memory_space<hbm>>) dst(%dma_wait3A_1572 : memref<64x256xf32, #tpu.memory_space<vmem>>)
    %scan3A_1579 = arith.constant 0 : i32
    %scan3A_1580 = arith.constant 0 : i32
    %scan3A_1581 = arith.constant 64 : i32
    %scan3A_1582 = arith.addi %scan3A_1580, %scan3A_1581 : i32
    %scan3A_1583 = arith.constant 1 : i32
    scf.for %scan3A_2011 = %scan3A_1580 to %scan3A_1582 step %scan3A_1583  : i32 {
      %add3A_2012 = arith.constant 64 : i32
      %add3A_2013 = arith.addi %scan3A_2011, %add3A_2012 : i32
      %get3A_2014 = arith.constant 1 : i32
      %get3A_2015 = arith.index_cast %get3A_2014 : i32 to index
      %get3A_2016 = arith.index_cast %add3A_2013 : i32 to index
      %get3A_2017 = arith.constant 0 : index
      %get3A_2018 = tpu.vector_load %arg8[%get3A_2015, %get3A_2016, %get3A_2017] {strides = array<i32>} : memref<3x128x256xf32, #tpu.memory_space<vmem>>, vector<1x1x16xf32>,
      %get3A_2019 = vector.shape_cast %get3A_2018 : vector<1x1x16xf32> to vector<16xf32>
      %swap3A_2020 = arith.constant 1 : i32
      %swap3A_2021 = arith.index_cast %swap3A_2020 : i32 to index
      %swap3A_2022 = arith.index_cast %scan3A_2011 : i32 to index
      %swap3A_2023 = arith.constant 0 : index
      %swap3A_2024 = tpu.vector_load %arg8[%swap3A_2021, %swap3A_2022, %swap3A_2023] {strides = array<i32>} : memref<3x128x256xf32, #tpu.memory_space<vmem>>, vector<1x1x16xf32>,
      %swap3A_2025 = vector.shape_cast %swap3A_2024 : vector<1x1x16xf32> to vector<16xf32>
      %swap3A_2026 = vector.shape_cast %get3A_2019 : vector<16xf32> to vector<1x1x16xf32>
      tpu.vector_store %arg8[%swap3A_2021, %swap3A_2022, %swap3A_2023], %swap3A_2026 {add = true, strides = array<i32>} : memref<3x128x256xf32, #tpu.memory_space<vmem>>, vector<1x1x16xf32>,
      %add3A_2027 = arith.constant 64 : i32
      %add3A_2028 = arith.addi %scan3A_2011, %add3A_2027 : i32
      %get3A_2029 = arith.constant 1 : i32
      %get3A_2030 = arith.index_cast %get3A_2029 : i32 to index
      %get3A_2031 = arith.index_cast %add3A_2028 : i32 to index
      %get3A_2032 = arith.constant 16 : index
      %get3A_2033 = tpu.vector_load %arg8[%get3A_2030, %get3A_2031, %get3A_2032] {strides = array<i32>} : memref<3x128x256xf32, #tpu.memory_space<vmem>>, vector<1x1x16xf32>,
      %get3A_2034 = vector.shape_cast %get3A_2033 : vector<1x1x16xf32> to vector<16xf32>
      %swap3A_2035 = arith.constant 1 : i32
      %swap3A_2036 = arith.index_cast %swap3A_2035 : i32 to index
      %swap3A_2037 = arith.index_cast %scan3A_2011 : i32 to index
      %swap3A_2038 = arith.constant 16 : index
      %swap3A_2039 = tpu.vector_load %arg8[%swap3A_2036, %swap3A_2037, %swap3A_2038] {strides = array<i32>} : memref<3x128x256xf32, #tpu.memory_space<vmem>>, vector<1x1x16xf32>,
      %swap3A_2040 = vector.shape_cast %swap3A_2039 : vector<1x1x16xf32> to vector<16xf32>
      %swap3A_2041 = vector.shape_cast %get3A_2034 : vector<16xf32> to vector<1x1x16xf32>
      tpu.vector_store %arg8[%swap3A_2036, %swap3A_2037, %swap3A_2038], %swap3A_2041 {add = true, strides = array<i32>} : memref<3x128x256xf32, #tpu.memory_space<vmem>>, vector<1x1x16xf32>,
      %add3A_2042 = arith.constant 64 : i32
      %add3A_2043 = arith.addi %scan3A_2011, %add3A_2042 : i32
      %get3A_2044 = arith.constant 1 : i32
      %get3A_2045 = arith.index_cast %get3A_2044 : i32 to index
      %get3A_2046 = arith.index_cast %add3A_2043 : i32 to index
      %get3A_2047 = arith.constant 32 : index
      %get3A_2048 = tpu.vector_load %arg8[%get3A_2045, %get3A_2046, %get3A_2047] {strides = array<i32>} : memref<3x128x256xf32, #tpu.memory_space<vmem>>, vector<1x1x16xf32>,
      %get3A_2049 = vector.shape_cast %get3A_2048 : vector<1x1x16xf32> to vector<16xf32>
      %swap3A_2050 = arith.constant 1 : i32
      %swap3A_2051 = arith.index_cast %swap3A_2050 : i32 to index
      %swap3A_2052 = arith.index_cast %scan3A_2011 : i32 to index
      %swap3A_2053 = arith.constant 32 : index
      %swap3A_2054 = tpu.vector_load %arg8[%swap3A_2051, %swap3A_2052, %swap3A_2053] {strides = array<i32>} : memref<3x128x256xf32, #tpu.memory_space<vmem>>, vector<1x1x16xf32>,
      %swap3A_2055 = vector.shape_cast %swap3A_2054 : vector<1x1x16xf32> to vector<16xf32>
      %swap3A_2056 = vector.shape_cast %get3A_2049 : vector<16xf32> to vector<1x1x16xf32>
      tpu.vector_store %arg8[%swap3A_2051, %swap3A_2052, %swap3A_2053], %swap3A_2056 {add = true, strides = array<i32>} : memref<3x128x256xf32, #tpu.memory_space<vmem>>, vector<1x1x16xf32>,
      %add3A_2057 = arith.constant 64 : i32
      %add3A_2058 = arith.addi %scan3A_2011, %add3A_2057 : i32
      %get3A_2059 = arith.constant 1 : i32
      %get3A_2060 = arith.index_cast %get3A_2059 : i32 to index
      %get3A_2061 = arith.index_cast %add3A_2058 : i32 to index
      %get3A_2062 = arith.constant 48 : index
      %get3A_2063 = tpu.vector_load %arg8[%get3A_2060, %get3A_2061, %get3A_2062] {strides = array<i32>} : memref<3x128x256xf32, #tpu.memory_space<vmem>>, vector<1x1x16xf32>,
      %get3A_2064 = vector.shape_cast %get3A_2063 : vector<1x1x16xf32> to vector<16xf32>
      %swap3A_2065 = arith.constant 1 : i32
      %swap3A_2066 = arith.index_cast %swap3A_2065 : i32 to index
      %swap3A_2067 = arith.index_cast %scan3A_2011 : i32 to index
      %swap3A_2068 = arith.constant 48 : index
      %swap3A_2069 = tpu.vector_load %arg8[%swap3A_2066, %swap3A_2067, %swap3A_2068] {strides = array<i32>} : memref<3x128x256xf32, #tpu.memory_space<vmem>>, vector<1x1x16xf32>,
      %swap3A_2070 = vector.shape_cast %swap3A_2069 : vector<1x1x16xf32> to vector<16xf32>
      %swap3A_2071 = vector.shape_cast %get3A_2064 : vector<16xf32> to vector<1x1x16xf32>
      tpu.vector_store %arg8[%swap3A_2066, %swap3A_2067, %swap3A_2068], %swap3A_2071 {add = true, strides = array<i32>} : memref<3x128x256xf32, #tpu.memory_space<vmem>>, vector<1x1x16xf32>,
      %add3A_2072 = arith.constant 64 : i32
      %add3A_2073 = arith.addi %scan3A_2011, %add3A_2072 : i32
      %get3A_2074 = arith.constant 1 : i32
      %get3A_2075 = arith.index_cast %get3A_2074 : i32 to index
      %get3A_2076 = arith.index_cast %add3A_2073 : i32 to index
      %get3A_2077 = arith.constant 64 : index
      %get3A_2078 = tpu.vector_load %arg8[%get3A_2075, %get3A_2076, %get3A_2077] {strides = array<i32>} : memref<3x128x256xf32, #tpu.memory_space<vmem>>, vector<1x1x16xf32>,
      %get3A_2079 = vector.shape_cast %get3A_2078 : vector<1x1x16xf32> to vector<16xf32>
      %swap3A_2080 = arith.constant 1 : i32
      %swap3A_2081 = arith.index_cast %swap3A_2080 : i32 to index
      %swap3A_2082 = arith.index_cast %scan3A_2011 : i32 to index
      %swap3A_2083 = arith.constant 64 : index
      %swap3A_2084 = tpu.vector_load %arg8[%swap3A_2081, %swap3A_2082, %swap3A_2083] {strides = array<i32>} : memref<3x128x256xf32, #tpu.memory_space<vmem>>, vector<1x1x16xf32>,
      %swap3A_2085 = vector.shape_cast %swap3A_2084 : vector<1x1x16xf32> to vector<16xf32>
      %swap3A_2086 = vector.shape_cast %get3A_2079 : vector<16xf32> to vector<1x1x16xf32>
      tpu.vector_store %arg8[%swap3A_2081, %swap3A_2082, %swap3A_2083], %swap3A_2086 {add = true, strides = array<i32>} : memref<3x128x256xf32, #tpu.memory_space<vmem>>, vector<1x1x16xf32>,
      %add3A_2087 = arith.constant 64 : i32
      %add3A_2088 = arith.addi %scan3A_2011, %add3A_2087 : i32
      %get3A_2089 = arith.constant 1 : i32
      %get3A_2090 = arith.index_cast %get3A_2089 : i32 to index
      %get3A_2091 = arith.index_cast %add3A_2088 : i32 to index
      %get3A_2092 = arith.constant 80 : index
      %get3A_2093 = tpu.vector_load %arg8[%get3A_2090, %get3A_2091, %get3A_2092] {strides = array<i32>} : memref<3x128x256xf32, #tpu.memory_space<vmem>>, vector<1x1x16xf32>,
      %get3A_2094 = vector.shape_cast %get3A_2093 : vector<1x1x16xf32> to vector<16xf32>
      %swap3A_2095 = arith.constant 1 : i32
      %swap3A_2096 = arith.index_cast %swap3A_2095 : i32 to index
      %swap3A_2097 = arith.index_cast %scan3A_2011 : i32 to index
      %swap3A_2098 = arith.constant 80 : index
      %swap3A_2099 = tpu.vector_load %arg8[%swap3A_2096, %swap3A_2097, %swap3A_2098] {strides = array<i32>} : memref<3x128x256xf32, #tpu.memory_space<vmem>>, vector<1x1x16xf32>,
      %swap3A_2100 = vector.shape_cast %swap3A_2099 : vector<1x1x16xf32> to vector<16xf32>
      %swap3A_2101 = vector.shape_cast %get3A_2094 : vector<16xf32> to vector<1x1x16xf32>
      tpu.vector_store %arg8[%swap3A_2096, %swap3A_2097, %swap3A_2098], %swap3A_2101 {add = true, strides = array<i32>} : memref<3x128x256xf32, #tpu.memory_space<vmem>>, vector<1x1x16xf32>,
      %add3A_2102 = arith.constant 64 : i32
      %add3A_2103 = arith.addi %scan3A_2011, %add3A_2102 : i32
      %get3A_2104 = arith.constant 1 : i32
      %get3A_2105 = arith.index_cast %get3A_2104 : i32 to index
      %get3A_2106 = arith.index_cast %add3A_2103 : i32 to index
      %get3A_2107 = arith.constant 96 : index
      %get3A_2108 = tpu.vector_load %arg8[%get3A_2105, %get3A_2106, %get3A_2107] {strides = array<i32>} : memref<3x128x256xf32, #tpu.memory_space<vmem>>, vector<1x1x16xf32>,
      %get3A_2109 = vector.shape_cast %get3A_2108 : vector<1x1x16xf32> to vector<16xf32>
      %swap3A_2110 = arith.constant 1 : i32
      %swap3A_2111 = arith.index_cast %swap3A_2110 : i32 to index
      %swap3A_2112 = arith.index_cast %scan3A_2011 : i32 to index
      %swap3A_2113 = arith.constant 96 : index
      %swap3A_2114 = tpu.vector_load %arg8[%swap3A_2111, %swap3A_2112, %swap3A_2113] {strides = array<i32>} : memref<3x128x256xf32, #tpu.memory_space<vmem>>, vector<1x1x16xf32>,
      %swap3A_2115 = vector.shape_cast %swap3A_2114 : vector<1x1x16xf32> to vector<16xf32>
      %swap3A_2116 = vector.shape_cast %get3A_2109 : vector<16xf32> to vector<1x1x16xf32>
      tpu.vector_store %arg8[%swap3A_2111, %swap3A_2112, %swap3A_2113], %swap3A_2116 {add = true, strides = array<i32>} : memref<3x128x256xf32, #tpu.memory_space<vmem>>, vector<1x1x16xf32>,
      %add3A_2117 = arith.constant 64 : i32
      %add3A_2118 = arith.addi %scan3A_2011, %add3A_2117 : i32
      %get3A_2119 = arith.constant 1 : i32
      %get3A_2120 = arith.index_cast %get3A_2119 : i32 to index
      %get3A_2121 = arith.index_cast %add3A_2118 : i32 to index
      %get3A_2122 = arith.constant 112 : index
      %get3A_2123 = tpu.vector_load %arg8[%get3A_2120, %get3A_2121, %get3A_2122] {strides = array<i32>} : memref<3x128x256xf32, #tpu.memory_space<vmem>>, vector<1x1x16xf32>,
      %get3A_2124 = vector.shape_cast %get3A_2123 : vector<1x1x16xf32> to vector<16xf32>
      %swap3A_2125 = arith.constant 1 : i32
      %swap3A_2126 = arith.index_cast %swap3A_2125 : i32 to index
      %swap3A_2127 = arith.index_cast %scan3A_2011 : i32 to index
      %swap3A_2128 = arith.constant 112 : index
      %swap3A_2129 = tpu.vector_load %arg8[%swap3A_2126, %swap3A_2127, %swap3A_2128] {strides = array<i32>} : memref<3x128x256xf32, #tpu.memory_space<vmem>>, vector<1x1x16xf32>,
      %swap3A_2130 = vector.shape_cast %swap3A_2129 : vector<1x1x16xf32> to vector<16xf32>
      %swap3A_2131 = vector.shape_cast %get3A_2124 : vector<16xf32> to vector<1x1x16xf32>
      tpu.vector_store %arg8[%swap3A_2126, %swap3A_2127, %swap3A_2128], %swap3A_2131 {add = true, strides = array<i32>} : memref<3x128x256xf32, #tpu.memory_space<vmem>>, vector<1x1x16xf32>,
      %add3A_2132 = arith.constant 64 : i32
      %add3A_2133 = arith.addi %scan3A_2011, %add3A_2132 : i32
      %get3A_2134 = arith.constant 1 : i32
      %get3A_2135 = arith.index_cast %get3A_2134 : i32 to index
      %get3A_2136 = arith.index_cast %add3A_2133 : i32 to index
      %get3A_2137 = arith.constant 128 : index
      %get3A_2138 = tpu.vector_load %arg8[%get3A_2135, %get3A_2136, %get3A_2137] {strides = array<i32>} : memref<3x128x256xf32, #tpu.memory_space<vmem>>, vector<1x1x16xf32>,
      %get3A_2139 = vector.shape_cast %get3A_2138 : vector<1x1x16xf32> to vector<16xf32>
      %swap3A_2140 = arith.constant 1 : i32
      %swap3A_2141 = arith.index_cast %swap3A_2140 : i32 to index
      %swap3A_2142 = arith.index_cast %scan3A_2011 : i32 to index
      %swap3A_2143 = arith.constant 128 : index
      %swap3A_2144 = tpu.vector_load %arg8[%swap3A_2141, %swap3A_2142, %swap3A_2143] {strides = array<i32>} : memref<3x128x256xf32, #tpu.memory_space<vmem>>, vector<1x1x16xf32>,
      %swap3A_2145 = vector.shape_cast %swap3A_2144 : vector<1x1x16xf32> to vector<16xf32>
      %swap3A_2146 = vector.shape_cast %get3A_2139 : vector<16xf32> to vector<1x1x16xf32>
      tpu.vector_store %arg8[%swap3A_2141, %swap3A_2142, %swap3A_2143], %swap3A_2146 {add = true, strides = array<i32>} : memref<3x128x256xf32, #tpu.memory_space<vmem>>, vector<1x1x16xf32>,
      %add3A_2147 = arith.constant 64 : i32
      %add3A_2148 = arith.addi %scan3A_2011, %add3A_2147 : i32
      %get3A_2149 = arith.constant 1 : i32
      %get3A_2150 = arith.index_cast %get3A_2149 : i32 to index
      %get3A_2151 = arith.index_cast %add3A_2148 : i32 to index
      %get3A_2152 = arith.constant 144 : index
      %get3A_2153 = tpu.vector_load %arg8[%get3A_2150, %get3A_2151, %get3A_2152] {strides = array<i32>} : memref<3x128x256xf32, #tpu.memory_space<vmem>>, vector<1x1x16xf32>,
      %get3A_2154 = vector.shape_cast %get3A_2153 : vector<1x1x16xf32> to vector<16xf32>
      %swap3A_2155 = arith.constant 1 : i32
      %swap3A_2156 = arith.index_cast %swap3A_2155 : i32 to index
      %swap3A_2157 = arith.index_cast %scan3A_2011 : i32 to index
      %swap3A_2158 = arith.constant 144 : index
      %swap3A_2159 = tpu.vector_load %arg8[%swap3A_2156, %swap3A_2157, %swap3A_2158] {strides = array<i32>} : memref<3x128x256xf32, #tpu.memory_space<vmem>>, vector<1x1x16xf32>,
      %swap3A_2160 = vector.shape_cast %swap3A_2159 : vector<1x1x16xf32> to vector<16xf32>
      %swap3A_2161 = vector.shape_cast %get3A_2154 : vector<16xf32> to vector<1x1x16xf32>
      tpu.vector_store %arg8[%swap3A_2156, %swap3A_2157, %swap3A_2158], %swap3A_2161 {add = true, strides = array<i32>} : memref<3x128x256xf32, #tpu.memory_space<vmem>>, vector<1x1x16xf32>,
      %add3A_2162 = arith.constant 64 : i32
      %add3A_2163 = arith.addi %scan3A_2011, %add3A_2162 : i32
      %get3A_2164 = arith.constant 1 : i32
      %get3A_2165 = arith.index_cast %get3A_2164 : i32 to index
      %get3A_2166 = arith.index_cast %add3A_2163 : i32 to index
      %get3A_2167 = arith.constant 160 : index
      %get3A_2168 = tpu.vector_load %arg8[%get3A_2165, %get3A_2166, %get3A_2167] {strides = array<i32>} : memref<3x128x256xf32, #tpu.memory_space<vmem>>, vector<1x1x16xf32>,
      %get3A_2169 = vector.shape_cast %get3A_2168 : vector<1x1x16xf32> to vector<16xf32>
      %swap3A_2170 = arith.constant 1 : i32
      %swap3A_2171 = arith.index_cast %swap3A_2170 : i32 to index
      %swap3A_2172 = arith.index_cast %scan3A_2011 : i32 to index
      %swap3A_2173 = arith.constant 160 : index
      %swap3A_2174 = tpu.vector_load %arg8[%swap3A_2171, %swap3A_2172, %swap3A_2173] {strides = array<i32>} : memref<3x128x256xf32, #tpu.memory_space<vmem>>, vector<1x1x16xf32>,
      %swap3A_2175 = vector.shape_cast %swap3A_2174 : vector<1x1x16xf32> to vector<16xf32>
      %swap3A_2176 = vector.shape_cast %get3A_2169 : vector<16xf32> to vector<1x1x16xf32>
      tpu.vector_store %arg8[%swap3A_2171, %swap3A_2172, %swap3A_2173], %swap3A_2176 {add = true, strides = array<i32>} : memref<3x128x256xf32, #tpu.memory_space<vmem>>, vector<1x1x16xf32>,
      %add3A_2177 = arith.constant 64 : i32
      %add3A_2178 = arith.addi %scan3A_2011, %add3A_2177 : i32
      %get3A_2179 = arith.constant 1 : i32
      %get3A_2180 = arith.index_cast %get3A_2179 : i32 to index
      %get3A_2181 = arith.index_cast %add3A_2178 : i32 to index
      %get3A_2182 = arith.constant 176 : index
      %get3A_2183 = tpu.vector_load %arg8[%get3A_2180, %get3A_2181, %get3A_2182] {strides = array<i32>} : memref<3x128x256xf32, #tpu.memory_space<vmem>>, vector<1x1x16xf32>,
      %get3A_2184 = vector.shape_cast %get3A_2183 : vector<1x1x16xf32> to vector<16xf32>
      %swap3A_2185 = arith.constant 1 : i32
      %swap3A_2186 = arith.index_cast %swap3A_2185 : i32 to index
      %swap3A_2187 = arith.index_cast %scan3A_2011 : i32 to index
      %swap3A_2188 = arith.constant 176 : index
      %swap3A_2189 = tpu.vector_load %arg8[%swap3A_2186, %swap3A_2187, %swap3A_2188] {strides = array<i32>} : memref<3x128x256xf32, #tpu.memory_space<vmem>>, vector<1x1x16xf32>,
      %swap3A_2190 = vector.shape_cast %swap3A_2189 : vector<1x1x16xf32> to vector<16xf32>
      %swap3A_2191 = vector.shape_cast %get3A_2184 : vector<16xf32> to vector<1x1x16xf32>
      tpu.vector_store %arg8[%swap3A_2186, %swap3A_2187, %swap3A_2188], %swap3A_2191 {add = true, strides = array<i32>} : memref<3x128x256xf32, #tpu.memory_space<vmem>>, vector<1x1x16xf32>,
      %add3A_2192 = arith.constant 64 : i32
      %add3A_2193 = arith.addi %scan3A_2011, %add3A_2192 : i32
      %get3A_2194 = arith.constant 1 : i32
      %get3A_2195 = arith.index_cast %get3A_2194 : i32 to index
      %get3A_2196 = arith.index_cast %add3A_2193 : i32 to index
      %get3A_2197 = arith.constant 192 : index
      %get3A_2198 = tpu.vector_load %arg8[%get3A_2195, %get3A_2196, %get3A_2197] {strides = array<i32>} : memref<3x128x256xf32, #tpu.memory_space<vmem>>, vector<1x1x16xf32>,
      %get3A_2199 = vector.shape_cast %get3A_2198 : vector<1x1x16xf32> to vector<16xf32>
      %swap3A_2200 = arith.constant 1 : i32
      %swap3A_2201 = arith.index_cast %swap3A_2200 : i32 to index
      %swap3A_2202 = arith.index_cast %scan3A_2011 : i32 to index
      %swap3A_2203 = arith.constant 192 : index
      %swap3A_2204 = tpu.vector_load %arg8[%swap3A_2201, %swap3A_2202, %swap3A_2203] {strides = array<i32>} : memref<3x128x256xf32, #tpu.memory_space<vmem>>, vector<1x1x16xf32>,
      %swap3A_2205 = vector.shape_cast %swap3A_2204 : vector<1x1x16xf32> to vector<16xf32>
      %swap3A_2206 = vector.shape_cast %get3A_2199 : vector<16xf32> to vector<1x1x16xf32>
      tpu.vector_store %arg8[%swap3A_2201, %swap3A_2202, %swap3A_2203], %swap3A_2206 {add = true, strides = array<i32>} : memref<3x128x256xf32, #tpu.memory_space<vmem>>, vector<1x1x16xf32>,
      %add3A_2207 = arith.constant 64 : i32
      %add3A_2208 = arith.addi %scan3A_2011, %add3A_2207 : i32
      %get3A_2209 = arith.constant 1 : i32
      %get3A_2210 = arith.index_cast %get3A_2209 : i32 to index
      %get3A_2211 = arith.index_cast %add3A_2208 : i32 to index
      %get3A_2212 = arith.constant 208 : index
      %get3A_2213 = tpu.vector_load %arg8[%get3A_2210, %get3A_2211, %get3A_2212] {strides = array<i32>} : memref<3x128x256xf32, #tpu.memory_space<vmem>>, vector<1x1x16xf32>,
      %get3A_2214 = vector.shape_cast %get3A_2213 : vector<1x1x16xf32> to vector<16xf32>
      %swap3A_2215 = arith.constant 1 : i32
      %swap3A_2216 = arith.index_cast %swap3A_2215 : i32 to index
      %swap3A_2217 = arith.index_cast %scan3A_2011 : i32 to index
      %swap3A_2218 = arith.constant 208 : index
      %swap3A_2219 = tpu.vector_load %arg8[%swap3A_2216, %swap3A_2217, %swap3A_2218] {strides = array<i32>} : memref<3x128x256xf32, #tpu.memory_space<vmem>>, vector<1x1x16xf32>,
      %swap3A_2220 = vector.shape_cast %swap3A_2219 : vector<1x1x16xf32> to vector<16xf32>
      %swap3A_2221 = vector.shape_cast %get3A_2214 : vector<16xf32> to vector<1x1x16xf32>
      tpu.vector_store %arg8[%swap3A_2216, %swap3A_2217, %swap3A_2218], %swap3A_2221 {add = true, strides = array<i32>} : memref<3x128x256xf32, #tpu.memory_space<vmem>>, vector<1x1x16xf32>,
      %add3A_2222 = arith.constant 64 : i32
      %add3A_2223 = arith.addi %scan3A_2011, %add3A_2222 : i32
      %get3A_2224 = arith.constant 1 : i32
      %get3A_2225 = arith.index_cast %get3A_2224 : i32 to index
      %get3A_2226 = arith.index_cast %add3A_2223 : i32 to index
      %get3A_2227 = arith.constant 224 : index
      %get3A_2228 = tpu.vector_load %arg8[%get3A_2225, %get3A_2226, %get3A_2227] {strides = array<i32>} : memref<3x128x256xf32, #tpu.memory_space<vmem>>, vector<1x1x16xf32>,
      %get3A_2229 = vector.shape_cast %get3A_2228 : vector<1x1x16xf32> to vector<16xf32>
      %swap3A_2230 = arith.constant 1 : i32
      %swap3A_2231 = arith.index_cast %swap3A_2230 : i32 to index
      %swap3A_2232 = arith.index_cast %scan3A_2011 : i32 to index
      %swap3A_2233 = arith.constant 224 : index
      %swap3A_2234 = tpu.vector_load %arg8[%swap3A_2231, %swap3A_2232, %swap3A_2233] {strides = array<i32>} : memref<3x128x256xf32, #tpu.memory_space<vmem>>, vector<1x1x16xf32>,
      %swap3A_2235 = vector.shape_cast %swap3A_2234 : vector<1x1x16xf32> to vector<16xf32>
      %swap3A_2236 = vector.shape_cast %get3A_2229 : vector<16xf32> to vector<1x1x16xf32>
      tpu.vector_store %arg8[%swap3A_2231, %swap3A_2232, %swap3A_2233], %swap3A_2236 {add = true, strides = array<i32>} : memref<3x128x256xf32, #tpu.memory_space<vmem>>, vector<1x1x16xf32>,
      %add3A_2237 = arith.constant 64 : i32
      %add3A_2238 = arith.addi %scan3A_2011, %add3A_2237 : i32
      %get3A_2239 = arith.constant 1 : i32
      %get3A_2240 = arith.index_cast %get3A_2239 : i32 to index
      %get3A_2241 = arith.index_cast %add3A_2238 : i32 to index
      %get3A_2242 = arith.constant 240 : index
      %get3A_2243 = tpu.vector_load %arg8[%get3A_2240, %get3A_2241, %get3A_2242] {strides = array<i32>} : memref<3x128x256xf32, #tpu.memory_space<vmem>>, vector<1x1x16xf32>,
      %get3A_2244 = vector.shape_cast %get3A_2243 : vector<1x1x16xf32> to vector<16xf32>
      %swap3A_2245 = arith.constant 1 : i32
      %swap3A_2246 = arith.index_cast %swap3A_2245 : i32 to index
      %swap3A_2247 = arith.index_cast %scan3A_2011 : i32 to index
      %swap3A_2248 = arith.constant 240 : index
      %swap3A_2249 = tpu.vector_load %arg8[%swap3A_2246, %swap3A_2247, %swap3A_2248] {strides = array<i32>} : memref<3x128x256xf32, #tpu.memory_space<vmem>>, vector<1x1x16xf32>,
      %swap3A_2250 = vector.shape_cast %swap3A_2249 : vector<1x1x16xf32> to vector<16xf32>
      %swap3A_2251 = vector.shape_cast %get3A_2244 : vector<16xf32> to vector<1x1x16xf32>
      tpu.vector_store %arg8[%swap3A_2246, %swap3A_2247, %swap3A_2248], %swap3A_2251 {add = true, strides = array<i32>} : memref<3x128x256xf32, #tpu.memory_space<vmem>>, vector<1x1x16xf32>,
    }
    %scan3A_1584 = arith.constant 64 : i32
    %mul3A_1585 = arith.constant 4 : i32
    %mul3A_1586 = arith.muli %add3A, %mul3A_1585 : i32
    %add3A_1587 = arith.constant 2 : i32
    %add3A_1588 = arith.addi %mul3A_1586, %add3A_1587 : i32
    %dma_start3A_1589 = arith.constant 1 : i32
    %dma_start3A_1590 = arith.constant 0 : i32
    %dma_start3A_1591 = arith.constant 0 : i32
    %dma_start3A_1592 = tpu.memref_slice %arg8[%dma_start3A_1589, %dma_start3A_1590, %dma_start3A_1591] : memref<3x128x256xf32, #tpu.memory_space<vmem>> -> memref<1x64x256xf32, #tpu.memory_space<vmem>>
    %dma_start3A_1593 = tpu.memref_squeeze %dma_start3A_1592 : memref<1x64x256xf32, #tpu.memory_space<vmem>> -> memref<64x256xf32, #tpu.memory_space<vmem>>
    %dma_start3A_1594 = arith.constant 0 : i32
    %dma_start3A_1595 = arith.constant 0 : i32
    %dma_start3A_1596 = tpu.memref_slice %arg4[%add3A_1588, %dma_start3A_1594, %dma_start3A_1595] : memref<128x128x256xf32, #tpu.memory_space<hbm>> -> memref<1x64x256xf32, #tpu.memory_space<hbm>>
    %dma_start3A_1597 = tpu.memref_squeeze %dma_start3A_1596 : memref<1x64x256xf32, #tpu.memory_space<hbm>> -> memref<64x256xf32, #tpu.memory_space<hbm>>
    %dma_start3A_1598 = arith.constant 0 : i32
    %dma_start3A_1599 = arith.constant 0 : i32
    %dma_start3A_1600 = tpu.memref_slice %arg4[%add3A_1588, %dma_start3A_1598, %dma_start3A_1599] : memref<128x128x256xf32, #tpu.memory_space<hbm>> -> memref<1x64x256xf32, #tpu.memory_space<hbm>>
    %dma_start3A_1601 = tpu.memref_squeeze %dma_start3A_1600 : memref<1x64x256xf32, #tpu.memory_space<hbm>> -> memref<64x256xf32, #tpu.memory_space<hbm>>
    %dma_start3A_1602 = arith.constant 0 : i32
    %dma_start3A_1603 = arith.constant 0 : i32
    %dma_start3A_1604 = tpu.memref_slice %arg8[%dma_start3A_1589, %dma_start3A_1602, %dma_start3A_1603] : memref<3x128x256xf32, #tpu.memory_space<vmem>> -> memref<1x64x256xf32, #tpu.memory_space<vmem>>
    %dma_start3A_1605 = tpu.memref_squeeze %dma_start3A_1604 : memref<1x64x256xf32, #tpu.memory_space<vmem>> -> memref<64x256xf32, #tpu.memory_space<vmem>>
    tpu.enqueue_dma source(%dma_start3A_1605 : memref<64x256xf32, #tpu.memory_space<vmem>>) target(%dma_start3A_1601 : memref<64x256xf32, #tpu.memory_space<hbm>>) target_semaphore(%arg10 : memref<!tpu.dma_semaphore, #tpu.memory_space<semaphore_mem>>)
    %dma_wait3A_1606 = arith.constant 1 : i32
    %dma_wait3A_1607 = arith.constant 0 : i32
    %dma_wait3A_1608 = arith.constant 0 : i32
    %dma_wait3A_1609 = tpu.memref_slice %arg8[%dma_wait3A_1606, %dma_wait3A_1607, %dma_wait3A_1608] : memref<3x128x256xf32, #tpu.memory_space<vmem>> -> memref<1x64x256xf32, #tpu.memory_space<vmem>>
    %dma_wait3A_1610 = tpu.memref_squeeze %dma_wait3A_1609 : memref<1x64x256xf32, #tpu.memory_space<vmem>> -> memref<64x256xf32, #tpu.memory_space<vmem>>
    %dma_wait3A_1611 = arith.constant 0 : i32
    %dma_wait3A_1612 = arith.constant 0 : i32
    %dma_wait3A_1613 = tpu.memref_slice %arg4[%add3A_1588, %dma_wait3A_1611, %dma_wait3A_1612] : memref<128x128x256xf32, #tpu.memory_space<hbm>> -> memref<1x64x256xf32, #tpu.memory_space<hbm>>
    %dma_wait3A_1614 = tpu.memref_squeeze %dma_wait3A_1613 : memref<1x64x256xf32, #tpu.memory_space<hbm>> -> memref<64x256xf32, #tpu.memory_space<hbm>>
    %dma_wait3A_1615 = arith.constant 0 : i32
    %dma_wait3A_1616 = arith.constant 0 : i32
    %dma_wait3A_1617 = tpu.memref_slice %arg4[%add3A_1588, %dma_wait3A_1615, %dma_wait3A_1616] : memref<128x128x256xf32, #tpu.memory_space<hbm>> -> memref<1x64x256xf32, #tpu.memory_space<hbm>>
    %dma_wait3A_1618 = tpu.memref_squeeze %dma_wait3A_1617 : memref<1x64x256xf32, #tpu.memory_space<hbm>> -> memref<64x256xf32, #tpu.memory_space<hbm>>
    %dma_wait3A_1619 = arith.constant 0 : i32
    %dma_wait3A_1620 = arith.constant 0 : i32
    %dma_wait3A_1621 = tpu.memref_slice %arg8[%dma_wait3A_1606, %dma_wait3A_1619, %dma_wait3A_1620] : memref<3x128x256xf32, #tpu.memory_space<vmem>> -> memref<1x64x256xf32, #tpu.memory_space<vmem>>
    %dma_wait3A_1622 = tpu.memref_squeeze %dma_wait3A_1621 : memref<1x64x256xf32, #tpu.memory_space<vmem>> -> memref<64x256xf32, #tpu.memory_space<vmem>>
    tpu.wait_dma2 semaphore(%arg10 : memref<!tpu.dma_semaphore, #tpu.memory_space<semaphore_mem>>) src(%dma_wait3A_1622 : memref<64x256xf32, #tpu.memory_space<vmem>>) dst(%dma_wait3A_1618 : memref<64x256xf32, #tpu.memory_space<hbm>>)
    %mul3A_1623 = arith.constant 4 : i32
    %mul3A_1624 = arith.muli %add3A, %mul3A_1623 : i32
    %add3A_1625 = arith.constant 3 : i32
    %add3A_1626 = arith.addi %mul3A_1624, %add3A_1625 : i32
    %get3A_1627 = arith.constant 3 : i32
    %get3A_1628 = arith.index_cast %get3A_1627 : i32 to index
    %get3A_1629 = arith.constant 64 : index
    %get3A_1630 = tpu.vector_load %arg5[%get3A_1628, %get3A_1629] {strides = array<i32>} : memref<4x128xi32, #tpu.memory_space<vmem>>, vector<1x16xi32>,
    %get3A_1631 = vector.shape_cast %get3A_1630 : vector<1x16xi32> to vector<16xi32>
    %ge3A_1632 = arith.constant 5000 : i32
    %ge3A_1633 = vector.broadcast %ge3A_1632 : i32 to vector<16xi32>
    %ge3A_1634 = arith.cmpi sge, %get3A_1631, %ge3A_1633 : vector<16xi32>
    %add3A_1635 = arith.constant 600 : i32
    %add3A_1636 = vector.broadcast %add3A_1635 : i32 to vector<16xi32>
    %add3A_1637 = arith.addi %get3A_1631, %add3A_1636 : vector<16xi32>
    %mul3A_1638 = arith.constant 100 : i32
    %mul3A_1639 = arith.muli %add3A_1626, %mul3A_1638 : i32
    %add3A_1640 = vector.broadcast %mul3A_1639 : i32 to vector<16xi32>
    %add3A_1641 = arith.addi %add3A_1637, %add3A_1640 : vector<16xi32>
    %select_n3A_1642 = arith.select %ge3A_1634, %add3A_1641, %get3A_1631 : vector<16xi1>, vector<16xi32>
    %swap3A_1643 = arith.constant 1 : i32
    %swap3A_1644 = arith.index_cast %swap3A_1643 : i32 to index
    %swap3A_1645 = arith.constant 0 : index
    %swap3A_1646 = tpu.vector_load %arg6[%swap3A_1644, %swap3A_1645] {strides = array<i32>} : memref<3x64xi32, #tpu.memory_space<vmem>>, vector<1x16xi32>,
    %swap3A_1647 = vector.shape_cast %swap3A_1646 : vector<1x16xi32> to vector<16xi32>
    %swap3A_1648 = vector.shape_cast %select_n3A_1642 : vector<16xi32> to vector<1x16xi32>
    tpu.vector_store %arg6[%swap3A_1644, %swap3A_1645], %swap3A_1648 {strides = array<i32>} : memref<3x64xi32, #tpu.memory_space<vmem>>, vector<1x16xi32>,
    %iota3A_1649 = tpu.iota {dimensions = array<i32: 0>} : vector<16xi32>
    %add3A_1650 = arith.constant 64 : i32
    %add3A_1651 = vector.broadcast %add3A_1650 : i32 to vector<16xi32>
    %add3A_1652 = arith.addi %iota3A_1649, %add3A_1651 : vector<16xi32>
    %add3A_1653 = arith.constant 18528 : i32
    %add3A_1654 = vector.broadcast %add3A_1653 : i32 to vector<16xi32>
    %add3A_1655 = arith.addi %add3A_1652, %add3A_1654 : vector<16xi32>
    %add3A_1656 = arith.constant 18400 : i32
    %add3A_1657 = vector.broadcast %add3A_1656 : i32 to vector<16xi32>
    %add3A_1658 = arith.addi %add3A_1652, %add3A_1657 : vector<16xi32>
    %select_n3A_1659 = arith.select %ge3A_1634, %add3A_1655, %add3A_1658 : vector<16xi1>, vector<16xi32>
    %swap3A_1660 = arith.constant 1 : i32
    %swap3A_1661 = arith.index_cast %swap3A_1660 : i32 to index
    %swap3A_1662 = arith.constant 0 : index
    %swap3A_1663 = tpu.vector_load %arg7[%swap3A_1661, %swap3A_1662] {strides = array<i32>} : memref<3x64xi32, #tpu.memory_space<vmem>>, vector<1x16xi32>,
    %swap3A_1664 = vector.shape_cast %swap3A_1663 : vector<1x16xi32> to vector<16xi32>
    %swap3A_1665 = vector.shape_cast %select_n3A_1659 : vector<16xi32> to vector<1x16xi32>
    tpu.vector_store %arg7[%swap3A_1661, %swap3A_1662], %swap3A_1665 {strides = array<i32>} : memref<3x64xi32, #tpu.memory_space<vmem>>, vector<1x16xi32>,
    %get3A_1666 = arith.constant 3 : i32
    %get3A_1667 = arith.index_cast %get3A_1666 : i32 to index
    %get3A_1668 = arith.constant 80 : index
    %get3A_1669 = tpu.vector_load %arg5[%get3A_1667, %get3A_1668] {strides = array<i32>} : memref<4x128xi32, #tpu.memory_space<vmem>>, vector<1x16xi32>,
    %get3A_1670 = vector.shape_cast %get3A_1669 : vector<1x16xi32> to vector<16xi32>
    %ge3A_1671 = arith.constant 5000 : i32
    %ge3A_1672 = vector.broadcast %ge3A_1671 : i32 to vector<16xi32>
    %ge3A_1673 = arith.cmpi sge, %get3A_1670, %ge3A_1672 : vector<16xi32>
    %add3A_1674 = arith.constant 600 : i32
    %add3A_1675 = vector.broadcast %add3A_1674 : i32 to vector<16xi32>
    %add3A_1676 = arith.addi %get3A_1670, %add3A_1675 : vector<16xi32>
    %mul3A_1677 = arith.constant 100 : i32
    %mul3A_1678 = arith.muli %add3A_1626, %mul3A_1677 : i32
    %add3A_1679 = vector.broadcast %mul3A_1678 : i32 to vector<16xi32>
    %add3A_1680 = arith.addi %add3A_1676, %add3A_1679 : vector<16xi32>
    %select_n3A_1681 = arith.select %ge3A_1673, %add3A_1680, %get3A_1670 : vector<16xi1>, vector<16xi32>
    %swap3A_1682 = arith.constant 1 : i32
    %swap3A_1683 = arith.index_cast %swap3A_1682 : i32 to index
    %swap3A_1684 = arith.constant 16 : index
    %swap3A_1685 = tpu.vector_load %arg6[%swap3A_1683, %swap3A_1684] {strides = array<i32>} : memref<3x64xi32, #tpu.memory_space<vmem>>, vector<1x16xi32>,
    %swap3A_1686 = vector.shape_cast %swap3A_1685 : vector<1x16xi32> to vector<16xi32>
    %swap3A_1687 = vector.shape_cast %select_n3A_1681 : vector<16xi32> to vector<1x16xi32>
    tpu.vector_store %arg6[%swap3A_1683, %swap3A_1684], %swap3A_1687 {strides = array<i32>} : memref<3x64xi32, #tpu.memory_space<vmem>>, vector<1x16xi32>,
    %iota3A_1688 = tpu.iota {dimensions = array<i32: 0>} : vector<16xi32>
    %add3A_1689 = arith.constant 80 : i32
    %add3A_1690 = vector.broadcast %add3A_1689 : i32 to vector<16xi32>
    %add3A_1691 = arith.addi %iota3A_1688, %add3A_1690 : vector<16xi32>
    %add3A_1692 = arith.constant 18528 : i32
    %add3A_1693 = vector.broadcast %add3A_1692 : i32 to vector<16xi32>
    %add3A_1694 = arith.addi %add3A_1691, %add3A_1693 : vector<16xi32>
    %add3A_1695 = arith.constant 18400 : i32
    %add3A_1696 = vector.broadcast %add3A_1695 : i32 to vector<16xi32>
    %add3A_1697 = arith.addi %add3A_1691, %add3A_1696 : vector<16xi32>
    %select_n3A_1698 = arith.select %ge3A_1673, %add3A_1694, %add3A_1697 : vector<16xi1>, vector<16xi32>
    %swap3A_1699 = arith.constant 1 : i32
    %swap3A_1700 = arith.index_cast %swap3A_1699 : i32 to index
    %swap3A_1701 = arith.constant 16 : index
    %swap3A_1702 = tpu.vector_load %arg7[%swap3A_1700, %swap3A_1701] {strides = array<i32>} : memref<3x64xi32, #tpu.memory_space<vmem>>, vector<1x16xi32>,
    %swap3A_1703 = vector.shape_cast %swap3A_1702 : vector<1x16xi32> to vector<16xi32>
    %swap3A_1704 = vector.shape_cast %select_n3A_1698 : vector<16xi32> to vector<1x16xi32>
    tpu.vector_store %arg7[%swap3A_1700, %swap3A_1701], %swap3A_1704 {strides = array<i32>} : memref<3x64xi32, #tpu.memory_space<vmem>>, vector<1x16xi32>,
    %get3A_1705 = arith.constant 3 : i32
    %get3A_1706 = arith.index_cast %get3A_1705 : i32 to index
    %get3A_1707 = arith.constant 96 : index
    %get3A_1708 = tpu.vector_load %arg5[%get3A_1706, %get3A_1707] {strides = array<i32>} : memref<4x128xi32, #tpu.memory_space<vmem>>, vector<1x16xi32>,
    %get3A_1709 = vector.shape_cast %get3A_1708 : vector<1x16xi32> to vector<16xi32>
    %ge3A_1710 = arith.constant 5000 : i32
    %ge3A_1711 = vector.broadcast %ge3A_1710 : i32 to vector<16xi32>
    %ge3A_1712 = arith.cmpi sge, %get3A_1709, %ge3A_1711 : vector<16xi32>
    %add3A_1713 = arith.constant 600 : i32
    %add3A_1714 = vector.broadcast %add3A_1713 : i32 to vector<16xi32>
    %add3A_1715 = arith.addi %get3A_1709, %add3A_1714 : vector<16xi32>
    %mul3A_1716 = arith.constant 100 : i32
    %mul3A_1717 = arith.muli %add3A_1626, %mul3A_1716 : i32
    %add3A_1718 = vector.broadcast %mul3A_1717 : i32 to vector<16xi32>
    %add3A_1719 = arith.addi %add3A_1715, %add3A_1718 : vector<16xi32>
    %select_n3A_1720 = arith.select %ge3A_1712, %add3A_1719, %get3A_1709 : vector<16xi1>, vector<16xi32>
    %swap3A_1721 = arith.constant 1 : i32
    %swap3A_1722 = arith.index_cast %swap3A_1721 : i32 to index
    %swap3A_1723 = arith.constant 32 : index
    %swap3A_1724 = tpu.vector_load %arg6[%swap3A_1722, %swap3A_1723] {strides = array<i32>} : memref<3x64xi32, #tpu.memory_space<vmem>>, vector<1x16xi32>,
    %swap3A_1725 = vector.shape_cast %swap3A_1724 : vector<1x16xi32> to vector<16xi32>
    %swap3A_1726 = vector.shape_cast %select_n3A_1720 : vector<16xi32> to vector<1x16xi32>
    tpu.vector_store %arg6[%swap3A_1722, %swap3A_1723], %swap3A_1726 {strides = array<i32>} : memref<3x64xi32, #tpu.memory_space<vmem>>, vector<1x16xi32>,
    %iota3A_1727 = tpu.iota {dimensions = array<i32: 0>} : vector<16xi32>
    %add3A_1728 = arith.constant 96 : i32
    %add3A_1729 = vector.broadcast %add3A_1728 : i32 to vector<16xi32>
    %add3A_1730 = arith.addi %iota3A_1727, %add3A_1729 : vector<16xi32>
    %add3A_1731 = arith.constant 18528 : i32
    %add3A_1732 = vector.broadcast %add3A_1731 : i32 to vector<16xi32>
    %add3A_1733 = arith.addi %add3A_1730, %add3A_1732 : vector<16xi32>
    %add3A_1734 = arith.constant 18400 : i32
    %add3A_1735 = vector.broadcast %add3A_1734 : i32 to vector<16xi32>
    %add3A_1736 = arith.addi %add3A_1730, %add3A_1735 : vector<16xi32>
    %select_n3A_1737 = arith.select %ge3A_1712, %add3A_1733, %add3A_1736 : vector<16xi1>, vector<16xi32>
    %swap3A_1738 = arith.constant 1 : i32
    %swap3A_1739 = arith.index_cast %swap3A_1738 : i32 to index
    %swap3A_1740 = arith.constant 32 : index
    %swap3A_1741 = tpu.vector_load %arg7[%swap3A_1739, %swap3A_1740] {strides = array<i32>} : memref<3x64xi32, #tpu.memory_space<vmem>>, vector<1x16xi32>,
    %swap3A_1742 = vector.shape_cast %swap3A_1741 : vector<1x16xi32> to vector<16xi32>
    %swap3A_1743 = vector.shape_cast %select_n3A_1737 : vector<16xi32> to vector<1x16xi32>
    tpu.vector_store %arg7[%swap3A_1739, %swap3A_1740], %swap3A_1743 {strides = array<i32>} : memref<3x64xi32, #tpu.memory_space<vmem>>, vector<1x16xi32>,
    %get3A_1744 = arith.constant 3 : i32
    %get3A_1745 = arith.index_cast %get3A_1744 : i32 to index
    %get3A_1746 = arith.constant 112 : index
    %get3A_1747 = tpu.vector_load %arg5[%get3A_1745, %get3A_1746] {strides = array<i32>} : memref<4x128xi32, #tpu.memory_space<vmem>>, vector<1x16xi32>,
    %get3A_1748 = vector.shape_cast %get3A_1747 : vector<1x16xi32> to vector<16xi32>
    %ge3A_1749 = arith.constant 5000 : i32
    %ge3A_1750 = vector.broadcast %ge3A_1749 : i32 to vector<16xi32>
    %ge3A_1751 = arith.cmpi sge, %get3A_1748, %ge3A_1750 : vector<16xi32>
    %add3A_1752 = arith.constant 600 : i32
    %add3A_1753 = vector.broadcast %add3A_1752 : i32 to vector<16xi32>
    %add3A_1754 = arith.addi %get3A_1748, %add3A_1753 : vector<16xi32>
    %mul3A_1755 = arith.constant 100 : i32
    %mul3A_1756 = arith.muli %add3A_1626, %mul3A_1755 : i32
    %add3A_1757 = vector.broadcast %mul3A_1756 : i32 to vector<16xi32>
    %add3A_1758 = arith.addi %add3A_1754, %add3A_1757 : vector<16xi32>
    %select_n3A_1759 = arith.select %ge3A_1751, %add3A_1758, %get3A_1748 : vector<16xi1>, vector<16xi32>
    %swap3A_1760 = arith.constant 1 : i32
    %swap3A_1761 = arith.index_cast %swap3A_1760 : i32 to index
    %swap3A_1762 = arith.constant 48 : index
    %swap3A_1763 = tpu.vector_load %arg6[%swap3A_1761, %swap3A_1762] {strides = array<i32>} : memref<3x64xi32, #tpu.memory_space<vmem>>, vector<1x16xi32>,
    %swap3A_1764 = vector.shape_cast %swap3A_1763 : vector<1x16xi32> to vector<16xi32>
    %swap3A_1765 = vector.shape_cast %select_n3A_1759 : vector<16xi32> to vector<1x16xi32>
    tpu.vector_store %arg6[%swap3A_1761, %swap3A_1762], %swap3A_1765 {strides = array<i32>} : memref<3x64xi32, #tpu.memory_space<vmem>>, vector<1x16xi32>,
    %iota3A_1766 = tpu.iota {dimensions = array<i32: 0>} : vector<16xi32>
    %add3A_1767 = arith.constant 112 : i32
    %add3A_1768 = vector.broadcast %add3A_1767 : i32 to vector<16xi32>
    %add3A_1769 = arith.addi %iota3A_1766, %add3A_1768 : vector<16xi32>
    %add3A_1770 = arith.constant 18528 : i32
    %add3A_1771 = vector.broadcast %add3A_1770 : i32 to vector<16xi32>
    %add3A_1772 = arith.addi %add3A_1769, %add3A_1771 : vector<16xi32>
    %add3A_1773 = arith.constant 18400 : i32
    %add3A_1774 = vector.broadcast %add3A_1773 : i32 to vector<16xi32>
    %add3A_1775 = arith.addi %add3A_1769, %add3A_1774 : vector<16xi32>
    %select_n3A_1776 = arith.select %ge3A_1751, %add3A_1772, %add3A_1775 : vector<16xi1>, vector<16xi32>
    %swap3A_1777 = arith.constant 1 : i32
    %swap3A_1778 = arith.index_cast %swap3A_1777 : i32 to index
    %swap3A_1779 = arith.constant 48 : index
    %swap3A_1780 = tpu.vector_load %arg7[%swap3A_1778, %swap3A_1779] {strides = array<i32>} : memref<3x64xi32, #tpu.memory_space<vmem>>, vector<1x16xi32>,
    %swap3A_1781 = vector.shape_cast %swap3A_1780 : vector<1x16xi32> to vector<16xi32>
    %swap3A_1782 = vector.shape_cast %select_n3A_1776 : vector<16xi32> to vector<1x16xi32>
    tpu.vector_store %arg7[%swap3A_1778, %swap3A_1779], %swap3A_1782 {strides = array<i32>} : memref<3x64xi32, #tpu.memory_space<vmem>>, vector<1x16xi32>,
    %dma_start3A_1783 = arith.constant 1 : i32
    %dma_start3A_1784 = arith.constant 1 : i32
    %dma_start3A_1785 = arith.constant 0 : i32
    %dma_start3A_1786 = arith.constant 0 : i32
    %dma_start3A_1787 = tpu.memref_slice %arg8[%dma_start3A_1784, %dma_start3A_1785, %dma_start3A_1786] : memref<3x128x256xf32, #tpu.memory_space<vmem>> -> memref<1x64x256xf32, #tpu.memory_space<vmem>>
    %dma_start3A_1788 = tpu.memref_squeeze %dma_start3A_1787 : memref<1x64x256xf32, #tpu.memory_space<vmem>> -> memref<64x256xf32, #tpu.memory_space<vmem>>
    %dma_start3A_1789 = arith.constant 0 : i32
    %dma_start3A_1790 = tpu.memref_slice %arg6[%dma_start3A_1783, %dma_start3A_1789] : memref<3x64xi32, #tpu.memory_space<vmem>> -> memref<1x64xi32, #tpu.memory_space<vmem>>
    %dma_start3A_1791 = tpu.memref_squeeze %dma_start3A_1790 : memref<1x64xi32, #tpu.memory_space<vmem>> -> memref<64xi32, #tpu.memory_space<vmem>>
    %dma_start3A_1792 = arith.constant 0 : i32
    %dma_start3A_1793 = arith.constant 0 : i32
    %dma_start3A_1794 = tpu.memref_slice %arg2[%dma_start3A_1792, %dma_start3A_1793] : memref<19200x256xf32, #tpu.memory_space<hbm>> -> memref<19200x256xf32, #tpu.memory_space<hbm>>
    tpu.enqueue_indirect_dma source(%dma_start3A_1794 : memref<19200x256xf32, #tpu.memory_space<hbm>>) target(%dma_start3A_1788 : memref<64x256xf32, #tpu.memory_space<vmem>>) offsets(%dma_start3A_1791 : memref<64xi32, #tpu.memory_space<vmem>>) semaphore(%arg9 : memref<!tpu.dma_semaphore, #tpu.memory_space<semaphore_mem>>)
    %dma_start3A_1795 = arith.constant 1 : i32
    %dma_start3A_1796 = arith.constant 1 : i32
    %dma_start3A_1797 = arith.constant 64 : i32
    %dma_start3A_1798 = arith.constant 0 : i32
    %dma_start3A_1799 = tpu.memref_slice %arg8[%dma_start3A_1796, %dma_start3A_1797, %dma_start3A_1798] : memref<3x128x256xf32, #tpu.memory_space<vmem>> -> memref<1x64x256xf32, #tpu.memory_space<vmem>>
    %dma_start3A_1800 = tpu.memref_squeeze %dma_start3A_1799 : memref<1x64x256xf32, #tpu.memory_space<vmem>> -> memref<64x256xf32, #tpu.memory_space<vmem>>
    %dma_start3A_1801 = arith.constant 0 : i32
    %dma_start3A_1802 = tpu.memref_slice %arg7[%dma_start3A_1795, %dma_start3A_1801] : memref<3x64xi32, #tpu.memory_space<vmem>> -> memref<1x64xi32, #tpu.memory_space<vmem>>
    %dma_start3A_1803 = tpu.memref_squeeze %dma_start3A_1802 : memref<1x64xi32, #tpu.memory_space<vmem>> -> memref<64xi32, #tpu.memory_space<vmem>>
    %dma_start3A_1804 = arith.constant 0 : i32
    %dma_start3A_1805 = arith.constant 0 : i32
    %dma_start3A_1806 = tpu.memref_slice %arg2[%dma_start3A_1804, %dma_start3A_1805] : memref<19200x256xf32, #tpu.memory_space<hbm>> -> memref<19200x256xf32, #tpu.memory_space<hbm>>
    tpu.enqueue_indirect_dma source(%dma_start3A_1806 : memref<19200x256xf32, #tpu.memory_space<hbm>>) target(%dma_start3A_1800 : memref<64x256xf32, #tpu.memory_space<vmem>>) offsets(%dma_start3A_1803 : memref<64xi32, #tpu.memory_space<vmem>>) semaphore(%arg9 : memref<!tpu.dma_semaphore, #tpu.memory_space<semaphore_mem>>)
    %dma_wait3A_1807 = arith.constant 2 : i32
    %dma_wait3A_1808 = arith.constant 2 : i32
    %dma_wait3A_1809 = arith.constant 0 : i32
    %dma_wait3A_1810 = arith.constant 0 : i32
    %dma_wait3A_1811 = tpu.memref_slice %arg8[%dma_wait3A_1808, %dma_wait3A_1809, %dma_wait3A_1810] : memref<3x128x256xf32, #tpu.memory_space<vmem>> -> memref<1x64x256xf32, #tpu.memory_space<vmem>>
    %dma_wait3A_1812 = tpu.memref_squeeze %dma_wait3A_1811 : memref<1x64x256xf32, #tpu.memory_space<vmem>> -> memref<64x256xf32, #tpu.memory_space<vmem>>
    %dma_wait3A_1813 = arith.constant 0 : i32
    %dma_wait3A_1814 = tpu.memref_slice %arg6[%dma_wait3A_1807, %dma_wait3A_1813] : memref<3x64xi32, #tpu.memory_space<vmem>> -> memref<1x64xi32, #tpu.memory_space<vmem>>
    %dma_wait3A_1815 = tpu.memref_squeeze %dma_wait3A_1814 : memref<1x64xi32, #tpu.memory_space<vmem>> -> memref<64xi32, #tpu.memory_space<vmem>>
    %dma_wait3A_1816 = arith.constant 0 : i32
    %dma_wait3A_1817 = arith.constant 0 : i32
    %dma_wait3A_1818 = tpu.memref_slice %arg2[%dma_wait3A_1816, %dma_wait3A_1817] : memref<19200x256xf32, #tpu.memory_space<hbm>> -> memref<19200x256xf32, #tpu.memory_space<hbm>>
    tpu.wait_indirect_dma semaphore(%arg9 : memref<!tpu.dma_semaphore, #tpu.memory_space<semaphore_mem>>) src(%dma_wait3A_1818 : memref<19200x256xf32, #tpu.memory_space<hbm>>) dst(%dma_wait3A_1812 : memref<64x256xf32, #tpu.memory_space<vmem>>)
    %dma_wait3A_1819 = arith.constant 2 : i32
    %dma_wait3A_1820 = arith.constant 2 : i32
    %dma_wait3A_1821 = arith.constant 64 : i32
    %dma_wait3A_1822 = arith.constant 0 : i32
    %dma_wait3A_1823 = tpu.memref_slice %arg8[%dma_wait3A_1820, %dma_wait3A_1821, %dma_wait3A_1822] : memref<3x128x256xf32, #tpu.memory_space<vmem>> -> memref<1x64x256xf32, #tpu.memory_space<vmem>>
    %dma_wait3A_1824 = tpu.memref_squeeze %dma_wait3A_1823 : memref<1x64x256xf32, #tpu.memory_space<vmem>> -> memref<64x256xf32, #tpu.memory_space<vmem>>
    %dma_wait3A_1825 = arith.constant 0 : i32
    %dma_wait3A_1826 = tpu.memref_slice %arg7[%dma_wait3A_1819, %dma_wait3A_1825] : memref<3x64xi32, #tpu.memory_space<vmem>> -> memref<1x64xi32, #tpu.memory_space<vmem>>
    %dma_wait3A_1827 = tpu.memref_squeeze %dma_wait3A_1826 : memref<1x64xi32, #tpu.memory_space<vmem>> -> memref<64xi32, #tpu.memory_space<vmem>>
    %dma_wait3A_1828 = arith.constant 0 : i32
    %dma_wait3A_1829 = arith.constant 0 : i32
    %dma_wait3A_1830 = tpu.memref_slice %arg2[%dma_wait3A_1828, %dma_wait3A_1829] : memref<19200x256xf32, #tpu.memory_space<hbm>> -> memref<19200x256xf32, #tpu.memory_space<hbm>>
    tpu.wait_indirect_dma semaphore(%arg9 : memref<!tpu.dma_semaphore, #tpu.memory_space<semaphore_mem>>) src(%dma_wait3A_1830 : memref<19200x256xf32, #tpu.memory_space<hbm>>) dst(%dma_wait3A_1824 : memref<64x256xf32, #tpu.memory_space<vmem>>)
    %scan3A_1831 = arith.constant 0 : i32
    %scan3A_1832 = arith.constant 0 : i32
    %scan3A_1833 = arith.constant 64 : i32
    %scan3A_1834 = arith.addi %scan3A_1832, %scan3A_1833 : i32
    %scan3A_1835 = arith.constant 1 : i32
    scf.for %scan3A_2011 = %scan3A_1832 to %scan3A_1834 step %scan3A_1835  : i32 {
      %add3A_2012 = arith.constant 64 : i32
      %add3A_2013 = arith.addi %scan3A_2011, %add3A_2012 : i32
      %get3A_2014 = arith.constant 2 : i32
      %get3A_2015 = arith.index_cast %get3A_2014 : i32 to index
      %get3A_2016 = arith.index_cast %add3A_2013 : i32 to index
      %get3A_2017 = arith.constant 0 : index
      %get3A_2018 = tpu.vector_load %arg8[%get3A_2015, %get3A_2016, %get3A_2017] {strides = array<i32>} : memref<3x128x256xf32, #tpu.memory_space<vmem>>, vector<1x1x16xf32>,
      %get3A_2019 = vector.shape_cast %get3A_2018 : vector<1x1x16xf32> to vector<16xf32>
      %swap3A_2020 = arith.constant 2 : i32
      %swap3A_2021 = arith.index_cast %swap3A_2020 : i32 to index
      %swap3A_2022 = arith.index_cast %scan3A_2011 : i32 to index
      %swap3A_2023 = arith.constant 0 : index
      %swap3A_2024 = tpu.vector_load %arg8[%swap3A_2021, %swap3A_2022, %swap3A_2023] {strides = array<i32>} : memref<3x128x256xf32, #tpu.memory_space<vmem>>, vector<1x1x16xf32>,
      %swap3A_2025 = vector.shape_cast %swap3A_2024 : vector<1x1x16xf32> to vector<16xf32>
      %swap3A_2026 = vector.shape_cast %get3A_2019 : vector<16xf32> to vector<1x1x16xf32>
      tpu.vector_store %arg8[%swap3A_2021, %swap3A_2022, %swap3A_2023], %swap3A_2026 {add = true, strides = array<i32>} : memref<3x128x256xf32, #tpu.memory_space<vmem>>, vector<1x1x16xf32>,
      %add3A_2027 = arith.constant 64 : i32
      %add3A_2028 = arith.addi %scan3A_2011, %add3A_2027 : i32
      %get3A_2029 = arith.constant 2 : i32
      %get3A_2030 = arith.index_cast %get3A_2029 : i32 to index
      %get3A_2031 = arith.index_cast %add3A_2028 : i32 to index
      %get3A_2032 = arith.constant 16 : index
      %get3A_2033 = tpu.vector_load %arg8[%get3A_2030, %get3A_2031, %get3A_2032] {strides = array<i32>} : memref<3x128x256xf32, #tpu.memory_space<vmem>>, vector<1x1x16xf32>,
      %get3A_2034 = vector.shape_cast %get3A_2033 : vector<1x1x16xf32> to vector<16xf32>
      %swap3A_2035 = arith.constant 2 : i32
      %swap3A_2036 = arith.index_cast %swap3A_2035 : i32 to index
      %swap3A_2037 = arith.index_cast %scan3A_2011 : i32 to index
      %swap3A_2038 = arith.constant 16 : index
      %swap3A_2039 = tpu.vector_load %arg8[%swap3A_2036, %swap3A_2037, %swap3A_2038] {strides = array<i32>} : memref<3x128x256xf32, #tpu.memory_space<vmem>>, vector<1x1x16xf32>,
      %swap3A_2040 = vector.shape_cast %swap3A_2039 : vector<1x1x16xf32> to vector<16xf32>
      %swap3A_2041 = vector.shape_cast %get3A_2034 : vector<16xf32> to vector<1x1x16xf32>
      tpu.vector_store %arg8[%swap3A_2036, %swap3A_2037, %swap3A_2038], %swap3A_2041 {add = true, strides = array<i32>} : memref<3x128x256xf32, #tpu.memory_space<vmem>>, vector<1x1x16xf32>,
      %add3A_2042 = arith.constant 64 : i32
      %add3A_2043 = arith.addi %scan3A_2011, %add3A_2042 : i32
      %get3A_2044 = arith.constant 2 : i32
      %get3A_2045 = arith.index_cast %get3A_2044 : i32 to index
      %get3A_2046 = arith.index_cast %add3A_2043 : i32 to index
      %get3A_2047 = arith.constant 32 : index
      %get3A_2048 = tpu.vector_load %arg8[%get3A_2045, %get3A_2046, %get3A_2047] {strides = array<i32>} : memref<3x128x256xf32, #tpu.memory_space<vmem>>, vector<1x1x16xf32>,
      %get3A_2049 = vector.shape_cast %get3A_2048 : vector<1x1x16xf32> to vector<16xf32>
      %swap3A_2050 = arith.constant 2 : i32
      %swap3A_2051 = arith.index_cast %swap3A_2050 : i32 to index
      %swap3A_2052 = arith.index_cast %scan3A_2011 : i32 to index
      %swap3A_2053 = arith.constant 32 : index
      %swap3A_2054 = tpu.vector_load %arg8[%swap3A_2051, %swap3A_2052, %swap3A_2053] {strides = array<i32>} : memref<3x128x256xf32, #tpu.memory_space<vmem>>, vector<1x1x16xf32>,
      %swap3A_2055 = vector.shape_cast %swap3A_2054 : vector<1x1x16xf32> to vector<16xf32>
      %swap3A_2056 = vector.shape_cast %get3A_2049 : vector<16xf32> to vector<1x1x16xf32>
      tpu.vector_store %arg8[%swap3A_2051, %swap3A_2052, %swap3A_2053], %swap3A_2056 {add = true, strides = array<i32>} : memref<3x128x256xf32, #tpu.memory_space<vmem>>, vector<1x1x16xf32>,
      %add3A_2057 = arith.constant 64 : i32
      %add3A_2058 = arith.addi %scan3A_2011, %add3A_2057 : i32
      %get3A_2059 = arith.constant 2 : i32
      %get3A_2060 = arith.index_cast %get3A_2059 : i32 to index
      %get3A_2061 = arith.index_cast %add3A_2058 : i32 to index
      %get3A_2062 = arith.constant 48 : index
      %get3A_2063 = tpu.vector_load %arg8[%get3A_2060, %get3A_2061, %get3A_2062] {strides = array<i32>} : memref<3x128x256xf32, #tpu.memory_space<vmem>>, vector<1x1x16xf32>,
      %get3A_2064 = vector.shape_cast %get3A_2063 : vector<1x1x16xf32> to vector<16xf32>
      %swap3A_2065 = arith.constant 2 : i32
      %swap3A_2066 = arith.index_cast %swap3A_2065 : i32 to index
      %swap3A_2067 = arith.index_cast %scan3A_2011 : i32 to index
      %swap3A_2068 = arith.constant 48 : index
      %swap3A_2069 = tpu.vector_load %arg8[%swap3A_2066, %swap3A_2067, %swap3A_2068] {strides = array<i32>} : memref<3x128x256xf32, #tpu.memory_space<vmem>>, vector<1x1x16xf32>,
      %swap3A_2070 = vector.shape_cast %swap3A_2069 : vector<1x1x16xf32> to vector<16xf32>
      %swap3A_2071 = vector.shape_cast %get3A_2064 : vector<16xf32> to vector<1x1x16xf32>
      tpu.vector_store %arg8[%swap3A_2066, %swap3A_2067, %swap3A_2068], %swap3A_2071 {add = true, strides = array<i32>} : memref<3x128x256xf32, #tpu.memory_space<vmem>>, vector<1x1x16xf32>,
      %add3A_2072 = arith.constant 64 : i32
      %add3A_2073 = arith.addi %scan3A_2011, %add3A_2072 : i32
      %get3A_2074 = arith.constant 2 : i32
      %get3A_2075 = arith.index_cast %get3A_2074 : i32 to index
      %get3A_2076 = arith.index_cast %add3A_2073 : i32 to index
      %get3A_2077 = arith.constant 64 : index
      %get3A_2078 = tpu.vector_load %arg8[%get3A_2075, %get3A_2076, %get3A_2077] {strides = array<i32>} : memref<3x128x256xf32, #tpu.memory_space<vmem>>, vector<1x1x16xf32>,
      %get3A_2079 = vector.shape_cast %get3A_2078 : vector<1x1x16xf32> to vector<16xf32>
      %swap3A_2080 = arith.constant 2 : i32
      %swap3A_2081 = arith.index_cast %swap3A_2080 : i32 to index
      %swap3A_2082 = arith.index_cast %scan3A_2011 : i32 to index
      %swap3A_2083 = arith.constant 64 : index
      %swap3A_2084 = tpu.vector_load %arg8[%swap3A_2081, %swap3A_2082, %swap3A_2083] {strides = array<i32>} : memref<3x128x256xf32, #tpu.memory_space<vmem>>, vector<1x1x16xf32>,
      %swap3A_2085 = vector.shape_cast %swap3A_2084 : vector<1x1x16xf32> to vector<16xf32>
      %swap3A_2086 = vector.shape_cast %get3A_2079 : vector<16xf32> to vector<1x1x16xf32>
      tpu.vector_store %arg8[%swap3A_2081, %swap3A_2082, %swap3A_2083], %swap3A_2086 {add = true, strides = array<i32>} : memref<3x128x256xf32, #tpu.memory_space<vmem>>, vector<1x1x16xf32>,
      %add3A_2087 = arith.constant 64 : i32
      %add3A_2088 = arith.addi %scan3A_2011, %add3A_2087 : i32
      %get3A_2089 = arith.constant 2 : i32
      %get3A_2090 = arith.index_cast %get3A_2089 : i32 to index
      %get3A_2091 = arith.index_cast %add3A_2088 : i32 to index
      %get3A_2092 = arith.constant 80 : index
      %get3A_2093 = tpu.vector_load %arg8[%get3A_2090, %get3A_2091, %get3A_2092] {strides = array<i32>} : memref<3x128x256xf32, #tpu.memory_space<vmem>>, vector<1x1x16xf32>,
      %get3A_2094 = vector.shape_cast %get3A_2093 : vector<1x1x16xf32> to vector<16xf32>
      %swap3A_2095 = arith.constant 2 : i32
      %swap3A_2096 = arith.index_cast %swap3A_2095 : i32 to index
      %swap3A_2097 = arith.index_cast %scan3A_2011 : i32 to index
      %swap3A_2098 = arith.constant 80 : index
      %swap3A_2099 = tpu.vector_load %arg8[%swap3A_2096, %swap3A_2097, %swap3A_2098] {strides = array<i32>} : memref<3x128x256xf32, #tpu.memory_space<vmem>>, vector<1x1x16xf32>,
      %swap3A_2100 = vector.shape_cast %swap3A_2099 : vector<1x1x16xf32> to vector<16xf32>
      %swap3A_2101 = vector.shape_cast %get3A_2094 : vector<16xf32> to vector<1x1x16xf32>
      tpu.vector_store %arg8[%swap3A_2096, %swap3A_2097, %swap3A_2098], %swap3A_2101 {add = true, strides = array<i32>} : memref<3x128x256xf32, #tpu.memory_space<vmem>>, vector<1x1x16xf32>,
      %add3A_2102 = arith.constant 64 : i32
      %add3A_2103 = arith.addi %scan3A_2011, %add3A_2102 : i32
      %get3A_2104 = arith.constant 2 : i32
      %get3A_2105 = arith.index_cast %get3A_2104 : i32 to index
      %get3A_2106 = arith.index_cast %add3A_2103 : i32 to index
      %get3A_2107 = arith.constant 96 : index
      %get3A_2108 = tpu.vector_load %arg8[%get3A_2105, %get3A_2106, %get3A_2107] {strides = array<i32>} : memref<3x128x256xf32, #tpu.memory_space<vmem>>, vector<1x1x16xf32>,
      %get3A_2109 = vector.shape_cast %get3A_2108 : vector<1x1x16xf32> to vector<16xf32>
      %swap3A_2110 = arith.constant 2 : i32
      %swap3A_2111 = arith.index_cast %swap3A_2110 : i32 to index
      %swap3A_2112 = arith.index_cast %scan3A_2011 : i32 to index
      %swap3A_2113 = arith.constant 96 : index
      %swap3A_2114 = tpu.vector_load %arg8[%swap3A_2111, %swap3A_2112, %swap3A_2113] {strides = array<i32>} : memref<3x128x256xf32, #tpu.memory_space<vmem>>, vector<1x1x16xf32>,
      %swap3A_2115 = vector.shape_cast %swap3A_2114 : vector<1x1x16xf32> to vector<16xf32>
      %swap3A_2116 = vector.shape_cast %get3A_2109 : vector<16xf32> to vector<1x1x16xf32>
      tpu.vector_store %arg8[%swap3A_2111, %swap3A_2112, %swap3A_2113], %swap3A_2116 {add = true, strides = array<i32>} : memref<3x128x256xf32, #tpu.memory_space<vmem>>, vector<1x1x16xf32>,
      %add3A_2117 = arith.constant 64 : i32
      %add3A_2118 = arith.addi %scan3A_2011, %add3A_2117 : i32
      %get3A_2119 = arith.constant 2 : i32
      %get3A_2120 = arith.index_cast %get3A_2119 : i32 to index
      %get3A_2121 = arith.index_cast %add3A_2118 : i32 to index
      %get3A_2122 = arith.constant 112 : index
      %get3A_2123 = tpu.vector_load %arg8[%get3A_2120, %get3A_2121, %get3A_2122] {strides = array<i32>} : memref<3x128x256xf32, #tpu.memory_space<vmem>>, vector<1x1x16xf32>,
      %get3A_2124 = vector.shape_cast %get3A_2123 : vector<1x1x16xf32> to vector<16xf32>
      %swap3A_2125 = arith.constant 2 : i32
      %swap3A_2126 = arith.index_cast %swap3A_2125 : i32 to index
      %swap3A_2127 = arith.index_cast %scan3A_2011 : i32 to index
      %swap3A_2128 = arith.constant 112 : index
      %swap3A_2129 = tpu.vector_load %arg8[%swap3A_2126, %swap3A_2127, %swap3A_2128] {strides = array<i32>} : memref<3x128x256xf32, #tpu.memory_space<vmem>>, vector<1x1x16xf32>,
      %swap3A_2130 = vector.shape_cast %swap3A_2129 : vector<1x1x16xf32> to vector<16xf32>
      %swap3A_2131 = vector.shape_cast %get3A_2124 : vector<16xf32> to vector<1x1x16xf32>
      tpu.vector_store %arg8[%swap3A_2126, %swap3A_2127, %swap3A_2128], %swap3A_2131 {add = true, strides = array<i32>} : memref<3x128x256xf32, #tpu.memory_space<vmem>>, vector<1x1x16xf32>,
      %add3A_2132 = arith.constant 64 : i32
      %add3A_2133 = arith.addi %scan3A_2011, %add3A_2132 : i32
      %get3A_2134 = arith.constant 2 : i32
      %get3A_2135 = arith.index_cast %get3A_2134 : i32 to index
      %get3A_2136 = arith.index_cast %add3A_2133 : i32 to index
      %get3A_2137 = arith.constant 128 : index
      %get3A_2138 = tpu.vector_load %arg8[%get3A_2135, %get3A_2136, %get3A_2137] {strides = array<i32>} : memref<3x128x256xf32, #tpu.memory_space<vmem>>, vector<1x1x16xf32>,
      %get3A_2139 = vector.shape_cast %get3A_2138 : vector<1x1x16xf32> to vector<16xf32>
      %swap3A_2140 = arith.constant 2 : i32
      %swap3A_2141 = arith.index_cast %swap3A_2140 : i32 to index
      %swap3A_2142 = arith.index_cast %scan3A_2011 : i32 to index
      %swap3A_2143 = arith.constant 128 : index
      %swap3A_2144 = tpu.vector_load %arg8[%swap3A_2141, %swap3A_2142, %swap3A_2143] {strides = array<i32>} : memref<3x128x256xf32, #tpu.memory_space<vmem>>, vector<1x1x16xf32>,
      %swap3A_2145 = vector.shape_cast %swap3A_2144 : vector<1x1x16xf32> to vector<16xf32>
      %swap3A_2146 = vector.shape_cast %get3A_2139 : vector<16xf32> to vector<1x1x16xf32>
      tpu.vector_store %arg8[%swap3A_2141, %swap3A_2142, %swap3A_2143], %swap3A_2146 {add = true, strides = array<i32>} : memref<3x128x256xf32, #tpu.memory_space<vmem>>, vector<1x1x16xf32>,
      %add3A_2147 = arith.constant 64 : i32
      %add3A_2148 = arith.addi %scan3A_2011, %add3A_2147 : i32
      %get3A_2149 = arith.constant 2 : i32
      %get3A_2150 = arith.index_cast %get3A_2149 : i32 to index
      %get3A_2151 = arith.index_cast %add3A_2148 : i32 to index
      %get3A_2152 = arith.constant 144 : index
      %get3A_2153 = tpu.vector_load %arg8[%get3A_2150, %get3A_2151, %get3A_2152] {strides = array<i32>} : memref<3x128x256xf32, #tpu.memory_space<vmem>>, vector<1x1x16xf32>,
      %get3A_2154 = vector.shape_cast %get3A_2153 : vector<1x1x16xf32> to vector<16xf32>
      %swap3A_2155 = arith.constant 2 : i32
      %swap3A_2156 = arith.index_cast %swap3A_2155 : i32 to index
      %swap3A_2157 = arith.index_cast %scan3A_2011 : i32 to index
      %swap3A_2158 = arith.constant 144 : index
      %swap3A_2159 = tpu.vector_load %arg8[%swap3A_2156, %swap3A_2157, %swap3A_2158] {strides = array<i32>} : memref<3x128x256xf32, #tpu.memory_space<vmem>>, vector<1x1x16xf32>,
      %swap3A_2160 = vector.shape_cast %swap3A_2159 : vector<1x1x16xf32> to vector<16xf32>
      %swap3A_2161 = vector.shape_cast %get3A_2154 : vector<16xf32> to vector<1x1x16xf32>
      tpu.vector_store %arg8[%swap3A_2156, %swap3A_2157, %swap3A_2158], %swap3A_2161 {add = true, strides = array<i32>} : memref<3x128x256xf32, #tpu.memory_space<vmem>>, vector<1x1x16xf32>,
      %add3A_2162 = arith.constant 64 : i32
      %add3A_2163 = arith.addi %scan3A_2011, %add3A_2162 : i32
      %get3A_2164 = arith.constant 2 : i32
      %get3A_2165 = arith.index_cast %get3A_2164 : i32 to index
      %get3A_2166 = arith.index_cast %add3A_2163 : i32 to index
      %get3A_2167 = arith.constant 160 : index
      %get3A_2168 = tpu.vector_load %arg8[%get3A_2165, %get3A_2166, %get3A_2167] {strides = array<i32>} : memref<3x128x256xf32, #tpu.memory_space<vmem>>, vector<1x1x16xf32>,
      %get3A_2169 = vector.shape_cast %get3A_2168 : vector<1x1x16xf32> to vector<16xf32>
      %swap3A_2170 = arith.constant 2 : i32
      %swap3A_2171 = arith.index_cast %swap3A_2170 : i32 to index
      %swap3A_2172 = arith.index_cast %scan3A_2011 : i32 to index
      %swap3A_2173 = arith.constant 160 : index
      %swap3A_2174 = tpu.vector_load %arg8[%swap3A_2171, %swap3A_2172, %swap3A_2173] {strides = array<i32>} : memref<3x128x256xf32, #tpu.memory_space<vmem>>, vector<1x1x16xf32>,
      %swap3A_2175 = vector.shape_cast %swap3A_2174 : vector<1x1x16xf32> to vector<16xf32>
      %swap3A_2176 = vector.shape_cast %get3A_2169 : vector<16xf32> to vector<1x1x16xf32>
      tpu.vector_store %arg8[%swap3A_2171, %swap3A_2172, %swap3A_2173], %swap3A_2176 {add = true, strides = array<i32>} : memref<3x128x256xf32, #tpu.memory_space<vmem>>, vector<1x1x16xf32>,
      %add3A_2177 = arith.constant 64 : i32
      %add3A_2178 = arith.addi %scan3A_2011, %add3A_2177 : i32
      %get3A_2179 = arith.constant 2 : i32
      %get3A_2180 = arith.index_cast %get3A_2179 : i32 to index
      %get3A_2181 = arith.index_cast %add3A_2178 : i32 to index
      %get3A_2182 = arith.constant 176 : index
      %get3A_2183 = tpu.vector_load %arg8[%get3A_2180, %get3A_2181, %get3A_2182] {strides = array<i32>} : memref<3x128x256xf32, #tpu.memory_space<vmem>>, vector<1x1x16xf32>,
      %get3A_2184 = vector.shape_cast %get3A_2183 : vector<1x1x16xf32> to vector<16xf32>
      %swap3A_2185 = arith.constant 2 : i32
      %swap3A_2186 = arith.index_cast %swap3A_2185 : i32 to index
      %swap3A_2187 = arith.index_cast %scan3A_2011 : i32 to index
      %swap3A_2188 = arith.constant 176 : index
      %swap3A_2189 = tpu.vector_load %arg8[%swap3A_2186, %swap3A_2187, %swap3A_2188] {strides = array<i32>} : memref<3x128x256xf32, #tpu.memory_space<vmem>>, vector<1x1x16xf32>,
      %swap3A_2190 = vector.shape_cast %swap3A_2189 : vector<1x1x16xf32> to vector<16xf32>
      %swap3A_2191 = vector.shape_cast %get3A_2184 : vector<16xf32> to vector<1x1x16xf32>
      tpu.vector_store %arg8[%swap3A_2186, %swap3A_2187, %swap3A_2188], %swap3A_2191 {add = true, strides = array<i32>} : memref<3x128x256xf32, #tpu.memory_space<vmem>>, vector<1x1x16xf32>,
      %add3A_2192 = arith.constant 64 : i32
      %add3A_2193 = arith.addi %scan3A_2011, %add3A_2192 : i32
      %get3A_2194 = arith.constant 2 : i32
      %get3A_2195 = arith.index_cast %get3A_2194 : i32 to index
      %get3A_2196 = arith.index_cast %add3A_2193 : i32 to index
      %get3A_2197 = arith.constant 192 : index
      %get3A_2198 = tpu.vector_load %arg8[%get3A_2195, %get3A_2196, %get3A_2197] {strides = array<i32>} : memref<3x128x256xf32, #tpu.memory_space<vmem>>, vector<1x1x16xf32>,
      %get3A_2199 = vector.shape_cast %get3A_2198 : vector<1x1x16xf32> to vector<16xf32>
      %swap3A_2200 = arith.constant 2 : i32
      %swap3A_2201 = arith.index_cast %swap3A_2200 : i32 to index
      %swap3A_2202 = arith.index_cast %scan3A_2011 : i32 to index
      %swap3A_2203 = arith.constant 192 : index
      %swap3A_2204 = tpu.vector_load %arg8[%swap3A_2201, %swap3A_2202, %swap3A_2203] {strides = array<i32>} : memref<3x128x256xf32, #tpu.memory_space<vmem>>, vector<1x1x16xf32>,
      %swap3A_2205 = vector.shape_cast %swap3A_2204 : vector<1x1x16xf32> to vector<16xf32>
      %swap3A_2206 = vector.shape_cast %get3A_2199 : vector<16xf32> to vector<1x1x16xf32>
      tpu.vector_store %arg8[%swap3A_2201, %swap3A_2202, %swap3A_2203], %swap3A_2206 {add = true, strides = array<i32>} : memref<3x128x256xf32, #tpu.memory_space<vmem>>, vector<1x1x16xf32>,
      %add3A_2207 = arith.constant 64 : i32
      %add3A_2208 = arith.addi %scan3A_2011, %add3A_2207 : i32
      %get3A_2209 = arith.constant 2 : i32
      %get3A_2210 = arith.index_cast %get3A_2209 : i32 to index
      %get3A_2211 = arith.index_cast %add3A_2208 : i32 to index
      %get3A_2212 = arith.constant 208 : index
      %get3A_2213 = tpu.vector_load %arg8[%get3A_2210, %get3A_2211, %get3A_2212] {strides = array<i32>} : memref<3x128x256xf32, #tpu.memory_space<vmem>>, vector<1x1x16xf32>,
      %get3A_2214 = vector.shape_cast %get3A_2213 : vector<1x1x16xf32> to vector<16xf32>
      %swap3A_2215 = arith.constant 2 : i32
      %swap3A_2216 = arith.index_cast %swap3A_2215 : i32 to index
      %swap3A_2217 = arith.index_cast %scan3A_2011 : i32 to index
      %swap3A_2218 = arith.constant 208 : index
      %swap3A_2219 = tpu.vector_load %arg8[%swap3A_2216, %swap3A_2217, %swap3A_2218] {strides = array<i32>} : memref<3x128x256xf32, #tpu.memory_space<vmem>>, vector<1x1x16xf32>,
      %swap3A_2220 = vector.shape_cast %swap3A_2219 : vector<1x1x16xf32> to vector<16xf32>
      %swap3A_2221 = vector.shape_cast %get3A_2214 : vector<16xf32> to vector<1x1x16xf32>
      tpu.vector_store %arg8[%swap3A_2216, %swap3A_2217, %swap3A_2218], %swap3A_2221 {add = true, strides = array<i32>} : memref<3x128x256xf32, #tpu.memory_space<vmem>>, vector<1x1x16xf32>,
      %add3A_2222 = arith.constant 64 : i32
      %add3A_2223 = arith.addi %scan3A_2011, %add3A_2222 : i32
      %get3A_2224 = arith.constant 2 : i32
      %get3A_2225 = arith.index_cast %get3A_2224 : i32 to index
      %get3A_2226 = arith.index_cast %add3A_2223 : i32 to index
      %get3A_2227 = arith.constant 224 : index
      %get3A_2228 = tpu.vector_load %arg8[%get3A_2225, %get3A_2226, %get3A_2227] {strides = array<i32>} : memref<3x128x256xf32, #tpu.memory_space<vmem>>, vector<1x1x16xf32>,
      %get3A_2229 = vector.shape_cast %get3A_2228 : vector<1x1x16xf32> to vector<16xf32>
      %swap3A_2230 = arith.constant 2 : i32
      %swap3A_2231 = arith.index_cast %swap3A_2230 : i32 to index
      %swap3A_2232 = arith.index_cast %scan3A_2011 : i32 to index
      %swap3A_2233 = arith.constant 224 : index
      %swap3A_2234 = tpu.vector_load %arg8[%swap3A_2231, %swap3A_2232, %swap3A_2233] {strides = array<i32>} : memref<3x128x256xf32, #tpu.memory_space<vmem>>, vector<1x1x16xf32>,
      %swap3A_2235 = vector.shape_cast %swap3A_2234 : vector<1x1x16xf32> to vector<16xf32>
      %swap3A_2236 = vector.shape_cast %get3A_2229 : vector<16xf32> to vector<1x1x16xf32>
      tpu.vector_store %arg8[%swap3A_2231, %swap3A_2232, %swap3A_2233], %swap3A_2236 {add = true, strides = array<i32>} : memref<3x128x256xf32, #tpu.memory_space<vmem>>, vector<1x1x16xf32>,
      %add3A_2237 = arith.constant 64 : i32
      %add3A_2238 = arith.addi %scan3A_2011, %add3A_2237 : i32
      %get3A_2239 = arith.constant 2 : i32
      %get3A_2240 = arith.index_cast %get3A_2239 : i32 to index
      %get3A_2241 = arith.index_cast %add3A_2238 : i32 to index
      %get3A_2242 = arith.constant 240 : index
      %get3A_2243 = tpu.vector_load %arg8[%get3A_2240, %get3A_2241, %get3A_2242] {strides = array<i32>} : memref<3x128x256xf32, #tpu.memory_space<vmem>>, vector<1x1x16xf32>,
      %get3A_2244 = vector.shape_cast %get3A_2243 : vector<1x1x16xf32> to vector<16xf32>
      %swap3A_2245 = arith.constant 2 : i32
      %swap3A_2246 = arith.index_cast %swap3A_2245 : i32 to index
      %swap3A_2247 = arith.index_cast %scan3A_2011 : i32 to index
      %swap3A_2248 = arith.constant 240 : index
      %swap3A_2249 = tpu.vector_load %arg8[%swap3A_2246, %swap3A_2247, %swap3A_2248] {strides = array<i32>} : memref<3x128x256xf32, #tpu.memory_space<vmem>>, vector<1x1x16xf32>,
      %swap3A_2250 = vector.shape_cast %swap3A_2249 : vector<1x1x16xf32> to vector<16xf32>
      %swap3A_2251 = vector.shape_cast %get3A_2244 : vector<16xf32> to vector<1x1x16xf32>
      tpu.vector_store %arg8[%swap3A_2246, %swap3A_2247, %swap3A_2248], %swap3A_2251 {add = true, strides = array<i32>} : memref<3x128x256xf32, #tpu.memory_space<vmem>>, vector<1x1x16xf32>,
    }
    %scan3A_1836 = arith.constant 64 : i32
    %mul3A_1837 = arith.constant 4 : i32
    %mul3A_1838 = arith.muli %add3A, %mul3A_1837 : i32
    %add3A_1839 = arith.constant 2 : i32
    %add3A_1840 = arith.addi %mul3A_1838, %add3A_1839 : i32
    %dma_start3A_1841 = arith.constant 2 : i32
    %dma_start3A_1842 = arith.constant 0 : i32
    %dma_start3A_1843 = arith.constant 0 : i32
    %dma_start3A_1844 = tpu.memref_slice %arg8[%dma_start3A_1841, %dma_start3A_1842, %dma_start3A_1843] : memref<3x128x256xf32, #tpu.memory_space<vmem>> -> memref<1x64x256xf32, #tpu.memory_space<vmem>>
    %dma_start3A_1845 = tpu.memref_squeeze %dma_start3A_1844 : memref<1x64x256xf32, #tpu.memory_space<vmem>> -> memref<64x256xf32, #tpu.memory_space<vmem>>
    %dma_start3A_1846 = arith.constant 64 : i32
    %dma_start3A_1847 = arith.constant 0 : i32
    %dma_start3A_1848 = tpu.memref_slice %arg4[%add3A_1840, %dma_start3A_1846, %dma_start3A_1847] : memref<128x128x256xf32, #tpu.memory_space<hbm>> -> memref<1x64x256xf32, #tpu.memory_space<hbm>>
    %dma_start3A_1849 = tpu.memref_squeeze %dma_start3A_1848 : memref<1x64x256xf32, #tpu.memory_space<hbm>> -> memref<64x256xf32, #tpu.memory_space<hbm>>
    %dma_start3A_1850 = arith.constant 64 : i32
    %dma_start3A_1851 = arith.constant 0 : i32
    %dma_start3A_1852 = tpu.memref_slice %arg4[%add3A_1840, %dma_start3A_1850, %dma_start3A_1851] : memref<128x128x256xf32, #tpu.memory_space<hbm>> -> memref<1x64x256xf32, #tpu.memory_space<hbm>>
    %dma_start3A_1853 = tpu.memref_squeeze %dma_start3A_1852 : memref<1x64x256xf32, #tpu.memory_space<hbm>> -> memref<64x256xf32, #tpu.memory_space<hbm>>
    %dma_start3A_1854 = arith.constant 0 : i32
    %dma_start3A_1855 = arith.constant 0 : i32
    %dma_start3A_1856 = tpu.memref_slice %arg8[%dma_start3A_1841, %dma_start3A_1854, %dma_start3A_1855] : memref<3x128x256xf32, #tpu.memory_space<vmem>> -> memref<1x64x256xf32, #tpu.memory_space<vmem>>
    %dma_start3A_1857 = tpu.memref_squeeze %dma_start3A_1856 : memref<1x64x256xf32, #tpu.memory_space<vmem>> -> memref<64x256xf32, #tpu.memory_space<vmem>>
    tpu.enqueue_dma source(%dma_start3A_1857 : memref<64x256xf32, #tpu.memory_space<vmem>>) target(%dma_start3A_1853 : memref<64x256xf32, #tpu.memory_space<hbm>>) target_semaphore(%arg10 : memref<!tpu.dma_semaphore, #tpu.memory_space<semaphore_mem>>)
    %dma_wait3A_1858 = arith.constant 0 : i32
    %dma_wait3A_1859 = arith.constant 0 : i32
    %dma_wait3A_1860 = arith.constant 0 : i32
    %dma_wait3A_1861 = arith.constant 0 : i32
    %dma_wait3A_1862 = tpu.memref_slice %arg8[%dma_wait3A_1859, %dma_wait3A_1860, %dma_wait3A_1861] : memref<3x128x256xf32, #tpu.memory_space<vmem>> -> memref<1x64x256xf32, #tpu.memory_space<vmem>>
    %dma_wait3A_1863 = tpu.memref_squeeze %dma_wait3A_1862 : memref<1x64x256xf32, #tpu.memory_space<vmem>> -> memref<64x256xf32, #tpu.memory_space<vmem>>
    %dma_wait3A_1864 = arith.constant 0 : i32
    %dma_wait3A_1865 = tpu.memref_slice %arg6[%dma_wait3A_1858, %dma_wait3A_1864] : memref<3x64xi32, #tpu.memory_space<vmem>> -> memref<1x64xi32, #tpu.memory_space<vmem>>
    %dma_wait3A_1866 = tpu.memref_squeeze %dma_wait3A_1865 : memref<1x64xi32, #tpu.memory_space<vmem>> -> memref<64xi32, #tpu.memory_space<vmem>>
    %dma_wait3A_1867 = arith.constant 0 : i32
    %dma_wait3A_1868 = arith.constant 0 : i32
    %dma_wait3A_1869 = tpu.memref_slice %arg2[%dma_wait3A_1867, %dma_wait3A_1868] : memref<19200x256xf32, #tpu.memory_space<hbm>> -> memref<19200x256xf32, #tpu.memory_space<hbm>>
    tpu.wait_indirect_dma semaphore(%arg9 : memref<!tpu.dma_semaphore, #tpu.memory_space<semaphore_mem>>) src(%dma_wait3A_1869 : memref<19200x256xf32, #tpu.memory_space<hbm>>) dst(%dma_wait3A_1863 : memref<64x256xf32, #tpu.memory_space<vmem>>)
    %dma_wait3A_1870 = arith.constant 0 : i32
    %dma_wait3A_1871 = arith.constant 0 : i32
    %dma_wait3A_1872 = arith.constant 64 : i32
    %dma_wait3A_1873 = arith.constant 0 : i32
    %dma_wait3A_1874 = tpu.memref_slice %arg8[%dma_wait3A_1871, %dma_wait3A_1872, %dma_wait3A_1873] : memref<3x128x256xf32, #tpu.memory_space<vmem>> -> memref<1x64x256xf32, #tpu.memory_space<vmem>>
    %dma_wait3A_1875 = tpu.memref_squeeze %dma_wait3A_1874 : memref<1x64x256xf32, #tpu.memory_space<vmem>> -> memref<64x256xf32, #tpu.memory_space<vmem>>
    %dma_wait3A_1876 = arith.constant 0 : i32
    %dma_wait3A_1877 = tpu.memref_slice %arg7[%dma_wait3A_1870, %dma_wait3A_1876] : memref<3x64xi32, #tpu.memory_space<vmem>> -> memref<1x64xi32, #tpu.memory_space<vmem>>
    %dma_wait3A_1878 = tpu.memref_squeeze %dma_wait3A_1877 : memref<1x64xi32, #tpu.memory_space<vmem>> -> memref<64xi32, #tpu.memory_space<vmem>>
    %dma_wait3A_1879 = arith.constant 0 : i32
    %dma_wait3A_1880 = arith.constant 0 : i32
    %dma_wait3A_1881 = tpu.memref_slice %arg2[%dma_wait3A_1879, %dma_wait3A_1880] : memref<19200x256xf32, #tpu.memory_space<hbm>> -> memref<19200x256xf32, #tpu.memory_space<hbm>>
    tpu.wait_indirect_dma semaphore(%arg9 : memref<!tpu.dma_semaphore, #tpu.memory_space<semaphore_mem>>) src(%dma_wait3A_1881 : memref<19200x256xf32, #tpu.memory_space<hbm>>) dst(%dma_wait3A_1875 : memref<64x256xf32, #tpu.memory_space<vmem>>)
    %scan3A_1882 = arith.constant 0 : i32
    %scan3A_1883 = arith.constant 0 : i32
    %scan3A_1884 = arith.constant 64 : i32
    %scan3A_1885 = arith.addi %scan3A_1883, %scan3A_1884 : i32
    %scan3A_1886 = arith.constant 1 : i32
    scf.for %scan3A_2011 = %scan3A_1883 to %scan3A_1885 step %scan3A_1886  : i32 {
      %add3A_2012 = arith.constant 64 : i32
      %add3A_2013 = arith.addi %scan3A_2011, %add3A_2012 : i32
      %get3A_2014 = arith.constant 0 : i32
      %get3A_2015 = arith.index_cast %get3A_2014 : i32 to index
      %get3A_2016 = arith.index_cast %add3A_2013 : i32 to index
      %get3A_2017 = arith.constant 0 : index
      %get3A_2018 = tpu.vector_load %arg8[%get3A_2015, %get3A_2016, %get3A_2017] {strides = array<i32>} : memref<3x128x256xf32, #tpu.memory_space<vmem>>, vector<1x1x16xf32>,
      %get3A_2019 = vector.shape_cast %get3A_2018 : vector<1x1x16xf32> to vector<16xf32>
      %swap3A_2020 = arith.constant 0 : i32
      %swap3A_2021 = arith.index_cast %swap3A_2020 : i32 to index
      %swap3A_2022 = arith.index_cast %scan3A_2011 : i32 to index
      %swap3A_2023 = arith.constant 0 : index
      %swap3A_2024 = tpu.vector_load %arg8[%swap3A_2021, %swap3A_2022, %swap3A_2023] {strides = array<i32>} : memref<3x128x256xf32, #tpu.memory_space<vmem>>, vector<1x1x16xf32>,
      %swap3A_2025 = vector.shape_cast %swap3A_2024 : vector<1x1x16xf32> to vector<16xf32>
      %swap3A_2026 = vector.shape_cast %get3A_2019 : vector<16xf32> to vector<1x1x16xf32>
      tpu.vector_store %arg8[%swap3A_2021, %swap3A_2022, %swap3A_2023], %swap3A_2026 {add = true, strides = array<i32>} : memref<3x128x256xf32, #tpu.memory_space<vmem>>, vector<1x1x16xf32>,
      %add3A_2027 = arith.constant 64 : i32
      %add3A_2028 = arith.addi %scan3A_2011, %add3A_2027 : i32
      %get3A_2029 = arith.constant 0 : i32
      %get3A_2030 = arith.index_cast %get3A_2029 : i32 to index
      %get3A_2031 = arith.index_cast %add3A_2028 : i32 to index
      %get3A_2032 = arith.constant 16 : index
      %get3A_2033 = tpu.vector_load %arg8[%get3A_2030, %get3A_2031, %get3A_2032] {strides = array<i32>} : memref<3x128x256xf32, #tpu.memory_space<vmem>>, vector<1x1x16xf32>,
      %get3A_2034 = vector.shape_cast %get3A_2033 : vector<1x1x16xf32> to vector<16xf32>
      %swap3A_2035 = arith.constant 0 : i32
      %swap3A_2036 = arith.index_cast %swap3A_2035 : i32 to index
      %swap3A_2037 = arith.index_cast %scan3A_2011 : i32 to index
      %swap3A_2038 = arith.constant 16 : index
      %swap3A_2039 = tpu.vector_load %arg8[%swap3A_2036, %swap3A_2037, %swap3A_2038] {strides = array<i32>} : memref<3x128x256xf32, #tpu.memory_space<vmem>>, vector<1x1x16xf32>,
      %swap3A_2040 = vector.shape_cast %swap3A_2039 : vector<1x1x16xf32> to vector<16xf32>
      %swap3A_2041 = vector.shape_cast %get3A_2034 : vector<16xf32> to vector<1x1x16xf32>
      tpu.vector_store %arg8[%swap3A_2036, %swap3A_2037, %swap3A_2038], %swap3A_2041 {add = true, strides = array<i32>} : memref<3x128x256xf32, #tpu.memory_space<vmem>>, vector<1x1x16xf32>,
      %add3A_2042 = arith.constant 64 : i32
      %add3A_2043 = arith.addi %scan3A_2011, %add3A_2042 : i32
      %get3A_2044 = arith.constant 0 : i32
      %get3A_2045 = arith.index_cast %get3A_2044 : i32 to index
      %get3A_2046 = arith.index_cast %add3A_2043 : i32 to index
      %get3A_2047 = arith.constant 32 : index
      %get3A_2048 = tpu.vector_load %arg8[%get3A_2045, %get3A_2046, %get3A_2047] {strides = array<i32>} : memref<3x128x256xf32, #tpu.memory_space<vmem>>, vector<1x1x16xf32>,
      %get3A_2049 = vector.shape_cast %get3A_2048 : vector<1x1x16xf32> to vector<16xf32>
      %swap3A_2050 = arith.constant 0 : i32
      %swap3A_2051 = arith.index_cast %swap3A_2050 : i32 to index
      %swap3A_2052 = arith.index_cast %scan3A_2011 : i32 to index
      %swap3A_2053 = arith.constant 32 : index
      %swap3A_2054 = tpu.vector_load %arg8[%swap3A_2051, %swap3A_2052, %swap3A_2053] {strides = array<i32>} : memref<3x128x256xf32, #tpu.memory_space<vmem>>, vector<1x1x16xf32>,
      %swap3A_2055 = vector.shape_cast %swap3A_2054 : vector<1x1x16xf32> to vector<16xf32>
      %swap3A_2056 = vector.shape_cast %get3A_2049 : vector<16xf32> to vector<1x1x16xf32>
      tpu.vector_store %arg8[%swap3A_2051, %swap3A_2052, %swap3A_2053], %swap3A_2056 {add = true, strides = array<i32>} : memref<3x128x256xf32, #tpu.memory_space<vmem>>, vector<1x1x16xf32>,
      %add3A_2057 = arith.constant 64 : i32
      %add3A_2058 = arith.addi %scan3A_2011, %add3A_2057 : i32
      %get3A_2059 = arith.constant 0 : i32
      %get3A_2060 = arith.index_cast %get3A_2059 : i32 to index
      %get3A_2061 = arith.index_cast %add3A_2058 : i32 to index
      %get3A_2062 = arith.constant 48 : index
      %get3A_2063 = tpu.vector_load %arg8[%get3A_2060, %get3A_2061, %get3A_2062] {strides = array<i32>} : memref<3x128x256xf32, #tpu.memory_space<vmem>>, vector<1x1x16xf32>,
      %get3A_2064 = vector.shape_cast %get3A_2063 : vector<1x1x16xf32> to vector<16xf32>
      %swap3A_2065 = arith.constant 0 : i32
      %swap3A_2066 = arith.index_cast %swap3A_2065 : i32 to index
      %swap3A_2067 = arith.index_cast %scan3A_2011 : i32 to index
      %swap3A_2068 = arith.constant 48 : index
      %swap3A_2069 = tpu.vector_load %arg8[%swap3A_2066, %swap3A_2067, %swap3A_2068] {strides = array<i32>} : memref<3x128x256xf32, #tpu.memory_space<vmem>>, vector<1x1x16xf32>,
      %swap3A_2070 = vector.shape_cast %swap3A_2069 : vector<1x1x16xf32> to vector<16xf32>
      %swap3A_2071 = vector.shape_cast %get3A_2064 : vector<16xf32> to vector<1x1x16xf32>
      tpu.vector_store %arg8[%swap3A_2066, %swap3A_2067, %swap3A_2068], %swap3A_2071 {add = true, strides = array<i32>} : memref<3x128x256xf32, #tpu.memory_space<vmem>>, vector<1x1x16xf32>,
      %add3A_2072 = arith.constant 64 : i32
      %add3A_2073 = arith.addi %scan3A_2011, %add3A_2072 : i32
      %get3A_2074 = arith.constant 0 : i32
      %get3A_2075 = arith.index_cast %get3A_2074 : i32 to index
      %get3A_2076 = arith.index_cast %add3A_2073 : i32 to index
      %get3A_2077 = arith.constant 64 : index
      %get3A_2078 = tpu.vector_load %arg8[%get3A_2075, %get3A_2076, %get3A_2077] {strides = array<i32>} : memref<3x128x256xf32, #tpu.memory_space<vmem>>, vector<1x1x16xf32>,
      %get3A_2079 = vector.shape_cast %get3A_2078 : vector<1x1x16xf32> to vector<16xf32>
      %swap3A_2080 = arith.constant 0 : i32
      %swap3A_2081 = arith.index_cast %swap3A_2080 : i32 to index
      %swap3A_2082 = arith.index_cast %scan3A_2011 : i32 to index
      %swap3A_2083 = arith.constant 64 : index
      %swap3A_2084 = tpu.vector_load %arg8[%swap3A_2081, %swap3A_2082, %swap3A_2083] {strides = array<i32>} : memref<3x128x256xf32, #tpu.memory_space<vmem>>, vector<1x1x16xf32>,
      %swap3A_2085 = vector.shape_cast %swap3A_2084 : vector<1x1x16xf32> to vector<16xf32>
      %swap3A_2086 = vector.shape_cast %get3A_2079 : vector<16xf32> to vector<1x1x16xf32>
      tpu.vector_store %arg8[%swap3A_2081, %swap3A_2082, %swap3A_2083], %swap3A_2086 {add = true, strides = array<i32>} : memref<3x128x256xf32, #tpu.memory_space<vmem>>, vector<1x1x16xf32>,
      %add3A_2087 = arith.constant 64 : i32
      %add3A_2088 = arith.addi %scan3A_2011, %add3A_2087 : i32
      %get3A_2089 = arith.constant 0 : i32
      %get3A_2090 = arith.index_cast %get3A_2089 : i32 to index
      %get3A_2091 = arith.index_cast %add3A_2088 : i32 to index
      %get3A_2092 = arith.constant 80 : index
      %get3A_2093 = tpu.vector_load %arg8[%get3A_2090, %get3A_2091, %get3A_2092] {strides = array<i32>} : memref<3x128x256xf32, #tpu.memory_space<vmem>>, vector<1x1x16xf32>,
      %get3A_2094 = vector.shape_cast %get3A_2093 : vector<1x1x16xf32> to vector<16xf32>
      %swap3A_2095 = arith.constant 0 : i32
      %swap3A_2096 = arith.index_cast %swap3A_2095 : i32 to index
      %swap3A_2097 = arith.index_cast %scan3A_2011 : i32 to index
      %swap3A_2098 = arith.constant 80 : index
      %swap3A_2099 = tpu.vector_load %arg8[%swap3A_2096, %swap3A_2097, %swap3A_2098] {strides = array<i32>} : memref<3x128x256xf32, #tpu.memory_space<vmem>>, vector<1x1x16xf32>,
      %swap3A_2100 = vector.shape_cast %swap3A_2099 : vector<1x1x16xf32> to vector<16xf32>
      %swap3A_2101 = vector.shape_cast %get3A_2094 : vector<16xf32> to vector<1x1x16xf32>
      tpu.vector_store %arg8[%swap3A_2096, %swap3A_2097, %swap3A_2098], %swap3A_2101 {add = true, strides = array<i32>} : memref<3x128x256xf32, #tpu.memory_space<vmem>>, vector<1x1x16xf32>,
      %add3A_2102 = arith.constant 64 : i32
      %add3A_2103 = arith.addi %scan3A_2011, %add3A_2102 : i32
      %get3A_2104 = arith.constant 0 : i32
      %get3A_2105 = arith.index_cast %get3A_2104 : i32 to index
      %get3A_2106 = arith.index_cast %add3A_2103 : i32 to index
      %get3A_2107 = arith.constant 96 : index
      %get3A_2108 = tpu.vector_load %arg8[%get3A_2105, %get3A_2106, %get3A_2107] {strides = array<i32>} : memref<3x128x256xf32, #tpu.memory_space<vmem>>, vector<1x1x16xf32>,
      %get3A_2109 = vector.shape_cast %get3A_2108 : vector<1x1x16xf32> to vector<16xf32>
      %swap3A_2110 = arith.constant 0 : i32
      %swap3A_2111 = arith.index_cast %swap3A_2110 : i32 to index
      %swap3A_2112 = arith.index_cast %scan3A_2011 : i32 to index
      %swap3A_2113 = arith.constant 96 : index
      %swap3A_2114 = tpu.vector_load %arg8[%swap3A_2111, %swap3A_2112, %swap3A_2113] {strides = array<i32>} : memref<3x128x256xf32, #tpu.memory_space<vmem>>, vector<1x1x16xf32>,
      %swap3A_2115 = vector.shape_cast %swap3A_2114 : vector<1x1x16xf32> to vector<16xf32>
      %swap3A_2116 = vector.shape_cast %get3A_2109 : vector<16xf32> to vector<1x1x16xf32>
      tpu.vector_store %arg8[%swap3A_2111, %swap3A_2112, %swap3A_2113], %swap3A_2116 {add = true, strides = array<i32>} : memref<3x128x256xf32, #tpu.memory_space<vmem>>, vector<1x1x16xf32>,
      %add3A_2117 = arith.constant 64 : i32
      %add3A_2118 = arith.addi %scan3A_2011, %add3A_2117 : i32
      %get3A_2119 = arith.constant 0 : i32
      %get3A_2120 = arith.index_cast %get3A_2119 : i32 to index
      %get3A_2121 = arith.index_cast %add3A_2118 : i32 to index
      %get3A_2122 = arith.constant 112 : index
      %get3A_2123 = tpu.vector_load %arg8[%get3A_2120, %get3A_2121, %get3A_2122] {strides = array<i32>} : memref<3x128x256xf32, #tpu.memory_space<vmem>>, vector<1x1x16xf32>,
      %get3A_2124 = vector.shape_cast %get3A_2123 : vector<1x1x16xf32> to vector<16xf32>
      %swap3A_2125 = arith.constant 0 : i32
      %swap3A_2126 = arith.index_cast %swap3A_2125 : i32 to index
      %swap3A_2127 = arith.index_cast %scan3A_2011 : i32 to index
      %swap3A_2128 = arith.constant 112 : index
      %swap3A_2129 = tpu.vector_load %arg8[%swap3A_2126, %swap3A_2127, %swap3A_2128] {strides = array<i32>} : memref<3x128x256xf32, #tpu.memory_space<vmem>>, vector<1x1x16xf32>,
      %swap3A_2130 = vector.shape_cast %swap3A_2129 : vector<1x1x16xf32> to vector<16xf32>
      %swap3A_2131 = vector.shape_cast %get3A_2124 : vector<16xf32> to vector<1x1x16xf32>
      tpu.vector_store %arg8[%swap3A_2126, %swap3A_2127, %swap3A_2128], %swap3A_2131 {add = true, strides = array<i32>} : memref<3x128x256xf32, #tpu.memory_space<vmem>>, vector<1x1x16xf32>,
      %add3A_2132 = arith.constant 64 : i32
      %add3A_2133 = arith.addi %scan3A_2011, %add3A_2132 : i32
      %get3A_2134 = arith.constant 0 : i32
      %get3A_2135 = arith.index_cast %get3A_2134 : i32 to index
      %get3A_2136 = arith.index_cast %add3A_2133 : i32 to index
      %get3A_2137 = arith.constant 128 : index
      %get3A_2138 = tpu.vector_load %arg8[%get3A_2135, %get3A_2136, %get3A_2137] {strides = array<i32>} : memref<3x128x256xf32, #tpu.memory_space<vmem>>, vector<1x1x16xf32>,
      %get3A_2139 = vector.shape_cast %get3A_2138 : vector<1x1x16xf32> to vector<16xf32>
      %swap3A_2140 = arith.constant 0 : i32
      %swap3A_2141 = arith.index_cast %swap3A_2140 : i32 to index
      %swap3A_2142 = arith.index_cast %scan3A_2011 : i32 to index
      %swap3A_2143 = arith.constant 128 : index
      %swap3A_2144 = tpu.vector_load %arg8[%swap3A_2141, %swap3A_2142, %swap3A_2143] {strides = array<i32>} : memref<3x128x256xf32, #tpu.memory_space<vmem>>, vector<1x1x16xf32>,
      %swap3A_2145 = vector.shape_cast %swap3A_2144 : vector<1x1x16xf32> to vector<16xf32>
      %swap3A_2146 = vector.shape_cast %get3A_2139 : vector<16xf32> to vector<1x1x16xf32>
      tpu.vector_store %arg8[%swap3A_2141, %swap3A_2142, %swap3A_2143], %swap3A_2146 {add = true, strides = array<i32>} : memref<3x128x256xf32, #tpu.memory_space<vmem>>, vector<1x1x16xf32>,
      %add3A_2147 = arith.constant 64 : i32
      %add3A_2148 = arith.addi %scan3A_2011, %add3A_2147 : i32
      %get3A_2149 = arith.constant 0 : i32
      %get3A_2150 = arith.index_cast %get3A_2149 : i32 to index
      %get3A_2151 = arith.index_cast %add3A_2148 : i32 to index
      %get3A_2152 = arith.constant 144 : index
      %get3A_2153 = tpu.vector_load %arg8[%get3A_2150, %get3A_2151, %get3A_2152] {strides = array<i32>} : memref<3x128x256xf32, #tpu.memory_space<vmem>>, vector<1x1x16xf32>,
      %get3A_2154 = vector.shape_cast %get3A_2153 : vector<1x1x16xf32> to vector<16xf32>
      %swap3A_2155 = arith.constant 0 : i32
      %swap3A_2156 = arith.index_cast %swap3A_2155 : i32 to index
      %swap3A_2157 = arith.index_cast %scan3A_2011 : i32 to index
      %swap3A_2158 = arith.constant 144 : index
      %swap3A_2159 = tpu.vector_load %arg8[%swap3A_2156, %swap3A_2157, %swap3A_2158] {strides = array<i32>} : memref<3x128x256xf32, #tpu.memory_space<vmem>>, vector<1x1x16xf32>,
      %swap3A_2160 = vector.shape_cast %swap3A_2159 : vector<1x1x16xf32> to vector<16xf32>
      %swap3A_2161 = vector.shape_cast %get3A_2154 : vector<16xf32> to vector<1x1x16xf32>
      tpu.vector_store %arg8[%swap3A_2156, %swap3A_2157, %swap3A_2158], %swap3A_2161 {add = true, strides = array<i32>} : memref<3x128x256xf32, #tpu.memory_space<vmem>>, vector<1x1x16xf32>,
      %add3A_2162 = arith.constant 64 : i32
      %add3A_2163 = arith.addi %scan3A_2011, %add3A_2162 : i32
      %get3A_2164 = arith.constant 0 : i32
      %get3A_2165 = arith.index_cast %get3A_2164 : i32 to index
      %get3A_2166 = arith.index_cast %add3A_2163 : i32 to index
      %get3A_2167 = arith.constant 160 : index
      %get3A_2168 = tpu.vector_load %arg8[%get3A_2165, %get3A_2166, %get3A_2167] {strides = array<i32>} : memref<3x128x256xf32, #tpu.memory_space<vmem>>, vector<1x1x16xf32>,
      %get3A_2169 = vector.shape_cast %get3A_2168 : vector<1x1x16xf32> to vector<16xf32>
      %swap3A_2170 = arith.constant 0 : i32
      %swap3A_2171 = arith.index_cast %swap3A_2170 : i32 to index
      %swap3A_2172 = arith.index_cast %scan3A_2011 : i32 to index
      %swap3A_2173 = arith.constant 160 : index
      %swap3A_2174 = tpu.vector_load %arg8[%swap3A_2171, %swap3A_2172, %swap3A_2173] {strides = array<i32>} : memref<3x128x256xf32, #tpu.memory_space<vmem>>, vector<1x1x16xf32>,
      %swap3A_2175 = vector.shape_cast %swap3A_2174 : vector<1x1x16xf32> to vector<16xf32>
      %swap3A_2176 = vector.shape_cast %get3A_2169 : vector<16xf32> to vector<1x1x16xf32>
      tpu.vector_store %arg8[%swap3A_2171, %swap3A_2172, %swap3A_2173], %swap3A_2176 {add = true, strides = array<i32>} : memref<3x128x256xf32, #tpu.memory_space<vmem>>, vector<1x1x16xf32>,
      %add3A_2177 = arith.constant 64 : i32
      %add3A_2178 = arith.addi %scan3A_2011, %add3A_2177 : i32
      %get3A_2179 = arith.constant 0 : i32
      %get3A_2180 = arith.index_cast %get3A_2179 : i32 to index
      %get3A_2181 = arith.index_cast %add3A_2178 : i32 to index
      %get3A_2182 = arith.constant 176 : index
      %get3A_2183 = tpu.vector_load %arg8[%get3A_2180, %get3A_2181, %get3A_2182] {strides = array<i32>} : memref<3x128x256xf32, #tpu.memory_space<vmem>>, vector<1x1x16xf32>,
      %get3A_2184 = vector.shape_cast %get3A_2183 : vector<1x1x16xf32> to vector<16xf32>
      %swap3A_2185 = arith.constant 0 : i32
      %swap3A_2186 = arith.index_cast %swap3A_2185 : i32 to index
      %swap3A_2187 = arith.index_cast %scan3A_2011 : i32 to index
      %swap3A_2188 = arith.constant 176 : index
      %swap3A_2189 = tpu.vector_load %arg8[%swap3A_2186, %swap3A_2187, %swap3A_2188] {strides = array<i32>} : memref<3x128x256xf32, #tpu.memory_space<vmem>>, vector<1x1x16xf32>,
      %swap3A_2190 = vector.shape_cast %swap3A_2189 : vector<1x1x16xf32> to vector<16xf32>
      %swap3A_2191 = vector.shape_cast %get3A_2184 : vector<16xf32> to vector<1x1x16xf32>
      tpu.vector_store %arg8[%swap3A_2186, %swap3A_2187, %swap3A_2188], %swap3A_2191 {add = true, strides = array<i32>} : memref<3x128x256xf32, #tpu.memory_space<vmem>>, vector<1x1x16xf32>,
      %add3A_2192 = arith.constant 64 : i32
      %add3A_2193 = arith.addi %scan3A_2011, %add3A_2192 : i32
      %get3A_2194 = arith.constant 0 : i32
      %get3A_2195 = arith.index_cast %get3A_2194 : i32 to index
      %get3A_2196 = arith.index_cast %add3A_2193 : i32 to index
      %get3A_2197 = arith.constant 192 : index
      %get3A_2198 = tpu.vector_load %arg8[%get3A_2195, %get3A_2196, %get3A_2197] {strides = array<i32>} : memref<3x128x256xf32, #tpu.memory_space<vmem>>, vector<1x1x16xf32>,
      %get3A_2199 = vector.shape_cast %get3A_2198 : vector<1x1x16xf32> to vector<16xf32>
      %swap3A_2200 = arith.constant 0 : i32
      %swap3A_2201 = arith.index_cast %swap3A_2200 : i32 to index
      %swap3A_2202 = arith.index_cast %scan3A_2011 : i32 to index
      %swap3A_2203 = arith.constant 192 : index
      %swap3A_2204 = tpu.vector_load %arg8[%swap3A_2201, %swap3A_2202, %swap3A_2203] {strides = array<i32>} : memref<3x128x256xf32, #tpu.memory_space<vmem>>, vector<1x1x16xf32>,
      %swap3A_2205 = vector.shape_cast %swap3A_2204 : vector<1x1x16xf32> to vector<16xf32>
      %swap3A_2206 = vector.shape_cast %get3A_2199 : vector<16xf32> to vector<1x1x16xf32>
      tpu.vector_store %arg8[%swap3A_2201, %swap3A_2202, %swap3A_2203], %swap3A_2206 {add = true, strides = array<i32>} : memref<3x128x256xf32, #tpu.memory_space<vmem>>, vector<1x1x16xf32>,
      %add3A_2207 = arith.constant 64 : i32
      %add3A_2208 = arith.addi %scan3A_2011, %add3A_2207 : i32
      %get3A_2209 = arith.constant 0 : i32
      %get3A_2210 = arith.index_cast %get3A_2209 : i32 to index
      %get3A_2211 = arith.index_cast %add3A_2208 : i32 to index
      %get3A_2212 = arith.constant 208 : index
      %get3A_2213 = tpu.vector_load %arg8[%get3A_2210, %get3A_2211, %get3A_2212] {strides = array<i32>} : memref<3x128x256xf32, #tpu.memory_space<vmem>>, vector<1x1x16xf32>,
      %get3A_2214 = vector.shape_cast %get3A_2213 : vector<1x1x16xf32> to vector<16xf32>
      %swap3A_2215 = arith.constant 0 : i32
      %swap3A_2216 = arith.index_cast %swap3A_2215 : i32 to index
      %swap3A_2217 = arith.index_cast %scan3A_2011 : i32 to index
      %swap3A_2218 = arith.constant 208 : index
      %swap3A_2219 = tpu.vector_load %arg8[%swap3A_2216, %swap3A_2217, %swap3A_2218] {strides = array<i32>} : memref<3x128x256xf32, #tpu.memory_space<vmem>>, vector<1x1x16xf32>,
      %swap3A_2220 = vector.shape_cast %swap3A_2219 : vector<1x1x16xf32> to vector<16xf32>
      %swap3A_2221 = vector.shape_cast %get3A_2214 : vector<16xf32> to vector<1x1x16xf32>
      tpu.vector_store %arg8[%swap3A_2216, %swap3A_2217, %swap3A_2218], %swap3A_2221 {add = true, strides = array<i32>} : memref<3x128x256xf32, #tpu.memory_space<vmem>>, vector<1x1x16xf32>,
      %add3A_2222 = arith.constant 64 : i32
      %add3A_2223 = arith.addi %scan3A_2011, %add3A_2222 : i32
      %get3A_2224 = arith.constant 0 : i32
      %get3A_2225 = arith.index_cast %get3A_2224 : i32 to index
      %get3A_2226 = arith.index_cast %add3A_2223 : i32 to index
      %get3A_2227 = arith.constant 224 : index
      %get3A_2228 = tpu.vector_load %arg8[%get3A_2225, %get3A_2226, %get3A_2227] {strides = array<i32>} : memref<3x128x256xf32, #tpu.memory_space<vmem>>, vector<1x1x16xf32>,
      %get3A_2229 = vector.shape_cast %get3A_2228 : vector<1x1x16xf32> to vector<16xf32>
      %swap3A_2230 = arith.constant 0 : i32
      %swap3A_2231 = arith.index_cast %swap3A_2230 : i32 to index
      %swap3A_2232 = arith.index_cast %scan3A_2011 : i32 to index
      %swap3A_2233 = arith.constant 224 : index
      %swap3A_2234 = tpu.vector_load %arg8[%swap3A_2231, %swap3A_2232, %swap3A_2233] {strides = array<i32>} : memref<3x128x256xf32, #tpu.memory_space<vmem>>, vector<1x1x16xf32>,
      %swap3A_2235 = vector.shape_cast %swap3A_2234 : vector<1x1x16xf32> to vector<16xf32>
      %swap3A_2236 = vector.shape_cast %get3A_2229 : vector<16xf32> to vector<1x1x16xf32>
      tpu.vector_store %arg8[%swap3A_2231, %swap3A_2232, %swap3A_2233], %swap3A_2236 {add = true, strides = array<i32>} : memref<3x128x256xf32, #tpu.memory_space<vmem>>, vector<1x1x16xf32>,
      %add3A_2237 = arith.constant 64 : i32
      %add3A_2238 = arith.addi %scan3A_2011, %add3A_2237 : i32
      %get3A_2239 = arith.constant 0 : i32
      %get3A_2240 = arith.index_cast %get3A_2239 : i32 to index
      %get3A_2241 = arith.index_cast %add3A_2238 : i32 to index
      %get3A_2242 = arith.constant 240 : index
      %get3A_2243 = tpu.vector_load %arg8[%get3A_2240, %get3A_2241, %get3A_2242] {strides = array<i32>} : memref<3x128x256xf32, #tpu.memory_space<vmem>>, vector<1x1x16xf32>,
      %get3A_2244 = vector.shape_cast %get3A_2243 : vector<1x1x16xf32> to vector<16xf32>
      %swap3A_2245 = arith.constant 0 : i32
      %swap3A_2246 = arith.index_cast %swap3A_2245 : i32 to index
      %swap3A_2247 = arith.index_cast %scan3A_2011 : i32 to index
      %swap3A_2248 = arith.constant 240 : index
      %swap3A_2249 = tpu.vector_load %arg8[%swap3A_2246, %swap3A_2247, %swap3A_2248] {strides = array<i32>} : memref<3x128x256xf32, #tpu.memory_space<vmem>>, vector<1x1x16xf32>,
      %swap3A_2250 = vector.shape_cast %swap3A_2249 : vector<1x1x16xf32> to vector<16xf32>
      %swap3A_2251 = vector.shape_cast %get3A_2244 : vector<16xf32> to vector<1x1x16xf32>
      tpu.vector_store %arg8[%swap3A_2246, %swap3A_2247, %swap3A_2248], %swap3A_2251 {add = true, strides = array<i32>} : memref<3x128x256xf32, #tpu.memory_space<vmem>>, vector<1x1x16xf32>,
    }
    %scan3A_1887 = arith.constant 64 : i32
    %mul3A_1888 = arith.constant 4 : i32
    %mul3A_1889 = arith.muli %add3A, %mul3A_1888 : i32
    %add3A_1890 = arith.constant 3 : i32
    %add3A_1891 = arith.addi %mul3A_1889, %add3A_1890 : i32
    %dma_start3A_1892 = arith.constant 0 : i32
    %dma_start3A_1893 = arith.constant 0 : i32
    %dma_start3A_1894 = arith.constant 0 : i32
    %dma_start3A_1895 = tpu.memref_slice %arg8[%dma_start3A_1892, %dma_start3A_1893, %dma_start3A_1894] : memref<3x128x256xf32, #tpu.memory_space<vmem>> -> memref<1x64x256xf32, #tpu.memory_space<vmem>>
    %dma_start3A_1896 = tpu.memref_squeeze %dma_start3A_1895 : memref<1x64x256xf32, #tpu.memory_space<vmem>> -> memref<64x256xf32, #tpu.memory_space<vmem>>
    %dma_start3A_1897 = arith.constant 0 : i32
    %dma_start3A_1898 = arith.constant 0 : i32
    %dma_start3A_1899 = tpu.memref_slice %arg4[%add3A_1891, %dma_start3A_1897, %dma_start3A_1898] : memref<128x128x256xf32, #tpu.memory_space<hbm>> -> memref<1x64x256xf32, #tpu.memory_space<hbm>>
    %dma_start3A_1900 = tpu.memref_squeeze %dma_start3A_1899 : memref<1x64x256xf32, #tpu.memory_space<hbm>> -> memref<64x256xf32, #tpu.memory_space<hbm>>
    %dma_start3A_1901 = arith.constant 0 : i32
    %dma_start3A_1902 = arith.constant 0 : i32
    %dma_start3A_1903 = tpu.memref_slice %arg4[%add3A_1891, %dma_start3A_1901, %dma_start3A_1902] : memref<128x128x256xf32, #tpu.memory_space<hbm>> -> memref<1x64x256xf32, #tpu.memory_space<hbm>>
    %dma_start3A_1904 = tpu.memref_squeeze %dma_start3A_1903 : memref<1x64x256xf32, #tpu.memory_space<hbm>> -> memref<64x256xf32, #tpu.memory_space<hbm>>
    %dma_start3A_1905 = arith.constant 0 : i32
    %dma_start3A_1906 = arith.constant 0 : i32
    %dma_start3A_1907 = tpu.memref_slice %arg8[%dma_start3A_1892, %dma_start3A_1905, %dma_start3A_1906] : memref<3x128x256xf32, #tpu.memory_space<vmem>> -> memref<1x64x256xf32, #tpu.memory_space<vmem>>
    %dma_start3A_1908 = tpu.memref_squeeze %dma_start3A_1907 : memref<1x64x256xf32, #tpu.memory_space<vmem>> -> memref<64x256xf32, #tpu.memory_space<vmem>>
    tpu.enqueue_dma source(%dma_start3A_1908 : memref<64x256xf32, #tpu.memory_space<vmem>>) target(%dma_start3A_1904 : memref<64x256xf32, #tpu.memory_space<hbm>>) target_semaphore(%arg10 : memref<!tpu.dma_semaphore, #tpu.memory_space<semaphore_mem>>)
    %dma_wait3A_1909 = arith.constant 1 : i32
    %dma_wait3A_1910 = arith.constant 1 : i32
    %dma_wait3A_1911 = arith.constant 0 : i32
    %dma_wait3A_1912 = arith.constant 0 : i32
    %dma_wait3A_1913 = tpu.memref_slice %arg8[%dma_wait3A_1910, %dma_wait3A_1911, %dma_wait3A_1912] : memref<3x128x256xf32, #tpu.memory_space<vmem>> -> memref<1x64x256xf32, #tpu.memory_space<vmem>>
    %dma_wait3A_1914 = tpu.memref_squeeze %dma_wait3A_1913 : memref<1x64x256xf32, #tpu.memory_space<vmem>> -> memref<64x256xf32, #tpu.memory_space<vmem>>
    %dma_wait3A_1915 = arith.constant 0 : i32
    %dma_wait3A_1916 = tpu.memref_slice %arg6[%dma_wait3A_1909, %dma_wait3A_1915] : memref<3x64xi32, #tpu.memory_space<vmem>> -> memref<1x64xi32, #tpu.memory_space<vmem>>
    %dma_wait3A_1917 = tpu.memref_squeeze %dma_wait3A_1916 : memref<1x64xi32, #tpu.memory_space<vmem>> -> memref<64xi32, #tpu.memory_space<vmem>>
    %dma_wait3A_1918 = arith.constant 0 : i32
    %dma_wait3A_1919 = arith.constant 0 : i32
    %dma_wait3A_1920 = tpu.memref_slice %arg2[%dma_wait3A_1918, %dma_wait3A_1919] : memref<19200x256xf32, #tpu.memory_space<hbm>> -> memref<19200x256xf32, #tpu.memory_space<hbm>>
    tpu.wait_indirect_dma semaphore(%arg9 : memref<!tpu.dma_semaphore, #tpu.memory_space<semaphore_mem>>) src(%dma_wait3A_1920 : memref<19200x256xf32, #tpu.memory_space<hbm>>) dst(%dma_wait3A_1914 : memref<64x256xf32, #tpu.memory_space<vmem>>)
    %dma_wait3A_1921 = arith.constant 1 : i32
    %dma_wait3A_1922 = arith.constant 1 : i32
    %dma_wait3A_1923 = arith.constant 64 : i32
    %dma_wait3A_1924 = arith.constant 0 : i32
    %dma_wait3A_1925 = tpu.memref_slice %arg8[%dma_wait3A_1922, %dma_wait3A_1923, %dma_wait3A_1924] : memref<3x128x256xf32, #tpu.memory_space<vmem>> -> memref<1x64x256xf32, #tpu.memory_space<vmem>>
    %dma_wait3A_1926 = tpu.memref_squeeze %dma_wait3A_1925 : memref<1x64x256xf32, #tpu.memory_space<vmem>> -> memref<64x256xf32, #tpu.memory_space<vmem>>
    %dma_wait3A_1927 = arith.constant 0 : i32
    %dma_wait3A_1928 = tpu.memref_slice %arg7[%dma_wait3A_1921, %dma_wait3A_1927] : memref<3x64xi32, #tpu.memory_space<vmem>> -> memref<1x64xi32, #tpu.memory_space<vmem>>
    %dma_wait3A_1929 = tpu.memref_squeeze %dma_wait3A_1928 : memref<1x64xi32, #tpu.memory_space<vmem>> -> memref<64xi32, #tpu.memory_space<vmem>>
    %dma_wait3A_1930 = arith.constant 0 : i32
    %dma_wait3A_1931 = arith.constant 0 : i32
    %dma_wait3A_1932 = tpu.memref_slice %arg2[%dma_wait3A_1930, %dma_wait3A_1931] : memref<19200x256xf32, #tpu.memory_space<hbm>> -> memref<19200x256xf32, #tpu.memory_space<hbm>>
    tpu.wait_indirect_dma semaphore(%arg9 : memref<!tpu.dma_semaphore, #tpu.memory_space<semaphore_mem>>) src(%dma_wait3A_1932 : memref<19200x256xf32, #tpu.memory_space<hbm>>) dst(%dma_wait3A_1926 : memref<64x256xf32, #tpu.memory_space<vmem>>)
    %scan3A_1933 = arith.constant 0 : i32
    %scan3A_1934 = arith.constant 0 : i32
    %scan3A_1935 = arith.constant 64 : i32
    %scan3A_1936 = arith.addi %scan3A_1934, %scan3A_1935 : i32
    %scan3A_1937 = arith.constant 1 : i32
    scf.for %scan3A_2011 = %scan3A_1934 to %scan3A_1936 step %scan3A_1937  : i32 {
      %add3A_2012 = arith.constant 64 : i32
      %add3A_2013 = arith.addi %scan3A_2011, %add3A_2012 : i32
      %get3A_2014 = arith.constant 1 : i32
      %get3A_2015 = arith.index_cast %get3A_2014 : i32 to index
      %get3A_2016 = arith.index_cast %add3A_2013 : i32 to index
      %get3A_2017 = arith.constant 0 : index
      %get3A_2018 = tpu.vector_load %arg8[%get3A_2015, %get3A_2016, %get3A_2017] {strides = array<i32>} : memref<3x128x256xf32, #tpu.memory_space<vmem>>, vector<1x1x16xf32>,
      %get3A_2019 = vector.shape_cast %get3A_2018 : vector<1x1x16xf32> to vector<16xf32>
      %swap3A_2020 = arith.constant 1 : i32
      %swap3A_2021 = arith.index_cast %swap3A_2020 : i32 to index
      %swap3A_2022 = arith.index_cast %scan3A_2011 : i32 to index
      %swap3A_2023 = arith.constant 0 : index
      %swap3A_2024 = tpu.vector_load %arg8[%swap3A_2021, %swap3A_2022, %swap3A_2023] {strides = array<i32>} : memref<3x128x256xf32, #tpu.memory_space<vmem>>, vector<1x1x16xf32>,
      %swap3A_2025 = vector.shape_cast %swap3A_2024 : vector<1x1x16xf32> to vector<16xf32>
      %swap3A_2026 = vector.shape_cast %get3A_2019 : vector<16xf32> to vector<1x1x16xf32>
      tpu.vector_store %arg8[%swap3A_2021, %swap3A_2022, %swap3A_2023], %swap3A_2026 {add = true, strides = array<i32>} : memref<3x128x256xf32, #tpu.memory_space<vmem>>, vector<1x1x16xf32>,
      %add3A_2027 = arith.constant 64 : i32
      %add3A_2028 = arith.addi %scan3A_2011, %add3A_2027 : i32
      %get3A_2029 = arith.constant 1 : i32
      %get3A_2030 = arith.index_cast %get3A_2029 : i32 to index
      %get3A_2031 = arith.index_cast %add3A_2028 : i32 to index
      %get3A_2032 = arith.constant 16 : index
      %get3A_2033 = tpu.vector_load %arg8[%get3A_2030, %get3A_2031, %get3A_2032] {strides = array<i32>} : memref<3x128x256xf32, #tpu.memory_space<vmem>>, vector<1x1x16xf32>,
      %get3A_2034 = vector.shape_cast %get3A_2033 : vector<1x1x16xf32> to vector<16xf32>
      %swap3A_2035 = arith.constant 1 : i32
      %swap3A_2036 = arith.index_cast %swap3A_2035 : i32 to index
      %swap3A_2037 = arith.index_cast %scan3A_2011 : i32 to index
      %swap3A_2038 = arith.constant 16 : index
      %swap3A_2039 = tpu.vector_load %arg8[%swap3A_2036, %swap3A_2037, %swap3A_2038] {strides = array<i32>} : memref<3x128x256xf32, #tpu.memory_space<vmem>>, vector<1x1x16xf32>,
      %swap3A_2040 = vector.shape_cast %swap3A_2039 : vector<1x1x16xf32> to vector<16xf32>
      %swap3A_2041 = vector.shape_cast %get3A_2034 : vector<16xf32> to vector<1x1x16xf32>
      tpu.vector_store %arg8[%swap3A_2036, %swap3A_2037, %swap3A_2038], %swap3A_2041 {add = true, strides = array<i32>} : memref<3x128x256xf32, #tpu.memory_space<vmem>>, vector<1x1x16xf32>,
      %add3A_2042 = arith.constant 64 : i32
      %add3A_2043 = arith.addi %scan3A_2011, %add3A_2042 : i32
      %get3A_2044 = arith.constant 1 : i32
      %get3A_2045 = arith.index_cast %get3A_2044 : i32 to index
      %get3A_2046 = arith.index_cast %add3A_2043 : i32 to index
      %get3A_2047 = arith.constant 32 : index
      %get3A_2048 = tpu.vector_load %arg8[%get3A_2045, %get3A_2046, %get3A_2047] {strides = array<i32>} : memref<3x128x256xf32, #tpu.memory_space<vmem>>, vector<1x1x16xf32>,
      %get3A_2049 = vector.shape_cast %get3A_2048 : vector<1x1x16xf32> to vector<16xf32>
      %swap3A_2050 = arith.constant 1 : i32
      %swap3A_2051 = arith.index_cast %swap3A_2050 : i32 to index
      %swap3A_2052 = arith.index_cast %scan3A_2011 : i32 to index
      %swap3A_2053 = arith.constant 32 : index
      %swap3A_2054 = tpu.vector_load %arg8[%swap3A_2051, %swap3A_2052, %swap3A_2053] {strides = array<i32>} : memref<3x128x256xf32, #tpu.memory_space<vmem>>, vector<1x1x16xf32>,
      %swap3A_2055 = vector.shape_cast %swap3A_2054 : vector<1x1x16xf32> to vector<16xf32>
      %swap3A_2056 = vector.shape_cast %get3A_2049 : vector<16xf32> to vector<1x1x16xf32>
      tpu.vector_store %arg8[%swap3A_2051, %swap3A_2052, %swap3A_2053], %swap3A_2056 {add = true, strides = array<i32>} : memref<3x128x256xf32, #tpu.memory_space<vmem>>, vector<1x1x16xf32>,
      %add3A_2057 = arith.constant 64 : i32
      %add3A_2058 = arith.addi %scan3A_2011, %add3A_2057 : i32
      %get3A_2059 = arith.constant 1 : i32
      %get3A_2060 = arith.index_cast %get3A_2059 : i32 to index
      %get3A_2061 = arith.index_cast %add3A_2058 : i32 to index
      %get3A_2062 = arith.constant 48 : index
      %get3A_2063 = tpu.vector_load %arg8[%get3A_2060, %get3A_2061, %get3A_2062] {strides = array<i32>} : memref<3x128x256xf32, #tpu.memory_space<vmem>>, vector<1x1x16xf32>,
      %get3A_2064 = vector.shape_cast %get3A_2063 : vector<1x1x16xf32> to vector<16xf32>
      %swap3A_2065 = arith.constant 1 : i32
      %swap3A_2066 = arith.index_cast %swap3A_2065 : i32 to index
      %swap3A_2067 = arith.index_cast %scan3A_2011 : i32 to index
      %swap3A_2068 = arith.constant 48 : index
      %swap3A_2069 = tpu.vector_load %arg8[%swap3A_2066, %swap3A_2067, %swap3A_2068] {strides = array<i32>} : memref<3x128x256xf32, #tpu.memory_space<vmem>>, vector<1x1x16xf32>,
      %swap3A_2070 = vector.shape_cast %swap3A_2069 : vector<1x1x16xf32> to vector<16xf32>
      %swap3A_2071 = vector.shape_cast %get3A_2064 : vector<16xf32> to vector<1x1x16xf32>
      tpu.vector_store %arg8[%swap3A_2066, %swap3A_2067, %swap3A_2068], %swap3A_2071 {add = true, strides = array<i32>} : memref<3x128x256xf32, #tpu.memory_space<vmem>>, vector<1x1x16xf32>,
      %add3A_2072 = arith.constant 64 : i32
      %add3A_2073 = arith.addi %scan3A_2011, %add3A_2072 : i32
      %get3A_2074 = arith.constant 1 : i32
      %get3A_2075 = arith.index_cast %get3A_2074 : i32 to index
      %get3A_2076 = arith.index_cast %add3A_2073 : i32 to index
      %get3A_2077 = arith.constant 64 : index
      %get3A_2078 = tpu.vector_load %arg8[%get3A_2075, %get3A_2076, %get3A_2077] {strides = array<i32>} : memref<3x128x256xf32, #tpu.memory_space<vmem>>, vector<1x1x16xf32>,
      %get3A_2079 = vector.shape_cast %get3A_2078 : vector<1x1x16xf32> to vector<16xf32>
      %swap3A_2080 = arith.constant 1 : i32
      %swap3A_2081 = arith.index_cast %swap3A_2080 : i32 to index
      %swap3A_2082 = arith.index_cast %scan3A_2011 : i32 to index
      %swap3A_2083 = arith.constant 64 : index
      %swap3A_2084 = tpu.vector_load %arg8[%swap3A_2081, %swap3A_2082, %swap3A_2083] {strides = array<i32>} : memref<3x128x256xf32, #tpu.memory_space<vmem>>, vector<1x1x16xf32>,
      %swap3A_2085 = vector.shape_cast %swap3A_2084 : vector<1x1x16xf32> to vector<16xf32>
      %swap3A_2086 = vector.shape_cast %get3A_2079 : vector<16xf32> to vector<1x1x16xf32>
      tpu.vector_store %arg8[%swap3A_2081, %swap3A_2082, %swap3A_2083], %swap3A_2086 {add = true, strides = array<i32>} : memref<3x128x256xf32, #tpu.memory_space<vmem>>, vector<1x1x16xf32>,
      %add3A_2087 = arith.constant 64 : i32
      %add3A_2088 = arith.addi %scan3A_2011, %add3A_2087 : i32
      %get3A_2089 = arith.constant 1 : i32
      %get3A_2090 = arith.index_cast %get3A_2089 : i32 to index
      %get3A_2091 = arith.index_cast %add3A_2088 : i32 to index
      %get3A_2092 = arith.constant 80 : index
      %get3A_2093 = tpu.vector_load %arg8[%get3A_2090, %get3A_2091, %get3A_2092] {strides = array<i32>} : memref<3x128x256xf32, #tpu.memory_space<vmem>>, vector<1x1x16xf32>,
      %get3A_2094 = vector.shape_cast %get3A_2093 : vector<1x1x16xf32> to vector<16xf32>
      %swap3A_2095 = arith.constant 1 : i32
      %swap3A_2096 = arith.index_cast %swap3A_2095 : i32 to index
      %swap3A_2097 = arith.index_cast %scan3A_2011 : i32 to index
      %swap3A_2098 = arith.constant 80 : index
      %swap3A_2099 = tpu.vector_load %arg8[%swap3A_2096, %swap3A_2097, %swap3A_2098] {strides = array<i32>} : memref<3x128x256xf32, #tpu.memory_space<vmem>>, vector<1x1x16xf32>,
      %swap3A_2100 = vector.shape_cast %swap3A_2099 : vector<1x1x16xf32> to vector<16xf32>
      %swap3A_2101 = vector.shape_cast %get3A_2094 : vector<16xf32> to vector<1x1x16xf32>
      tpu.vector_store %arg8[%swap3A_2096, %swap3A_2097, %swap3A_2098], %swap3A_2101 {add = true, strides = array<i32>} : memref<3x128x256xf32, #tpu.memory_space<vmem>>, vector<1x1x16xf32>,
      %add3A_2102 = arith.constant 64 : i32
      %add3A_2103 = arith.addi %scan3A_2011, %add3A_2102 : i32
      %get3A_2104 = arith.constant 1 : i32
      %get3A_2105 = arith.index_cast %get3A_2104 : i32 to index
      %get3A_2106 = arith.index_cast %add3A_2103 : i32 to index
      %get3A_2107 = arith.constant 96 : index
      %get3A_2108 = tpu.vector_load %arg8[%get3A_2105, %get3A_2106, %get3A_2107] {strides = array<i32>} : memref<3x128x256xf32, #tpu.memory_space<vmem>>, vector<1x1x16xf32>,
      %get3A_2109 = vector.shape_cast %get3A_2108 : vector<1x1x16xf32> to vector<16xf32>
      %swap3A_2110 = arith.constant 1 : i32
      %swap3A_2111 = arith.index_cast %swap3A_2110 : i32 to index
      %swap3A_2112 = arith.index_cast %scan3A_2011 : i32 to index
      %swap3A_2113 = arith.constant 96 : index
      %swap3A_2114 = tpu.vector_load %arg8[%swap3A_2111, %swap3A_2112, %swap3A_2113] {strides = array<i32>} : memref<3x128x256xf32, #tpu.memory_space<vmem>>, vector<1x1x16xf32>,
      %swap3A_2115 = vector.shape_cast %swap3A_2114 : vector<1x1x16xf32> to vector<16xf32>
      %swap3A_2116 = vector.shape_cast %get3A_2109 : vector<16xf32> to vector<1x1x16xf32>
      tpu.vector_store %arg8[%swap3A_2111, %swap3A_2112, %swap3A_2113], %swap3A_2116 {add = true, strides = array<i32>} : memref<3x128x256xf32, #tpu.memory_space<vmem>>, vector<1x1x16xf32>,
      %add3A_2117 = arith.constant 64 : i32
      %add3A_2118 = arith.addi %scan3A_2011, %add3A_2117 : i32
      %get3A_2119 = arith.constant 1 : i32
      %get3A_2120 = arith.index_cast %get3A_2119 : i32 to index
      %get3A_2121 = arith.index_cast %add3A_2118 : i32 to index
      %get3A_2122 = arith.constant 112 : index
      %get3A_2123 = tpu.vector_load %arg8[%get3A_2120, %get3A_2121, %get3A_2122] {strides = array<i32>} : memref<3x128x256xf32, #tpu.memory_space<vmem>>, vector<1x1x16xf32>,
      %get3A_2124 = vector.shape_cast %get3A_2123 : vector<1x1x16xf32> to vector<16xf32>
      %swap3A_2125 = arith.constant 1 : i32
      %swap3A_2126 = arith.index_cast %swap3A_2125 : i32 to index
      %swap3A_2127 = arith.index_cast %scan3A_2011 : i32 to index
      %swap3A_2128 = arith.constant 112 : index
      %swap3A_2129 = tpu.vector_load %arg8[%swap3A_2126, %swap3A_2127, %swap3A_2128] {strides = array<i32>} : memref<3x128x256xf32, #tpu.memory_space<vmem>>, vector<1x1x16xf32>,
      %swap3A_2130 = vector.shape_cast %swap3A_2129 : vector<1x1x16xf32> to vector<16xf32>
      %swap3A_2131 = vector.shape_cast %get3A_2124 : vector<16xf32> to vector<1x1x16xf32>
      tpu.vector_store %arg8[%swap3A_2126, %swap3A_2127, %swap3A_2128], %swap3A_2131 {add = true, strides = array<i32>} : memref<3x128x256xf32, #tpu.memory_space<vmem>>, vector<1x1x16xf32>,
      %add3A_2132 = arith.constant 64 : i32
      %add3A_2133 = arith.addi %scan3A_2011, %add3A_2132 : i32
      %get3A_2134 = arith.constant 1 : i32
      %get3A_2135 = arith.index_cast %get3A_2134 : i32 to index
      %get3A_2136 = arith.index_cast %add3A_2133 : i32 to index
      %get3A_2137 = arith.constant 128 : index
      %get3A_2138 = tpu.vector_load %arg8[%get3A_2135, %get3A_2136, %get3A_2137] {strides = array<i32>} : memref<3x128x256xf32, #tpu.memory_space<vmem>>, vector<1x1x16xf32>,
      %get3A_2139 = vector.shape_cast %get3A_2138 : vector<1x1x16xf32> to vector<16xf32>
      %swap3A_2140 = arith.constant 1 : i32
      %swap3A_2141 = arith.index_cast %swap3A_2140 : i32 to index
      %swap3A_2142 = arith.index_cast %scan3A_2011 : i32 to index
      %swap3A_2143 = arith.constant 128 : index
      %swap3A_2144 = tpu.vector_load %arg8[%swap3A_2141, %swap3A_2142, %swap3A_2143] {strides = array<i32>} : memref<3x128x256xf32, #tpu.memory_space<vmem>>, vector<1x1x16xf32>,
      %swap3A_2145 = vector.shape_cast %swap3A_2144 : vector<1x1x16xf32> to vector<16xf32>
      %swap3A_2146 = vector.shape_cast %get3A_2139 : vector<16xf32> to vector<1x1x16xf32>
      tpu.vector_store %arg8[%swap3A_2141, %swap3A_2142, %swap3A_2143], %swap3A_2146 {add = true, strides = array<i32>} : memref<3x128x256xf32, #tpu.memory_space<vmem>>, vector<1x1x16xf32>,
      %add3A_2147 = arith.constant 64 : i32
      %add3A_2148 = arith.addi %scan3A_2011, %add3A_2147 : i32
      %get3A_2149 = arith.constant 1 : i32
      %get3A_2150 = arith.index_cast %get3A_2149 : i32 to index
      %get3A_2151 = arith.index_cast %add3A_2148 : i32 to index
      %get3A_2152 = arith.constant 144 : index
      %get3A_2153 = tpu.vector_load %arg8[%get3A_2150, %get3A_2151, %get3A_2152] {strides = array<i32>} : memref<3x128x256xf32, #tpu.memory_space<vmem>>, vector<1x1x16xf32>,
      %get3A_2154 = vector.shape_cast %get3A_2153 : vector<1x1x16xf32> to vector<16xf32>
      %swap3A_2155 = arith.constant 1 : i32
      %swap3A_2156 = arith.index_cast %swap3A_2155 : i32 to index
      %swap3A_2157 = arith.index_cast %scan3A_2011 : i32 to index
      %swap3A_2158 = arith.constant 144 : index
      %swap3A_2159 = tpu.vector_load %arg8[%swap3A_2156, %swap3A_2157, %swap3A_2158] {strides = array<i32>} : memref<3x128x256xf32, #tpu.memory_space<vmem>>, vector<1x1x16xf32>,
      %swap3A_2160 = vector.shape_cast %swap3A_2159 : vector<1x1x16xf32> to vector<16xf32>
      %swap3A_2161 = vector.shape_cast %get3A_2154 : vector<16xf32> to vector<1x1x16xf32>
      tpu.vector_store %arg8[%swap3A_2156, %swap3A_2157, %swap3A_2158], %swap3A_2161 {add = true, strides = array<i32>} : memref<3x128x256xf32, #tpu.memory_space<vmem>>, vector<1x1x16xf32>,
      %add3A_2162 = arith.constant 64 : i32
      %add3A_2163 = arith.addi %scan3A_2011, %add3A_2162 : i32
      %get3A_2164 = arith.constant 1 : i32
      %get3A_2165 = arith.index_cast %get3A_2164 : i32 to index
      %get3A_2166 = arith.index_cast %add3A_2163 : i32 to index
      %get3A_2167 = arith.constant 160 : index
      %get3A_2168 = tpu.vector_load %arg8[%get3A_2165, %get3A_2166, %get3A_2167] {strides = array<i32>} : memref<3x128x256xf32, #tpu.memory_space<vmem>>, vector<1x1x16xf32>,
      %get3A_2169 = vector.shape_cast %get3A_2168 : vector<1x1x16xf32> to vector<16xf32>
      %swap3A_2170 = arith.constant 1 : i32
      %swap3A_2171 = arith.index_cast %swap3A_2170 : i32 to index
      %swap3A_2172 = arith.index_cast %scan3A_2011 : i32 to index
      %swap3A_2173 = arith.constant 160 : index
      %swap3A_2174 = tpu.vector_load %arg8[%swap3A_2171, %swap3A_2172, %swap3A_2173] {strides = array<i32>} : memref<3x128x256xf32, #tpu.memory_space<vmem>>, vector<1x1x16xf32>,
      %swap3A_2175 = vector.shape_cast %swap3A_2174 : vector<1x1x16xf32> to vector<16xf32>
      %swap3A_2176 = vector.shape_cast %get3A_2169 : vector<16xf32> to vector<1x1x16xf32>
      tpu.vector_store %arg8[%swap3A_2171, %swap3A_2172, %swap3A_2173], %swap3A_2176 {add = true, strides = array<i32>} : memref<3x128x256xf32, #tpu.memory_space<vmem>>, vector<1x1x16xf32>,
      %add3A_2177 = arith.constant 64 : i32
      %add3A_2178 = arith.addi %scan3A_2011, %add3A_2177 : i32
      %get3A_2179 = arith.constant 1 : i32
      %get3A_2180 = arith.index_cast %get3A_2179 : i32 to index
      %get3A_2181 = arith.index_cast %add3A_2178 : i32 to index
      %get3A_2182 = arith.constant 176 : index
      %get3A_2183 = tpu.vector_load %arg8[%get3A_2180, %get3A_2181, %get3A_2182] {strides = array<i32>} : memref<3x128x256xf32, #tpu.memory_space<vmem>>, vector<1x1x16xf32>,
      %get3A_2184 = vector.shape_cast %get3A_2183 : vector<1x1x16xf32> to vector<16xf32>
      %swap3A_2185 = arith.constant 1 : i32
      %swap3A_2186 = arith.index_cast %swap3A_2185 : i32 to index
      %swap3A_2187 = arith.index_cast %scan3A_2011 : i32 to index
      %swap3A_2188 = arith.constant 176 : index
      %swap3A_2189 = tpu.vector_load %arg8[%swap3A_2186, %swap3A_2187, %swap3A_2188] {strides = array<i32>} : memref<3x128x256xf32, #tpu.memory_space<vmem>>, vector<1x1x16xf32>,
      %swap3A_2190 = vector.shape_cast %swap3A_2189 : vector<1x1x16xf32> to vector<16xf32>
      %swap3A_2191 = vector.shape_cast %get3A_2184 : vector<16xf32> to vector<1x1x16xf32>
      tpu.vector_store %arg8[%swap3A_2186, %swap3A_2187, %swap3A_2188], %swap3A_2191 {add = true, strides = array<i32>} : memref<3x128x256xf32, #tpu.memory_space<vmem>>, vector<1x1x16xf32>,
      %add3A_2192 = arith.constant 64 : i32
      %add3A_2193 = arith.addi %scan3A_2011, %add3A_2192 : i32
      %get3A_2194 = arith.constant 1 : i32
      %get3A_2195 = arith.index_cast %get3A_2194 : i32 to index
      %get3A_2196 = arith.index_cast %add3A_2193 : i32 to index
      %get3A_2197 = arith.constant 192 : index
      %get3A_2198 = tpu.vector_load %arg8[%get3A_2195, %get3A_2196, %get3A_2197] {strides = array<i32>} : memref<3x128x256xf32, #tpu.memory_space<vmem>>, vector<1x1x16xf32>,
      %get3A_2199 = vector.shape_cast %get3A_2198 : vector<1x1x16xf32> to vector<16xf32>
      %swap3A_2200 = arith.constant 1 : i32
      %swap3A_2201 = arith.index_cast %swap3A_2200 : i32 to index
      %swap3A_2202 = arith.index_cast %scan3A_2011 : i32 to index
      %swap3A_2203 = arith.constant 192 : index
      %swap3A_2204 = tpu.vector_load %arg8[%swap3A_2201, %swap3A_2202, %swap3A_2203] {strides = array<i32>} : memref<3x128x256xf32, #tpu.memory_space<vmem>>, vector<1x1x16xf32>,
      %swap3A_2205 = vector.shape_cast %swap3A_2204 : vector<1x1x16xf32> to vector<16xf32>
      %swap3A_2206 = vector.shape_cast %get3A_2199 : vector<16xf32> to vector<1x1x16xf32>
      tpu.vector_store %arg8[%swap3A_2201, %swap3A_2202, %swap3A_2203], %swap3A_2206 {add = true, strides = array<i32>} : memref<3x128x256xf32, #tpu.memory_space<vmem>>, vector<1x1x16xf32>,
      %add3A_2207 = arith.constant 64 : i32
      %add3A_2208 = arith.addi %scan3A_2011, %add3A_2207 : i32
      %get3A_2209 = arith.constant 1 : i32
      %get3A_2210 = arith.index_cast %get3A_2209 : i32 to index
      %get3A_2211 = arith.index_cast %add3A_2208 : i32 to index
      %get3A_2212 = arith.constant 208 : index
      %get3A_2213 = tpu.vector_load %arg8[%get3A_2210, %get3A_2211, %get3A_2212] {strides = array<i32>} : memref<3x128x256xf32, #tpu.memory_space<vmem>>, vector<1x1x16xf32>,
      %get3A_2214 = vector.shape_cast %get3A_2213 : vector<1x1x16xf32> to vector<16xf32>
      %swap3A_2215 = arith.constant 1 : i32
      %swap3A_2216 = arith.index_cast %swap3A_2215 : i32 to index
      %swap3A_2217 = arith.index_cast %scan3A_2011 : i32 to index
      %swap3A_2218 = arith.constant 208 : index
      %swap3A_2219 = tpu.vector_load %arg8[%swap3A_2216, %swap3A_2217, %swap3A_2218] {strides = array<i32>} : memref<3x128x256xf32, #tpu.memory_space<vmem>>, vector<1x1x16xf32>,
      %swap3A_2220 = vector.shape_cast %swap3A_2219 : vector<1x1x16xf32> to vector<16xf32>
      %swap3A_2221 = vector.shape_cast %get3A_2214 : vector<16xf32> to vector<1x1x16xf32>
      tpu.vector_store %arg8[%swap3A_2216, %swap3A_2217, %swap3A_2218], %swap3A_2221 {add = true, strides = array<i32>} : memref<3x128x256xf32, #tpu.memory_space<vmem>>, vector<1x1x16xf32>,
      %add3A_2222 = arith.constant 64 : i32
      %add3A_2223 = arith.addi %scan3A_2011, %add3A_2222 : i32
      %get3A_2224 = arith.constant 1 : i32
      %get3A_2225 = arith.index_cast %get3A_2224 : i32 to index
      %get3A_2226 = arith.index_cast %add3A_2223 : i32 to index
      %get3A_2227 = arith.constant 224 : index
      %get3A_2228 = tpu.vector_load %arg8[%get3A_2225, %get3A_2226, %get3A_2227] {strides = array<i32>} : memref<3x128x256xf32, #tpu.memory_space<vmem>>, vector<1x1x16xf32>,
      %get3A_2229 = vector.shape_cast %get3A_2228 : vector<1x1x16xf32> to vector<16xf32>
      %swap3A_2230 = arith.constant 1 : i32
      %swap3A_2231 = arith.index_cast %swap3A_2230 : i32 to index
      %swap3A_2232 = arith.index_cast %scan3A_2011 : i32 to index
      %swap3A_2233 = arith.constant 224 : index
      %swap3A_2234 = tpu.vector_load %arg8[%swap3A_2231, %swap3A_2232, %swap3A_2233] {strides = array<i32>} : memref<3x128x256xf32, #tpu.memory_space<vmem>>, vector<1x1x16xf32>,
      %swap3A_2235 = vector.shape_cast %swap3A_2234 : vector<1x1x16xf32> to vector<16xf32>
      %swap3A_2236 = vector.shape_cast %get3A_2229 : vector<16xf32> to vector<1x1x16xf32>
      tpu.vector_store %arg8[%swap3A_2231, %swap3A_2232, %swap3A_2233], %swap3A_2236 {add = true, strides = array<i32>} : memref<3x128x256xf32, #tpu.memory_space<vmem>>, vector<1x1x16xf32>,
      %add3A_2237 = arith.constant 64 : i32
      %add3A_2238 = arith.addi %scan3A_2011, %add3A_2237 : i32
      %get3A_2239 = arith.constant 1 : i32
      %get3A_2240 = arith.index_cast %get3A_2239 : i32 to index
      %get3A_2241 = arith.index_cast %add3A_2238 : i32 to index
      %get3A_2242 = arith.constant 240 : index
      %get3A_2243 = tpu.vector_load %arg8[%get3A_2240, %get3A_2241, %get3A_2242] {strides = array<i32>} : memref<3x128x256xf32, #tpu.memory_space<vmem>>, vector<1x1x16xf32>,
      %get3A_2244 = vector.shape_cast %get3A_2243 : vector<1x1x16xf32> to vector<16xf32>
      %swap3A_2245 = arith.constant 1 : i32
      %swap3A_2246 = arith.index_cast %swap3A_2245 : i32 to index
      %swap3A_2247 = arith.index_cast %scan3A_2011 : i32 to index
      %swap3A_2248 = arith.constant 240 : index
      %swap3A_2249 = tpu.vector_load %arg8[%swap3A_2246, %swap3A_2247, %swap3A_2248] {strides = array<i32>} : memref<3x128x256xf32, #tpu.memory_space<vmem>>, vector<1x1x16xf32>,
      %swap3A_2250 = vector.shape_cast %swap3A_2249 : vector<1x1x16xf32> to vector<16xf32>
      %swap3A_2251 = vector.shape_cast %get3A_2244 : vector<16xf32> to vector<1x1x16xf32>
      tpu.vector_store %arg8[%swap3A_2246, %swap3A_2247, %swap3A_2248], %swap3A_2251 {add = true, strides = array<i32>} : memref<3x128x256xf32, #tpu.memory_space<vmem>>, vector<1x1x16xf32>,
    }
    %scan3A_1938 = arith.constant 64 : i32
    %mul3A_1939 = arith.constant 4 : i32
    %mul3A_1940 = arith.muli %add3A, %mul3A_1939 : i32
    %add3A_1941 = arith.constant 3 : i32
    %add3A_1942 = arith.addi %mul3A_1940, %add3A_1941 : i32
    %dma_start3A_1943 = arith.constant 1 : i32
    %dma_start3A_1944 = arith.constant 0 : i32
    %dma_start3A_1945 = arith.constant 0 : i32
    %dma_start3A_1946 = tpu.memref_slice %arg8[%dma_start3A_1943, %dma_start3A_1944, %dma_start3A_1945] : memref<3x128x256xf32, #tpu.memory_space<vmem>> -> memref<1x64x256xf32, #tpu.memory_space<vmem>>
    %dma_start3A_1947 = tpu.memref_squeeze %dma_start3A_1946 : memref<1x64x256xf32, #tpu.memory_space<vmem>> -> memref<64x256xf32, #tpu.memory_space<vmem>>
    %dma_start3A_1948 = arith.constant 64 : i32
    %dma_start3A_1949 = arith.constant 0 : i32
    %dma_start3A_1950 = tpu.memref_slice %arg4[%add3A_1942, %dma_start3A_1948, %dma_start3A_1949] : memref<128x128x256xf32, #tpu.memory_space<hbm>> -> memref<1x64x256xf32, #tpu.memory_space<hbm>>
    %dma_start3A_1951 = tpu.memref_squeeze %dma_start3A_1950 : memref<1x64x256xf32, #tpu.memory_space<hbm>> -> memref<64x256xf32, #tpu.memory_space<hbm>>
    %dma_start3A_1952 = arith.constant 64 : i32
    %dma_start3A_1953 = arith.constant 0 : i32
    %dma_start3A_1954 = tpu.memref_slice %arg4[%add3A_1942, %dma_start3A_1952, %dma_start3A_1953] : memref<128x128x256xf32, #tpu.memory_space<hbm>> -> memref<1x64x256xf32, #tpu.memory_space<hbm>>
    %dma_start3A_1955 = tpu.memref_squeeze %dma_start3A_1954 : memref<1x64x256xf32, #tpu.memory_space<hbm>> -> memref<64x256xf32, #tpu.memory_space<hbm>>
    %dma_start3A_1956 = arith.constant 0 : i32
    %dma_start3A_1957 = arith.constant 0 : i32
    %dma_start3A_1958 = tpu.memref_slice %arg8[%dma_start3A_1943, %dma_start3A_1956, %dma_start3A_1957] : memref<3x128x256xf32, #tpu.memory_space<vmem>> -> memref<1x64x256xf32, #tpu.memory_space<vmem>>
    %dma_start3A_1959 = tpu.memref_squeeze %dma_start3A_1958 : memref<1x64x256xf32, #tpu.memory_space<vmem>> -> memref<64x256xf32, #tpu.memory_space<vmem>>
    tpu.enqueue_dma source(%dma_start3A_1959 : memref<64x256xf32, #tpu.memory_space<vmem>>) target(%dma_start3A_1955 : memref<64x256xf32, #tpu.memory_space<hbm>>) target_semaphore(%arg10 : memref<!tpu.dma_semaphore, #tpu.memory_space<semaphore_mem>>)
    %dma_wait3A_1960 = arith.constant 2 : i32
    %dma_wait3A_1961 = arith.constant 0 : i32
    %dma_wait3A_1962 = arith.constant 0 : i32
    %dma_wait3A_1963 = tpu.memref_slice %arg8[%dma_wait3A_1960, %dma_wait3A_1961, %dma_wait3A_1962] : memref<3x128x256xf32, #tpu.memory_space<vmem>> -> memref<1x64x256xf32, #tpu.memory_space<vmem>>
    %dma_wait3A_1964 = tpu.memref_squeeze %dma_wait3A_1963 : memref<1x64x256xf32, #tpu.memory_space<vmem>> -> memref<64x256xf32, #tpu.memory_space<vmem>>
    %dma_wait3A_1965 = arith.constant 64 : i32
    %dma_wait3A_1966 = arith.constant 0 : i32
    %dma_wait3A_1967 = tpu.memref_slice %arg4[%add3A_1840, %dma_wait3A_1965, %dma_wait3A_1966] : memref<128x128x256xf32, #tpu.memory_space<hbm>> -> memref<1x64x256xf32, #tpu.memory_space<hbm>>
    %dma_wait3A_1968 = tpu.memref_squeeze %dma_wait3A_1967 : memref<1x64x256xf32, #tpu.memory_space<hbm>> -> memref<64x256xf32, #tpu.memory_space<hbm>>
    %dma_wait3A_1969 = arith.constant 64 : i32
    %dma_wait3A_1970 = arith.constant 0 : i32
    %dma_wait3A_1971 = tpu.memref_slice %arg4[%add3A_1840, %dma_wait3A_1969, %dma_wait3A_1970] : memref<128x128x256xf32, #tpu.memory_space<hbm>> -> memref<1x64x256xf32, #tpu.memory_space<hbm>>
    %dma_wait3A_1972 = tpu.memref_squeeze %dma_wait3A_1971 : memref<1x64x256xf32, #tpu.memory_space<hbm>> -> memref<64x256xf32, #tpu.memory_space<hbm>>
    %dma_wait3A_1973 = arith.constant 0 : i32
    %dma_wait3A_1974 = arith.constant 0 : i32
    %dma_wait3A_1975 = tpu.memref_slice %arg8[%dma_wait3A_1960, %dma_wait3A_1973, %dma_wait3A_1974] : memref<3x128x256xf32, #tpu.memory_space<vmem>> -> memref<1x64x256xf32, #tpu.memory_space<vmem>>
    %dma_wait3A_1976 = tpu.memref_squeeze %dma_wait3A_1975 : memref<1x64x256xf32, #tpu.memory_space<vmem>> -> memref<64x256xf32, #tpu.memory_space<vmem>>
    tpu.wait_dma2 semaphore(%arg10 : memref<!tpu.dma_semaphore, #tpu.memory_space<semaphore_mem>>) src(%dma_wait3A_1976 : memref<64x256xf32, #tpu.memory_space<vmem>>) dst(%dma_wait3A_1972 : memref<64x256xf32, #tpu.memory_space<hbm>>)
    %dma_wait3A_1977 = arith.constant 0 : i32
    %dma_wait3A_1978 = arith.constant 0 : i32
    %dma_wait3A_1979 = arith.constant 0 : i32
    %dma_wait3A_1980 = tpu.memref_slice %arg8[%dma_wait3A_1977, %dma_wait3A_1978, %dma_wait3A_1979] : memref<3x128x256xf32, #tpu.memory_space<vmem>> -> memref<1x64x256xf32, #tpu.memory_space<vmem>>
    %dma_wait3A_1981 = tpu.memref_squeeze %dma_wait3A_1980 : memref<1x64x256xf32, #tpu.memory_space<vmem>> -> memref<64x256xf32, #tpu.memory_space<vmem>>
    %dma_wait3A_1982 = arith.constant 0 : i32
    %dma_wait3A_1983 = arith.constant 0 : i32
    %dma_wait3A_1984 = tpu.memref_slice %arg4[%add3A_1891, %dma_wait3A_1982, %dma_wait3A_1983] : memref<128x128x256xf32, #tpu.memory_space<hbm>> -> memref<1x64x256xf32, #tpu.memory_space<hbm>>
    %dma_wait3A_1985 = tpu.memref_squeeze %dma_wait3A_1984 : memref<1x64x256xf32, #tpu.memory_space<hbm>> -> memref<64x256xf32, #tpu.memory_space<hbm>>
    %dma_wait3A_1986 = arith.constant 0 : i32
    %dma_wait3A_1987 = arith.constant 0 : i32
    %dma_wait3A_1988 = tpu.memref_slice %arg4[%add3A_1891, %dma_wait3A_1986, %dma_wait3A_1987] : memref<128x128x256xf32, #tpu.memory_space<hbm>> -> memref<1x64x256xf32, #tpu.memory_space<hbm>>
    %dma_wait3A_1989 = tpu.memref_squeeze %dma_wait3A_1988 : memref<1x64x256xf32, #tpu.memory_space<hbm>> -> memref<64x256xf32, #tpu.memory_space<hbm>>
    %dma_wait3A_1990 = arith.constant 0 : i32
    %dma_wait3A_1991 = arith.constant 0 : i32
    %dma_wait3A_1992 = tpu.memref_slice %arg8[%dma_wait3A_1977, %dma_wait3A_1990, %dma_wait3A_1991] : memref<3x128x256xf32, #tpu.memory_space<vmem>> -> memref<1x64x256xf32, #tpu.memory_space<vmem>>
    %dma_wait3A_1993 = tpu.memref_squeeze %dma_wait3A_1992 : memref<1x64x256xf32, #tpu.memory_space<vmem>> -> memref<64x256xf32, #tpu.memory_space<vmem>>
    tpu.wait_dma2 semaphore(%arg10 : memref<!tpu.dma_semaphore, #tpu.memory_space<semaphore_mem>>) src(%dma_wait3A_1993 : memref<64x256xf32, #tpu.memory_space<vmem>>) dst(%dma_wait3A_1989 : memref<64x256xf32, #tpu.memory_space<hbm>>)
    %dma_wait3A_1994 = arith.constant 1 : i32
    %dma_wait3A_1995 = arith.constant 0 : i32
    %dma_wait3A_1996 = arith.constant 0 : i32
    %dma_wait3A_1997 = tpu.memref_slice %arg8[%dma_wait3A_1994, %dma_wait3A_1995, %dma_wait3A_1996] : memref<3x128x256xf32, #tpu.memory_space<vmem>> -> memref<1x64x256xf32, #tpu.memory_space<vmem>>
    %dma_wait3A_1998 = tpu.memref_squeeze %dma_wait3A_1997 : memref<1x64x256xf32, #tpu.memory_space<vmem>> -> memref<64x256xf32, #tpu.memory_space<vmem>>
    %dma_wait3A_1999 = arith.constant 64 : i32
    %dma_wait3A_2000 = arith.constant 0 : i32
    %dma_wait3A_2001 = tpu.memref_slice %arg4[%add3A_1942, %dma_wait3A_1999, %dma_wait3A_2000] : memref<128x128x256xf32, #tpu.memory_space<hbm>> -> memref<1x64x256xf32, #tpu.memory_space<hbm>>
    %dma_wait3A_2002 = tpu.memref_squeeze %dma_wait3A_2001 : memref<1x64x256xf32, #tpu.memory_space<hbm>> -> memref<64x256xf32, #tpu.memory_space<hbm>>
    %dma_wait3A_2003 = arith.constant 64 : i32
    %dma_wait3A_2004 = arith.constant 0 : i32
    %dma_wait3A_2005 = tpu.memref_slice %arg4[%add3A_1942, %dma_wait3A_2003, %dma_wait3A_2004] : memref<128x128x256xf32, #tpu.memory_space<hbm>> -> memref<1x64x256xf32, #tpu.memory_space<hbm>>
    %dma_wait3A_2006 = tpu.memref_squeeze %dma_wait3A_2005 : memref<1x64x256xf32, #tpu.memory_space<hbm>> -> memref<64x256xf32, #tpu.memory_space<hbm>>
    %dma_wait3A_2007 = arith.constant 0 : i32
    %dma_wait3A_2008 = arith.constant 0 : i32
    %dma_wait3A_2009 = tpu.memref_slice %arg8[%dma_wait3A_1994, %dma_wait3A_2007, %dma_wait3A_2008] : memref<3x128x256xf32, #tpu.memory_space<vmem>> -> memref<1x64x256xf32, #tpu.memory_space<vmem>>
    %dma_wait3A_2010 = tpu.memref_squeeze %dma_wait3A_2009 : memref<1x64x256xf32, #tpu.memory_space<vmem>> -> memref<64x256xf32, #tpu.memory_space<vmem>>
    tpu.wait_dma2 semaphore(%arg10 : memref<!tpu.dma_semaphore, #tpu.memory_space<semaphore_mem>>) src(%dma_wait3A_2010 : memref<64x256xf32, #tpu.memory_space<vmem>>) dst(%dma_wait3A_2006 : memref<64x256xf32, #tpu.memory_space<hbm>>)
    return
  }
}

module attributes {stable_mosaic.version = 14 : i64} {
  func.func @_tab_body(%arg0: i32, %arg1: memref<800x256xf32, #tpu.memory_space<vmem>>, %arg2: memref<8x100x256xf32, #tpu.memory_space<vmem>>, %arg3: memref<800x256xf32, #tpu.memory_space<vmem>>, %arg4: memref<2x256xf32, #tpu.memory_space<vmem>>, %arg5: memref<6x256xf32, #tpu.memory_space<vmem>>, %arg6: memref<800x256xf32, #tpu.memory_space<vmem>>) attributes {dimension_semantics = [#tpu.dimension_semantics<arbitrary>], iteration_bounds = array<i64: 24>, scalar_prefetch = 0 : i64, scratch_operands = 0 : i64, tpu.core_type = #tpu.core_type<tc>, window_params = [{transform_indices = @transform_0, window_bounds = array<i64: 800, 256>}, {transform_indices = @transform_1, window_bounds = array<i64: 8, 100, 256>}, {pipeline_mode = #tpu.pipeline_mode<synchronous>, transform_indices = @transform_2, window_bounds = array<i64: 800, 256>}, {pipeline_mode = #tpu.pipeline_mode<synchronous>, transform_indices = @transform_3, window_bounds = array<i64: 2, 256>}, {pipeline_mode = #tpu.pipeline_mode<synchronous>, transform_indices = @transform_4, window_bounds = array<i64: 6, 256>}, {transform_indices = @transform_5, window_bounds = array<i64: 800, 256>}]} {
    %lt3A = arith.constant 7 : i32
    %lt3A_0 = arith.cmpi slt, %arg0, %lt3A : i32
    %convert_element_type3A = arith.extui %lt3A_0 : i1 to i32
    %cond3A = arith.constant 0 : i32
    %cond3A_1 = arith.cmpi ne, %convert_element_type3A, %cond3A : i32
    scf.if %cond3A_1 {
      %get3A = arith.constant 0 : index
      %get3A_13 = arith.constant 0 : index
      %get3A_14 = vector.load %arg1[%get3A, %get3A_13] : memref<800x256xf32, #tpu.memory_space<vmem>>, vector<800x256xf32>
      %get3A_15 = arith.constant 0 : index
      %get3A_16 = arith.constant 0 : index
      %get3A_17 = vector.load %arg5[%get3A_15, %get3A_16] : memref<6x256xf32, #tpu.memory_space<vmem>>, vector<1x256xf32>
      %get3A_18 = vector.shape_cast %get3A_17 : vector<1x256xf32> to vector<256xf32>
      %get3A_19 = arith.constant 1 : index
      %get3A_20 = arith.constant 0 : index
      %get3A_21 = vector.load %arg5[%get3A_19, %get3A_20] : memref<6x256xf32, #tpu.memory_space<vmem>>, vector<1x256xf32>
      %get3A_22 = vector.shape_cast %get3A_21 : vector<1x256xf32> to vector<256xf32>
      %reduce_sum3A = arith.constant dense<0.000000e+00> : vector<800xf32>
      %reduce_sum3A_23 = vector.multi_reduction <add>, %get3A_14, %reduce_sum3A [1] : vector<800x256xf32> to vector<800xf32>
      %broadcast_in_dim3A = vector.shape_cast %reduce_sum3A_23 : vector<800xf32> to vector<800x1xf32>
      %div3A = arith.constant 2.560000e+02 : f32
      %div3A_24 = vector.broadcast %div3A : f32 to vector<800x1xf32>
      %div3A_25 = arith.divf %broadcast_in_dim3A, %div3A_24 : vector<800x1xf32>
      %mul3A = arith.mulf %get3A_14, %get3A_14 : vector<800x256xf32>
      %reduce_sum3A_26 = arith.constant dense<0.000000e+00> : vector<800xf32>
      %reduce_sum3A_27 = vector.multi_reduction <add>, %mul3A, %reduce_sum3A_26 [1] : vector<800x256xf32> to vector<800xf32>
      %broadcast_in_dim3A_28 = vector.shape_cast %reduce_sum3A_27 : vector<800xf32> to vector<800x1xf32>
      %div3A_29 = arith.constant 2.560000e+02 : f32
      %div3A_30 = vector.broadcast %div3A_29 : f32 to vector<800x1xf32>
      %div3A_31 = arith.divf %broadcast_in_dim3A_28, %div3A_30 : vector<800x1xf32>
      %mul3A_32 = arith.mulf %div3A_25, %div3A_25 : vector<800x1xf32>
      %sub3A = arith.subf %div3A_31, %mul3A_32 : vector<800x1xf32>
      %max3A = arith.constant 0.000000e+00 : f32
      %max3A_33 = vector.broadcast %max3A : f32 to vector<800x1xf32>
      %max3A_34 = arith.maximumf %sub3A, %max3A_33 : vector<800x1xf32>
      %sub3A_35 = vector.broadcast %div3A_25 : vector<800x1xf32> to vector<800x256xf32>
      %sub3A_36 = arith.subf %get3A_14, %sub3A_35 : vector<800x256xf32>
      %add3A = arith.constant 9.99999996E-13 : f32
      %add3A_37 = vector.broadcast %add3A : f32 to vector<800x1xf32>
      %add3A_38 = arith.addf %max3A_34, %add3A_37 : vector<800x1xf32>
      %rsqrt3A = math.rsqrt %add3A_38 : vector<800x1xf32>
      %mul3A_39 = vector.broadcast %rsqrt3A : vector<800x1xf32> to vector<800x256xf32>
      %mul3A_40 = arith.mulf %sub3A_36, %mul3A_39 : vector<800x256xf32>
      %broadcast_in_dim3A_41 = vector.shape_cast %get3A_18 : vector<256xf32> to vector<1x256xf32>
      %mul3A_42 = vector.broadcast %broadcast_in_dim3A_41 : vector<1x256xf32> to vector<800x256xf32>
      %mul3A_43 = arith.mulf %mul3A_40, %mul3A_42 : vector<800x256xf32>
      %broadcast_in_dim3A_44 = vector.shape_cast %get3A_22 : vector<256xf32> to vector<1x256xf32>
      %add3A_45 = vector.broadcast %broadcast_in_dim3A_44 : vector<1x256xf32> to vector<800x256xf32>
      %add3A_46 = arith.addf %mul3A_43, %add3A_45 : vector<800x256xf32>
      %swap3A = arith.constant 0 : index
      %swap3A_47 = arith.constant 0 : index
      %swap3A_48 = vector.load %arg6[%swap3A, %swap3A_47] : memref<800x256xf32, #tpu.memory_space<vmem>>, vector<800x256xf32>
      tpu.vector_store %arg6[%swap3A, %swap3A_47], %add3A_46 {strides = array<i32>} : memref<800x256xf32, #tpu.memory_space<vmem>>, vector<800x256xf32>,
    } else {
    }
    %ge3A = arith.constant 7 : i32
    %ge3A_2 = arith.cmpi sge, %arg0, %ge3A : i32
    %lt3A_3 = arith.constant 23 : i32
    %lt3A_4 = arith.cmpi slt, %arg0, %lt3A_3 : i32
    %and3A = arith.andi %ge3A_2, %lt3A_4 : i1
    %convert_element_type3A_5 = arith.extui %and3A : i1 to i32
    %cond3A_6 = arith.constant 0 : i32
    %cond3A_7 = arith.cmpi ne, %convert_element_type3A_5, %cond3A_6 : i32
    scf.if %cond3A_7 {
      %get3A = arith.constant 0 : index
      %get3A_13 = arith.constant 0 : index
      %get3A_14 = arith.constant 0 : index
      %get3A_15 = vector.load %arg2[%get3A, %get3A_13, %get3A_14] : memref<8x100x256xf32, #tpu.memory_space<vmem>>, vector<8x100x256xf32>
      %get3A_16 = arith.constant 2 : index
      %get3A_17 = arith.constant 0 : index
      %get3A_18 = vector.load %arg5[%get3A_16, %get3A_17] : memref<6x256xf32, #tpu.memory_space<vmem>>, vector<1x256xf32>
      %get3A_19 = vector.shape_cast %get3A_18 : vector<1x256xf32> to vector<256xf32>
      %get3A_20 = arith.constant 3 : index
      %get3A_21 = arith.constant 0 : index
      %get3A_22 = vector.load %arg5[%get3A_20, %get3A_21] : memref<6x256xf32, #tpu.memory_space<vmem>>, vector<1x256xf32>
      %get3A_23 = vector.shape_cast %get3A_22 : vector<1x256xf32> to vector<256xf32>
      %reduce_sum3A = arith.constant dense<0.000000e+00> : vector<8x100xf32>
      %reduce_sum3A_24 = vector.multi_reduction <add>, %get3A_15, %reduce_sum3A [2] : vector<8x100x256xf32> to vector<8x100xf32>
      %broadcast_in_dim3A = vector.shape_cast %reduce_sum3A_24 : vector<8x100xf32> to vector<8x100x1xf32>
      %div3A = arith.constant 2.560000e+02 : f32
      %div3A_25 = vector.broadcast %div3A : f32 to vector<8x100x1xf32>
      %div3A_26 = arith.divf %broadcast_in_dim3A, %div3A_25 : vector<8x100x1xf32>
      %mul3A = arith.mulf %get3A_15, %get3A_15 : vector<8x100x256xf32>
      %reduce_sum3A_27 = arith.constant dense<0.000000e+00> : vector<8x100xf32>
      %reduce_sum3A_28 = vector.multi_reduction <add>, %mul3A, %reduce_sum3A_27 [2] : vector<8x100x256xf32> to vector<8x100xf32>
      %broadcast_in_dim3A_29 = vector.shape_cast %reduce_sum3A_28 : vector<8x100xf32> to vector<8x100x1xf32>
      %div3A_30 = arith.constant 2.560000e+02 : f32
      %div3A_31 = vector.broadcast %div3A_30 : f32 to vector<8x100x1xf32>
      %div3A_32 = arith.divf %broadcast_in_dim3A_29, %div3A_31 : vector<8x100x1xf32>
      %mul3A_33 = arith.mulf %div3A_26, %div3A_26 : vector<8x100x1xf32>
      %sub3A = arith.subf %div3A_32, %mul3A_33 : vector<8x100x1xf32>
      %max3A = arith.constant 0.000000e+00 : f32
      %max3A_34 = vector.broadcast %max3A : f32 to vector<8x100x1xf32>
      %max3A_35 = arith.maximumf %sub3A, %max3A_34 : vector<8x100x1xf32>
      %sub3A_36 = vector.broadcast %div3A_26 : vector<8x100x1xf32> to vector<8x100x256xf32>
      %sub3A_37 = arith.subf %get3A_15, %sub3A_36 : vector<8x100x256xf32>
      %add3A = arith.constant 9.99999996E-13 : f32
      %add3A_38 = vector.broadcast %add3A : f32 to vector<8x100x1xf32>
      %add3A_39 = arith.addf %max3A_35, %add3A_38 : vector<8x100x1xf32>
      %rsqrt3A = math.rsqrt %add3A_39 : vector<8x100x1xf32>
      %mul3A_40 = vector.broadcast %rsqrt3A : vector<8x100x1xf32> to vector<8x100x256xf32>
      %mul3A_41 = arith.mulf %sub3A_37, %mul3A_40 : vector<8x100x256xf32>
      %broadcast_in_dim3A_42 = vector.shape_cast %get3A_19 : vector<256xf32> to vector<1x1x256xf32>
      %mul3A_43 = vector.broadcast %broadcast_in_dim3A_42 : vector<1x1x256xf32> to vector<8x100x256xf32>
      %mul3A_44 = arith.mulf %mul3A_41, %mul3A_43 : vector<8x100x256xf32>
      %broadcast_in_dim3A_45 = vector.shape_cast %get3A_23 : vector<256xf32> to vector<1x1x256xf32>
      %add3A_46 = vector.broadcast %broadcast_in_dim3A_45 : vector<1x1x256xf32> to vector<8x100x256xf32>
      %add3A_47 = arith.addf %mul3A_44, %add3A_46 : vector<8x100x256xf32>
      %slice3A = vector.extract_strided_slice %add3A_47 {offsets = [0, 0, 0], sizes = [1, 100, 256], strides = [1, 1, 1]} : vector<8x100x256xf32> to vector<1x100x256xf32>
      %squeeze3A = vector.shape_cast %slice3A : vector<1x100x256xf32> to vector<100x256xf32>
      %swap3A = arith.constant 0 : index
      %swap3A_48 = arith.constant 0 : index
      %swap3A_49 = vector.load %arg6[%swap3A, %swap3A_48] : memref<800x256xf32, #tpu.memory_space<vmem>>, vector<100x256xf32>
      tpu.vector_store %arg6[%swap3A, %swap3A_48], %squeeze3A {strides = array<i32>} : memref<800x256xf32, #tpu.memory_space<vmem>>, vector<100x256xf32>,
      %slice3A_50 = vector.extract_strided_slice %add3A_47 {offsets = [1, 0, 0], sizes = [1, 100, 256], strides = [1, 1, 1]} : vector<8x100x256xf32> to vector<1x100x256xf32>
      %squeeze3A_51 = vector.shape_cast %slice3A_50 : vector<1x100x256xf32> to vector<100x256xf32>
      %swap3A_52 = arith.constant 100 : index
      %swap3A_53 = arith.constant 0 : index
      %swap3A_54 = vector.load %arg6[%swap3A_52, %swap3A_53] : memref<800x256xf32, #tpu.memory_space<vmem>>, vector<100x256xf32>
      tpu.vector_store %arg6[%swap3A_52, %swap3A_53], %squeeze3A_51 {strides = array<i32>} : memref<800x256xf32, #tpu.memory_space<vmem>>, vector<100x256xf32>,
      %slice3A_55 = vector.extract_strided_slice %add3A_47 {offsets = [2, 0, 0], sizes = [1, 100, 256], strides = [1, 1, 1]} : vector<8x100x256xf32> to vector<1x100x256xf32>
      %squeeze3A_56 = vector.shape_cast %slice3A_55 : vector<1x100x256xf32> to vector<100x256xf32>
      %swap3A_57 = arith.constant 200 : index
      %swap3A_58 = arith.constant 0 : index
      %swap3A_59 = vector.load %arg6[%swap3A_57, %swap3A_58] : memref<800x256xf32, #tpu.memory_space<vmem>>, vector<100x256xf32>
      tpu.vector_store %arg6[%swap3A_57, %swap3A_58], %squeeze3A_56 {strides = array<i32>} : memref<800x256xf32, #tpu.memory_space<vmem>>, vector<100x256xf32>,
      %slice3A_60 = vector.extract_strided_slice %add3A_47 {offsets = [3, 0, 0], sizes = [1, 100, 256], strides = [1, 1, 1]} : vector<8x100x256xf32> to vector<1x100x256xf32>
      %squeeze3A_61 = vector.shape_cast %slice3A_60 : vector<1x100x256xf32> to vector<100x256xf32>
      %swap3A_62 = arith.constant 300 : index
      %swap3A_63 = arith.constant 0 : index
      %swap3A_64 = vector.load %arg6[%swap3A_62, %swap3A_63] : memref<800x256xf32, #tpu.memory_space<vmem>>, vector<100x256xf32>
      tpu.vector_store %arg6[%swap3A_62, %swap3A_63], %squeeze3A_61 {strides = array<i32>} : memref<800x256xf32, #tpu.memory_space<vmem>>, vector<100x256xf32>,
      %slice3A_65 = vector.extract_strided_slice %add3A_47 {offsets = [4, 0, 0], sizes = [1, 100, 256], strides = [1, 1, 1]} : vector<8x100x256xf32> to vector<1x100x256xf32>
      %squeeze3A_66 = vector.shape_cast %slice3A_65 : vector<1x100x256xf32> to vector<100x256xf32>
      %swap3A_67 = arith.constant 400 : index
      %swap3A_68 = arith.constant 0 : index
      %swap3A_69 = vector.load %arg6[%swap3A_67, %swap3A_68] : memref<800x256xf32, #tpu.memory_space<vmem>>, vector<100x256xf32>
      tpu.vector_store %arg6[%swap3A_67, %swap3A_68], %squeeze3A_66 {strides = array<i32>} : memref<800x256xf32, #tpu.memory_space<vmem>>, vector<100x256xf32>,
      %slice3A_70 = vector.extract_strided_slice %add3A_47 {offsets = [5, 0, 0], sizes = [1, 100, 256], strides = [1, 1, 1]} : vector<8x100x256xf32> to vector<1x100x256xf32>
      %squeeze3A_71 = vector.shape_cast %slice3A_70 : vector<1x100x256xf32> to vector<100x256xf32>
      %swap3A_72 = arith.constant 500 : index
      %swap3A_73 = arith.constant 0 : index
      %swap3A_74 = vector.load %arg6[%swap3A_72, %swap3A_73] : memref<800x256xf32, #tpu.memory_space<vmem>>, vector<100x256xf32>
      tpu.vector_store %arg6[%swap3A_72, %swap3A_73], %squeeze3A_71 {strides = array<i32>} : memref<800x256xf32, #tpu.memory_space<vmem>>, vector<100x256xf32>,
      %slice3A_75 = vector.extract_strided_slice %add3A_47 {offsets = [6, 0, 0], sizes = [1, 100, 256], strides = [1, 1, 1]} : vector<8x100x256xf32> to vector<1x100x256xf32>
      %squeeze3A_76 = vector.shape_cast %slice3A_75 : vector<1x100x256xf32> to vector<100x256xf32>
      %swap3A_77 = arith.constant 600 : index
      %swap3A_78 = arith.constant 0 : index
      %swap3A_79 = vector.load %arg6[%swap3A_77, %swap3A_78] : memref<800x256xf32, #tpu.memory_space<vmem>>, vector<100x256xf32>
      tpu.vector_store %arg6[%swap3A_77, %swap3A_78], %squeeze3A_76 {strides = array<i32>} : memref<800x256xf32, #tpu.memory_space<vmem>>, vector<100x256xf32>,
      %slice3A_80 = vector.extract_strided_slice %add3A_47 {offsets = [7, 0, 0], sizes = [1, 100, 256], strides = [1, 1, 1]} : vector<8x100x256xf32> to vector<1x100x256xf32>
      %squeeze3A_81 = vector.shape_cast %slice3A_80 : vector<1x100x256xf32> to vector<100x256xf32>
      %swap3A_82 = arith.constant 700 : index
      %swap3A_83 = arith.constant 0 : index
      %swap3A_84 = vector.load %arg6[%swap3A_82, %swap3A_83] : memref<800x256xf32, #tpu.memory_space<vmem>>, vector<100x256xf32>
      tpu.vector_store %arg6[%swap3A_82, %swap3A_83], %squeeze3A_81 {strides = array<i32>} : memref<800x256xf32, #tpu.memory_space<vmem>>, vector<100x256xf32>,
    } else {
    }
    %ge3A_8 = arith.constant 23 : i32
    %ge3A_9 = arith.cmpi sge, %arg0, %ge3A_8 : i32
    %convert_element_type3A_10 = arith.extui %ge3A_9 : i1 to i32
    %cond3A_11 = arith.constant 0 : i32
    %cond3A_12 = arith.cmpi ne, %convert_element_type3A_10, %cond3A_11 : i32
    scf.if %cond3A_12 {
      %iota3A = tpu.iota {dimensions = array<i32: 0>} : vector<800x1xi32>
      %get3A = arith.constant 0 : index
      %get3A_13 = arith.constant 0 : index
      %get3A_14 = vector.load %arg3[%get3A, %get3A_13] : memref<800x256xf32, #tpu.memory_space<vmem>>, vector<800x256xf32>
      %lt3A_15 = arith.constant 128 : i32
      %lt3A_16 = vector.broadcast %lt3A_15 : i32 to vector<800x1xi32>
      %lt3A_17 = arith.cmpi slt, %iota3A, %lt3A_16 : vector<800x1xi32>
      %get3A_18 = arith.constant 0 : index
      %get3A_19 = arith.constant 0 : index
      %get3A_20 = vector.load %arg4[%get3A_18, %get3A_19] : memref<2x256xf32, #tpu.memory_space<vmem>>, vector<1x256xf32>
      %get3A_21 = vector.shape_cast %get3A_20 : vector<1x256xf32> to vector<256xf32>
      %get3A_22 = arith.constant 1 : index
      %get3A_23 = arith.constant 0 : index
      %get3A_24 = vector.load %arg4[%get3A_22, %get3A_23] : memref<2x256xf32, #tpu.memory_space<vmem>>, vector<1x256xf32>
      %get3A_25 = vector.shape_cast %get3A_24 : vector<1x256xf32> to vector<256xf32>
      %broadcast_in_dim3A = vector.shape_cast %lt3A_17 : vector<800x1xi1> to vector<800x1xi1>
      %broadcast_in_dim3A_26 = vector.broadcast %broadcast_in_dim3A : vector<800x1xi1> to vector<800x256xi1>
      %broadcast_in_dim3A_27 = vector.shape_cast %get3A_21 : vector<256xf32> to vector<1x256xf32>
      %broadcast_in_dim3A_28 = vector.broadcast %broadcast_in_dim3A_27 : vector<1x256xf32> to vector<800x256xf32>
      %broadcast_in_dim3A_29 = vector.shape_cast %get3A_25 : vector<256xf32> to vector<1x256xf32>
      %broadcast_in_dim3A_30 = vector.broadcast %broadcast_in_dim3A_29 : vector<1x256xf32> to vector<800x256xf32>
      %select_n3A = arith.select %broadcast_in_dim3A_26, %broadcast_in_dim3A_28, %broadcast_in_dim3A_30 : vector<800x256xi1>, vector<800x256xf32>
      %add3A = arith.addf %get3A_14, %select_n3A : vector<800x256xf32>
      %get3A_31 = arith.constant 4 : index
      %get3A_32 = arith.constant 0 : index
      %get3A_33 = vector.load %arg5[%get3A_31, %get3A_32] : memref<6x256xf32, #tpu.memory_space<vmem>>, vector<1x256xf32>
      %get3A_34 = vector.shape_cast %get3A_33 : vector<1x256xf32> to vector<256xf32>
      %get3A_35 = arith.constant 5 : index
      %get3A_36 = arith.constant 0 : index
      %get3A_37 = vector.load %arg5[%get3A_35, %get3A_36] : memref<6x256xf32, #tpu.memory_space<vmem>>, vector<1x256xf32>
      %get3A_38 = vector.shape_cast %get3A_37 : vector<1x256xf32> to vector<256xf32>
      %reduce_sum3A = arith.constant dense<0.000000e+00> : vector<800xf32>
      %reduce_sum3A_39 = vector.multi_reduction <add>, %add3A, %reduce_sum3A [1] : vector<800x256xf32> to vector<800xf32>
      %broadcast_in_dim3A_40 = vector.shape_cast %reduce_sum3A_39 : vector<800xf32> to vector<800x1xf32>
      %div3A = arith.constant 2.560000e+02 : f32
      %div3A_41 = vector.broadcast %div3A : f32 to vector<800x1xf32>
      %div3A_42 = arith.divf %broadcast_in_dim3A_40, %div3A_41 : vector<800x1xf32>
      %mul3A = arith.mulf %add3A, %add3A : vector<800x256xf32>
      %reduce_sum3A_43 = arith.constant dense<0.000000e+00> : vector<800xf32>
      %reduce_sum3A_44 = vector.multi_reduction <add>, %mul3A, %reduce_sum3A_43 [1] : vector<800x256xf32> to vector<800xf32>
      %broadcast_in_dim3A_45 = vector.shape_cast %reduce_sum3A_44 : vector<800xf32> to vector<800x1xf32>
      %div3A_46 = arith.constant 2.560000e+02 : f32
      %div3A_47 = vector.broadcast %div3A_46 : f32 to vector<800x1xf32>
      %div3A_48 = arith.divf %broadcast_in_dim3A_45, %div3A_47 : vector<800x1xf32>
      %mul3A_49 = arith.mulf %div3A_42, %div3A_42 : vector<800x1xf32>
      %sub3A = arith.subf %div3A_48, %mul3A_49 : vector<800x1xf32>
      %max3A = arith.constant 0.000000e+00 : f32
      %max3A_50 = vector.broadcast %max3A : f32 to vector<800x1xf32>
      %max3A_51 = arith.maximumf %sub3A, %max3A_50 : vector<800x1xf32>
      %sub3A_52 = vector.broadcast %div3A_42 : vector<800x1xf32> to vector<800x256xf32>
      %sub3A_53 = arith.subf %add3A, %sub3A_52 : vector<800x256xf32>
      %add3A_54 = arith.constant 9.99999996E-13 : f32
      %add3A_55 = vector.broadcast %add3A_54 : f32 to vector<800x1xf32>
      %add3A_56 = arith.addf %max3A_51, %add3A_55 : vector<800x1xf32>
      %rsqrt3A = math.rsqrt %add3A_56 : vector<800x1xf32>
      %mul3A_57 = vector.broadcast %rsqrt3A : vector<800x1xf32> to vector<800x256xf32>
      %mul3A_58 = arith.mulf %sub3A_53, %mul3A_57 : vector<800x256xf32>
      %broadcast_in_dim3A_59 = vector.shape_cast %get3A_34 : vector<256xf32> to vector<1x256xf32>
      %mul3A_60 = vector.broadcast %broadcast_in_dim3A_59 : vector<1x256xf32> to vector<800x256xf32>
      %mul3A_61 = arith.mulf %mul3A_58, %mul3A_60 : vector<800x256xf32>
      %broadcast_in_dim3A_62 = vector.shape_cast %get3A_38 : vector<256xf32> to vector<1x256xf32>
      %add3A_63 = vector.broadcast %broadcast_in_dim3A_62 : vector<1x256xf32> to vector<800x256xf32>
      %add3A_64 = arith.addf %mul3A_61, %add3A_63 : vector<800x256xf32>
      %swap3A = arith.constant 0 : index
      %swap3A_65 = arith.constant 0 : index
      %swap3A_66 = vector.load %arg6[%swap3A, %swap3A_65] : memref<800x256xf32, #tpu.memory_space<vmem>>, vector<800x256xf32>
      tpu.vector_store %arg6[%swap3A, %swap3A_65], %add3A_64 {strides = array<i32>} : memref<800x256xf32, #tpu.memory_space<vmem>>, vector<800x256xf32>,
    } else {
    }
    return
  }
  func.func @transform_0(%arg0: i32) -> (i32, i32) {
    %min3A = arith.constant 6 : i32
    %min3A_0 = arith.minsi %arg0, %min3A : i32
    %c0_i32 = arith.constant 0 : i32
    %c0_i32_1 = arith.constant 0 : i32
    return %min3A_0, %c0_i32 : i32, i32
  }
  func.func @transform_1(%arg0: i32) -> (i32, i32, i32) {
    %sub3A = arith.constant 7 : i32
    %sub3A_0 = arith.subi %arg0, %sub3A : i32
    %jit3A = arith.constant 0 : i32
    %jit3A_1 = arith.constant 15 : i32
    %max3A = arith.maxsi %jit3A, %sub3A_0 : i32
    %min3A = arith.minsi %jit3A_1, %max3A : i32
    %c0_i32 = arith.constant 0 : i32
    %c0_i32_2 = arith.constant 0 : i32
    %c0_i32_3 = arith.constant 0 : i32
    return %min3A, %c0_i32, %c0_i32_2 : i32, i32, i32
  }
  func.func @transform_2(%arg0: i32) -> (i32, i32) {
    %c0_i32 = arith.constant 0 : i32
    %c0_i32_0 = arith.constant 0 : i32
    %c0_i32_1 = arith.constant 0 : i32
    return %c0_i32, %c0_i32_0 : i32, i32
  }
  func.func @transform_3(%arg0: i32) -> (i32, i32) {
    %c0_i32 = arith.constant 0 : i32
    %c0_i32_0 = arith.constant 0 : i32
    %c0_i32_1 = arith.constant 0 : i32
    return %c0_i32, %c0_i32_0 : i32, i32
  }
  func.func @transform_4(%arg0: i32) -> (i32, i32) {
    %c0_i32 = arith.constant 0 : i32
    %c0_i32_0 = arith.constant 0 : i32
    %c0_i32_1 = arith.constant 0 : i32
    return %c0_i32, %c0_i32_0 : i32, i32
  }
  func.func @transform_5(%arg0: i32) -> (i32, i32) {
    %c0_i32 = arith.constant 0 : i32
    %c0_i32_0 = arith.constant 0 : i32
    return %arg0, %c0_i32 : i32, i32
  }
}

</mosaic_0001>

<sc_bundles>
// kernel: kernel.4.cloned.1.call-start
scs
__scs_entry_jumppad:
0x0: {  	(pc) =	sbr.rel $0x88, $3  }
0x1: {  	(tag) =	ssettag $0x0;
	lr =	simm.s32 $0x1  }
0x2: {  	[smem:$0x3F97] =	sst lr;
	_ =	strace $0xD0000000  }
0x3: {  	_ = 	snop  }
0x4: {  	_ = 	snop  }
0x5: {  	_ = 	snop  }
0x6: {  	_ = 	snop  }
0x7: {  	_ = 	snop  }
__scs_overlays_trampoline_lowered:
0x8: {  	[smem:$0x3FA6] =	sst s0  }
0x9: {  	[smem:$0x3FA7] =	sst s1  }
0xa: {  	[smem:$0x3FA8] =	sst s2  }
0xb: {  	[smem:$0x3FA9] =	sst s3  }
0xc: {  	[smem:$0x3FAA] =	sst s4  }
0xd: {  	[smem:$0x3FAB] =	sst s5  }
0xe: {  	[smem:$0x3FAC] =	sst s6  }
0xf: {  	[smem:$0x3FAD] =	sst s7  }
0x10: {  	[smem:$0x3FAE] =	sst s8  }
0x11: {  	[smem:$0x3FAF] =	sst s9;
	s0 =	simm.s32 @!p0 $0x0  }
0x12: {  	s1 =	sld [smem:$0x3F95];
	s0 =	simm.s32 @p0 $0x1  }
0x13: {  	[smem:$0x3FB0] =	sst s0;
	s0 =	simm.s32 @!p1 $0x0  }
0x14: {  	s2 =	sld [smem:$0x3F94];
	s0 =	simm.s32 @p1 $0x1  }
0x15: {  	[smem:$0x3FB1] =	sst s0;
	s0 =	simm.s32 @!p2 $0x0  }
0x16: {  	s3 =	sld [smem:$0x3FDB];
	s0 =	simm.s32 @p2 $0x1  }
0x17: {  	s4 =	simm.s32 $0x1BF5;
	[smem:$0x3FB3] =	sst s0  }
0x18: {  	s0 =	sld [smem:$0x3F96];
	_ =	swait.ge [sflag:s4], $0x0  }
0x19: {  	s7 =	sld [smem:$0x3F97]  }
0x1a: {  	s8 =	sadd.s32 $0xFFFFE003, lr  }
0x1b: {  	s9 =	sadd.s32 $0xFFFFFEF7, lr;
	s5 =	simm.s32 $0xFFFFFFFF;
	p2 =	slt.u32 s8, $0xFFFFF086  }
0x1c: {  	p1 =	slt.u32 s9, $0xF7A;
	s5 =	simm.s32 @!p2 $0x0  }
0x1d: {  	s5 =	simm.s32 @p1 $0x1;
	p0 =	seq.s32 s7, s2  }
0x1e: {  	s7 =	smul.u32 @!p0 $0xF7A, s2;
	p2 =	seq.s32 @!p0 s5, $0x0  }
0x1f: {  	s9 =	smul.u32 $0xF7A, s1;
	s8 =	simm.s32 @!p0 $0x1BF5;
	p2 =	por !p2, p0  }
0x20: {  	[sflag:s8] =	ssyncset.s32 @!p0 $0xFFFFF086;
	s6 =	sadd.s32 @!p0 s3, s7;
	s7 =	simm.s32 @!p0 $0x108  }
0x21: {  	s3 =	sadd.s32 s3, s9;
	s6 =	sadd.s32 @!p0 $0x88, s6;
	s7 =	simm.s32 @p2 $0x1082  }
0x22: {  	[simem:s7], [sflag:s8] =	dma.local @!p0 [hbm:s6], $0xF7A  }
0x23: {  	s9 =	sor.u32 $0xD0000000, s2;
	s6 =	simm.s32 $0x108;
	_ =	swait.ge @!p0 [sflag:s8], $0x0  }
0x24: {  	s3 =	sadd.s32 $0x88, s3;
	s6 =	simm.s32 @!p1 $0x1082;
	[sflag:s4] =	ssyncset.s32 $0xFFFFF086  }
0x25: {  	[simem:s6], [sflag:s4] =	dma.local [hbm:s3], $0xF7A  }
0x26: {  	[smem:$0x3F97] =	sst s1;
	(tag) =	ssettag s2;
	_ =	strace s9  }
0x27: {  	s1 =	sld [smem:$0x3FA7]  }
0x28: {  	s2 =	sld [smem:$0x3FA8]  }
0x29: {  	s4 =	sld [smem:$0x3FAA]  }
0x2a: {  	p0 =	seq.s32 s5, $0x0;
	s5 =	sld [smem:$0x3FAB]  }
0x2b: {  	s6 =	sld [smem:$0x3FAC]  }
0x2c: {  	s7 =	sld [smem:$0x3FAD]  }
0x2d: {  	s3 =	simm.s32 $0x108;
	s8 =	sld [smem:$0x3FAE]  }
0x2e: {  	s3 =	simm.s32 @!p0 $0x1082;
	s9 =	sld [smem:$0x3FAF]  }
0x2f: {  	lr =	sadd.s32 s0, s3;
	s0 =	sld [smem:$0x3FA6]  }
0x30: {  	s3 =	sld [smem:$0x3FA9]  }
0x31: {  	[smem:$0x3FB2] =	sst s10  }
0x32: {  	s10 =	sld [smem:$0x3FB0];
	_ =	sdelay $0x3  }
0x33: {  	p0 =	seq.s32 s10, $0x1;
	s10 =	sld [smem:$0x3FB2];
	_ =	sdelay $0x3  }
0x34: {  	[smem:$0x3FB2] =	sst s10  }
0x35: {  	s10 =	sld [smem:$0x3FB1];
	_ =	sdelay $0x3  }
0x36: {  	p1 =	seq.s32 s10, $0x1;
	s10 =	sld [smem:$0x3FB2];
	_ =	sdelay $0x3  }
0x37: {  	[smem:$0x3FB2] =	sst s10  }
0x38: {  	s10 =	sld [smem:$0x3FB3]  }
0x39: {  	_ = 	snop;
	(pc) =	sbr.ind lr, $3  }
0x3a: {  	_ = 	snop  }
0x3b: {  	_ = 	snop  }
0x3c: {  	p2 =	seq.s32 s10, $0x1;
	s10 =	sld [smem:$0x3FB2]  }
0x3d: {  	_ =	shalt  }
0x3e: {  	_ =	shalt  }
0x3f: {  	_ =	shalt  }
0x40: {  	_ =	shalt  }
0x41: {  	_ =	shalt  }
0x42: {  	_ =	shalt  }
0x43: {  	_ =	shalt  }
0x44: {  	_ =	shalt  }
0x45: {  	_ =	shalt  }
0x46: {  	_ =	shalt  }
0x47: {  	_ =	shalt  }
0x48: {  	_ =	shalt  }
0x49: {  	_ =	shalt  }
0x4a: {  	_ =	shalt  }
0x4b: {  	_ =	shalt  }
0x4c: {  	_ =	shalt  }
0x4d: {  	_ =	shalt  }
0x4e: {  	_ =	shalt  }
0x4f: {  	_ =	shalt  }
0x50: {  	_ =	shalt  }
0x51: {  	_ =	shalt  }
0x52: {  	_ =	shalt  }
0x53: {  	_ =	shalt  }
0x54: {  	_ =	shalt  }
0x55: {  	_ =	shalt  }
0x56: {  	_ =	shalt  }
0x57: {  	_ =	shalt  }
0x58: {  	_ =	shalt  }
0x59: {  	_ =	shalt  }
0x5a: {  	_ =	shalt  }
0x5b: {  	_ =	shalt  }
0x5c: {  	_ =	shalt  }
0x5d: {  	_ =	shalt  }
0x5e: {  	_ =	shalt  }
0x5f: {  	_ =	shalt  }
0x60: {  	_ =	shalt  }
0x61: {  	_ =	shalt  }
0x62: {  	_ =	shalt  }
0x63: {  	_ =	shalt  }
0x64: {  	_ =	shalt  }
0x65: {  	_ =	shalt  }
0x66: {  	_ =	shalt  }
0x67: {  	_ =	shalt  }
0x68: {  	_ =	shalt  }
0x69: {  	_ =	shalt  }
0x6a: {  	_ =	shalt  }
0x6b: {  	_ =	shalt  }
0x6c: {  	_ =	shalt  }
0x6d: {  	_ =	shalt  }
0x6e: {  	_ =	shalt  }
0x6f: {  	_ =	shalt  }
0x70: {  	_ =	shalt  }
0x71: {  	_ =	shalt  }
0x72: {  	_ =	shalt  }
0x73: {  	_ =	shalt  }
0x74: {  	_ =	shalt  }
0x75: {  	_ =	shalt  }
0x76: {  	_ =	shalt  }
0x77: {  	_ =	shalt  }
0x78: {  	_ =	shalt  }
0x79: {  	_ =	shalt  }
0x7a: {  	_ =	shalt  }
0x7b: {  	_ =	shalt  }
0x7c: {  	_ =	shalt  }
0x7d: {  	_ =	shalt  }
0x7e: {  	_ =	shalt  }
0x7f: {  	_ =	shalt  }
0x80: {  	_ =	shalt  }
0x81: {  	_ =	shalt  }
0x82: {  	_ =	shalt  }
0x83: {  	_ =	shalt  }
0x84: {  	_ =	shalt  }
0x85: {  	_ =	shalt  }
0x86: {  	_ =	shalt  }
0x87: {  	_ =	shalt  }
.Lfunc_end0:
.L_simem_size_0:
called_computation_lowered:
.L_overlay_start_0:
0x88: {  	s2 =	sld [smem:$0x3FD9]  }
0x89: {  	s3 =	sld [smem:$0x3FFE];
	_ =	sdelay $0x1  }
0x8a: {  	s1 =	srdreg.scid  }
0x8b: {  	s0 =	sand.u32 $0x1, s1  }
0x8c: {  	s17 =	sshll.u32 s0, $0xA;
	s2 =	sadd.s32 s3, s2  }
0x8d: {  	s2 =	sadd.s32 s2, s17  }
0x8e: {  	[smem:$0x3FBE] =	sst s2  }
0x8f: {  	_ = 	snop  }
0x90: {  	s2 =	sld [smem:$0x3FC7]  }
0x91: {  	s18 =	sld [smem:$0x3FD0];
	(tm) =	ssettm $0x1  }
0x92: {  	s4 =	sld [smem:$0x3FFB];
	_ =	sdelay $0x3  }
0x93: {  	_ =	strace s4  }
0x94: {  	s4 =	sld [smem:$0x3FFC];
	_ =	sdelay $0x3  }
0x95: {  	_ =	strace s4  }
0x96: {  	s4 =	sld [smem:$0x3FFD];
	_ =	sdelay $0x3  }
0x97: {  	_ =	strace s4  }
0x98: {  	_ =	strace $0x8FFFFFFF  }
0x99: {  	s19 =	sld [smem:$0x3FDB];
	_ =	sdelay $0x1  }
0x9a: {  	s5 =	simm.s32 $_scs_section_size  }
0x9b: {  	s6 =	simm.s32 $_size__tile_overlayer_lowered;
	s7 =	simm.s32 $_tile_overlayer_lowered  }
0x9c: {  	s22 =	simm.s32 $0x1BFF;
	s21 =	sshll.u32 s7, $0x1;
	s4 =	sadd.s32 s5, s19  }
0x9d: {  	s8 =	simm.s32 $0x0;
	s20 =	sshll.u32 s6, $0x1;
	s6 =	sadd.s32 s21, s4  }
0x9e: {  	[timem:s8], [sflag:s22] =	dma.local [hbm:s6], s20  }
0x9f: {  	_ =	swait.ge [sflag:s22], s20  }
0xa0: {  	s5 =	ssub.s32 $0x0, s20;
	[sflag:s22] =	ssyncset.done $0x0  }
0xa1: {  	[sflag:s22] =	ssyncadd.s32 s5;
	_ =	sdelay $0x1  }
0xa2: {  	s23 =	simm.s32 $0x1B8B  }
0xa3: {  	_ =	swait.ge [sflag:s23], $0x1  }
0xa4: {  	[sflag:s23] =	ssyncset.done $0x0  }
0xa5: {  	s25 =	simm.s32 $0x1B8E;
	s24 =	sld [smem:$0x3FFE];
	[sflag:s23] =	ssyncadd.s32 $0xFFFFFFFF  }
0xa6: {  	s26 =	simm.s32 $execute0_lowered;
	[smem:$0x3FD2] =	sst s25  }
0xa7: {  	s6 =	sshll.u32 s26, $0x1;
	_ =	strace $0x80000046;
	[dreg:$0x1] =	wrdreg $0xFFFFFFFF  }
0xa8: {  	s28 =	simm.s32 $_size_execute0_lowered;
	s4 =	sadd.s32 s4, s6;
	[dreg:$0x0] =	wrdreg $0x0  }
0xa9: {  	s6 =	sshll.u32 s28, $0x1;
	[dreg:$0x2] =	wrdreg s4  }
0xaa: {  	[dreg:$0x3] =	wrdreg s6  }
0xab: {  	[dreg:$0x4] =	wrdreg $0xC0  }
0xac: {  	_ =	task [dreg:s8], $0x5FFFF  }
0xad: {  	[dreg:$0x1] =	wrdreg $0xFFFFFFFF  }
0xae: {  	[dreg:$0x0] =	wrdreg $0x60  }
0xaf: {  	[dreg:$0x2] =	wrdreg s24  }
0xb0: {  	[dreg:$0x3] =	wrdreg s2  }
0xb1: {  	[dreg:$0x4] =	wrdreg s18  }
0xb2: {  	[dreg:$0x5] =	wrdreg $0x9  }
0xb3: {  	_ =	task.clear_ibuf [dreg:s8], $0x6FFFF;
	_ =	strace $0x90000046  }
0xb4: {  	s29 =	simm.s32 $0x9;
	_ =	strace $0x80000048  }
0xb5: {  	_ =	swait.ge [sflag:s29], $0x1  }
0xb6: {  	[sflag:s29] =	ssyncadd.s32 $0xFFFFFFFF  }
0xb7: {  	_ =	strace $0x90000048  }
0xb8: {  	_ =	sfence  }
0xb9: {  	s30 =	sld [smem:$0x0];
	_ =	sdelay $0x2  }
0xba: {  	s31 =	sshll.u32 s1, $0xD;
	s1 =	sshrl.u32 s1, $0x2  }
0xbb: {  	s3 =	sand.u32 $0x4000, s31;
	s1 =	sadd.s32 s1, s30  }
0xbc: {  	s0 =	sor.u32 s3, s0;
	s1 =	sshll.u32 s1, $0x11  }
0xbd: {  	s0 =	sor.u32 s1, s0  }
0xbe: {  	s0 =	sadd.s32 $0x8F2B, s0  }
0xbf: {  	[sflag:s0] =	ssyncadd.remote.s32 $0x1  }
0xc0: {  	_ =	sfence.sel $0xFFFF  }
0xc1: {  	[dreg:$0x0] =	wrdreg $0xFFFFFFFF;
	(pc) =	sbr.abs _section_cstart, $3  }
0xc2: {  	[dreg:$0x1] =	wrdreg $0xFFFFFFFF  }
0xc3: {  	_ =	task.clear_ibuf [dreg:s8], $0x2FFFF;
	_ =	strace $0x9FFFFFFF  }
0xc4: {  	(tm) =	ssettm $0x7FFFFFFF  }
0xc5: {  	_ =	shalt  }
tec
execute0_lowered:
.L_overlay_start_1:
0x0: {  	(tag) =	ssettag $0x1  }
0x1: {  	s0 =	rddreg [dreg:$0x0]  }
0x2: {  	s1 =	rddreg [dreg:$0x1]  }
0x3: {  	s4 =	rddreg [dreg:$0x2]  }
0x4: {  	s3 =	srdreg.scid;
	s2 =	simm.s32 $0x0;
	s9 =	stileid.u32  }
0x5: {  	s29 =	simm.s32 $0x6E00;
	s30 =	simm.s32 $0x7600;
	s31 =	simm.s32 $0x7E00  }
0x6: {  	s12 =	simm.s32 $0xD600;
	s13 =	simm.s32 $0xDE00;
	s14 =	simm.s32 $0xE600  }
0x7: {  	s5 =	sand.u32 $0x1, s3;
	[smem:$0x7FF] =	sst s2;
	s8 =	sshll.u32 s9, $0x1  }
0x8: {  	s3 =	sadd.s32 $0x1C00, s0;
	s18 =	sshll.u32 s9, $0x7;
	s23 =	sadd.s32 $0x800, s4  }
0x9: {  	s6 =	ssub.s32 $0x2, s5;
	_ =	strace $0x80000047;
	s16 =	sor.u32 s5, s8  }
0xa: {  	s5 =	sshll.u32 s5, $0x6;
	s8 =	simm.s32 $0xB600;
	s7 =	sshrl.u32 s6, $0x1  }
0xb: {  	s17 =	sshll.u32 s16, $0x2;
	s1 =	sadd.s32 s1, s5;
	s19 =	smul.u32 $0x190, s16  }
0xc: {  	s22 =	sshll.u32 s16, $0xE;
	s25 =	sshllo.u32 s16, $0x2;
	s5 =	simm.s32 $0x9E00  }
0xd: {  	s16 =	simm.s32 $0xEE00;
	s15 =	ssub.s32 s6, s7;
	s20 =	sor.u32 $0x1, s17  }
0xe: {  	s1 =	sadd.s32 s18, s1;
	s10 =	sadd.s32 s4, s22;
	s7 =	sor.u32 $0x2, s17  }
0xf: {  	s26 =	smul.u32 $0x64, s25;
	s17 =	simm.s32 $0xF600;
	[dreg:$0x4] =	wrdreg s1  }
0x10: {  	v22 =	vlaneseq.u32;
	s18 =	simm.s32 $0xFE00;
	s21 =	smul.u32 $0x64, s20;
	[dreg:$0x5] =	wrdreg s10  }
0x11: {  	vm0 =	vmmov $0xffff;
	v4 =	vor.u32 $0x47E0, v22;
	v5 =	vor.u32 $0x4860, v22;
	s1 =	sadd.s32 s22, s23;
	s11 =	smul.u32 $0x64, s7;
	s24 =	sshll.u32 s20, $0xC  }
0x12: {  	v6 =	vor.u32 $0x47F0, v22;
	v7 =	vor.u32 $0x4870, v22;
	v8 =	vor.u32 $0x4800, v22;
	s28 =	sshll.u32 s7, $0xC;
	s0 =	smax.u32 s15, $0x1;
	s15 =	simm.s32 $0x600  }
0x13: {  	v9 =	vor.u32 $0x4880, v22;
	v10 =	vor.u32 $0x4810, v22;
	v0 =	vmov s19;
	s10 =	simm.s32 $0xC600;
	s19 =	simm.s32 $0x10600;
	[dreg:$0x6] =	wrdreg s1  }
0x14: {  	v11 =	vor.u32 $0x4890, v22;
	v13 =	vshrl.u32 v22, $0x3;
	v12 =	vand.u32 $0x7, v22;
	s20 =	simm.s32 $0x1;
	s9 =	sadd.s32 s4, s24;
	[dreg:$0xd] =	wrdreg s0  }
0x15: {  	v14 =	vor.u32 $0x8, v22;
	v15 =	vor.u32 $0x4820, v22;
	v16 =	vor.u32 $0x48A0, v22;
	s22 =	simm.s32 $0x0;
	s1 =	sadd.s32 s24, s23;
	[dreg:$0x7] =	wrdreg s9  }
0x16: {  	v17 =	vor.u32 $0x4830, v22;
	v18 =	vor.u32 $0x48B0, v22;
	v19 =	vor.u32 $0x4840, v22;
	s7 =	sadd.s32 s4, s28;
	s6 =	sadd.s32 s28, s23;
	[dreg:$0x8] =	wrdreg s1  }
0x17: {  	v20 =	vor.u32 $0x48C0, v22;
	v21 =	vor.u32 $0x4850, v22;
	v22 =	vor.u32 $0x48D0, v22;
	s0 =	simm.s32 $0x8600;
	s1 =	sshll.u32 s25, $0xC;
	[dreg:$0x9] =	wrdreg s7  }
0x18: {  	v0 =	vadd.s32 $0x258, v0;
	v3 =	vmov s26;
	[dreg:$0xa] =	wrdreg s6;
	v1 =	vmov s21;
	s6 =	simm.s32 $0xA600;
	s7 =	simm.s32 $0xAE00  }
0x19: {  	v2 =	vmov s11;
	v0 =	vbroadcast v0, $0x0;
	s9 =	simm.s32 $0xBE00;
	v3 =	vadd.s32 $0x258, v3;
	s11 =	simm.s32 $0xCE00;
	s4 =	sadd.s32 s4, s1  }
0x1a: {  	s21 =	simm.s32 $0x2;
	s1 =	sadd.s32 s1, s23;
	v1 =	vadd.s32 $0x258, v1;
	v2 =	vadd.s32 $0x258, v2;
	v3 =	vbroadcast v3, $0x0;
	[dreg:$0xb] =	wrdreg s4  }
0x1b: {  	v13 =	vmul.u32 $0x8, v13;
	[dreg:$0xc] =	wrdreg s1;
	s1 =	simm.s32 $0x8E00;
	s4 =	simm.s32 $0x9600;
	v1 =	vbroadcast v1, $0x0;
	v2 =	vbroadcast v2, $0x0  }
.LBB2_1:
0x1c: {  	s23 =	rddreg [dreg:$0x4];
	s25 =	simm.s32 $0x3  }
0x1d: {  	[tilespmem:s2], [sflag:$0x3] =	stream.linear.gather [hbm4b:s23+s2], $0x200, $0x38;
	[tilespmem:$0x18600] =	vst v63  }
0x1e: {  	_ =	swait.ge [sflag:s25], $0x200  }
0x1f: {  	[sflag:s25] =	ssyncset.done $0x0  }
0x20: {  	[sflag:s25] =	ssyncadd.s32 $0xFFFFFE00  }
0x21: {  	v23 =	vld [tilespmem:$0x0];
	_ =	sdelay $0x4  }
0x22: {  	vm1 =	vgt.s32 v23, $0x1387  }
0x23: {  	v24 =	vnsel vm1, $0x0, v0  }
0x24: {  	v23 =	vadd.s32 v24, v23  }
0x25: {  	[tilespmem:$0x200] =	vst v23  }
0x26: {  	v23 =	vld [tilespmem:$0x200];
	_ =	sdelay $0x1  }
0x27: {  	v25 =	vld [tilespmem:$0x20]  }
0x28: {  	v38 =	vld [tilespmem:$0x10];
	_ =	sdelay $0x1  }
0x29: {  	v28 =	vshll.u32 v23, $0x1  }
0x2a: {  	v27 =	vld [tilespmem:$0x30];
	v23 =	vand.u32 $0x7, v23;
	v28 =	vand.u32 $0xFFFFFFF0, v28  }
0x2b: {  	vm2 =	vgt.s32 v25, $0x1387;
	v26 =	vsel vm1, v5, v4;
	v23 =	vor.u32 v23, v28  }
0x2c: {  	vm1 =	vgt.s32 v38, $0x1387;
	v42 =	vsel vm2, v9, v8;
	[tilespmem:$0x400] =	vst v26;
	v28 =	vperm.xlane v23, v12  }
0x2d: {  	v39 =	vnsel vm2, $0x0, v0;
	v29 =	vnsel vm1, $0x0, v0;
	v40 =	vsel vm1, v7, v6;
	[tilespmem:$0x420] =	vst v42  }
0x2e: {  	v25 =	vadd.s32 v39, v25;
	[tilespmem:$0x410] =	vst v40;
	v23 =	vperm.xlane v23, v14;
	v41 =	vadd.s32 v13, v28  }
0x2f: {  	vm1 =	vgt.s32 v27, $0x1387;
	v24 =	vadd.s32 v29, v38;
	[tilespmem:$0x220] =	vst v25  }
0x30: {  	v43 =	vnsel vm1, $0x0, v0;
	v45 =	vsel vm1, v11, v10;
	[tilespmem:$0x210] =	vst v24;
	v23 =	vadd.s32 v13, v23  }
0x31: {  	v44 =	vadd.s32 v43, v27;
	[tilespmem:$0x430] =	vst v45  }
0x32: {  	[tilespmem:$0x230] =	vst v44  }
0x33: {  	[tilespmem:s15], [sflag:$0x1] =	stream.indirect_vreg.gather [hbm4b:s3+s2], $0x80, v41, vm0, $0xb8;
	[tilespmem:$0x18600] =	vst v63  }
0x34: {  	s26 =	simm.s32 $0xE00  }
0x35: {  	[tilespmem:s26], [sflag:$0x1] =	stream.indirect_vreg.gather [hbm4b:s3+s2], $0x80, v23, vm0, $0xb8;
	[tilespmem:$0x18600] =	vst v63  }
0x36: {  	v23 =	vld [tilespmem:$0x210];
	_ =	sdelay $0x4  }
0x37: {  	v46 =	vshll.u32 v23, $0x1  }
0x38: {  	v23 =	vand.u32 $0x7, v23;
	v24 =	vand.u32 $0xFFFFFFF0, v46  }
0x39: {  	v23 =	vor.u32 v23, v24  }
0x3a: {  	v24 =	vperm.xlane v23, v12;
	_ =	sdelay $0x1  }
0x3b: {  	v23 =	vperm.xlane v23, v14;
	v24 =	vadd.s32 v13, v24;
	_ =	sdelay $0x1  }
0x3c: {  	v23 =	vadd.s32 v13, v23;
	_ =	sdelay $0x1  }
0x3d: {  	s24 =	simm.s32 $0x1600  }
0x3e: {  	[tilespmem:s24], [sflag:$0x1] =	stream.indirect_vreg.gather [hbm4b:s3+s2], $0x80, v24, vm0, $0xb8;
	[tilespmem:$0x18600] =	vst v63  }
0x3f: {  	s25 =	simm.s32 $0x1E00  }
0x40: {  	[tilespmem:s25], [sflag:$0x1] =	stream.indirect_vreg.gather [hbm4b:s3+s2], $0x80, v23, vm0, $0xb8;
	[tilespmem:$0x18600] =	vst v63  }
0x41: {  	v23 =	vld [tilespmem:$0x220];
	_ =	sdelay $0x4  }
0x42: {  	v47 =	vshll.u32 v23, $0x1  }
0x43: {  	v23 =	vand.u32 $0x7, v23;
	v24 =	vand.u32 $0xFFFFFFF0, v47  }
0x44: {  	v23 =	vor.u32 v23, v24  }
0x45: {  	v24 =	vperm.xlane v23, v12;
	_ =	sdelay $0x1  }
0x46: {  	v23 =	vperm.xlane v23, v14;
	v24 =	vadd.s32 v13, v24;
	_ =	sdelay $0x1  }
0x47: {  	v23 =	vadd.s32 v13, v23;
	_ =	sdelay $0x1  }
0x48: {  	s26 =	simm.s32 $0x2600  }
0x49: {  	[tilespmem:s26], [sflag:$0x1] =	stream.indirect_vreg.gather [hbm4b:s3+s2], $0x80, v24, vm0, $0xb8;
	[tilespmem:$0x18600] =	vst v63  }
0x4a: {  	s24 =	simm.s32 $0x2E00  }
0x4b: {  	[tilespmem:s24], [sflag:$0x1] =	stream.indirect_vreg.gather [hbm4b:s3+s2], $0x80, v23, vm0, $0xb8;
	[tilespmem:$0x18600] =	vst v63  }
0x4c: {  	v23 =	vld [tilespmem:$0x230];
	_ =	sdelay $0x4  }
0x4d: {  	v48 =	vshll.u32 v23, $0x1  }
0x4e: {  	v23 =	vand.u32 $0x7, v23;
	v24 =	vand.u32 $0xFFFFFFF0, v48  }
0x4f: {  	v23 =	vor.u32 v23, v24  }
0x50: {  	v24 =	vperm.xlane v23, v12;
	_ =	sdelay $0x1  }
0x51: {  	v23 =	vperm.xlane v23, v14;
	v24 =	vadd.s32 v13, v24;
	_ =	sdelay $0x1  }
0x52: {  	v23 =	vadd.s32 v13, v23;
	_ =	sdelay $0x1  }
0x53: {  	s25 =	simm.s32 $0x3600  }
0x54: {  	[tilespmem:s25], [sflag:$0x1] =	stream.indirect_vreg.gather [hbm4b:s3+s2], $0x80, v24, vm0, $0xb8;
	[tilespmem:$0x18600] =	vst v63  }
0x55: {  	s26 =	simm.s32 $0x3E00  }
0x56: {  	[tilespmem:s26], [sflag:$0x1] =	stream.indirect_vreg.gather [hbm4b:s3+s2], $0x80, v23, vm0, $0xb8;
	[tilespmem:$0x18600] =	vst v63  }
0x57: {  	v23 =	vld [tilespmem:$0x400];
	_ =	sdelay $0x4  }
0x58: {  	v49 =	vshll.u32 v23, $0x1  }
0x59: {  	v23 =	vand.u32 $0x7, v23;
	v24 =	vand.u32 $0xFFFFFFF0, v49  }
0x5a: {  	v23 =	vor.u32 v23, v24  }
0x5b: {  	v24 =	vperm.xlane v23, v12;
	_ =	sdelay $0x1  }
0x5c: {  	v23 =	vperm.xlane v23, v14;
	v24 =	vadd.s32 v13, v24;
	_ =	sdelay $0x1  }
0x5d: {  	v23 =	vadd.s32 v13, v23;
	_ =	sdelay $0x1  }
0x5e: {  	s24 =	simm.s32 $0x4600  }
0x5f: {  	[tilespmem:s24], [sflag:$0x1] =	stream.indirect_vreg.gather [hbm4b:s3+s2], $0x80, v24, vm0, $0xb8;
	[tilespmem:$0x18600] =	vst v63  }
0x60: {  	s25 =	simm.s32 $0x4E00  }
0x61: {  	[tilespmem:s25], [sflag:$0x1] =	stream.indirect_vreg.gather [hbm4b:s3+s2], $0x80, v23, vm0, $0xb8;
	[tilespmem:$0x18600] =	vst v63  }
0x62: {  	v23 =	vld [tilespmem:$0x410];
	_ =	sdelay $0x4  }
0x63: {  	v50 =	vshll.u32 v23, $0x1  }
0x64: {  	v23 =	vand.u32 $0x7, v23;
	v24 =	vand.u32 $0xFFFFFFF0, v50  }
0x65: {  	v23 =	vor.u32 v23, v24  }
0x66: {  	v24 =	vperm.xlane v23, v12;
	_ =	sdelay $0x1  }
0x67: {  	v23 =	vperm.xlane v23, v14;
	v24 =	vadd.s32 v13, v24;
	_ =	sdelay $0x1  }
0x68: {  	v23 =	vadd.s32 v13, v23;
	_ =	sdelay $0x1  }
0x69: {  	s26 =	simm.s32 $0x5600  }
0x6a: {  	[tilespmem:s26], [sflag:$0x1] =	stream.indirect_vreg.gather [hbm4b:s3+s2], $0x80, v24, vm0, $0xb8;
	[tilespmem:$0x18600] =	vst v63  }
0x6b: {  	s24 =	simm.s32 $0x5E00  }
0x6c: {  	[tilespmem:s24], [sflag:$0x1] =	stream.indirect_vreg.gather [hbm4b:s3+s2], $0x80, v23, vm0, $0xb8;
	[tilespmem:$0x18600] =	vst v63  }
0x6d: {  	v23 =	vld [tilespmem:$0x420];
	_ =	sdelay $0x4  }
0x6e: {  	v51 =	vshll.u32 v23, $0x1  }
0x6f: {  	v23 =	vand.u32 $0x7, v23;
	v24 =	vand.u32 $0xFFFFFFF0, v51  }
0x70: {  	v23 =	vor.u32 v23, v24  }
0x71: {  	v24 =	vperm.xlane v23, v12;
	_ =	sdelay $0x1  }
0x72: {  	v23 =	vperm.xlane v23, v14;
	v24 =	vadd.s32 v13, v24;
	_ =	sdelay $0x1  }
0x73: {  	v23 =	vadd.s32 v13, v23;
	_ =	sdelay $0x1  }
0x74: {  	s25 =	simm.s32 $0x6600  }
0x75: {  	[tilespmem:s25], [sflag:$0x1] =	stream.indirect_vreg.gather [hbm4b:s3+s2], $0x80, v24, vm0, $0xb8;
	[tilespmem:$0x18600] =	vst v63  }
0x76: {  	_ = 	snop  }
0x77: {  	[tilespmem:s29], [sflag:$0x1] =	stream.indirect_vreg.gather [hbm4b:s3+s2], $0x80, v23, vm0, $0xb8;
	[tilespmem:$0x18600] =	vst v63  }
0x78: {  	v23 =	vld [tilespmem:$0x430];
	_ =	sdelay $0x4  }
0x79: {  	v52 =	vshll.u32 v23, $0x1  }
0x7a: {  	v23 =	vand.u32 $0x7, v23;
	v24 =	vand.u32 $0xFFFFFFF0, v52  }
0x7b: {  	v23 =	vor.u32 v23, v24  }
0x7c: {  	v24 =	vperm.xlane v23, v12;
	_ =	sdelay $0x1  }
0x7d: {  	v23 =	vperm.xlane v23, v14;
	v24 =	vadd.s32 v13, v24;
	_ =	sdelay $0x1  }
0x7e: {  	v23 =	vadd.s32 v13, v23;
	_ =	sdelay $0x2  }
0x7f: {  	[tilespmem:s30], [sflag:$0x1] =	stream.indirect_vreg.gather [hbm4b:s3+s2], $0x80, v24, vm0, $0xb8;
	[tilespmem:$0x18600] =	vst v63  }
0x80: {  	_ = 	snop  }
0x81: {  	[tilespmem:s31], [sflag:$0x1] =	stream.indirect_vreg.gather [hbm4b:s3+s2], $0x80, v23, vm0, $0xb8;
	[tilespmem:$0x18600] =	vst v63  }
0x82: {  	v23 =	vld [tilespmem:$0x40];
	_ =	sdelay $0x4  }
0x83: {  	vm1 =	vgt.s32 v23, $0x1387  }
0x84: {  	v53 =	vnsel vm1, $0x0, v0  }
0x85: {  	v23 =	vadd.s32 v53, v23  }
0x86: {  	[tilespmem:$0x280] =	vst v23  }
0x87: {  	v23 =	vld [tilespmem:$0x280];
	_ =	sdelay $0x1  }
0x88: {  	v55 =	vld [tilespmem:$0x60]  }
0x89: {  	v54 =	vld [tilespmem:$0x50];
	_ =	sdelay $0x1  }
0x8a: {  	v58 =	vshll.u32 v23, $0x1  }
0x8b: {  	v57 =	vld [tilespmem:$0x70];
	v23 =	vand.u32 $0x7, v23;
	v28 =	vand.u32 $0xFFFFFFF0, v58  }
0x8c: {  	vm2 =	vgt.s32 v55, $0x1387;
	v56 =	vsel vm1, v16, v15;
	v23 =	vor.u32 v23, v28  }
0x8d: {  	vm1 =	vgt.s32 v54, $0x1387;
	v63 =	vsel vm2, v20, v19;
	[tilespmem:$0x480] =	vst v56;
	v28 =	vperm.xlane v23, v12  }
0x8e: {  	v60 =	vnsel vm2, $0x0, v0;
	v59 =	vnsel vm1, $0x0, v0;
	v61 =	vsel vm1, v18, v17;
	[tilespmem:$0x4A0] =	vst v63  }
0x8f: {  	v25 =	vadd.s32 v60, v55;
	[tilespmem:$0x490] =	vst v61;
	v23 =	vperm.xlane v23, v14;
	v62 =	vadd.s32 v13, v28  }
0x90: {  	vm1 =	vgt.s32 v57, $0x1387;
	v24 =	vadd.s32 v59, v54;
	[tilespmem:$0x2A0] =	vst v25  }
0x91: {  	v30 =	vsel vm1, v22, v21;
	[tilespmem:$0x290] =	vst v24;
	v28 =	vnsel vm1, $0x0, v0;
	v23 =	vadd.s32 v13, v23  }
0x92: {  	[tilespmem:$0x4B0] =	vst v30;
	v29 =	vadd.s32 v28, v57  }
0x93: {  	[tilespmem:$0x2B0] =	vst v29  }
0x94: {  	[tilespmem:s0], [sflag:$0x1] =	stream.indirect_vreg.gather [hbm4b:s3+s2], $0x80, v62, vm0, $0xb8;
	[tilespmem:$0x18600] =	vst v63  }
0x95: {  	_ = 	snop  }
0x96: {  	[tilespmem:s1], [sflag:$0x1] =	stream.indirect_vreg.gather [hbm4b:s3+s2], $0x80, v23, vm0, $0xb8;
	[tilespmem:$0x18600] =	vst v63  }
0x97: {  	v23 =	vld [tilespmem:$0x290];
	_ =	sdelay $0x4  }
0x98: {  	v31 =	vshll.u32 v23, $0x1  }
0x99: {  	v23 =	vand.u32 $0x7, v23;
	v24 =	vand.u32 $0xFFFFFFF0, v31  }
0x9a: {  	v23 =	vor.u32 v23, v24  }
0x9b: {  	v24 =	vperm.xlane v23, v12;
	_ =	sdelay $0x1  }
0x9c: {  	v23 =	vperm.xlane v23, v14;
	v24 =	vadd.s32 v13, v24;
	_ =	sdelay $0x1  }
0x9d: {  	v23 =	vadd.s32 v13, v23;
	_ =	sdelay $0x2  }
0x9e: {  	[tilespmem:s4], [sflag:$0x1] =	stream.indirect_vreg.gather [hbm4b:s3+s2], $0x80, v24, vm0, $0xb8;
	[tilespmem:$0x18600] =	vst v63  }
0x9f: {  	_ = 	snop  }
0xa0: {  	[tilespmem:s5], [sflag:$0x1] =	stream.indirect_vreg.gather [hbm4b:s3+s2], $0x80, v23, vm0, $0xb8;
	[tilespmem:$0x18600] =	vst v63  }
0xa1: {  	v23 =	vld [tilespmem:$0x2A0];
	_ =	sdelay $0x4  }
0xa2: {  	v32 =	vshll.u32 v23, $0x1  }
0xa3: {  	v23 =	vand.u32 $0x7, v23;
	v24 =	vand.u32 $0xFFFFFFF0, v32  }
0xa4: {  	v23 =	vor.u32 v23, v24  }
0xa5: {  	v24 =	vperm.xlane v23, v12;
	_ =	sdelay $0x1  }
0xa6: {  	v23 =	vperm.xlane v23, v14;
	v24 =	vadd.s32 v13, v24;
	_ =	sdelay $0x1  }
0xa7: {  	v23 =	vadd.s32 v13, v23;
	_ =	sdelay $0x2  }
0xa8: {  	[tilespmem:s6], [sflag:$0x1] =	stream.indirect_vreg.gather [hbm4b:s3+s2], $0x80, v24, vm0, $0xb8;
	[tilespmem:$0x18600] =	vst v63  }
0xa9: {  	_ = 	snop  }
0xaa: {  	[tilespmem:s7], [sflag:$0x1] =	stream.indirect_vreg.gather [hbm4b:s3+s2], $0x80, v23, vm0, $0xb8;
	[tilespmem:$0x18600] =	vst v63  }
0xab: {  	v23 =	vld [tilespmem:$0x2B0];
	_ =	sdelay $0x4  }
0xac: {  	v33 =	vshll.u32 v23, $0x1  }
0xad: {  	v23 =	vand.u32 $0x7, v23;
	v24 =	vand.u32 $0xFFFFFFF0, v33  }
0xae: {  	v23 =	vor.u32 v23, v24  }
0xaf: {  	v24 =	vperm.xlane v23, v12;
	_ =	sdelay $0x1  }
0xb0: {  	v23 =	vperm.xlane v23, v14;
	v24 =	vadd.s32 v13, v24;
	_ =	sdelay $0x1  }
0xb1: {  	v23 =	vadd.s32 v13, v23;
	_ =	sdelay $0x2  }
0xb2: {  	[tilespmem:s8], [sflag:$0x1] =	stream.indirect_vreg.gather [hbm4b:s3+s2], $0x80, v24, vm0, $0xb8;
	[tilespmem:$0x18600] =	vst v63  }
0xb3: {  	_ = 	snop  }
0xb4: {  	[tilespmem:s9], [sflag:$0x1] =	stream.indirect_vreg.gather [hbm4b:s3+s2], $0x80, v23, vm0, $0xb8;
	[tilespmem:$0x18600] =	vst v63  }
0xb5: {  	v23 =	vld [tilespmem:$0x480];
	_ =	sdelay $0x4  }
0xb6: {  	v34 =	vshll.u32 v23, $0x1  }
0xb7: {  	v23 =	vand.u32 $0x7, v23;
	v24 =	vand.u32 $0xFFFFFFF0, v34  }
0xb8: {  	v23 =	vor.u32 v23, v24  }
0xb9: {  	v24 =	vperm.xlane v23, v12;
	_ =	sdelay $0x1  }
0xba: {  	v23 =	vperm.xlane v23, v14;
	v24 =	vadd.s32 v13, v24;
	_ =	sdelay $0x1  }
0xbb: {  	v23 =	vadd.s32 v13, v23;
	_ =	sdelay $0x2  }
0xbc: {  	[tilespmem:s10], [sflag:$0x1] =	stream.indirect_vreg.gather [hbm4b:s3+s2], $0x80, v24, vm0, $0xb8;
	[tilespmem:$0x18600] =	vst v63  }
0xbd: {  	_ = 	snop  }
0xbe: {  	[tilespmem:s11], [sflag:$0x1] =	stream.indirect_vreg.gather [hbm4b:s3+s2], $0x80, v23, vm0, $0xb8;
	[tilespmem:$0x18600] =	vst v63  }
0xbf: {  	v23 =	vld [tilespmem:$0x490];
	_ =	sdelay $0x4  }
0xc0: {  	v35 =	vshll.u32 v23, $0x1  }
0xc1: {  	v23 =	vand.u32 $0x7, v23;
	v24 =	vand.u32 $0xFFFFFFF0, v35  }
0xc2: {  	v23 =	vor.u32 v23, v24  }
0xc3: {  	v24 =	vperm.xlane v23, v12;
	_ =	sdelay $0x1  }
0xc4: {  	v23 =	vperm.xlane v23, v14;
	v24 =	vadd.s32 v13, v24;
	_ =	sdelay $0x1  }
0xc5: {  	v23 =	vadd.s32 v13, v23;
	_ =	sdelay $0x2  }
0xc6: {  	[tilespmem:s12], [sflag:$0x1] =	stream.indirect_vreg.gather [hbm4b:s3+s2], $0x80, v24, vm0, $0xb8;
	[tilespmem:$0x18600] =	vst v63  }
0xc7: {  	_ = 	snop  }
0xc8: {  	[tilespmem:s13], [sflag:$0x1] =	stream.indirect_vreg.gather [hbm4b:s3+s2], $0x80, v23, vm0, $0xb8;
	[tilespmem:$0x18600] =	vst v63  }
0xc9: {  	v23 =	vld [tilespmem:$0x4A0];
	_ =	sdelay $0x4  }
0xca: {  	v36 =	vshll.u32 v23, $0x1  }
0xcb: {  	v23 =	vand.u32 $0x7, v23;
	v24 =	vand.u32 $0xFFFFFFF0, v36  }
0xcc: {  	v23 =	vor.u32 v23, v24  }
0xcd: {  	v24 =	vperm.xlane v23, v12;
	_ =	sdelay $0x1  }
0xce: {  	v23 =	vperm.xlane v23, v14;
	v24 =	vadd.s32 v13, v24;
	_ =	sdelay $0x1  }
0xcf: {  	v23 =	vadd.s32 v13, v23;
	_ =	sdelay $0x2  }
0xd0: {  	[tilespmem:s14], [sflag:$0x1] =	stream.indirect_vreg.gather [hbm4b:s3+s2], $0x80, v24, vm0, $0xb8;
	[tilespmem:$0x18600] =	vst v63  }
0xd1: {  	_ = 	snop  }
0xd2: {  	[tilespmem:s16], [sflag:$0x1] =	stream.indirect_vreg.gather [hbm4b:s3+s2], $0x80, v23, vm0, $0xb8;
	[tilespmem:$0x18600] =	vst v63  }
0xd3: {  	v23 =	vld [tilespmem:$0x4B0];
	_ =	sdelay $0x4  }
0xd4: {  	v37 =	vshll.u32 v23, $0x1  }
0xd5: {  	v23 =	vand.u32 $0x7, v23;
	v24 =	vand.u32 $0xFFFFFFF0, v37  }
0xd6: {  	v23 =	vor.u32 v23, v24  }
0xd7: {  	v24 =	vperm.xlane v23, v12;
	_ =	sdelay $0x1  }
0xd8: {  	v23 =	vperm.xlane v23, v14;
	v24 =	vadd.s32 v13, v24;
	_ =	sdelay $0x1  }
0xd9: {  	v23 =	vadd.s32 v13, v23;
	_ =	sdelay $0x2  }
0xda: {  	[tilespmem:s17], [sflag:$0x1] =	stream.indirect_vreg.gather [hbm4b:s3+s2], $0x80, v24, vm0, $0xb8;
	[tilespmem:$0x18600] =	vst v63  }
0xdb: {  	_ = 	snop  }
0xdc: {  	[tilespmem:s18], [sflag:$0x1] =	stream.indirect_vreg.gather [hbm4b:s3+s2], $0x80, v23, vm0, $0xb8;
	[tilespmem:$0x18600] =	vst v63  }
0xdd: {  	v23 =	vld [tilespmem:$0x80];
	_ =	sdelay $0x4  }
0xde: {  	vm1 =	vgt.s32 v23, $0x1387  }
0xdf: {  	v38 =	vnsel vm1, $0x0, v1  }
0xe0: {  	v23 =	vadd.s32 v38, v23  }
0xe1: {  	[tilespmem:$0x300] =	vst v23  }
0xe2: {  	v23 =	vld [tilespmem:$0x300];
	_ =	sdelay $0x1  }
0xe3: {  	v40 =	vld [tilespmem:$0xA0]  }
0xe4: {  	v39 =	vld [tilespmem:$0x90];
	_ =	sdelay $0x1  }
0xe5: {  	v43 =	vshll.u32 v23, $0x1  }
0xe6: {  	v42 =	vld [tilespmem:$0xB0];
	v23 =	vand.u32 $0x7, v23;
	v28 =	vand.u32 $0xFFFFFFF0, v43  }
0xe7: {  	vm2 =	vgt.s32 v40, $0x1387;
	v41 =	vsel vm1, v5, v4;
	v23 =	vor.u32 v23, v28  }
0xe8: {  	vm1 =	vgt.s32 v39, $0x1387;
	v48 =	vsel vm2, v9, v8;
	[tilespmem:$0x500] =	vst v41;
	v28 =	vperm.xlane v23, v12  }
0xe9: {  	v45 =	vnsel vm2, $0x0, v1;
	v44 =	vnsel vm1, $0x0, v1;
	v46 =	vsel vm1, v7, v6;
	[tilespmem:$0x520] =	vst v48  }
0xea: {  	v25 =	vadd.s32 v45, v40;
	[tilespmem:$0x510] =	vst v46;
	v23 =	vperm.xlane v23, v14;
	v47 =	vadd.s32 v13, v28  }
0xeb: {  	vm1 =	vgt.s32 v42, $0x1387;
	v24 =	vadd.s32 v44, v39;
	[tilespmem:$0x320] =	vst v25  }
0xec: {  	v49 =	vnsel vm1, $0x0, v1;
	v50 =	vsel vm1, v11, v10;
	[tilespmem:$0x310] =	vst v24;
	v23 =	vadd.s32 v13, v23  }
0xed: {  	v25 =	vadd.s32 v49, v42;
	[tilespmem:$0x530] =	vst v50  }
0xee: {  	[tilespmem:$0x330] =	vst v25  }
0xef: {  	[tilespmem:s19], [sflag:$0x1] =	stream.indirect_vreg.gather [hbm4b:s3+s2], $0x80, v47, vm0, $0xb8;
	[tilespmem:$0x18600] =	vst v63  }
0xf0: {  	s26 =	simm.s32 $0x10E00  }
0xf1: {  	[tilespmem:s26], [sflag:$0x1] =	stream.indirect_vreg.gather [hbm4b:s3+s2], $0x80, v23, vm0, $0xb8;
	[tilespmem:$0x18600] =	vst v63  }
0xf2: {  	v23 =	vld [tilespmem:$0x310];
	_ =	sdelay $0x4  }
0xf3: {  	v51 =	vshll.u32 v23, $0x1  }
0xf4: {  	v23 =	vand.u32 $0x7, v23;
	v24 =	vand.u32 $0xFFFFFFF0, v51  }
0xf5: {  	v23 =	vor.u32 v23, v24  }
0xf6: {  	v24 =	vperm.xlane v23, v12;
	_ =	sdelay $0x1  }
0xf7: {  	v23 =	vperm.xlane v23, v14;
	v24 =	vadd.s32 v13, v24;
	_ =	sdelay $0x1  }
0xf8: {  	v23 =	vadd.s32 v13, v23;
	_ =	sdelay $0x1  }
0xf9: {  	s24 =	simm.s32 $0x11600  }
0xfa: {  	[tilespmem:s24], [sflag:$0x1] =	stream.indirect_vreg.gather [hbm4b:s3+s2], $0x80, v24, vm0, $0xb8;
	[tilespmem:$0x18600] =	vst v63  }
0xfb: {  	s25 =	simm.s32 $0x11E00  }
0xfc: {  	[tilespmem:s25], [sflag:$0x1] =	stream.indirect_vreg.gather [hbm4b:s3+s2], $0x80, v23, vm0, $0xb8;
	[tilespmem:$0x18600] =	vst v63  }
0xfd: {  	v23 =	vld [tilespmem:$0x320];
	_ =	sdelay $0x4  }
0xfe: {  	v52 =	vshll.u32 v23, $0x1  }
0xff: {  	v23 =	vand.u32 $0x7, v23;
	v24 =	vand.u32 $0xFFFFFFF0, v52  }
0x100: {  	v23 =	vor.u32 v23, v24  }
0x101: {  	v24 =	vperm.xlane v23, v12;
	_ =	sdelay $0x1  }
0x102: {  	v23 =	vperm.xlane v23, v14;
	v24 =	vadd.s32 v13, v24;
	_ =	sdelay $0x1  }
0x103: {  	v23 =	vadd.s32 v13, v23;
	_ =	sdelay $0x1  }
0x104: {  	s26 =	simm.s32 $0x12600  }
0x105: {  	[tilespmem:s26], [sflag:$0x1] =	stream.indirect_vreg.gather [hbm4b:s3+s2], $0x80, v24, vm0, $0xb8;
	[tilespmem:$0x18600] =	vst v63  }
0x106: {  	s24 =	simm.s32 $0x12E00  }
0x107: {  	[tilespmem:s24], [sflag:$0x1] =	stream.indirect_vreg.gather [hbm4b:s3+s2], $0x80, v23, vm0, $0xb8;
	[tilespmem:$0x18600] =	vst v63  }
0x108: {  	v23 =	vld [tilespmem:$0x330];
	_ =	sdelay $0x4  }
0x109: {  	v53 =	vshll.u32 v23, $0x1  }
0x10a: {  	v23 =	vand.u32 $0x7, v23;
	v24 =	vand.u32 $0xFFFFFFF0, v53  }
0x10b: {  	v23 =	vor.u32 v23, v24  }
0x10c: {  	v24 =	vperm.xlane v23, v12;
	_ =	sdelay $0x1  }
0x10d: {  	v23 =	vperm.xlane v23, v14;
	v24 =	vadd.s32 v13, v24;
	_ =	sdelay $0x1  }
0x10e: {  	v23 =	vadd.s32 v13, v23;
	_ =	sdelay $0x1  }
0x10f: {  	s25 =	simm.s32 $0x13600  }
0x110: {  	[tilespmem:s25], [sflag:$0x1] =	stream.indirect_vreg.gather [hbm4b:s3+s2], $0x80, v24, vm0, $0xb8;
	[tilespmem:$0x18600] =	vst v63  }
0x111: {  	s26 =	simm.s32 $0x13E00  }
0x112: {  	[tilespmem:s26], [sflag:$0x1] =	stream.indirect_vreg.gather [hbm4b:s3+s2], $0x80, v23, vm0, $0xb8;
	[tilespmem:$0x18600] =	vst v63  }
0x113: {  	v23 =	vld [tilespmem:$0x500];
	_ =	sdelay $0x4  }
0x114: {  	v54 =	vshll.u32 v23, $0x1  }
0x115: {  	v23 =	vand.u32 $0x7, v23;
	v24 =	vand.u32 $0xFFFFFFF0, v54  }
0x116: {  	v23 =	vor.u32 v23, v24  }
0x117: {  	v24 =	vperm.xlane v23, v12;
	_ =	sdelay $0x1  }
0x118: {  	v23 =	vperm.xlane v23, v14;
	v24 =	vadd.s32 v13, v24;
	_ =	sdelay $0x1  }
0x119: {  	v23 =	vadd.s32 v13, v23;
	_ =	sdelay $0x1  }
0x11a: {  	s24 =	simm.s32 $0x14600  }
0x11b: {  	[tilespmem:s24], [sflag:$0x1] =	stream.indirect_vreg.gather [hbm4b:s3+s2], $0x80, v24, vm0, $0xb8;
	[tilespmem:$0x18600] =	vst v63  }
0x11c: {  	s25 =	simm.s32 $0x14E00  }
0x11d: {  	[tilespmem:s25], [sflag:$0x1] =	stream.indirect_vreg.gather [hbm4b:s3+s2], $0x80, v23, vm0, $0xb8;
	[tilespmem:$0x18600] =	vst v63  }
0x11e: {  	v23 =	vld [tilespmem:$0x510];
	_ =	sdelay $0x4  }
0x11f: {  	v55 =	vshll.u32 v23, $0x1  }
0x120: {  	v23 =	vand.u32 $0x7, v23;
	v24 =	vand.u32 $0xFFFFFFF0, v55  }
0x121: {  	v23 =	vor.u32 v23, v24  }
0x122: {  	v24 =	vperm.xlane v23, v12;
	_ =	sdelay $0x1  }
0x123: {  	v23 =	vperm.xlane v23, v14;
	v24 =	vadd.s32 v13, v24;
	_ =	sdelay $0x1  }
0x124: {  	v23 =	vadd.s32 v13, v23;
	_ =	sdelay $0x1  }
0x125: {  	s26 =	simm.s32 $0x15600  }
0x126: {  	[tilespmem:s26], [sflag:$0x1] =	stream.indirect_vreg.gather [hbm4b:s3+s2], $0x80, v24, vm0, $0xb8;
	[tilespmem:$0x18600] =	vst v63  }
0x127: {  	s24 =	simm.s32 $0x15E00  }
0x128: {  	[tilespmem:s24], [sflag:$0x1] =	stream.indirect_vreg.gather [hbm4b:s3+s2], $0x80, v23, vm0, $0xb8;
	[tilespmem:$0x18600] =	vst v63  }
0x129: {  	v23 =	vld [tilespmem:$0x520];
	_ =	sdelay $0x4  }
0x12a: {  	v56 =	vshll.u32 v23, $0x1  }
0x12b: {  	v23 =	vand.u32 $0x7, v23;
	v24 =	vand.u32 $0xFFFFFFF0, v56  }
0x12c: {  	v23 =	vor.u32 v23, v24  }
0x12d: {  	v24 =	vperm.xlane v23, v12;
	_ =	sdelay $0x1  }
0x12e: {  	v23 =	vperm.xlane v23, v14;
	v24 =	vadd.s32 v13, v24;
	_ =	sdelay $0x1  }
0x12f: {  	v23 =	vadd.s32 v13, v23;
	_ =	sdelay $0x1  }
0x130: {  	s25 =	simm.s32 $0x16600  }
0x131: {  	[tilespmem:s25], [sflag:$0x1] =	stream.indirect_vreg.gather [hbm4b:s3+s2], $0x80, v24, vm0, $0xb8;
	[tilespmem:$0x18600] =	vst v63  }
0x132: {  	s26 =	simm.s32 $0x16E00  }
0x133: {  	[tilespmem:s26], [sflag:$0x1] =	stream.indirect_vreg.gather [hbm4b:s3+s2], $0x80, v23, vm0, $0xb8;
	[tilespmem:$0x18600] =	vst v63  }
0x134: {  	v23 =	vld [tilespmem:$0x530];
	_ =	sdelay $0x4  }
0x135: {  	v57 =	vshll.u32 v23, $0x1  }
0x136: {  	v23 =	vand.u32 $0x7, v23;
	v24 =	vand.u32 $0xFFFFFFF0, v57  }
0x137: {  	v23 =	vor.u32 v23, v24  }
0x138: {  	v24 =	vperm.xlane v23, v12;
	_ =	sdelay $0x1  }
0x139: {  	v23 =	vperm.xlane v23, v14;
	v24 =	vadd.s32 v13, v24;
	_ =	sdelay $0x1  }
0x13a: {  	v23 =	vadd.s32 v13, v23;
	_ =	sdelay $0x1  }
0x13b: {  	s24 =	simm.s32 $0x17600  }
0x13c: {  	[tilespmem:s24], [sflag:$0x1] =	stream.indirect_vreg.gather [hbm4b:s3+s2], $0x80, v24, vm0, $0xb8;
	[tilespmem:$0x18600] =	vst v63  }
0x13d: {  	s25 =	simm.s32 $0x17E00  }
0x13e: {  	[tilespmem:s25], [sflag:$0x1] =	stream.indirect_vreg.gather [hbm4b:s3+s2], $0x80, v23, vm0, $0xb8;
	[tilespmem:$0x18600] =	vst v63  }
0x13f: {  	_ =	swait.ge [sflag:s20], $0x4000  }
0x140: {  	[sflag:s20] =	ssyncset.done $0x0  }
0x141: {  	[sflag:s20] =	ssyncadd.s32 $0xFFFFC000  }
0x142: {  	_ =	swait.ge [sflag:s20], $0x4000  }
0x143: {  	s26 =	sand.u32 $0x3800, s2;
	s24 =	sand.u32 $0x380, s2;
	[sflag:s20] =	ssyncset.done $0x0  }
0x144: {  	s23 =	sor.u32 s24, s26;
	[sflag:s20] =	ssyncadd.s32 $0xFFFFC000  }
0x145: {  	v23 =	vld [tilespmem:s23+$0x4A70]  }
0x146: {  	v58 =	vld [tilespmem:s23+$0x4600]  }
0x147: {  	v59 =	vld [tilespmem:s23+$0x4610]  }
0x148: {  	v60 =	vld [tilespmem:s23+$0x4620]  }
0x149: {  	v61 =	vld [tilespmem:s23+$0x4630]  }
0x14a: {  	v62 =	vld [tilespmem:s23+$0x4640]  }
0x14b: {  	v63 =	vld [tilespmem:s23+$0x4650]  }
0x14c: {  	v30 =	vld [tilespmem:s23+$0x4660]  }
0x14d: {  	v31 =	vld [tilespmem:s23+$0x4670]  }
0x14e: {  	v32 =	vld [tilespmem:s23+$0x4A00]  }
0x14f: {  	v33 =	vld [tilespmem:s23+$0x4A10]  }
0x150: {  	v34 =	vld [tilespmem:s23+$0x4A20]  }
0x151: {  	v35 =	vld [tilespmem:s23+$0x4A30]  }
0x152: {  	v36 =	vld [tilespmem:s23+$0x4A40]  }
0x153: {  	v37 =	vld [tilespmem:s23+$0x4A50]  }
0x154: {  	[tilespmem:s23+$0xA70] =	vst.add.f32.msk $0xffff, v23  }
0x155: {  	v23 =	vld [tilespmem:s23+$0x4A60]  }
0x156: {  	[tilespmem:s23+$0x600] =	vst.add.f32.msk $0xffff, v58  }
0x157: {  	[tilespmem:s23+$0x610] =	vst.add.f32.msk $0xffff, v59  }
0x158: {  	[tilespmem:s23+$0x620] =	vst.add.f32.msk $0xffff, v60  }
0x159: {  	[tilespmem:s23+$0x630] =	vst.add.f32.msk $0xffff, v61  }
0x15a: {  	[tilespmem:s23+$0x640] =	vst.add.f32.msk $0xffff, v62  }
0x15b: {  	[tilespmem:s23+$0x650] =	vst.add.f32.msk $0xffff, v63  }
0x15c: {  	[tilespmem:s23+$0x660] =	vst.add.f32.msk $0xffff, v30  }
0x15d: {  	[tilespmem:s23+$0x670] =	vst.add.f32.msk $0xffff, v31  }
0x15e: {  	[tilespmem:s23+$0xA00] =	vst.add.f32.msk $0xffff, v32  }
0x15f: {  	[tilespmem:s23+$0xA10] =	vst.add.f32.msk $0xffff, v33  }
0x160: {  	[tilespmem:s23+$0xA20] =	vst.add.f32.msk $0xffff, v34  }
0x161: {  	[tilespmem:s23+$0xA30] =	vst.add.f32.msk $0xffff, v35  }
0x162: {  	s24 =	simm.s32 $0x80;
	s25 =	simm.s32 $0x100;
	[tilespmem:s23+$0xA40] =	vst.add.f32.msk $0xffff, v36  }
0x163: {  	s28 =	sand.u32 $0x380, s24;
	s26 =	sand.u32 $0x3800, s25;
	s25 =	simm.s32 $0x200;
	[tilespmem:s23+$0xA50] =	vst.add.f32.msk $0xffff, v37  }
.LBB2_2:
0x164: {  	p0 =	sne.s32 s25, $0x3F00;
	[tilespmem:s23+$0xA60] =	vst.add.f32.msk $0xffff, v23;
	s23 =	sor.u32 s28, s26  }
0x165: {  	v23 =	vld [tilespmem:s23+$0x4A70]  }
0x166: {  	v24 =	vld [tilespmem:s23+$0x4600]  }
0x167: {  	v25 =	vld [tilespmem:s23+$0x4610]  }
0x168: {  	v26 =	vld [tilespmem:s23+$0x4620]  }
0x169: {  	v27 =	vld [tilespmem:s23+$0x4630]  }
0x16a: {  	[tilespmem:s23+$0xA70] =	vst.add.f32.msk $0xffff, v23  }
0x16b: {  	v28 =	vld [tilespmem:s23+$0x4640]  }
0x16c: {  	v29 =	vld [tilespmem:s23+$0x4650]  }
0x16d: {  	v30 =	vld [tilespmem:s23+$0x4660]  }
0x16e: {  	v31 =	vld [tilespmem:s23+$0x4670]  }
0x16f: {  	v32 =	vld [tilespmem:s23+$0x4A00]  }
0x170: {  	v33 =	vld [tilespmem:s23+$0x4A10]  }
0x171: {  	v34 =	vld [tilespmem:s23+$0x4A20]  }
0x172: {  	v35 =	vld [tilespmem:s23+$0x4A30]  }
0x173: {  	v36 =	vld [tilespmem:s23+$0x4A40]  }
0x174: {  	v37 =	vld [tilespmem:s23+$0x4A50]  }
0x175: {  	v23 =	vld [tilespmem:s23+$0x4A60]  }
0x176: {  	[tilespmem:s23+$0x600] =	vst.add.f32.msk $0xffff, v24  }
0x177: {  	[tilespmem:s23+$0x610] =	vst.add.f32.msk $0xffff, v25  }
0x178: {  	[tilespmem:s23+$0x620] =	vst.add.f32.msk $0xffff, v26  }
0x179: {  	[tilespmem:s23+$0x630] =	vst.add.f32.msk $0xffff, v27  }
0x17a: {  	[tilespmem:s23+$0x640] =	vst.add.f32.msk $0xffff, v28  }
0x17b: {  	[tilespmem:s23+$0x650] =	vst.add.f32.msk $0xffff, v29  }
0x17c: {  	[tilespmem:s23+$0x660] =	vst.add.f32.msk $0xffff, v30  }
0x17d: {  	[tilespmem:s23+$0x670] =	vst.add.f32.msk $0xffff, v31  }
0x17e: {  	[tilespmem:s23+$0xA00] =	vst.add.f32.msk $0xffff, v32  }
.Ltmp0:
0x17f: {  	[tilespmem:s23+$0xA10] =	vst.add.f32.msk $0xffff, v33;
	(pc) =	sbr.rel @p0 .LBB2_2-.Ltmp0, $4  }
0x180: {  	[tilespmem:s23+$0xA20] =	vst.add.f32.msk $0xffff, v34  }
0x181: {  	[tilespmem:s23+$0xA30] =	vst.add.f32.msk $0xffff, v35  }
0x182: {  	s24 =	sadd.s32 $0x80, s24;
	[tilespmem:s23+$0xA40] =	vst.add.f32.msk $0xffff, v36  }
0x183: {  	s26 =	sand.u32 $0x3800, s25;
	s25 =	sadd.s32 $0x100, s25;
	s28 =	sand.u32 $0x380, s24;
	[tilespmem:s23+$0xA50] =	vst.add.f32.msk $0xffff, v37  }
0x184: {  	s24 =	sor.u32 s28, s26;
	[tilespmem:s23+$0xA60] =	vst.add.f32.msk $0xffff, v23  }
0x185: {  	v23 =	vld [tilespmem:s24+$0x4A70]  }
0x186: {  	v24 =	vld [tilespmem:s24+$0x4600]  }
0x187: {  	v25 =	vld [tilespmem:s24+$0x4610]  }
0x188: {  	v26 =	vld [tilespmem:s24+$0x4620]  }
0x189: {  	v27 =	vld [tilespmem:s24+$0x4630]  }
0x18a: {  	v28 =	vld [tilespmem:s24+$0x4650]  }
0x18b: {  	v29 =	vld [tilespmem:s24+$0x4660]  }
0x18c: {  	v30 =	vld [tilespmem:s24+$0x4670]  }
0x18d: {  	v31 =	vld [tilespmem:s24+$0x4A00]  }
0x18e: {  	v32 =	vld [tilespmem:s24+$0x4A10]  }
0x18f: {  	v33 =	vld [tilespmem:s24+$0x4A20]  }
0x190: {  	v34 =	vld [tilespmem:s24+$0x4A30]  }
0x191: {  	v35 =	vld [tilespmem:s24+$0x4A40]  }
0x192: {  	v36 =	vld [tilespmem:s24+$0x4A50]  }
0x193: {  	v37 =	vld [tilespmem:s24+$0x4A60]  }
0x194: {  	[tilespmem:s24+$0xA70] =	vst.add.f32.msk $0xffff, v23  }
0x195: {  	v23 =	vld [tilespmem:s24+$0x4640]  }
0x196: {  	[tilespmem:s24+$0x600] =	vst.add.f32.msk $0xffff, v24  }
0x197: {  	[tilespmem:s24+$0x610] =	vst.add.f32.msk $0xffff, v25  }
0x198: {  	[tilespmem:s24+$0x620] =	vst.add.f32.msk $0xffff, v26  }
0x199: {  	[tilespmem:s24+$0x630] =	vst.add.f32.msk $0xffff, v27  }
0x19a: {  	[tilespmem:s24+$0x650] =	vst.add.f32.msk $0xffff, v28  }
0x19b: {  	[tilespmem:s24+$0x660] =	vst.add.f32.msk $0xffff, v29  }
0x19c: {  	[tilespmem:s24+$0x670] =	vst.add.f32.msk $0xffff, v30  }
0x19d: {  	[tilespmem:s24+$0xA00] =	vst.add.f32.msk $0xffff, v31  }
0x19e: {  	[tilespmem:s24+$0xA10] =	vst.add.f32.msk $0xffff, v32  }
0x19f: {  	[tilespmem:s24+$0xA20] =	vst.add.f32.msk $0xffff, v33  }
0x1a0: {  	[tilespmem:s24+$0xA30] =	vst.add.f32.msk $0xffff, v34  }
0x1a1: {  	[tilespmem:s24+$0xA40] =	vst.add.f32.msk $0xffff, v35  }
0x1a2: {  	[tilespmem:s24+$0xA50] =	vst.add.f32.msk $0xffff, v36  }
0x1a3: {  	[tilespmem:s24+$0xA60] =	vst.add.f32.msk $0xffff, v37  }
0x1a4: {  	s23 =	simm.s32 $0x0;
	s25 =	rddreg [dreg:$0x5];
	[tilespmem:s24+$0x640] =	vst.add.f32.msk $0xffff, v23  }
0x1a5: {  	[hbm4b:s25+s23] =	stream.linear.scatter [tilespmem:s15], [sflag:$0x2], $0x4000, $0x38;
	[tilespmem:$0x18600] =	vst v63  }
0x1a6: {  	_ =	swait.ge [sflag:s21], $0x4000  }
0x1a7: {  	[sflag:s21] =	ssyncset.done $0x0  }
0x1a8: {  	[sflag:s21] =	ssyncadd.s32 $0xFFFFC000  }
0x1a9: {  	v23 =	vld [tilespmem:$0xC0];
	_ =	sdelay $0x4  }
0x1aa: {  	vm1 =	vgt.s32 v23, $0x1387  }
0x1ab: {  	v62 =	vnsel vm1, $0x0, v1  }
0x1ac: {  	v23 =	vadd.s32 v62, v23  }
0x1ad: {  	[tilespmem:$0x200] =	vst v23  }
0x1ae: {  	v23 =	vld [tilespmem:$0x200];
	_ =	sdelay $0x1  }
0x1af: {  	v32 =	vld [tilespmem:$0xE0]  }
0x1b0: {  	v63 =	vld [tilespmem:$0xD0];
	_ =	sdelay $0x1  }
0x1b1: {  	v35 =	vshll.u32 v23, $0x1  }
0x1b2: {  	v34 =	vld [tilespmem:$0xF0];
	v23 =	vand.u32 $0x7, v23;
	v28 =	vand.u32 $0xFFFFFFF0, v35  }
0x1b3: {  	vm2 =	vgt.s32 v32, $0x1387;
	v33 =	vsel vm1, v16, v15;
	v23 =	vor.u32 v23, v28  }
0x1b4: {  	vm1 =	vgt.s32 v63, $0x1387;
	v40 =	vsel vm2, v20, v19;
	[tilespmem:$0x400] =	vst v33;
	v28 =	vperm.xlane v23, v12  }
0x1b5: {  	v37 =	vnsel vm2, $0x0, v1;
	v36 =	vnsel vm1, $0x0, v1;
	v38 =	vsel vm1, v18, v17;
	[tilespmem:$0x420] =	vst v40  }
0x1b6: {  	v25 =	vadd.s32 v37, v32;
	[tilespmem:$0x410] =	vst v38;
	v23 =	vperm.xlane v23, v14;
	v39 =	vadd.s32 v13, v28  }
0x1b7: {  	vm1 =	vgt.s32 v34, $0x1387;
	v24 =	vadd.s32 v36, v63;
	[tilespmem:$0x220] =	vst v25  }
0x1b8: {  	v41 =	vnsel vm1, $0x0, v1;
	v42 =	vsel vm1, v22, v21;
	[tilespmem:$0x210] =	vst v24;
	v23 =	vadd.s32 v13, v23  }
0x1b9: {  	v25 =	vadd.s32 v41, v34;
	[tilespmem:$0x430] =	vst v42  }
0x1ba: {  	[tilespmem:$0x230] =	vst v25  }
0x1bb: {  	[tilespmem:s15], [sflag:$0x1] =	stream.indirect_vreg.gather [hbm4b:s3+s23], $0x80, v39, vm0, $0xb8;
	[tilespmem:$0x18600] =	vst v63  }
0x1bc: {  	s26 =	simm.s32 $0xE00  }
0x1bd: {  	[tilespmem:s26], [sflag:$0x1] =	stream.indirect_vreg.gather [hbm4b:s3+s23], $0x80, v23, vm0, $0xb8;
	[tilespmem:$0x18600] =	vst v63  }
0x1be: {  	v23 =	vld [tilespmem:$0x210];
	_ =	sdelay $0x4  }
0x1bf: {  	v43 =	vshll.u32 v23, $0x1  }
0x1c0: {  	v23 =	vand.u32 $0x7, v23;
	v24 =	vand.u32 $0xFFFFFFF0, v43  }
0x1c1: {  	v23 =	vor.u32 v23, v24  }
0x1c2: {  	v24 =	vperm.xlane v23, v12;
	_ =	sdelay $0x1  }
0x1c3: {  	v23 =	vperm.xlane v23, v14;
	v24 =	vadd.s32 v13, v24;
	_ =	sdelay $0x1  }
0x1c4: {  	v23 =	vadd.s32 v13, v23;
	_ =	sdelay $0x1  }
0x1c5: {  	s25 =	simm.s32 $0x1600  }
0x1c6: {  	[tilespmem:s25], [sflag:$0x1] =	stream.indirect_vreg.gather [hbm4b:s3+s23], $0x80, v24, vm0, $0xb8;
	[tilespmem:$0x18600] =	vst v63  }
0x1c7: {  	s26 =	simm.s32 $0x1E00  }
0x1c8: {  	[tilespmem:s26], [sflag:$0x1] =	stream.indirect_vreg.gather [hbm4b:s3+s23], $0x80, v23, vm0, $0xb8;
	[tilespmem:$0x18600] =	vst v63  }
0x1c9: {  	v23 =	vld [tilespmem:$0x220];
	_ =	sdelay $0x4  }
0x1ca: {  	v44 =	vshll.u32 v23, $0x1  }
0x1cb: {  	v23 =	vand.u32 $0x7, v23;
	v24 =	vand.u32 $0xFFFFFFF0, v44  }
0x1cc: {  	v23 =	vor.u32 v23, v24  }
0x1cd: {  	v24 =	vperm.xlane v23, v12;
	_ =	sdelay $0x1  }
0x1ce: {  	v23 =	vperm.xlane v23, v14;
	v24 =	vadd.s32 v13, v24;
	_ =	sdelay $0x1  }
0x1cf: {  	v23 =	vadd.s32 v13, v23;
	_ =	sdelay $0x1  }
0x1d0: {  	s25 =	simm.s32 $0x2600  }
0x1d1: {  	[tilespmem:s25], [sflag:$0x1] =	stream.indirect_vreg.gather [hbm4b:s3+s23], $0x80, v24, vm0, $0xb8;
	[tilespmem:$0x18600] =	vst v63  }
0x1d2: {  	s26 =	simm.s32 $0x2E00  }
0x1d3: {  	[tilespmem:s26], [sflag:$0x1] =	stream.indirect_vreg.gather [hbm4b:s3+s23], $0x80, v23, vm0, $0xb8;
	[tilespmem:$0x18600] =	vst v63  }
0x1d4: {  	v23 =	vld [tilespmem:$0x230];
	_ =	sdelay $0x4  }
0x1d5: {  	v45 =	vshll.u32 v23, $0x1  }
0x1d6: {  	v23 =	vand.u32 $0x7, v23;
	v24 =	vand.u32 $0xFFFFFFF0, v45  }
0x1d7: {  	v23 =	vor.u32 v23, v24  }
0x1d8: {  	v24 =	vperm.xlane v23, v12;
	_ =	sdelay $0x1  }
0x1d9: {  	v23 =	vperm.xlane v23, v14;
	v24 =	vadd.s32 v13, v24;
	_ =	sdelay $0x1  }
0x1da: {  	v23 =	vadd.s32 v13, v23;
	_ =	sdelay $0x1  }
0x1db: {  	s25 =	simm.s32 $0x3600  }
0x1dc: {  	[tilespmem:s25], [sflag:$0x1] =	stream.indirect_vreg.gather [hbm4b:s3+s23], $0x80, v24, vm0, $0xb8;
	[tilespmem:$0x18600] =	vst v63  }
0x1dd: {  	s26 =	simm.s32 $0x3E00  }
0x1de: {  	[tilespmem:s26], [sflag:$0x1] =	stream.indirect_vreg.gather [hbm4b:s3+s23], $0x80, v23, vm0, $0xb8;
	[tilespmem:$0x18600] =	vst v63  }
0x1df: {  	v23 =	vld [tilespmem:$0x400];
	_ =	sdelay $0x4  }
0x1e0: {  	v46 =	vshll.u32 v23, $0x1  }
0x1e1: {  	v23 =	vand.u32 $0x7, v23;
	v24 =	vand.u32 $0xFFFFFFF0, v46  }
0x1e2: {  	v23 =	vor.u32 v23, v24  }
0x1e3: {  	v24 =	vperm.xlane v23, v12;
	_ =	sdelay $0x1  }
0x1e4: {  	v23 =	vperm.xlane v23, v14;
	v24 =	vadd.s32 v13, v24;
	_ =	sdelay $0x1  }
0x1e5: {  	v23 =	vadd.s32 v13, v23;
	_ =	sdelay $0x1  }
0x1e6: {  	s25 =	simm.s32 $0x4600  }
0x1e7: {  	[tilespmem:s25], [sflag:$0x1] =	stream.indirect_vreg.gather [hbm4b:s3+s23], $0x80, v24, vm0, $0xb8;
	[tilespmem:$0x18600] =	vst v63  }
0x1e8: {  	s26 =	simm.s32 $0x4E00  }
0x1e9: {  	[tilespmem:s26], [sflag:$0x1] =	stream.indirect_vreg.gather [hbm4b:s3+s23], $0x80, v23, vm0, $0xb8;
	[tilespmem:$0x18600] =	vst v63  }
0x1ea: {  	v23 =	vld [tilespmem:$0x410];
	_ =	sdelay $0x4  }
0x1eb: {  	v47 =	vshll.u32 v23, $0x1  }
0x1ec: {  	v23 =	vand.u32 $0x7, v23;
	v24 =	vand.u32 $0xFFFFFFF0, v47  }
0x1ed: {  	v23 =	vor.u32 v23, v24  }
0x1ee: {  	v24 =	vperm.xlane v23, v12;
	_ =	sdelay $0x1  }
0x1ef: {  	v23 =	vperm.xlane v23, v14;
	v24 =	vadd.s32 v13, v24;
	_ =	sdelay $0x1  }
0x1f0: {  	v23 =	vadd.s32 v13, v23;
	_ =	sdelay $0x1  }
0x1f1: {  	s25 =	simm.s32 $0x5600  }
0x1f2: {  	[tilespmem:s25], [sflag:$0x1] =	stream.indirect_vreg.gather [hbm4b:s3+s23], $0x80, v24, vm0, $0xb8;
	[tilespmem:$0x18600] =	vst v63  }
0x1f3: {  	s26 =	simm.s32 $0x5E00  }
0x1f4: {  	[tilespmem:s26], [sflag:$0x1] =	stream.indirect_vreg.gather [hbm4b:s3+s23], $0x80, v23, vm0, $0xb8;
	[tilespmem:$0x18600] =	vst v63  }
0x1f5: {  	v23 =	vld [tilespmem:$0x420];
	_ =	sdelay $0x4  }
0x1f6: {  	v48 =	vshll.u32 v23, $0x1  }
0x1f7: {  	v23 =	vand.u32 $0x7, v23;
	v24 =	vand.u32 $0xFFFFFFF0, v48  }
0x1f8: {  	v23 =	vor.u32 v23, v24  }
0x1f9: {  	v24 =	vperm.xlane v23, v12;
	_ =	sdelay $0x1  }
0x1fa: {  	v23 =	vperm.xlane v23, v14;
	v24 =	vadd.s32 v13, v24;
	_ =	sdelay $0x1  }
0x1fb: {  	v23 =	vadd.s32 v13, v23;
	_ =	sdelay $0x1  }
0x1fc: {  	s25 =	simm.s32 $0x6600  }
0x1fd: {  	[tilespmem:s25], [sflag:$0x1] =	stream.indirect_vreg.gather [hbm4b:s3+s23], $0x80, v24, vm0, $0xb8;
	[tilespmem:$0x18600] =	vst v63  }
0x1fe: {  	_ = 	snop  }
0x1ff: {  	[tilespmem:s29], [sflag:$0x1] =	stream.indirect_vreg.gather [hbm4b:s3+s23], $0x80, v23, vm0, $0xb8;
	[tilespmem:$0x18600] =	vst v63  }
0x200: {  	v23 =	vld [tilespmem:$0x430];
	_ =	sdelay $0x4  }
0x201: {  	v49 =	vshll.u32 v23, $0x1  }
0x202: {  	v23 =	vand.u32 $0x7, v23;
	v24 =	vand.u32 $0xFFFFFFF0, v49  }
0x203: {  	v23 =	vor.u32 v23, v24  }
0x204: {  	v24 =	vperm.xlane v23, v12;
	_ =	sdelay $0x1  }
0x205: {  	v23 =	vperm.xlane v23, v14;
	v24 =	vadd.s32 v13, v24;
	_ =	sdelay $0x1  }
0x206: {  	v23 =	vadd.s32 v13, v23;
	_ =	sdelay $0x2  }
0x207: {  	[tilespmem:s30], [sflag:$0x1] =	stream.indirect_vreg.gather [hbm4b:s3+s23], $0x80, v24, vm0, $0xb8;
	[tilespmem:$0x18600] =	vst v63  }
0x208: {  	_ = 	snop  }
0x209: {  	[tilespmem:s31], [sflag:$0x1] =	stream.indirect_vreg.gather [hbm4b:s3+s23], $0x80, v23, vm0, $0xb8;
	[tilespmem:$0x18600] =	vst v63  }
0x20a: {  	_ =	swait.ge [sflag:s20], $0x4000  }
0x20b: {  	[sflag:s20] =	ssyncset.done $0x0  }
0x20c: {  	[sflag:s20] =	ssyncadd.s32 $0xFFFFC000  }
0x20d: {  	_ =	swait.ge [sflag:s20], $0x4000  }
0x20e: {  	s26 =	sand.u32 $0x3800, s23;
	s23 =	sand.u32 $0x380, s23;
	[sflag:s20] =	ssyncset.done $0x0  }
0x20f: {  	s23 =	sor.u32 s23, s26;
	[sflag:s20] =	ssyncadd.s32 $0xFFFFC000  }
0x210: {  	v23 =	vld [tilespmem:s23+$0xCA70]  }
0x211: {  	v50 =	vld [tilespmem:s23+$0xC600]  }
0x212: {  	v51 =	vld [tilespmem:s23+$0xC610]  }
0x213: {  	v52 =	vld [tilespmem:s23+$0xC620]  }
0x214: {  	v53 =	vld [tilespmem:s23+$0xC630]  }
0x215: {  	v54 =	vld [tilespmem:s23+$0xC640]  }
0x216: {  	v55 =	vld [tilespmem:s23+$0xC650]  }
0x217: {  	v56 =	vld [tilespmem:s23+$0xC660]  }
0x218: {  	v57 =	vld [tilespmem:s23+$0xC670]  }
0x219: {  	v58 =	vld [tilespmem:s23+$0xCA00]  }
0x21a: {  	v59 =	vld [tilespmem:s23+$0xCA10]  }
0x21b: {  	v60 =	vld [tilespmem:s23+$0xCA20]  }
0x21c: {  	v61 =	vld [tilespmem:s23+$0xCA30]  }
0x21d: {  	v62 =	vld [tilespmem:s23+$0xCA40]  }
0x21e: {  	v63 =	vld [tilespmem:s23+$0xCA50]  }
0x21f: {  	[tilespmem:s23+$0x8A70] =	vst.add.f32.msk $0xffff, v23  }
0x220: {  	v23 =	vld [tilespmem:s23+$0xCA60]  }
0x221: {  	[tilespmem:s23+$0x8600] =	vst.add.f32.msk $0xffff, v50  }
0x222: {  	[tilespmem:s23+$0x8610] =	vst.add.f32.msk $0xffff, v51  }
0x223: {  	[tilespmem:s23+$0x8620] =	vst.add.f32.msk $0xffff, v52  }
0x224: {  	[tilespmem:s23+$0x8630] =	vst.add.f32.msk $0xffff, v53  }
0x225: {  	[tilespmem:s23+$0x8640] =	vst.add.f32.msk $0xffff, v54  }
0x226: {  	[tilespmem:s23+$0x8650] =	vst.add.f32.msk $0xffff, v55  }
0x227: {  	[tilespmem:s23+$0x8660] =	vst.add.f32.msk $0xffff, v56  }
0x228: {  	[tilespmem:s23+$0x8670] =	vst.add.f32.msk $0xffff, v57  }
0x229: {  	[tilespmem:s23+$0x8A00] =	vst.add.f32.msk $0xffff, v58  }
0x22a: {  	[tilespmem:s23+$0x8A10] =	vst.add.f32.msk $0xffff, v59  }
0x22b: {  	[tilespmem:s23+$0x8A20] =	vst.add.f32.msk $0xffff, v60  }
0x22c: {  	[tilespmem:s23+$0x8A30] =	vst.add.f32.msk $0xffff, v61  }
0x22d: {  	s24 =	simm.s32 $0x80;
	s25 =	simm.s32 $0x100;
	[tilespmem:s23+$0x8A40] =	vst.add.f32.msk $0xffff, v62  }
0x22e: {  	s28 =	sand.u32 $0x380, s24;
	s26 =	sand.u32 $0x3800, s25;
	s25 =	simm.s32 $0x200;
	[tilespmem:s23+$0x8A50] =	vst.add.f32.msk $0xffff, v63  }
.LBB2_4:
0x22f: {  	p0 =	sne.s32 s25, $0x3F00;
	[tilespmem:s23+$0x8A60] =	vst.add.f32.msk $0xffff, v23;
	s23 =	sor.u32 s28, s26  }
0x230: {  	v23 =	vld [tilespmem:s23+$0xCA70]  }
0x231: {  	v24 =	vld [tilespmem:s23+$0xC600]  }
0x232: {  	v25 =	vld [tilespmem:s23+$0xC610]  }
0x233: {  	v26 =	vld [tilespmem:s23+$0xC620]  }
0x234: {  	v27 =	vld [tilespmem:s23+$0xC630]  }
0x235: {  	[tilespmem:s23+$0x8A70] =	vst.add.f32.msk $0xffff, v23  }
0x236: {  	v28 =	vld [tilespmem:s23+$0xC640]  }
0x237: {  	v29 =	vld [tilespmem:s23+$0xC650]  }
0x238: {  	v30 =	vld [tilespmem:s23+$0xC660]  }
0x239: {  	v31 =	vld [tilespmem:s23+$0xC670]  }
0x23a: {  	v32 =	vld [tilespmem:s23+$0xCA00]  }
0x23b: {  	v33 =	vld [tilespmem:s23+$0xCA10]  }
0x23c: {  	v34 =	vld [tilespmem:s23+$0xCA20]  }
0x23d: {  	v35 =	vld [tilespmem:s23+$0xCA30]  }
0x23e: {  	v36 =	vld [tilespmem:s23+$0xCA40]  }
0x23f: {  	v37 =	vld [tilespmem:s23+$0xCA50]  }
0x240: {  	v23 =	vld [tilespmem:s23+$0xCA60]  }
0x241: {  	[tilespmem:s23+$0x8600] =	vst.add.f32.msk $0xffff, v24  }
0x242: {  	[tilespmem:s23+$0x8610] =	vst.add.f32.msk $0xffff, v25  }
0x243: {  	[tilespmem:s23+$0x8620] =	vst.add.f32.msk $0xffff, v26  }
0x244: {  	[tilespmem:s23+$0x8630] =	vst.add.f32.msk $0xffff, v27  }
0x245: {  	[tilespmem:s23+$0x8640] =	vst.add.f32.msk $0xffff, v28  }
0x246: {  	[tilespmem:s23+$0x8650] =	vst.add.f32.msk $0xffff, v29  }
0x247: {  	[tilespmem:s23+$0x8660] =	vst.add.f32.msk $0xffff, v30  }
0x248: {  	[tilespmem:s23+$0x8670] =	vst.add.f32.msk $0xffff, v31  }
0x249: {  	[tilespmem:s23+$0x8A00] =	vst.add.f32.msk $0xffff, v32  }
.Ltmp1:
0x24a: {  	[tilespmem:s23+$0x8A10] =	vst.add.f32.msk $0xffff, v33;
	(pc) =	sbr.rel @p0 .LBB2_4-.Ltmp1, $4  }
0x24b: {  	[tilespmem:s23+$0x8A20] =	vst.add.f32.msk $0xffff, v34  }
0x24c: {  	[tilespmem:s23+$0x8A30] =	vst.add.f32.msk $0xffff, v35  }
0x24d: {  	s24 =	sadd.s32 $0x80, s24;
	[tilespmem:s23+$0x8A40] =	vst.add.f32.msk $0xffff, v36  }
0x24e: {  	s26 =	sand.u32 $0x3800, s25;
	s25 =	sadd.s32 $0x100, s25;
	s28 =	sand.u32 $0x380, s24;
	[tilespmem:s23+$0x8A50] =	vst.add.f32.msk $0xffff, v37  }
0x24f: {  	s24 =	sor.u32 s28, s26;
	[tilespmem:s23+$0x8A60] =	vst.add.f32.msk $0xffff, v23  }
0x250: {  	v23 =	vld [tilespmem:s24+$0xCA70]  }
0x251: {  	v24 =	vld [tilespmem:s24+$0xC600]  }
0x252: {  	v25 =	vld [tilespmem:s24+$0xC610]  }
0x253: {  	v26 =	vld [tilespmem:s24+$0xC620]  }
0x254: {  	v27 =	vld [tilespmem:s24+$0xC630]  }
0x255: {  	v28 =	vld [tilespmem:s24+$0xC650]  }
0x256: {  	v29 =	vld [tilespmem:s24+$0xC660]  }
0x257: {  	v30 =	vld [tilespmem:s24+$0xC670]  }
0x258: {  	v31 =	vld [tilespmem:s24+$0xCA00]  }
0x259: {  	v32 =	vld [tilespmem:s24+$0xCA10]  }
0x25a: {  	v33 =	vld [tilespmem:s24+$0xCA20]  }
0x25b: {  	v34 =	vld [tilespmem:s24+$0xCA30]  }
0x25c: {  	v35 =	vld [tilespmem:s24+$0xCA40]  }
0x25d: {  	v36 =	vld [tilespmem:s24+$0xCA50]  }
0x25e: {  	v37 =	vld [tilespmem:s24+$0xCA60]  }
0x25f: {  	[tilespmem:s24+$0x8A70] =	vst.add.f32.msk $0xffff, v23  }
0x260: {  	v23 =	vld [tilespmem:s24+$0xC640]  }
0x261: {  	[tilespmem:s24+$0x8600] =	vst.add.f32.msk $0xffff, v24  }
0x262: {  	[tilespmem:s24+$0x8610] =	vst.add.f32.msk $0xffff, v25  }
0x263: {  	[tilespmem:s24+$0x8620] =	vst.add.f32.msk $0xffff, v26  }
0x264: {  	[tilespmem:s24+$0x8630] =	vst.add.f32.msk $0xffff, v27  }
0x265: {  	[tilespmem:s24+$0x8650] =	vst.add.f32.msk $0xffff, v28  }
0x266: {  	[tilespmem:s24+$0x8660] =	vst.add.f32.msk $0xffff, v29  }
0x267: {  	[tilespmem:s24+$0x8670] =	vst.add.f32.msk $0xffff, v30  }
0x268: {  	[tilespmem:s24+$0x8A00] =	vst.add.f32.msk $0xffff, v31  }
0x269: {  	[tilespmem:s24+$0x8A10] =	vst.add.f32.msk $0xffff, v32  }
0x26a: {  	[tilespmem:s24+$0x8A20] =	vst.add.f32.msk $0xffff, v33  }
0x26b: {  	[tilespmem:s24+$0x8A30] =	vst.add.f32.msk $0xffff, v34  }
0x26c: {  	[tilespmem:s24+$0x8A40] =	vst.add.f32.msk $0xffff, v35  }
0x26d: {  	[tilespmem:s24+$0x8A50] =	vst.add.f32.msk $0xffff, v36  }
0x26e: {  	[tilespmem:s24+$0x8A60] =	vst.add.f32.msk $0xffff, v37  }
0x26f: {  	s23 =	simm.s32 $0x0;
	s25 =	rddreg [dreg:$0x6];
	[tilespmem:s24+$0x8640] =	vst.add.f32.msk $0xffff, v23  }
0x270: {  	[hbm4b:s25+s23] =	stream.linear.scatter [tilespmem:s0], [sflag:$0x2], $0x4000, $0x38;
	[tilespmem:$0x18600] =	vst v63  }
0x271: {  	_ =	swait.ge [sflag:s21], $0x4000  }
0x272: {  	[sflag:s21] =	ssyncset.done $0x0  }
0x273: {  	[sflag:s21] =	ssyncadd.s32 $0xFFFFC000  }
0x274: {  	v23 =	vld [tilespmem:$0x100];
	_ =	sdelay $0x4  }
0x275: {  	vm1 =	vgt.s32 v23, $0x1387  }
0x276: {  	v62 =	vnsel vm1, $0x0, v2  }
0x277: {  	v23 =	vadd.s32 v62, v23  }
0x278: {  	[tilespmem:$0x280] =	vst v23  }
0x279: {  	v23 =	vld [tilespmem:$0x280];
	_ =	sdelay $0x1  }
0x27a: {  	v32 =	vld [tilespmem:$0x120]  }
0x27b: {  	v63 =	vld [tilespmem:$0x110];
	_ =	sdelay $0x1  }
0x27c: {  	v35 =	vshll.u32 v23, $0x1  }
0x27d: {  	v34 =	vld [tilespmem:$0x130];
	v23 =	vand.u32 $0x7, v23;
	v28 =	vand.u32 $0xFFFFFFF0, v35  }
0x27e: {  	vm2 =	vgt.s32 v32, $0x1387;
	v33 =	vsel vm1, v5, v4;
	v23 =	vor.u32 v23, v28  }
0x27f: {  	vm1 =	vgt.s32 v63, $0x1387;
	v40 =	vsel vm2, v9, v8;
	[tilespmem:$0x480] =	vst v33;
	v28 =	vperm.xlane v23, v12  }
0x280: {  	v37 =	vnsel vm2, $0x0, v2;
	v36 =	vnsel vm1, $0x0, v2;
	v38 =	vsel vm1, v7, v6;
	[tilespmem:$0x4A0] =	vst v40  }
0x281: {  	v25 =	vadd.s32 v37, v32;
	[tilespmem:$0x490] =	vst v38;
	v23 =	vperm.xlane v23, v14;
	v39 =	vadd.s32 v13, v28  }
0x282: {  	vm1 =	vgt.s32 v34, $0x1387;
	v24 =	vadd.s32 v36, v63;
	[tilespmem:$0x2A0] =	vst v25  }
0x283: {  	v41 =	vnsel vm1, $0x0, v2;
	v42 =	vsel vm1, v11, v10;
	[tilespmem:$0x290] =	vst v24;
	v23 =	vadd.s32 v13, v23  }
0x284: {  	v25 =	vadd.s32 v41, v34;
	[tilespmem:$0x4B0] =	vst v42  }
0x285: {  	[tilespmem:$0x2B0] =	vst v25  }
0x286: {  	[tilespmem:s0], [sflag:$0x1] =	stream.indirect_vreg.gather [hbm4b:s3+s23], $0x80, v39, vm0, $0xb8;
	[tilespmem:$0x18600] =	vst v63  }
0x287: {  	_ = 	snop  }
0x288: {  	[tilespmem:s1], [sflag:$0x1] =	stream.indirect_vreg.gather [hbm4b:s3+s23], $0x80, v23, vm0, $0xb8;
	[tilespmem:$0x18600] =	vst v63  }
0x289: {  	v23 =	vld [tilespmem:$0x290];
	_ =	sdelay $0x4  }
0x28a: {  	v43 =	vshll.u32 v23, $0x1  }
0x28b: {  	v23 =	vand.u32 $0x7, v23;
	v24 =	vand.u32 $0xFFFFFFF0, v43  }
0x28c: {  	v23 =	vor.u32 v23, v24  }
0x28d: {  	v24 =	vperm.xlane v23, v12;
	_ =	sdelay $0x1  }
0x28e: {  	v23 =	vperm.xlane v23, v14;
	v24 =	vadd.s32 v13, v24;
	_ =	sdelay $0x1  }
0x28f: {  	v23 =	vadd.s32 v13, v23;
	_ =	sdelay $0x2  }
0x290: {  	[tilespmem:s4], [sflag:$0x1] =	stream.indirect_vreg.gather [hbm4b:s3+s23], $0x80, v24, vm0, $0xb8;
	[tilespmem:$0x18600] =	vst v63  }
0x291: {  	_ = 	snop  }
0x292: {  	[tilespmem:s5], [sflag:$0x1] =	stream.indirect_vreg.gather [hbm4b:s3+s23], $0x80, v23, vm0, $0xb8;
	[tilespmem:$0x18600] =	vst v63  }
0x293: {  	v23 =	vld [tilespmem:$0x2A0];
	_ =	sdelay $0x4  }
0x294: {  	v44 =	vshll.u32 v23, $0x1  }
0x295: {  	v23 =	vand.u32 $0x7, v23;
	v24 =	vand.u32 $0xFFFFFFF0, v44  }
0x296: {  	v23 =	vor.u32 v23, v24  }
0x297: {  	v24 =	vperm.xlane v23, v12;
	_ =	sdelay $0x1  }
0x298: {  	v23 =	vperm.xlane v23, v14;
	v24 =	vadd.s32 v13, v24;
	_ =	sdelay $0x1  }
0x299: {  	v23 =	vadd.s32 v13, v23;
	_ =	sdelay $0x2  }
0x29a: {  	[tilespmem:s6], [sflag:$0x1] =	stream.indirect_vreg.gather [hbm4b:s3+s23], $0x80, v24, vm0, $0xb8;
	[tilespmem:$0x18600] =	vst v63  }
0x29b: {  	_ = 	snop  }
0x29c: {  	[tilespmem:s7], [sflag:$0x1] =	stream.indirect_vreg.gather [hbm4b:s3+s23], $0x80, v23, vm0, $0xb8;
	[tilespmem:$0x18600] =	vst v63  }
0x29d: {  	v23 =	vld [tilespmem:$0x2B0];
	_ =	sdelay $0x4  }
0x29e: {  	v45 =	vshll.u32 v23, $0x1  }
0x29f: {  	v23 =	vand.u32 $0x7, v23;
	v24 =	vand.u32 $0xFFFFFFF0, v45  }
0x2a0: {  	v23 =	vor.u32 v23, v24  }
0x2a1: {  	v24 =	vperm.xlane v23, v12;
	_ =	sdelay $0x1  }
0x2a2: {  	v23 =	vperm.xlane v23, v14;
	v24 =	vadd.s32 v13, v24;
	_ =	sdelay $0x1  }
0x2a3: {  	v23 =	vadd.s32 v13, v23;
	_ =	sdelay $0x2  }
0x2a4: {  	[tilespmem:s8], [sflag:$0x1] =	stream.indirect_vreg.gather [hbm4b:s3+s23], $0x80, v24, vm0, $0xb8;
	[tilespmem:$0x18600] =	vst v63  }
0x2a5: {  	_ = 	snop  }
0x2a6: {  	[tilespmem:s9], [sflag:$0x1] =	stream.indirect_vreg.gather [hbm4b:s3+s23], $0x80, v23, vm0, $0xb8;
	[tilespmem:$0x18600] =	vst v63  }
0x2a7: {  	v23 =	vld [tilespmem:$0x480];
	_ =	sdelay $0x4  }
0x2a8: {  	v46 =	vshll.u32 v23, $0x1  }
0x2a9: {  	v23 =	vand.u32 $0x7, v23;
	v24 =	vand.u32 $0xFFFFFFF0, v46  }
0x2aa: {  	v23 =	vor.u32 v23, v24  }
0x2ab: {  	v24 =	vperm.xlane v23, v12;
	_ =	sdelay $0x1  }
0x2ac: {  	v23 =	vperm.xlane v23, v14;
	v24 =	vadd.s32 v13, v24;
	_ =	sdelay $0x1  }
0x2ad: {  	v23 =	vadd.s32 v13, v23;
	_ =	sdelay $0x2  }
0x2ae: {  	[tilespmem:s10], [sflag:$0x1] =	stream.indirect_vreg.gather [hbm4b:s3+s23], $0x80, v24, vm0, $0xb8;
	[tilespmem:$0x18600] =	vst v63  }
0x2af: {  	_ = 	snop  }
0x2b0: {  	[tilespmem:s11], [sflag:$0x1] =	stream.indirect_vreg.gather [hbm4b:s3+s23], $0x80, v23, vm0, $0xb8;
	[tilespmem:$0x18600] =	vst v63  }
0x2b1: {  	v23 =	vld [tilespmem:$0x490];
	_ =	sdelay $0x4  }
0x2b2: {  	v47 =	vshll.u32 v23, $0x1  }
0x2b3: {  	v23 =	vand.u32 $0x7, v23;
	v24 =	vand.u32 $0xFFFFFFF0, v47  }
0x2b4: {  	v23 =	vor.u32 v23, v24  }
0x2b5: {  	v24 =	vperm.xlane v23, v12;
	_ =	sdelay $0x1  }
0x2b6: {  	v23 =	vperm.xlane v23, v14;
	v24 =	vadd.s32 v13, v24;
	_ =	sdelay $0x1  }
0x2b7: {  	v23 =	vadd.s32 v13, v23;
	_ =	sdelay $0x2  }
0x2b8: {  	[tilespmem:s12], [sflag:$0x1] =	stream.indirect_vreg.gather [hbm4b:s3+s23], $0x80, v24, vm0, $0xb8;
	[tilespmem:$0x18600] =	vst v63  }
0x2b9: {  	_ = 	snop  }
0x2ba: {  	[tilespmem:s13], [sflag:$0x1] =	stream.indirect_vreg.gather [hbm4b:s3+s23], $0x80, v23, vm0, $0xb8;
	[tilespmem:$0x18600] =	vst v63  }
0x2bb: {  	v23 =	vld [tilespmem:$0x4A0];
	_ =	sdelay $0x4  }
0x2bc: {  	v48 =	vshll.u32 v23, $0x1  }
0x2bd: {  	v23 =	vand.u32 $0x7, v23;
	v24 =	vand.u32 $0xFFFFFFF0, v48  }
0x2be: {  	v23 =	vor.u32 v23, v24  }
0x2bf: {  	v24 =	vperm.xlane v23, v12;
	_ =	sdelay $0x1  }
0x2c0: {  	v23 =	vperm.xlane v23, v14;
	v24 =	vadd.s32 v13, v24;
	_ =	sdelay $0x1  }
0x2c1: {  	v23 =	vadd.s32 v13, v23;
	_ =	sdelay $0x2  }
0x2c2: {  	[tilespmem:s14], [sflag:$0x1] =	stream.indirect_vreg.gather [hbm4b:s3+s23], $0x80, v24, vm0, $0xb8;
	[tilespmem:$0x18600] =	vst v63  }
0x2c3: {  	_ = 	snop  }
0x2c4: {  	[tilespmem:s16], [sflag:$0x1] =	stream.indirect_vreg.gather [hbm4b:s3+s23], $0x80, v23, vm0, $0xb8;
	[tilespmem:$0x18600] =	vst v63  }
0x2c5: {  	v23 =	vld [tilespmem:$0x4B0];
	_ =	sdelay $0x4  }
0x2c6: {  	v49 =	vshll.u32 v23, $0x1  }
0x2c7: {  	v23 =	vand.u32 $0x7, v23;
	v24 =	vand.u32 $0xFFFFFFF0, v49  }
0x2c8: {  	v23 =	vor.u32 v23, v24  }
0x2c9: {  	v24 =	vperm.xlane v23, v12;
	_ =	sdelay $0x1  }
0x2ca: {  	v23 =	vperm.xlane v23, v14;
	v24 =	vadd.s32 v13, v24;
	_ =	sdelay $0x1  }
0x2cb: {  	v23 =	vadd.s32 v13, v23;
	_ =	sdelay $0x2  }
0x2cc: {  	[tilespmem:s17], [sflag:$0x1] =	stream.indirect_vreg.gather [hbm4b:s3+s23], $0x80, v24, vm0, $0xb8;
	[tilespmem:$0x18600] =	vst v63  }
0x2cd: {  	_ = 	snop  }
0x2ce: {  	[tilespmem:s18], [sflag:$0x1] =	stream.indirect_vreg.gather [hbm4b:s3+s23], $0x80, v23, vm0, $0xb8;
	[tilespmem:$0x18600] =	vst v63  }
0x2cf: {  	_ =	swait.ge [sflag:s20], $0x4000  }
0x2d0: {  	[sflag:s20] =	ssyncset.done $0x0  }
0x2d1: {  	[sflag:s20] =	ssyncadd.s32 $0xFFFFC000  }
0x2d2: {  	_ =	swait.ge [sflag:s20], $0x4000  }
0x2d3: {  	s26 =	sand.u32 $0x3800, s23;
	s23 =	sand.u32 $0x380, s23;
	[sflag:s20] =	ssyncset.done $0x0  }
0x2d4: {  	s23 =	sor.u32 s23, s26;
	[sflag:s20] =	ssyncadd.s32 $0xFFFFC000  }
0x2d5: {  	v23 =	vld [tilespmem:s23+$0x14A70]  }
0x2d6: {  	v50 =	vld [tilespmem:s23+$0x14600]  }
0x2d7: {  	v51 =	vld [tilespmem:s23+$0x14610]  }
0x2d8: {  	v52 =	vld [tilespmem:s23+$0x14620]  }
0x2d9: {  	v53 =	vld [tilespmem:s23+$0x14630]  }
0x2da: {  	v54 =	vld [tilespmem:s23+$0x14640]  }
0x2db: {  	v55 =	vld [tilespmem:s23+$0x14650]  }
0x2dc: {  	v56 =	vld [tilespmem:s23+$0x14660]  }
0x2dd: {  	v57 =	vld [tilespmem:s23+$0x14670]  }
0x2de: {  	v58 =	vld [tilespmem:s23+$0x14A00]  }
0x2df: {  	v59 =	vld [tilespmem:s23+$0x14A10]  }
0x2e0: {  	v60 =	vld [tilespmem:s23+$0x14A20]  }
0x2e1: {  	v61 =	vld [tilespmem:s23+$0x14A30]  }
0x2e2: {  	v62 =	vld [tilespmem:s23+$0x14A40]  }
0x2e3: {  	v63 =	vld [tilespmem:s23+$0x14A50]  }
0x2e4: {  	[tilespmem:s23+$0x10A70] =	vst.add.f32.msk $0xffff, v23  }
0x2e5: {  	v23 =	vld [tilespmem:s23+$0x14A60]  }
0x2e6: {  	[tilespmem:s23+$0x10600] =	vst.add.f32.msk $0xffff, v50  }
0x2e7: {  	[tilespmem:s23+$0x10610] =	vst.add.f32.msk $0xffff, v51  }
0x2e8: {  	[tilespmem:s23+$0x10620] =	vst.add.f32.msk $0xffff, v52  }
0x2e9: {  	[tilespmem:s23+$0x10630] =	vst.add.f32.msk $0xffff, v53  }
0x2ea: {  	[tilespmem:s23+$0x10640] =	vst.add.f32.msk $0xffff, v54  }
0x2eb: {  	[tilespmem:s23+$0x10650] =	vst.add.f32.msk $0xffff, v55  }
0x2ec: {  	[tilespmem:s23+$0x10660] =	vst.add.f32.msk $0xffff, v56  }
0x2ed: {  	[tilespmem:s23+$0x10670] =	vst.add.f32.msk $0xffff, v57  }
0x2ee: {  	[tilespmem:s23+$0x10A00] =	vst.add.f32.msk $0xffff, v58  }
0x2ef: {  	[tilespmem:s23+$0x10A10] =	vst.add.f32.msk $0xffff, v59  }
0x2f0: {  	[tilespmem:s23+$0x10A20] =	vst.add.f32.msk $0xffff, v60  }
0x2f1: {  	[tilespmem:s23+$0x10A30] =	vst.add.f32.msk $0xffff, v61  }
0x2f2: {  	s24 =	simm.s32 $0x80;
	s25 =	simm.s32 $0x100;
	[tilespmem:s23+$0x10A40] =	vst.add.f32.msk $0xffff, v62  }
0x2f3: {  	s28 =	sand.u32 $0x380, s24;
	s26 =	sand.u32 $0x3800, s25;
	s25 =	simm.s32 $0x200;
	[tilespmem:s23+$0x10A50] =	vst.add.f32.msk $0xffff, v63  }
.LBB2_6:
0x2f4: {  	p0 =	sne.s32 s25, $0x3F00;
	[tilespmem:s23+$0x10A60] =	vst.add.f32.msk $0xffff, v23;
	s23 =	sor.u32 s28, s26  }
0x2f5: {  	v23 =	vld [tilespmem:s23+$0x14A70]  }
0x2f6: {  	v24 =	vld [tilespmem:s23+$0x14600]  }
0x2f7: {  	v25 =	vld [tilespmem:s23+$0x14610]  }
0x2f8: {  	v26 =	vld [tilespmem:s23+$0x14620]  }
0x2f9: {  	v27 =	vld [tilespmem:s23+$0x14630]  }
0x2fa: {  	[tilespmem:s23+$0x10A70] =	vst.add.f32.msk $0xffff, v23  }
0x2fb: {  	v28 =	vld [tilespmem:s23+$0x14640]  }
0x2fc: {  	v29 =	vld [tilespmem:s23+$0x14650]  }
0x2fd: {  	v30 =	vld [tilespmem:s23+$0x14660]  }
0x2fe: {  	v31 =	vld [tilespmem:s23+$0x14670]  }
0x2ff: {  	v32 =	vld [tilespmem:s23+$0x14A00]  }
0x300: {  	v33 =	vld [tilespmem:s23+$0x14A10]  }
0x301: {  	v34 =	vld [tilespmem:s23+$0x14A20]  }
0x302: {  	v35 =	vld [tilespmem:s23+$0x14A30]  }
0x303: {  	v36 =	vld [tilespmem:s23+$0x14A40]  }
0x304: {  	v37 =	vld [tilespmem:s23+$0x14A50]  }
0x305: {  	v23 =	vld [tilespmem:s23+$0x14A60]  }
0x306: {  	[tilespmem:s23+$0x10600] =	vst.add.f32.msk $0xffff, v24  }
0x307: {  	[tilespmem:s23+$0x10610] =	vst.add.f32.msk $0xffff, v25  }
0x308: {  	[tilespmem:s23+$0x10620] =	vst.add.f32.msk $0xffff, v26  }
0x309: {  	[tilespmem:s23+$0x10630] =	vst.add.f32.msk $0xffff, v27  }
0x30a: {  	[tilespmem:s23+$0x10640] =	vst.add.f32.msk $0xffff, v28  }
0x30b: {  	[tilespmem:s23+$0x10650] =	vst.add.f32.msk $0xffff, v29  }
0x30c: {  	[tilespmem:s23+$0x10660] =	vst.add.f32.msk $0xffff, v30  }
0x30d: {  	[tilespmem:s23+$0x10670] =	vst.add.f32.msk $0xffff, v31  }
0x30e: {  	[tilespmem:s23+$0x10A00] =	vst.add.f32.msk $0xffff, v32  }
.Ltmp2:
0x30f: {  	[tilespmem:s23+$0x10A10] =	vst.add.f32.msk $0xffff, v33;
	(pc) =	sbr.rel @p0 .LBB2_6-.Ltmp2, $4  }
0x310: {  	[tilespmem:s23+$0x10A20] =	vst.add.f32.msk $0xffff, v34  }
0x311: {  	[tilespmem:s23+$0x10A30] =	vst.add.f32.msk $0xffff, v35  }
0x312: {  	s24 =	sadd.s32 $0x80, s24;
	[tilespmem:s23+$0x10A40] =	vst.add.f32.msk $0xffff, v36  }
0x313: {  	s26 =	sand.u32 $0x3800, s25;
	s25 =	sadd.s32 $0x100, s25;
	s28 =	sand.u32 $0x380, s24;
	[tilespmem:s23+$0x10A50] =	vst.add.f32.msk $0xffff, v37  }
0x314: {  	s24 =	sor.u32 s28, s26;
	[tilespmem:s23+$0x10A60] =	vst.add.f32.msk $0xffff, v23  }
0x315: {  	v23 =	vld [tilespmem:s24+$0x14A70]  }
0x316: {  	v24 =	vld [tilespmem:s24+$0x14600]  }
0x317: {  	v25 =	vld [tilespmem:s24+$0x14610]  }
0x318: {  	v26 =	vld [tilespmem:s24+$0x14620]  }
0x319: {  	v27 =	vld [tilespmem:s24+$0x14630]  }
0x31a: {  	v28 =	vld [tilespmem:s24+$0x14650]  }
0x31b: {  	v29 =	vld [tilespmem:s24+$0x14660]  }
0x31c: {  	v30 =	vld [tilespmem:s24+$0x14670]  }
0x31d: {  	v31 =	vld [tilespmem:s24+$0x14A00]  }
0x31e: {  	v32 =	vld [tilespmem:s24+$0x14A10]  }
0x31f: {  	v33 =	vld [tilespmem:s24+$0x14A20]  }
0x320: {  	v34 =	vld [tilespmem:s24+$0x14A30]  }
0x321: {  	v35 =	vld [tilespmem:s24+$0x14A40]  }
0x322: {  	v36 =	vld [tilespmem:s24+$0x14A50]  }
0x323: {  	v37 =	vld [tilespmem:s24+$0x14A60]  }
0x324: {  	[tilespmem:s24+$0x10A70] =	vst.add.f32.msk $0xffff, v23  }
0x325: {  	v23 =	vld [tilespmem:s24+$0x14640]  }
0x326: {  	[tilespmem:s24+$0x10600] =	vst.add.f32.msk $0xffff, v24  }
0x327: {  	[tilespmem:s24+$0x10610] =	vst.add.f32.msk $0xffff, v25  }
0x328: {  	[tilespmem:s24+$0x10620] =	vst.add.f32.msk $0xffff, v26  }
0x329: {  	[tilespmem:s24+$0x10630] =	vst.add.f32.msk $0xffff, v27  }
0x32a: {  	[tilespmem:s24+$0x10650] =	vst.add.f32.msk $0xffff, v28  }
0x32b: {  	[tilespmem:s24+$0x10660] =	vst.add.f32.msk $0xffff, v29  }
0x32c: {  	[tilespmem:s24+$0x10670] =	vst.add.f32.msk $0xffff, v30  }
0x32d: {  	[tilespmem:s24+$0x10A00] =	vst.add.f32.msk $0xffff, v31  }
0x32e: {  	[tilespmem:s24+$0x10A10] =	vst.add.f32.msk $0xffff, v32  }
0x32f: {  	[tilespmem:s24+$0x10A20] =	vst.add.f32.msk $0xffff, v33  }
0x330: {  	[tilespmem:s24+$0x10A30] =	vst.add.f32.msk $0xffff, v34  }
0x331: {  	[tilespmem:s24+$0x10A40] =	vst.add.f32.msk $0xffff, v35  }
0x332: {  	[tilespmem:s24+$0x10A50] =	vst.add.f32.msk $0xffff, v36  }
0x333: {  	[tilespmem:s24+$0x10A60] =	vst.add.f32.msk $0xffff, v37  }
0x334: {  	s23 =	simm.s32 $0x0;
	s26 =	rddreg [dreg:$0x7];
	[tilespmem:s24+$0x10640] =	vst.add.f32.msk $0xffff, v23  }
0x335: {  	[hbm4b:s26+s23] =	stream.linear.scatter [tilespmem:s19], [sflag:$0x2], $0x4000, $0x38;
	[tilespmem:$0x18600] =	vst v63  }
0x336: {  	_ =	swait.ge [sflag:s21], $0x4000  }
0x337: {  	[sflag:s21] =	ssyncset.done $0x0  }
0x338: {  	[sflag:s21] =	ssyncadd.s32 $0xFFFFC000  }
0x339: {  	v23 =	vld [tilespmem:$0x140];
	_ =	sdelay $0x4  }
0x33a: {  	vm1 =	vgt.s32 v23, $0x1387  }
0x33b: {  	v62 =	vnsel vm1, $0x0, v2  }
0x33c: {  	v23 =	vadd.s32 v62, v23  }
0x33d: {  	[tilespmem:$0x300] =	vst v23  }
0x33e: {  	v23 =	vld [tilespmem:$0x300];
	_ =	sdelay $0x1  }
0x33f: {  	v32 =	vld [tilespmem:$0x160]  }
0x340: {  	v63 =	vld [tilespmem:$0x150];
	_ =	sdelay $0x1  }
0x341: {  	v35 =	vshll.u32 v23, $0x1  }
0x342: {  	v34 =	vld [tilespmem:$0x170];
	v23 =	vand.u32 $0x7, v23;
	v28 =	vand.u32 $0xFFFFFFF0, v35  }
0x343: {  	vm2 =	vgt.s32 v32, $0x1387;
	v33 =	vsel vm1, v16, v15;
	v23 =	vor.u32 v23, v28  }
0x344: {  	vm1 =	vgt.s32 v63, $0x1387;
	v40 =	vsel vm2, v20, v19;
	[tilespmem:$0x500] =	vst v33;
	v28 =	vperm.xlane v23, v12  }
0x345: {  	v37 =	vnsel vm2, $0x0, v2;
	v36 =	vnsel vm1, $0x0, v2;
	v38 =	vsel vm1, v18, v17;
	[tilespmem:$0x520] =	vst v40  }
0x346: {  	v25 =	vadd.s32 v37, v32;
	[tilespmem:$0x510] =	vst v38;
	v23 =	vperm.xlane v23, v14;
	v39 =	vadd.s32 v13, v28  }
0x347: {  	vm1 =	vgt.s32 v34, $0x1387;
	v24 =	vadd.s32 v36, v63;
	[tilespmem:$0x320] =	vst v25  }
0x348: {  	v41 =	vnsel vm1, $0x0, v2;
	v42 =	vsel vm1, v22, v21;
	[tilespmem:$0x310] =	vst v24;
	v23 =	vadd.s32 v13, v23  }
0x349: {  	v25 =	vadd.s32 v41, v34;
	[tilespmem:$0x530] =	vst v42  }
0x34a: {  	[tilespmem:$0x330] =	vst v25  }
0x34b: {  	[tilespmem:s19], [sflag:$0x1] =	stream.indirect_vreg.gather [hbm4b:s3+s23], $0x80, v39, vm0, $0xb8;
	[tilespmem:$0x18600] =	vst v63  }
0x34c: {  	s25 =	simm.s32 $0x10E00  }
0x34d: {  	[tilespmem:s25], [sflag:$0x1] =	stream.indirect_vreg.gather [hbm4b:s3+s23], $0x80, v23, vm0, $0xb8;
	[tilespmem:$0x18600] =	vst v63  }
0x34e: {  	v23 =	vld [tilespmem:$0x310];
	_ =	sdelay $0x4  }
0x34f: {  	v43 =	vshll.u32 v23, $0x1  }
0x350: {  	v23 =	vand.u32 $0x7, v23;
	v24 =	vand.u32 $0xFFFFFFF0, v43  }
0x351: {  	v23 =	vor.u32 v23, v24  }
0x352: {  	v24 =	vperm.xlane v23, v12;
	_ =	sdelay $0x1  }
0x353: {  	v23 =	vperm.xlane v23, v14;
	v24 =	vadd.s32 v13, v24;
	_ =	sdelay $0x1  }
0x354: {  	v23 =	vadd.s32 v13, v23;
	_ =	sdelay $0x1  }
0x355: {  	s26 =	simm.s32 $0x11600  }
0x356: {  	[tilespmem:s26], [sflag:$0x1] =	stream.indirect_vreg.gather [hbm4b:s3+s23], $0x80, v24, vm0, $0xb8;
	[tilespmem:$0x18600] =	vst v63  }
0x357: {  	s25 =	simm.s32 $0x11E00  }
0x358: {  	[tilespmem:s25], [sflag:$0x1] =	stream.indirect_vreg.gather [hbm4b:s3+s23], $0x80, v23, vm0, $0xb8;
	[tilespmem:$0x18600] =	vst v63  }
0x359: {  	v23 =	vld [tilespmem:$0x320];
	_ =	sdelay $0x4  }
0x35a: {  	v44 =	vshll.u32 v23, $0x1  }
0x35b: {  	v23 =	vand.u32 $0x7, v23;
	v24 =	vand.u32 $0xFFFFFFF0, v44  }
0x35c: {  	v23 =	vor.u32 v23, v24  }
0x35d: {  	v24 =	vperm.xlane v23, v12;
	_ =	sdelay $0x1  }
0x35e: {  	v23 =	vperm.xlane v23, v14;
	v24 =	vadd.s32 v13, v24;
	_ =	sdelay $0x1  }
0x35f: {  	v23 =	vadd.s32 v13, v23;
	_ =	sdelay $0x1  }
0x360: {  	s26 =	simm.s32 $0x12600  }
0x361: {  	[tilespmem:s26], [sflag:$0x1] =	stream.indirect_vreg.gather [hbm4b:s3+s23], $0x80, v24, vm0, $0xb8;
	[tilespmem:$0x18600] =	vst v63  }
0x362: {  	s25 =	simm.s32 $0x12E00  }
0x363: {  	[tilespmem:s25], [sflag:$0x1] =	stream.indirect_vreg.gather [hbm4b:s3+s23], $0x80, v23, vm0, $0xb8;
	[tilespmem:$0x18600] =	vst v63  }
0x364: {  	v23 =	vld [tilespmem:$0x330];
	_ =	sdelay $0x4  }
0x365: {  	v45 =	vshll.u32 v23, $0x1  }
0x366: {  	v23 =	vand.u32 $0x7, v23;
	v24 =	vand.u32 $0xFFFFFFF0, v45  }
0x367: {  	v23 =	vor.u32 v23, v24  }
0x368: {  	v24 =	vperm.xlane v23, v12;
	_ =	sdelay $0x1  }
0x369: {  	v23 =	vperm.xlane v23, v14;
	v24 =	vadd.s32 v13, v24;
	_ =	sdelay $0x1  }
0x36a: {  	v23 =	vadd.s32 v13, v23;
	_ =	sdelay $0x1  }
0x36b: {  	s26 =	simm.s32 $0x13600  }
0x36c: {  	[tilespmem:s26], [sflag:$0x1] =	stream.indirect_vreg.gather [hbm4b:s3+s23], $0x80, v24, vm0, $0xb8;
	[tilespmem:$0x18600] =	vst v63  }
0x36d: {  	s25 =	simm.s32 $0x13E00  }
0x36e: {  	[tilespmem:s25], [sflag:$0x1] =	stream.indirect_vreg.gather [hbm4b:s3+s23], $0x80, v23, vm0, $0xb8;
	[tilespmem:$0x18600] =	vst v63  }
0x36f: {  	v23 =	vld [tilespmem:$0x500];
	_ =	sdelay $0x4  }
0x370: {  	v46 =	vshll.u32 v23, $0x1  }
0x371: {  	v23 =	vand.u32 $0x7, v23;
	v24 =	vand.u32 $0xFFFFFFF0, v46  }
0x372: {  	v23 =	vor.u32 v23, v24  }
0x373: {  	v24 =	vperm.xlane v23, v12;
	_ =	sdelay $0x1  }
0x374: {  	v23 =	vperm.xlane v23, v14;
	v24 =	vadd.s32 v13, v24;
	_ =	sdelay $0x1  }
0x375: {  	v23 =	vadd.s32 v13, v23;
	_ =	sdelay $0x1  }
0x376: {  	s26 =	simm.s32 $0x14600  }
0x377: {  	[tilespmem:s26], [sflag:$0x1] =	stream.indirect_vreg.gather [hbm4b:s3+s23], $0x80, v24, vm0, $0xb8;
	[tilespmem:$0x18600] =	vst v63  }
0x378: {  	s25 =	simm.s32 $0x14E00  }
0x379: {  	[tilespmem:s25], [sflag:$0x1] =	stream.indirect_vreg.gather [hbm4b:s3+s23], $0x80, v23, vm0, $0xb8;
	[tilespmem:$0x18600] =	vst v63  }
0x37a: {  	v23 =	vld [tilespmem:$0x510];
	_ =	sdelay $0x4  }
0x37b: {  	v47 =	vshll.u32 v23, $0x1  }
0x37c: {  	v23 =	vand.u32 $0x7, v23;
	v24 =	vand.u32 $0xFFFFFFF0, v47  }
0x37d: {  	v23 =	vor.u32 v23, v24  }
0x37e: {  	v24 =	vperm.xlane v23, v12;
	_ =	sdelay $0x1  }
0x37f: {  	v23 =	vperm.xlane v23, v14;
	v24 =	vadd.s32 v13, v24;
	_ =	sdelay $0x1  }
0x380: {  	v23 =	vadd.s32 v13, v23;
	_ =	sdelay $0x1  }
0x381: {  	s26 =	simm.s32 $0x15600  }
0x382: {  	[tilespmem:s26], [sflag:$0x1] =	stream.indirect_vreg.gather [hbm4b:s3+s23], $0x80, v24, vm0, $0xb8;
	[tilespmem:$0x18600] =	vst v63  }
0x383: {  	s25 =	simm.s32 $0x15E00  }
0x384: {  	[tilespmem:s25], [sflag:$0x1] =	stream.indirect_vreg.gather [hbm4b:s3+s23], $0x80, v23, vm0, $0xb8;
	[tilespmem:$0x18600] =	vst v63  }
0x385: {  	v23 =	vld [tilespmem:$0x520];
	_ =	sdelay $0x4  }
0x386: {  	v48 =	vshll.u32 v23, $0x1  }
0x387: {  	v23 =	vand.u32 $0x7, v23;
	v24 =	vand.u32 $0xFFFFFFF0, v48  }
0x388: {  	v23 =	vor.u32 v23, v24  }
0x389: {  	v24 =	vperm.xlane v23, v12;
	_ =	sdelay $0x1  }
0x38a: {  	v23 =	vperm.xlane v23, v14;
	v24 =	vadd.s32 v13, v24;
	_ =	sdelay $0x1  }
0x38b: {  	v23 =	vadd.s32 v13, v23;
	_ =	sdelay $0x1  }
0x38c: {  	s26 =	simm.s32 $0x16600  }
0x38d: {  	[tilespmem:s26], [sflag:$0x1] =	stream.indirect_vreg.gather [hbm4b:s3+s23], $0x80, v24, vm0, $0xb8;
	[tilespmem:$0x18600] =	vst v63  }
0x38e: {  	s25 =	simm.s32 $0x16E00  }
0x38f: {  	[tilespmem:s25], [sflag:$0x1] =	stream.indirect_vreg.gather [hbm4b:s3+s23], $0x80, v23, vm0, $0xb8;
	[tilespmem:$0x18600] =	vst v63  }
0x390: {  	v23 =	vld [tilespmem:$0x530];
	_ =	sdelay $0x4  }
0x391: {  	v49 =	vshll.u32 v23, $0x1  }
0x392: {  	v23 =	vand.u32 $0x7, v23;
	v24 =	vand.u32 $0xFFFFFFF0, v49  }
0x393: {  	v23 =	vor.u32 v23, v24  }
0x394: {  	v24 =	vperm.xlane v23, v12;
	_ =	sdelay $0x1  }
0x395: {  	v23 =	vperm.xlane v23, v14;
	v24 =	vadd.s32 v13, v24;
	_ =	sdelay $0x1  }
0x396: {  	v23 =	vadd.s32 v13, v23;
	_ =	sdelay $0x1  }
0x397: {  	s26 =	simm.s32 $0x17600  }
0x398: {  	[tilespmem:s26], [sflag:$0x1] =	stream.indirect_vreg.gather [hbm4b:s3+s23], $0x80, v24, vm0, $0xb8;
	[tilespmem:$0x18600] =	vst v63  }
0x399: {  	s25 =	simm.s32 $0x17E00  }
0x39a: {  	[tilespmem:s25], [sflag:$0x1] =	stream.indirect_vreg.gather [hbm4b:s3+s23], $0x80, v23, vm0, $0xb8;
	[tilespmem:$0x18600] =	vst v63  }
0x39b: {  	_ =	swait.ge [sflag:s20], $0x4000  }
0x39c: {  	[sflag:s20] =	ssyncset.done $0x0  }
0x39d: {  	[sflag:s20] =	ssyncadd.s32 $0xFFFFC000  }
0x39e: {  	_ =	swait.ge [sflag:s20], $0x4000  }
0x39f: {  	s26 =	sand.u32 $0x3800, s23;
	s23 =	sand.u32 $0x380, s23;
	[sflag:s20] =	ssyncset.done $0x0  }
0x3a0: {  	s23 =	sor.u32 s23, s26;
	[sflag:s20] =	ssyncadd.s32 $0xFFFFC000  }
0x3a1: {  	v23 =	vld [tilespmem:s23+$0x4A70]  }
0x3a2: {  	v50 =	vld [tilespmem:s23+$0x4600]  }
0x3a3: {  	v51 =	vld [tilespmem:s23+$0x4610]  }
0x3a4: {  	v52 =	vld [tilespmem:s23+$0x4620]  }
0x3a5: {  	v53 =	vld [tilespmem:s23+$0x4630]  }
0x3a6: {  	v54 =	vld [tilespmem:s23+$0x4640]  }
0x3a7: {  	v55 =	vld [tilespmem:s23+$0x4650]  }
0x3a8: {  	v56 =	vld [tilespmem:s23+$0x4660]  }
0x3a9: {  	v57 =	vld [tilespmem:s23+$0x4670]  }
0x3aa: {  	v58 =	vld [tilespmem:s23+$0x4A00]  }
0x3ab: {  	v59 =	vld [tilespmem:s23+$0x4A10]  }
0x3ac: {  	v60 =	vld [tilespmem:s23+$0x4A20]  }
0x3ad: {  	v61 =	vld [tilespmem:s23+$0x4A30]  }
0x3ae: {  	v62 =	vld [tilespmem:s23+$0x4A40]  }
0x3af: {  	v63 =	vld [tilespmem:s23+$0x4A50]  }
0x3b0: {  	[tilespmem:s23+$0xA70] =	vst.add.f32.msk $0xffff, v23  }
0x3b1: {  	v23 =	vld [tilespmem:s23+$0x4A60]  }
0x3b2: {  	[tilespmem:s23+$0x600] =	vst.add.f32.msk $0xffff, v50  }
0x3b3: {  	[tilespmem:s23+$0x610] =	vst.add.f32.msk $0xffff, v51  }
0x3b4: {  	[tilespmem:s23+$0x620] =	vst.add.f32.msk $0xffff, v52  }
0x3b5: {  	[tilespmem:s23+$0x630] =	vst.add.f32.msk $0xffff, v53  }
0x3b6: {  	[tilespmem:s23+$0x640] =	vst.add.f32.msk $0xffff, v54  }
0x3b7: {  	[tilespmem:s23+$0x650] =	vst.add.f32.msk $0xffff, v55  }
0x3b8: {  	[tilespmem:s23+$0x660] =	vst.add.f32.msk $0xffff, v56  }
0x3b9: {  	[tilespmem:s23+$0x670] =	vst.add.f32.msk $0xffff, v57  }
0x3ba: {  	[tilespmem:s23+$0xA00] =	vst.add.f32.msk $0xffff, v58  }
0x3bb: {  	[tilespmem:s23+$0xA10] =	vst.add.f32.msk $0xffff, v59  }
0x3bc: {  	[tilespmem:s23+$0xA20] =	vst.add.f32.msk $0xffff, v60  }
0x3bd: {  	[tilespmem:s23+$0xA30] =	vst.add.f32.msk $0xffff, v61  }
0x3be: {  	s24 =	simm.s32 $0x80;
	s25 =	simm.s32 $0x100;
	[tilespmem:s23+$0xA40] =	vst.add.f32.msk $0xffff, v62  }
0x3bf: {  	s28 =	sand.u32 $0x380, s24;
	s26 =	sand.u32 $0x3800, s25;
	s25 =	simm.s32 $0x200;
	[tilespmem:s23+$0xA50] =	vst.add.f32.msk $0xffff, v63  }
.LBB2_8:
0x3c0: {  	p0 =	sne.s32 s25, $0x3F00;
	[tilespmem:s23+$0xA60] =	vst.add.f32.msk $0xffff, v23;
	s23 =	sor.u32 s28, s26  }
0x3c1: {  	v23 =	vld [tilespmem:s23+$0x4A70]  }
0x3c2: {  	v24 =	vld [tilespmem:s23+$0x4600]  }
0x3c3: {  	v25 =	vld [tilespmem:s23+$0x4610]  }
0x3c4: {  	v26 =	vld [tilespmem:s23+$0x4620]  }
0x3c5: {  	v27 =	vld [tilespmem:s23+$0x4630]  }
0x3c6: {  	[tilespmem:s23+$0xA70] =	vst.add.f32.msk $0xffff, v23  }
0x3c7: {  	v28 =	vld [tilespmem:s23+$0x4640]  }
0x3c8: {  	v29 =	vld [tilespmem:s23+$0x4650]  }
0x3c9: {  	v30 =	vld [tilespmem:s23+$0x4660]  }
0x3ca: {  	v31 =	vld [tilespmem:s23+$0x4670]  }
0x3cb: {  	v32 =	vld [tilespmem:s23+$0x4A00]  }
0x3cc: {  	v33 =	vld [tilespmem:s23+$0x4A10]  }
0x3cd: {  	v34 =	vld [tilespmem:s23+$0x4A20]  }
0x3ce: {  	v35 =	vld [tilespmem:s23+$0x4A30]  }
0x3cf: {  	v36 =	vld [tilespmem:s23+$0x4A40]  }
0x3d0: {  	v37 =	vld [tilespmem:s23+$0x4A50]  }
0x3d1: {  	v23 =	vld [tilespmem:s23+$0x4A60]  }
0x3d2: {  	[tilespmem:s23+$0x600] =	vst.add.f32.msk $0xffff, v24  }
0x3d3: {  	[tilespmem:s23+$0x610] =	vst.add.f32.msk $0xffff, v25  }
0x3d4: {  	[tilespmem:s23+$0x620] =	vst.add.f32.msk $0xffff, v26  }
0x3d5: {  	[tilespmem:s23+$0x630] =	vst.add.f32.msk $0xffff, v27  }
0x3d6: {  	[tilespmem:s23+$0x640] =	vst.add.f32.msk $0xffff, v28  }
0x3d7: {  	[tilespmem:s23+$0x650] =	vst.add.f32.msk $0xffff, v29  }
0x3d8: {  	[tilespmem:s23+$0x660] =	vst.add.f32.msk $0xffff, v30  }
0x3d9: {  	[tilespmem:s23+$0x670] =	vst.add.f32.msk $0xffff, v31  }
0x3da: {  	[tilespmem:s23+$0xA00] =	vst.add.f32.msk $0xffff, v32  }
.Ltmp3:
0x3db: {  	[tilespmem:s23+$0xA10] =	vst.add.f32.msk $0xffff, v33;
	(pc) =	sbr.rel @p0 .LBB2_8-.Ltmp3, $4  }
0x3dc: {  	[tilespmem:s23+$0xA20] =	vst.add.f32.msk $0xffff, v34  }
0x3dd: {  	[tilespmem:s23+$0xA30] =	vst.add.f32.msk $0xffff, v35  }
0x3de: {  	s24 =	sadd.s32 $0x80, s24;
	[tilespmem:s23+$0xA40] =	vst.add.f32.msk $0xffff, v36  }
0x3df: {  	s26 =	sand.u32 $0x3800, s25;
	s25 =	sadd.s32 $0x100, s25;
	s28 =	sand.u32 $0x380, s24;
	[tilespmem:s23+$0xA50] =	vst.add.f32.msk $0xffff, v37  }
0x3e0: {  	s24 =	sor.u32 s28, s26;
	[tilespmem:s23+$0xA60] =	vst.add.f32.msk $0xffff, v23  }
0x3e1: {  	v23 =	vld [tilespmem:s24+$0x4A70]  }
0x3e2: {  	v24 =	vld [tilespmem:s24+$0x4600]  }
0x3e3: {  	v25 =	vld [tilespmem:s24+$0x4610]  }
0x3e4: {  	v26 =	vld [tilespmem:s24+$0x4620]  }
0x3e5: {  	v27 =	vld [tilespmem:s24+$0x4630]  }
0x3e6: {  	v28 =	vld [tilespmem:s24+$0x4650]  }
0x3e7: {  	v29 =	vld [tilespmem:s24+$0x4660]  }
0x3e8: {  	v30 =	vld [tilespmem:s24+$0x4670]  }
0x3e9: {  	v31 =	vld [tilespmem:s24+$0x4A00]  }
0x3ea: {  	v32 =	vld [tilespmem:s24+$0x4A10]  }
0x3eb: {  	v33 =	vld [tilespmem:s24+$0x4A20]  }
0x3ec: {  	v34 =	vld [tilespmem:s24+$0x4A30]  }
0x3ed: {  	v35 =	vld [tilespmem:s24+$0x4A40]  }
0x3ee: {  	v36 =	vld [tilespmem:s24+$0x4A50]  }
0x3ef: {  	v37 =	vld [tilespmem:s24+$0x4A60]  }
0x3f0: {  	[tilespmem:s24+$0xA70] =	vst.add.f32.msk $0xffff, v23  }
0x3f1: {  	v23 =	vld [tilespmem:s24+$0x4640]  }
0x3f2: {  	[tilespmem:s24+$0x600] =	vst.add.f32.msk $0xffff, v24  }
0x3f3: {  	[tilespmem:s24+$0x610] =	vst.add.f32.msk $0xffff, v25  }
0x3f4: {  	[tilespmem:s24+$0x620] =	vst.add.f32.msk $0xffff, v26  }
0x3f5: {  	[tilespmem:s24+$0x630] =	vst.add.f32.msk $0xffff, v27  }
0x3f6: {  	[tilespmem:s24+$0x650] =	vst.add.f32.msk $0xffff, v28  }
0x3f7: {  	[tilespmem:s24+$0x660] =	vst.add.f32.msk $0xffff, v29  }
0x3f8: {  	[tilespmem:s24+$0x670] =	vst.add.f32.msk $0xffff, v30  }
0x3f9: {  	[tilespmem:s24+$0xA00] =	vst.add.f32.msk $0xffff, v31  }
0x3fa: {  	[tilespmem:s24+$0xA10] =	vst.add.f32.msk $0xffff, v32  }
0x3fb: {  	[tilespmem:s24+$0xA20] =	vst.add.f32.msk $0xffff, v33  }
0x3fc: {  	[tilespmem:s24+$0xA30] =	vst.add.f32.msk $0xffff, v34  }
0x3fd: {  	[tilespmem:s24+$0xA40] =	vst.add.f32.msk $0xffff, v35  }
0x3fe: {  	[tilespmem:s24+$0xA50] =	vst.add.f32.msk $0xffff, v36  }
0x3ff: {  	[tilespmem:s24+$0xA60] =	vst.add.f32.msk $0xffff, v37  }
0x400: {  	s23 =	simm.s32 $0x0;
	s25 =	rddreg [dreg:$0x8];
	[tilespmem:s24+$0x640] =	vst.add.f32.msk $0xffff, v23  }
0x401: {  	[hbm4b:s25+s23] =	stream.linear.scatter [tilespmem:s15], [sflag:$0x2], $0x4000, $0x38;
	[tilespmem:$0x18600] =	vst v63  }
0x402: {  	_ =	swait.ge [sflag:s21], $0x4000  }
0x403: {  	[sflag:s21] =	ssyncset.done $0x0  }
0x404: {  	[sflag:s21] =	ssyncadd.s32 $0xFFFFC000  }
0x405: {  	v23 =	vld [tilespmem:$0x180];
	_ =	sdelay $0x4  }
0x406: {  	vm1 =	vgt.s32 v23, $0x1387  }
0x407: {  	v62 =	vnsel vm1, $0x0, v3  }
0x408: {  	v23 =	vadd.s32 v62, v23  }
0x409: {  	[tilespmem:$0x200] =	vst v23  }
0x40a: {  	v23 =	vld [tilespmem:$0x200];
	_ =	sdelay $0x1  }
0x40b: {  	v32 =	vld [tilespmem:$0x1A0]  }
0x40c: {  	v63 =	vld [tilespmem:$0x190];
	_ =	sdelay $0x1  }
0x40d: {  	v35 =	vshll.u32 v23, $0x1  }
0x40e: {  	v34 =	vld [tilespmem:$0x1B0];
	v23 =	vand.u32 $0x7, v23;
	v28 =	vand.u32 $0xFFFFFFF0, v35  }
0x40f: {  	vm2 =	vgt.s32 v32, $0x1387;
	v33 =	vsel vm1, v5, v4;
	v23 =	vor.u32 v23, v28  }
0x410: {  	vm1 =	vgt.s32 v63, $0x1387;
	v40 =	vsel vm2, v9, v8;
	[tilespmem:$0x400] =	vst v33;
	v28 =	vperm.xlane v23, v12  }
0x411: {  	v37 =	vnsel vm2, $0x0, v3;
	v36 =	vnsel vm1, $0x0, v3;
	v38 =	vsel vm1, v7, v6;
	[tilespmem:$0x420] =	vst v40  }
0x412: {  	v25 =	vadd.s32 v37, v32;
	[tilespmem:$0x410] =	vst v38;
	v23 =	vperm.xlane v23, v14;
	v39 =	vadd.s32 v13, v28  }
0x413: {  	vm1 =	vgt.s32 v34, $0x1387;
	v24 =	vadd.s32 v36, v63;
	[tilespmem:$0x220] =	vst v25  }
0x414: {  	v41 =	vnsel vm1, $0x0, v3;
	v42 =	vsel vm1, v11, v10;
	[tilespmem:$0x210] =	vst v24;
	v23 =	vadd.s32 v13, v23  }
0x415: {  	v25 =	vadd.s32 v41, v34;
	[tilespmem:$0x430] =	vst v42  }
0x416: {  	[tilespmem:$0x230] =	vst v25  }
0x417: {  	[tilespmem:s15], [sflag:$0x1] =	stream.indirect_vreg.gather [hbm4b:s3+s23], $0x80, v39, vm0, $0xb8;
	[tilespmem:$0x18600] =	vst v63  }
0x418: {  	s26 =	simm.s32 $0xE00  }
0x419: {  	[tilespmem:s26], [sflag:$0x1] =	stream.indirect_vreg.gather [hbm4b:s3+s23], $0x80, v23, vm0, $0xb8;
	[tilespmem:$0x18600] =	vst v63  }
0x41a: {  	v23 =	vld [tilespmem:$0x210];
	_ =	sdelay $0x4  }
0x41b: {  	v43 =	vshll.u32 v23, $0x1  }
0x41c: {  	v23 =	vand.u32 $0x7, v23;
	v24 =	vand.u32 $0xFFFFFFF0, v43  }
0x41d: {  	v23 =	vor.u32 v23, v24  }
0x41e: {  	v24 =	vperm.xlane v23, v12;
	_ =	sdelay $0x1  }
0x41f: {  	v23 =	vperm.xlane v23, v14;
	v24 =	vadd.s32 v13, v24;
	_ =	sdelay $0x1  }
0x420: {  	v23 =	vadd.s32 v13, v23;
	_ =	sdelay $0x1  }
0x421: {  	s25 =	simm.s32 $0x1600  }
0x422: {  	[tilespmem:s25], [sflag:$0x1] =	stream.indirect_vreg.gather [hbm4b:s3+s23], $0x80, v24, vm0, $0xb8;
	[tilespmem:$0x18600] =	vst v63  }
0x423: {  	s26 =	simm.s32 $0x1E00  }
0x424: {  	[tilespmem:s26], [sflag:$0x1] =	stream.indirect_vreg.gather [hbm4b:s3+s23], $0x80, v23, vm0, $0xb8;
	[tilespmem:$0x18600] =	vst v63  }
0x425: {  	v23 =	vld [tilespmem:$0x220];
	_ =	sdelay $0x4  }
0x426: {  	v44 =	vshll.u32 v23, $0x1  }
0x427: {  	v23 =	vand.u32 $0x7, v23;
	v24 =	vand.u32 $0xFFFFFFF0, v44  }
0x428: {  	v23 =	vor.u32 v23, v24  }
0x429: {  	v24 =	vperm.xlane v23, v12;
	_ =	sdelay $0x1  }
0x42a: {  	v23 =	vperm.xlane v23, v14;
	v24 =	vadd.s32 v13, v24;
	_ =	sdelay $0x1  }
0x42b: {  	v23 =	vadd.s32 v13, v23;
	_ =	sdelay $0x1  }
0x42c: {  	s25 =	simm.s32 $0x2600  }
0x42d: {  	[tilespmem:s25], [sflag:$0x1] =	stream.indirect_vreg.gather [hbm4b:s3+s23], $0x80, v24, vm0, $0xb8;
	[tilespmem:$0x18600] =	vst v63  }
0x42e: {  	s26 =	simm.s32 $0x2E00  }
0x42f: {  	[tilespmem:s26], [sflag:$0x1] =	stream.indirect_vreg.gather [hbm4b:s3+s23], $0x80, v23, vm0, $0xb8;
	[tilespmem:$0x18600] =	vst v63  }
0x430: {  	v23 =	vld [tilespmem:$0x230];
	_ =	sdelay $0x4  }
0x431: {  	v45 =	vshll.u32 v23, $0x1  }
0x432: {  	v23 =	vand.u32 $0x7, v23;
	v24 =	vand.u32 $0xFFFFFFF0, v45  }
0x433: {  	v23 =	vor.u32 v23, v24  }
0x434: {  	v24 =	vperm.xlane v23, v12;
	_ =	sdelay $0x1  }
0x435: {  	v23 =	vperm.xlane v23, v14;
	v24 =	vadd.s32 v13, v24;
	_ =	sdelay $0x1  }
0x436: {  	v23 =	vadd.s32 v13, v23;
	_ =	sdelay $0x1  }
0x437: {  	s25 =	simm.s32 $0x3600  }
0x438: {  	[tilespmem:s25], [sflag:$0x1] =	stream.indirect_vreg.gather [hbm4b:s3+s23], $0x80, v24, vm0, $0xb8;
	[tilespmem:$0x18600] =	vst v63  }
0x439: {  	s26 =	simm.s32 $0x3E00  }
0x43a: {  	[tilespmem:s26], [sflag:$0x1] =	stream.indirect_vreg.gather [hbm4b:s3+s23], $0x80, v23, vm0, $0xb8;
	[tilespmem:$0x18600] =	vst v63  }
0x43b: {  	v23 =	vld [tilespmem:$0x400];
	_ =	sdelay $0x4  }
0x43c: {  	v46 =	vshll.u32 v23, $0x1  }
0x43d: {  	v23 =	vand.u32 $0x7, v23;
	v24 =	vand.u32 $0xFFFFFFF0, v46  }
0x43e: {  	v23 =	vor.u32 v23, v24  }
0x43f: {  	v24 =	vperm.xlane v23, v12;
	_ =	sdelay $0x1  }
0x440: {  	v23 =	vperm.xlane v23, v14;
	v24 =	vadd.s32 v13, v24;
	_ =	sdelay $0x1  }
0x441: {  	v23 =	vadd.s32 v13, v23;
	_ =	sdelay $0x1  }
0x442: {  	s25 =	simm.s32 $0x4600  }
0x443: {  	[tilespmem:s25], [sflag:$0x1] =	stream.indirect_vreg.gather [hbm4b:s3+s23], $0x80, v24, vm0, $0xb8;
	[tilespmem:$0x18600] =	vst v63  }
0x444: {  	s26 =	simm.s32 $0x4E00  }
0x445: {  	[tilespmem:s26], [sflag:$0x1] =	stream.indirect_vreg.gather [hbm4b:s3+s23], $0x80, v23, vm0, $0xb8;
	[tilespmem:$0x18600] =	vst v63  }
0x446: {  	v23 =	vld [tilespmem:$0x410];
	_ =	sdelay $0x4  }
0x447: {  	v47 =	vshll.u32 v23, $0x1  }
0x448: {  	v23 =	vand.u32 $0x7, v23;
	v24 =	vand.u32 $0xFFFFFFF0, v47  }
0x449: {  	v23 =	vor.u32 v23, v24  }
0x44a: {  	v24 =	vperm.xlane v23, v12;
	_ =	sdelay $0x1  }
0x44b: {  	v23 =	vperm.xlane v23, v14;
	v24 =	vadd.s32 v13, v24;
	_ =	sdelay $0x1  }
0x44c: {  	v23 =	vadd.s32 v13, v23;
	_ =	sdelay $0x1  }
0x44d: {  	s25 =	simm.s32 $0x5600  }
0x44e: {  	[tilespmem:s25], [sflag:$0x1] =	stream.indirect_vreg.gather [hbm4b:s3+s23], $0x80, v24, vm0, $0xb8;
	[tilespmem:$0x18600] =	vst v63  }
0x44f: {  	s26 =	simm.s32 $0x5E00  }
0x450: {  	[tilespmem:s26], [sflag:$0x1] =	stream.indirect_vreg.gather [hbm4b:s3+s23], $0x80, v23, vm0, $0xb8;
	[tilespmem:$0x18600] =	vst v63  }
0x451: {  	v23 =	vld [tilespmem:$0x420];
	_ =	sdelay $0x4  }
0x452: {  	v48 =	vshll.u32 v23, $0x1  }
0x453: {  	v23 =	vand.u32 $0x7, v23;
	v24 =	vand.u32 $0xFFFFFFF0, v48  }
0x454: {  	v23 =	vor.u32 v23, v24  }
0x455: {  	v24 =	vperm.xlane v23, v12;
	_ =	sdelay $0x1  }
0x456: {  	v23 =	vperm.xlane v23, v14;
	v24 =	vadd.s32 v13, v24;
	_ =	sdelay $0x1  }
0x457: {  	v23 =	vadd.s32 v13, v23;
	_ =	sdelay $0x1  }
0x458: {  	s25 =	simm.s32 $0x6600  }
0x459: {  	[tilespmem:s25], [sflag:$0x1] =	stream.indirect_vreg.gather [hbm4b:s3+s23], $0x80, v24, vm0, $0xb8;
	[tilespmem:$0x18600] =	vst v63  }
0x45a: {  	_ = 	snop  }
0x45b: {  	[tilespmem:s29], [sflag:$0x1] =	stream.indirect_vreg.gather [hbm4b:s3+s23], $0x80, v23, vm0, $0xb8;
	[tilespmem:$0x18600] =	vst v63  }
0x45c: {  	v23 =	vld [tilespmem:$0x430];
	_ =	sdelay $0x4  }
0x45d: {  	v49 =	vshll.u32 v23, $0x1  }
0x45e: {  	v23 =	vand.u32 $0x7, v23;
	v24 =	vand.u32 $0xFFFFFFF0, v49  }
0x45f: {  	v23 =	vor.u32 v23, v24  }
0x460: {  	v24 =	vperm.xlane v23, v12;
	_ =	sdelay $0x1  }
0x461: {  	v23 =	vperm.xlane v23, v14;
	v24 =	vadd.s32 v13, v24;
	_ =	sdelay $0x1  }
0x462: {  	v23 =	vadd.s32 v13, v23;
	_ =	sdelay $0x2  }
0x463: {  	[tilespmem:s30], [sflag:$0x1] =	stream.indirect_vreg.gather [hbm4b:s3+s23], $0x80, v24, vm0, $0xb8;
	[tilespmem:$0x18600] =	vst v63  }
0x464: {  	_ = 	snop  }
0x465: {  	[tilespmem:s31], [sflag:$0x1] =	stream.indirect_vreg.gather [hbm4b:s3+s23], $0x80, v23, vm0, $0xb8;
	[tilespmem:$0x18600] =	vst v63  }
0x466: {  	_ =	swait.ge [sflag:s20], $0x4000  }
0x467: {  	[sflag:s20] =	ssyncset.done $0x0  }
0x468: {  	[sflag:s20] =	ssyncadd.s32 $0xFFFFC000  }
0x469: {  	_ =	swait.ge [sflag:s20], $0x4000  }
0x46a: {  	s26 =	sand.u32 $0x3800, s23;
	s23 =	sand.u32 $0x380, s23;
	[sflag:s20] =	ssyncset.done $0x0  }
0x46b: {  	s23 =	sor.u32 s23, s26;
	[sflag:s20] =	ssyncadd.s32 $0xFFFFC000  }
0x46c: {  	v23 =	vld [tilespmem:s23+$0xCA70]  }
0x46d: {  	v50 =	vld [tilespmem:s23+$0xC600]  }
0x46e: {  	v51 =	vld [tilespmem:s23+$0xC610]  }
0x46f: {  	v52 =	vld [tilespmem:s23+$0xC620]  }
0x470: {  	v53 =	vld [tilespmem:s23+$0xC630]  }
0x471: {  	v54 =	vld [tilespmem:s23+$0xC640]  }
0x472: {  	v55 =	vld [tilespmem:s23+$0xC650]  }
0x473: {  	v56 =	vld [tilespmem:s23+$0xC660]  }
0x474: {  	v57 =	vld [tilespmem:s23+$0xC670]  }
0x475: {  	v58 =	vld [tilespmem:s23+$0xCA00]  }
0x476: {  	v59 =	vld [tilespmem:s23+$0xCA10]  }
0x477: {  	v60 =	vld [tilespmem:s23+$0xCA20]  }
0x478: {  	v61 =	vld [tilespmem:s23+$0xCA30]  }
0x479: {  	v62 =	vld [tilespmem:s23+$0xCA40]  }
0x47a: {  	v63 =	vld [tilespmem:s23+$0xCA50]  }
0x47b: {  	[tilespmem:s23+$0x8A70] =	vst.add.f32.msk $0xffff, v23  }
0x47c: {  	v23 =	vld [tilespmem:s23+$0xCA60]  }
0x47d: {  	[tilespmem:s23+$0x8600] =	vst.add.f32.msk $0xffff, v50  }
0x47e: {  	[tilespmem:s23+$0x8610] =	vst.add.f32.msk $0xffff, v51  }
0x47f: {  	[tilespmem:s23+$0x8620] =	vst.add.f32.msk $0xffff, v52  }
0x480: {  	[tilespmem:s23+$0x8630] =	vst.add.f32.msk $0xffff, v53  }
0x481: {  	[tilespmem:s23+$0x8640] =	vst.add.f32.msk $0xffff, v54  }
0x482: {  	[tilespmem:s23+$0x8650] =	vst.add.f32.msk $0xffff, v55  }
0x483: {  	[tilespmem:s23+$0x8660] =	vst.add.f32.msk $0xffff, v56  }
0x484: {  	[tilespmem:s23+$0x8670] =	vst.add.f32.msk $0xffff, v57  }
0x485: {  	[tilespmem:s23+$0x8A00] =	vst.add.f32.msk $0xffff, v58  }
0x486: {  	[tilespmem:s23+$0x8A10] =	vst.add.f32.msk $0xffff, v59  }
0x487: {  	[tilespmem:s23+$0x8A20] =	vst.add.f32.msk $0xffff, v60  }
0x488: {  	[tilespmem:s23+$0x8A30] =	vst.add.f32.msk $0xffff, v61  }
0x489: {  	s24 =	simm.s32 $0x80;
	s25 =	simm.s32 $0x100;
	[tilespmem:s23+$0x8A40] =	vst.add.f32.msk $0xffff, v62  }
0x48a: {  	s28 =	sand.u32 $0x380, s24;
	s26 =	sand.u32 $0x3800, s25;
	s25 =	simm.s32 $0x200;
	[tilespmem:s23+$0x8A50] =	vst.add.f32.msk $0xffff, v63  }
.LBB2_10:
0x48b: {  	p0 =	sne.s32 s25, $0x3F00;
	[tilespmem:s23+$0x8A60] =	vst.add.f32.msk $0xffff, v23;
	s23 =	sor.u32 s28, s26  }
0x48c: {  	v23 =	vld [tilespmem:s23+$0xCA70]  }
0x48d: {  	v24 =	vld [tilespmem:s23+$0xC600]  }
0x48e: {  	v25 =	vld [tilespmem:s23+$0xC610]  }
0x48f: {  	v26 =	vld [tilespmem:s23+$0xC620]  }
0x490: {  	v27 =	vld [tilespmem:s23+$0xC630]  }
0x491: {  	[tilespmem:s23+$0x8A70] =	vst.add.f32.msk $0xffff, v23  }
0x492: {  	v28 =	vld [tilespmem:s23+$0xC640]  }
0x493: {  	v29 =	vld [tilespmem:s23+$0xC650]  }
0x494: {  	v30 =	vld [tilespmem:s23+$0xC660]  }
0x495: {  	v31 =	vld [tilespmem:s23+$0xC670]  }
0x496: {  	v32 =	vld [tilespmem:s23+$0xCA00]  }
0x497: {  	v33 =	vld [tilespmem:s23+$0xCA10]  }
0x498: {  	v34 =	vld [tilespmem:s23+$0xCA20]  }
0x499: {  	v35 =	vld [tilespmem:s23+$0xCA30]  }
0x49a: {  	v36 =	vld [tilespmem:s23+$0xCA40]  }
0x49b: {  	v37 =	vld [tilespmem:s23+$0xCA50]  }
0x49c: {  	v23 =	vld [tilespmem:s23+$0xCA60]  }
0x49d: {  	[tilespmem:s23+$0x8600] =	vst.add.f32.msk $0xffff, v24  }
0x49e: {  	[tilespmem:s23+$0x8610] =	vst.add.f32.msk $0xffff, v25  }
0x49f: {  	[tilespmem:s23+$0x8620] =	vst.add.f32.msk $0xffff, v26  }
0x4a0: {  	[tilespmem:s23+$0x8630] =	vst.add.f32.msk $0xffff, v27  }
0x4a1: {  	[tilespmem:s23+$0x8640] =	vst.add.f32.msk $0xffff, v28  }
0x4a2: {  	[tilespmem:s23+$0x8650] =	vst.add.f32.msk $0xffff, v29  }
0x4a3: {  	[tilespmem:s23+$0x8660] =	vst.add.f32.msk $0xffff, v30  }
0x4a4: {  	[tilespmem:s23+$0x8670] =	vst.add.f32.msk $0xffff, v31  }
0x4a5: {  	[tilespmem:s23+$0x8A00] =	vst.add.f32.msk $0xffff, v32  }
.Ltmp4:
0x4a6: {  	[tilespmem:s23+$0x8A10] =	vst.add.f32.msk $0xffff, v33;
	(pc) =	sbr.rel @p0 .LBB2_10-.Ltmp4, $4  }
0x4a7: {  	[tilespmem:s23+$0x8A20] =	vst.add.f32.msk $0xffff, v34  }
0x4a8: {  	[tilespmem:s23+$0x8A30] =	vst.add.f32.msk $0xffff, v35  }
0x4a9: {  	s24 =	sadd.s32 $0x80, s24;
	[tilespmem:s23+$0x8A40] =	vst.add.f32.msk $0xffff, v36  }
0x4aa: {  	s26 =	sand.u32 $0x3800, s25;
	s25 =	sadd.s32 $0x100, s25;
	s28 =	sand.u32 $0x380, s24;
	[tilespmem:s23+$0x8A50] =	vst.add.f32.msk $0xffff, v37  }
0x4ab: {  	s24 =	sor.u32 s28, s26;
	[tilespmem:s23+$0x8A60] =	vst.add.f32.msk $0xffff, v23  }
0x4ac: {  	v23 =	vld [tilespmem:s24+$0xCA70]  }
0x4ad: {  	v24 =	vld [tilespmem:s24+$0xC600]  }
0x4ae: {  	v25 =	vld [tilespmem:s24+$0xC610]  }
0x4af: {  	v26 =	vld [tilespmem:s24+$0xC620]  }
0x4b0: {  	v27 =	vld [tilespmem:s24+$0xC630]  }
0x4b1: {  	v28 =	vld [tilespmem:s24+$0xC650]  }
0x4b2: {  	v29 =	vld [tilespmem:s24+$0xC660]  }
0x4b3: {  	v30 =	vld [tilespmem:s24+$0xC670]  }
0x4b4: {  	v31 =	vld [tilespmem:s24+$0xCA00]  }
0x4b5: {  	v32 =	vld [tilespmem:s24+$0xCA10]  }
0x4b6: {  	v33 =	vld [tilespmem:s24+$0xCA20]  }
0x4b7: {  	v34 =	vld [tilespmem:s24+$0xCA30]  }
0x4b8: {  	v35 =	vld [tilespmem:s24+$0xCA40]  }
0x4b9: {  	v36 =	vld [tilespmem:s24+$0xCA50]  }
0x4ba: {  	v37 =	vld [tilespmem:s24+$0xCA60]  }
0x4bb: {  	[tilespmem:s24+$0x8A70] =	vst.add.f32.msk $0xffff, v23  }
0x4bc: {  	v23 =	vld [tilespmem:s24+$0xC640]  }
0x4bd: {  	[tilespmem:s24+$0x8600] =	vst.add.f32.msk $0xffff, v24  }
0x4be: {  	[tilespmem:s24+$0x8610] =	vst.add.f32.msk $0xffff, v25  }
0x4bf: {  	[tilespmem:s24+$0x8620] =	vst.add.f32.msk $0xffff, v26  }
0x4c0: {  	[tilespmem:s24+$0x8630] =	vst.add.f32.msk $0xffff, v27  }
0x4c1: {  	[tilespmem:s24+$0x8650] =	vst.add.f32.msk $0xffff, v28  }
0x4c2: {  	[tilespmem:s24+$0x8660] =	vst.add.f32.msk $0xffff, v29  }
0x4c3: {  	[tilespmem:s24+$0x8670] =	vst.add.f32.msk $0xffff, v30  }
0x4c4: {  	[tilespmem:s24+$0x8A00] =	vst.add.f32.msk $0xffff, v31  }
0x4c5: {  	[tilespmem:s24+$0x8A10] =	vst.add.f32.msk $0xffff, v32  }
0x4c6: {  	[tilespmem:s24+$0x8A20] =	vst.add.f32.msk $0xffff, v33  }
0x4c7: {  	[tilespmem:s24+$0x8A30] =	vst.add.f32.msk $0xffff, v34  }
0x4c8: {  	[tilespmem:s24+$0x8A40] =	vst.add.f32.msk $0xffff, v35  }
0x4c9: {  	[tilespmem:s24+$0x8A50] =	vst.add.f32.msk $0xffff, v36  }
0x4ca: {  	[tilespmem:s24+$0x8A60] =	vst.add.f32.msk $0xffff, v37  }
0x4cb: {  	s23 =	simm.s32 $0x0;
	s25 =	rddreg [dreg:$0x9];
	[tilespmem:s24+$0x8640] =	vst.add.f32.msk $0xffff, v23  }
0x4cc: {  	[hbm4b:s25+s23] =	stream.linear.scatter [tilespmem:s0], [sflag:$0x2], $0x4000, $0x38;
	[tilespmem:$0x18600] =	vst v63  }
0x4cd: {  	_ =	swait.ge [sflag:s21], $0x4000  }
0x4ce: {  	[sflag:s21] =	ssyncset.done $0x0  }
0x4cf: {  	[sflag:s21] =	ssyncadd.s32 $0xFFFFC000  }
0x4d0: {  	v23 =	vld [tilespmem:$0x1C0];
	_ =	sdelay $0x4  }
0x4d1: {  	vm1 =	vgt.s32 v23, $0x1387  }
0x4d2: {  	v62 =	vnsel vm1, $0x0, v3  }
0x4d3: {  	v23 =	vadd.s32 v62, v23  }
0x4d4: {  	[tilespmem:$0x280] =	vst v23  }
0x4d5: {  	v23 =	vld [tilespmem:$0x280];
	_ =	sdelay $0x1  }
0x4d6: {  	v32 =	vld [tilespmem:$0x1E0]  }
0x4d7: {  	v63 =	vld [tilespmem:$0x1D0];
	_ =	sdelay $0x1  }
0x4d8: {  	v35 =	vshll.u32 v23, $0x1  }
0x4d9: {  	v34 =	vld [tilespmem:$0x1F0];
	v23 =	vand.u32 $0x7, v23;
	v28 =	vand.u32 $0xFFFFFFF0, v35  }
0x4da: {  	vm2 =	vgt.s32 v32, $0x1387;
	v33 =	vsel vm1, v16, v15;
	v23 =	vor.u32 v23, v28  }
0x4db: {  	vm1 =	vgt.s32 v63, $0x1387;
	v40 =	vsel vm2, v20, v19;
	[tilespmem:$0x480] =	vst v33;
	v28 =	vperm.xlane v23, v12  }
0x4dc: {  	v37 =	vnsel vm2, $0x0, v3;
	v36 =	vnsel vm1, $0x0, v3;
	v38 =	vsel vm1, v18, v17;
	[tilespmem:$0x4A0] =	vst v40  }
0x4dd: {  	v25 =	vadd.s32 v37, v32;
	[tilespmem:$0x490] =	vst v38;
	v23 =	vperm.xlane v23, v14;
	v39 =	vadd.s32 v13, v28  }
0x4de: {  	vm1 =	vgt.s32 v34, $0x1387;
	v24 =	vadd.s32 v36, v63;
	[tilespmem:$0x2A0] =	vst v25  }
0x4df: {  	v41 =	vnsel vm1, $0x0, v3;
	v42 =	vsel vm1, v22, v21;
	[tilespmem:$0x290] =	vst v24;
	v23 =	vadd.s32 v13, v23  }
0x4e0: {  	v25 =	vadd.s32 v41, v34;
	[tilespmem:$0x4B0] =	vst v42  }
0x4e1: {  	[tilespmem:$0x2B0] =	vst v25  }
0x4e2: {  	[tilespmem:s0], [sflag:$0x1] =	stream.indirect_vreg.gather [hbm4b:s3+s23], $0x80, v39, vm0, $0xb8;
	[tilespmem:$0x18600] =	vst v63  }
0x4e3: {  	_ = 	snop  }
0x4e4: {  	[tilespmem:s1], [sflag:$0x1] =	stream.indirect_vreg.gather [hbm4b:s3+s23], $0x80, v23, vm0, $0xb8;
	[tilespmem:$0x18600] =	vst v63  }
0x4e5: {  	v23 =	vld [tilespmem:$0x290];
	_ =	sdelay $0x4  }
0x4e6: {  	v43 =	vshll.u32 v23, $0x1  }
0x4e7: {  	v23 =	vand.u32 $0x7, v23;
	v24 =	vand.u32 $0xFFFFFFF0, v43  }
0x4e8: {  	v23 =	vor.u32 v23, v24  }
0x4e9: {  	v24 =	vperm.xlane v23, v12;
	_ =	sdelay $0x1  }
0x4ea: {  	v23 =	vperm.xlane v23, v14;
	v24 =	vadd.s32 v13, v24;
	_ =	sdelay $0x1  }
0x4eb: {  	v23 =	vadd.s32 v13, v23;
	_ =	sdelay $0x2  }
0x4ec: {  	[tilespmem:s4], [sflag:$0x1] =	stream.indirect_vreg.gather [hbm4b:s3+s23], $0x80, v24, vm0, $0xb8;
	[tilespmem:$0x18600] =	vst v63  }
0x4ed: {  	_ = 	snop  }
0x4ee: {  	[tilespmem:s5], [sflag:$0x1] =	stream.indirect_vreg.gather [hbm4b:s3+s23], $0x80, v23, vm0, $0xb8;
	[tilespmem:$0x18600] =	vst v63  }
0x4ef: {  	v23 =	vld [tilespmem:$0x2A0];
	_ =	sdelay $0x4  }
0x4f0: {  	v44 =	vshll.u32 v23, $0x1  }
0x4f1: {  	v23 =	vand.u32 $0x7, v23;
	v24 =	vand.u32 $0xFFFFFFF0, v44  }
0x4f2: {  	v23 =	vor.u32 v23, v24  }
0x4f3: {  	v24 =	vperm.xlane v23, v12;
	_ =	sdelay $0x1  }
0x4f4: {  	v23 =	vperm.xlane v23, v14;
	v24 =	vadd.s32 v13, v24;
	_ =	sdelay $0x1  }
0x4f5: {  	v23 =	vadd.s32 v13, v23;
	_ =	sdelay $0x2  }
0x4f6: {  	[tilespmem:s6], [sflag:$0x1] =	stream.indirect_vreg.gather [hbm4b:s3+s23], $0x80, v24, vm0, $0xb8;
	[tilespmem:$0x18600] =	vst v63  }
0x4f7: {  	_ = 	snop  }
0x4f8: {  	[tilespmem:s7], [sflag:$0x1] =	stream.indirect_vreg.gather [hbm4b:s3+s23], $0x80, v23, vm0, $0xb8;
	[tilespmem:$0x18600] =	vst v63  }
0x4f9: {  	v23 =	vld [tilespmem:$0x2B0];
	_ =	sdelay $0x4  }
0x4fa: {  	v45 =	vshll.u32 v23, $0x1  }
0x4fb: {  	v23 =	vand.u32 $0x7, v23;
	v24 =	vand.u32 $0xFFFFFFF0, v45  }
0x4fc: {  	v23 =	vor.u32 v23, v24  }
0x4fd: {  	v24 =	vperm.xlane v23, v12;
	_ =	sdelay $0x1  }
0x4fe: {  	v23 =	vperm.xlane v23, v14;
	v24 =	vadd.s32 v13, v24;
	_ =	sdelay $0x1  }
0x4ff: {  	v23 =	vadd.s32 v13, v23;
	_ =	sdelay $0x2  }
0x500: {  	[tilespmem:s8], [sflag:$0x1] =	stream.indirect_vreg.gather [hbm4b:s3+s23], $0x80, v24, vm0, $0xb8;
	[tilespmem:$0x18600] =	vst v63  }
0x501: {  	_ = 	snop  }
0x502: {  	[tilespmem:s9], [sflag:$0x1] =	stream.indirect_vreg.gather [hbm4b:s3+s23], $0x80, v23, vm0, $0xb8;
	[tilespmem:$0x18600] =	vst v63  }
0x503: {  	v23 =	vld [tilespmem:$0x480];
	_ =	sdelay $0x4  }
0x504: {  	v46 =	vshll.u32 v23, $0x1  }
0x505: {  	v23 =	vand.u32 $0x7, v23;
	v24 =	vand.u32 $0xFFFFFFF0, v46  }
0x506: {  	v23 =	vor.u32 v23, v24  }
0x507: {  	v24 =	vperm.xlane v23, v12;
	_ =	sdelay $0x1  }
0x508: {  	v23 =	vperm.xlane v23, v14;
	v24 =	vadd.s32 v13, v24;
	_ =	sdelay $0x1  }
0x509: {  	v23 =	vadd.s32 v13, v23;
	_ =	sdelay $0x2  }
0x50a: {  	[tilespmem:s10], [sflag:$0x1] =	stream.indirect_vreg.gather [hbm4b:s3+s23], $0x80, v24, vm0, $0xb8;
	[tilespmem:$0x18600] =	vst v63  }
0x50b: {  	_ = 	snop  }
0x50c: {  	[tilespmem:s11], [sflag:$0x1] =	stream.indirect_vreg.gather [hbm4b:s3+s23], $0x80, v23, vm0, $0xb8;
	[tilespmem:$0x18600] =	vst v63  }
0x50d: {  	v23 =	vld [tilespmem:$0x490];
	_ =	sdelay $0x4  }
0x50e: {  	v47 =	vshll.u32 v23, $0x1  }
0x50f: {  	v23 =	vand.u32 $0x7, v23;
	v24 =	vand.u32 $0xFFFFFFF0, v47  }
0x510: {  	v23 =	vor.u32 v23, v24  }
0x511: {  	v24 =	vperm.xlane v23, v12;
	_ =	sdelay $0x1  }
0x512: {  	v23 =	vperm.xlane v23, v14;
	v24 =	vadd.s32 v13, v24;
	_ =	sdelay $0x1  }
0x513: {  	v23 =	vadd.s32 v13, v23;
	_ =	sdelay $0x2  }
0x514: {  	[tilespmem:s12], [sflag:$0x1] =	stream.indirect_vreg.gather [hbm4b:s3+s23], $0x80, v24, vm0, $0xb8;
	[tilespmem:$0x18600] =	vst v63  }
0x515: {  	_ = 	snop  }
0x516: {  	[tilespmem:s13], [sflag:$0x1] =	stream.indirect_vreg.gather [hbm4b:s3+s23], $0x80, v23, vm0, $0xb8;
	[tilespmem:$0x18600] =	vst v63  }
0x517: {  	v23 =	vld [tilespmem:$0x4A0];
	_ =	sdelay $0x4  }
0x518: {  	v48 =	vshll.u32 v23, $0x1  }
0x519: {  	v23 =	vand.u32 $0x7, v23;
	v24 =	vand.u32 $0xFFFFFFF0, v48  }
0x51a: {  	v23 =	vor.u32 v23, v24  }
0x51b: {  	v24 =	vperm.xlane v23, v12;
	_ =	sdelay $0x1  }
0x51c: {  	v23 =	vperm.xlane v23, v14;
	v24 =	vadd.s32 v13, v24;
	_ =	sdelay $0x1  }
0x51d: {  	v23 =	vadd.s32 v13, v23;
	_ =	sdelay $0x2  }
0x51e: {  	[tilespmem:s14], [sflag:$0x1] =	stream.indirect_vreg.gather [hbm4b:s3+s23], $0x80, v24, vm0, $0xb8;
	[tilespmem:$0x18600] =	vst v63  }
0x51f: {  	_ = 	snop  }
0x520: {  	[tilespmem:s16], [sflag:$0x1] =	stream.indirect_vreg.gather [hbm4b:s3+s23], $0x80, v23, vm0, $0xb8;
	[tilespmem:$0x18600] =	vst v63  }
0x521: {  	v23 =	vld [tilespmem:$0x4B0];
	_ =	sdelay $0x4  }
0x522: {  	v49 =	vshll.u32 v23, $0x1  }
0x523: {  	v23 =	vand.u32 $0x7, v23;
	v24 =	vand.u32 $0xFFFFFFF0, v49  }
0x524: {  	v23 =	vor.u32 v23, v24  }
0x525: {  	v24 =	vperm.xlane v23, v12;
	_ =	sdelay $0x1  }
0x526: {  	v23 =	vperm.xlane v23, v14;
	v24 =	vadd.s32 v13, v24;
	_ =	sdelay $0x1  }
0x527: {  	v23 =	vadd.s32 v13, v23;
	_ =	sdelay $0x2  }
0x528: {  	[tilespmem:s17], [sflag:$0x1] =	stream.indirect_vreg.gather [hbm4b:s3+s23], $0x80, v24, vm0, $0xb8;
	[tilespmem:$0x18600] =	vst v63  }
0x529: {  	_ = 	snop  }
0x52a: {  	[tilespmem:s18], [sflag:$0x1] =	stream.indirect_vreg.gather [hbm4b:s3+s23], $0x80, v23, vm0, $0xb8;
	[tilespmem:$0x18600] =	vst v63  }
0x52b: {  	_ =	swait.ge [sflag:s20], $0x4000  }
0x52c: {  	[sflag:s20] =	ssyncset.done $0x0  }
0x52d: {  	[sflag:s20] =	ssyncadd.s32 $0xFFFFC000  }
0x52e: {  	_ =	swait.ge [sflag:s20], $0x4000  }
0x52f: {  	s26 =	sand.u32 $0x3800, s23;
	s23 =	sand.u32 $0x380, s23;
	[sflag:s20] =	ssyncset.done $0x0  }
0x530: {  	s23 =	sor.u32 s23, s26;
	[sflag:s20] =	ssyncadd.s32 $0xFFFFC000  }
0x531: {  	v23 =	vld [tilespmem:s23+$0x14A70]  }
0x532: {  	v50 =	vld [tilespmem:s23+$0x14600]  }
0x533: {  	v51 =	vld [tilespmem:s23+$0x14610]  }
0x534: {  	v52 =	vld [tilespmem:s23+$0x14620]  }
0x535: {  	v53 =	vld [tilespmem:s23+$0x14630]  }
0x536: {  	v54 =	vld [tilespmem:s23+$0x14640]  }
0x537: {  	v55 =	vld [tilespmem:s23+$0x14650]  }
0x538: {  	v56 =	vld [tilespmem:s23+$0x14660]  }
0x539: {  	v57 =	vld [tilespmem:s23+$0x14670]  }
0x53a: {  	v58 =	vld [tilespmem:s23+$0x14A00]  }
0x53b: {  	v59 =	vld [tilespmem:s23+$0x14A10]  }
0x53c: {  	v60 =	vld [tilespmem:s23+$0x14A20]  }
0x53d: {  	v61 =	vld [tilespmem:s23+$0x14A30]  }
0x53e: {  	v62 =	vld [tilespmem:s23+$0x14A40]  }
0x53f: {  	v63 =	vld [tilespmem:s23+$0x14A50]  }
0x540: {  	[tilespmem:s23+$0x10A70] =	vst.add.f32.msk $0xffff, v23  }
0x541: {  	v23 =	vld [tilespmem:s23+$0x14A60]  }
0x542: {  	[tilespmem:s23+$0x10600] =	vst.add.f32.msk $0xffff, v50  }
0x543: {  	[tilespmem:s23+$0x10610] =	vst.add.f32.msk $0xffff, v51  }
0x544: {  	[tilespmem:s23+$0x10620] =	vst.add.f32.msk $0xffff, v52  }
0x545: {  	[tilespmem:s23+$0x10630] =	vst.add.f32.msk $0xffff, v53  }
0x546: {  	[tilespmem:s23+$0x10640] =	vst.add.f32.msk $0xffff, v54  }
0x547: {  	[tilespmem:s23+$0x10650] =	vst.add.f32.msk $0xffff, v55  }
0x548: {  	[tilespmem:s23+$0x10660] =	vst.add.f32.msk $0xffff, v56  }
0x549: {  	[tilespmem:s23+$0x10670] =	vst.add.f32.msk $0xffff, v57  }
0x54a: {  	[tilespmem:s23+$0x10A00] =	vst.add.f32.msk $0xffff, v58  }
0x54b: {  	[tilespmem:s23+$0x10A10] =	vst.add.f32.msk $0xffff, v59  }
0x54c: {  	[tilespmem:s23+$0x10A20] =	vst.add.f32.msk $0xffff, v60  }
0x54d: {  	[tilespmem:s23+$0x10A30] =	vst.add.f32.msk $0xffff, v61  }
0x54e: {  	s24 =	simm.s32 $0x80;
	s25 =	simm.s32 $0x100;
	[tilespmem:s23+$0x10A40] =	vst.add.f32.msk $0xffff, v62  }
0x54f: {  	s28 =	sand.u32 $0x380, s24;
	s26 =	sand.u32 $0x3800, s25;
	s25 =	simm.s32 $0x200;
	[tilespmem:s23+$0x10A50] =	vst.add.f32.msk $0xffff, v63  }
.LBB2_12:
0x550: {  	p0 =	sne.s32 s25, $0x3F00;
	[tilespmem:s23+$0x10A60] =	vst.add.f32.msk $0xffff, v23;
	s23 =	sor.u32 s28, s26  }
0x551: {  	v23 =	vld [tilespmem:s23+$0x14A70]  }
0x552: {  	v24 =	vld [tilespmem:s23+$0x14600]  }
0x553: {  	v25 =	vld [tilespmem:s23+$0x14610]  }
0x554: {  	v26 =	vld [tilespmem:s23+$0x14620]  }
0x555: {  	v27 =	vld [tilespmem:s23+$0x14630]  }
0x556: {  	[tilespmem:s23+$0x10A70] =	vst.add.f32.msk $0xffff, v23  }
0x557: {  	v28 =	vld [tilespmem:s23+$0x14640]  }
0x558: {  	v29 =	vld [tilespmem:s23+$0x14650]  }
0x559: {  	v30 =	vld [tilespmem:s23+$0x14660]  }
0x55a: {  	v31 =	vld [tilespmem:s23+$0x14670]  }
0x55b: {  	v32 =	vld [tilespmem:s23+$0x14A00]  }
0x55c: {  	v33 =	vld [tilespmem:s23+$0x14A10]  }
0x55d: {  	v34 =	vld [tilespmem:s23+$0x14A20]  }
0x55e: {  	v35 =	vld [tilespmem:s23+$0x14A30]  }
0x55f: {  	v36 =	vld [tilespmem:s23+$0x14A40]  }
0x560: {  	v37 =	vld [tilespmem:s23+$0x14A50]  }
0x561: {  	v23 =	vld [tilespmem:s23+$0x14A60]  }
0x562: {  	[tilespmem:s23+$0x10600] =	vst.add.f32.msk $0xffff, v24  }
0x563: {  	[tilespmem:s23+$0x10610] =	vst.add.f32.msk $0xffff, v25  }
0x564: {  	[tilespmem:s23+$0x10620] =	vst.add.f32.msk $0xffff, v26  }
0x565: {  	[tilespmem:s23+$0x10630] =	vst.add.f32.msk $0xffff, v27  }
0x566: {  	[tilespmem:s23+$0x10640] =	vst.add.f32.msk $0xffff, v28  }
0x567: {  	[tilespmem:s23+$0x10650] =	vst.add.f32.msk $0xffff, v29  }
0x568: {  	[tilespmem:s23+$0x10660] =	vst.add.f32.msk $0xffff, v30  }
0x569: {  	[tilespmem:s23+$0x10670] =	vst.add.f32.msk $0xffff, v31  }
0x56a: {  	[tilespmem:s23+$0x10A00] =	vst.add.f32.msk $0xffff, v32  }
.Ltmp5:
0x56b: {  	[tilespmem:s23+$0x10A10] =	vst.add.f32.msk $0xffff, v33;
	(pc) =	sbr.rel @p0 .LBB2_12-.Ltmp5, $4  }
0x56c: {  	[tilespmem:s23+$0x10A20] =	vst.add.f32.msk $0xffff, v34  }
0x56d: {  	[tilespmem:s23+$0x10A30] =	vst.add.f32.msk $0xffff, v35  }
0x56e: {  	s24 =	sadd.s32 $0x80, s24;
	[tilespmem:s23+$0x10A40] =	vst.add.f32.msk $0xffff, v36  }
0x56f: {  	s26 =	sand.u32 $0x3800, s25;
	s25 =	sadd.s32 $0x100, s25;
	s28 =	sand.u32 $0x380, s24;
	[tilespmem:s23+$0x10A50] =	vst.add.f32.msk $0xffff, v37  }
0x570: {  	s24 =	sor.u32 s28, s26;
	[tilespmem:s23+$0x10A60] =	vst.add.f32.msk $0xffff, v23  }
0x571: {  	v23 =	vld [tilespmem:s24+$0x14A70]  }
0x572: {  	v24 =	vld [tilespmem:s24+$0x14600]  }
0x573: {  	v25 =	vld [tilespmem:s24+$0x14610]  }
0x574: {  	v26 =	vld [tilespmem:s24+$0x14620]  }
0x575: {  	v27 =	vld [tilespmem:s24+$0x14630]  }
0x576: {  	v28 =	vld [tilespmem:s24+$0x14650]  }
0x577: {  	v29 =	vld [tilespmem:s24+$0x14660]  }
0x578: {  	v30 =	vld [tilespmem:s24+$0x14670]  }
0x579: {  	v31 =	vld [tilespmem:s24+$0x14A00]  }
0x57a: {  	v32 =	vld [tilespmem:s24+$0x14A10]  }
0x57b: {  	v33 =	vld [tilespmem:s24+$0x14A20]  }
0x57c: {  	v34 =	vld [tilespmem:s24+$0x14A30]  }
0x57d: {  	v35 =	vld [tilespmem:s24+$0x14A40]  }
0x57e: {  	v36 =	vld [tilespmem:s24+$0x14A50]  }
0x57f: {  	v37 =	vld [tilespmem:s24+$0x14A60]  }
0x580: {  	[tilespmem:s24+$0x10A70] =	vst.add.f32.msk $0xffff, v23  }
0x581: {  	v23 =	vld [tilespmem:s24+$0x14640]  }
0x582: {  	[tilespmem:s24+$0x10600] =	vst.add.f32.msk $0xffff, v24  }
0x583: {  	[tilespmem:s24+$0x10610] =	vst.add.f32.msk $0xffff, v25  }
0x584: {  	[tilespmem:s24+$0x10620] =	vst.add.f32.msk $0xffff, v26  }
0x585: {  	[tilespmem:s24+$0x10630] =	vst.add.f32.msk $0xffff, v27  }
0x586: {  	[tilespmem:s24+$0x10650] =	vst.add.f32.msk $0xffff, v28  }
0x587: {  	[tilespmem:s24+$0x10660] =	vst.add.f32.msk $0xffff, v29  }
0x588: {  	[tilespmem:s24+$0x10670] =	vst.add.f32.msk $0xffff, v30  }
0x589: {  	[tilespmem:s24+$0x10A00] =	vst.add.f32.msk $0xffff, v31  }
0x58a: {  	[tilespmem:s24+$0x10A10] =	vst.add.f32.msk $0xffff, v32  }
0x58b: {  	[tilespmem:s24+$0x10A20] =	vst.add.f32.msk $0xffff, v33  }
0x58c: {  	[tilespmem:s24+$0x10A30] =	vst.add.f32.msk $0xffff, v34  }
0x58d: {  	[tilespmem:s24+$0x10A40] =	vst.add.f32.msk $0xffff, v35  }
0x58e: {  	[tilespmem:s24+$0x10A50] =	vst.add.f32.msk $0xffff, v36  }
0x58f: {  	[tilespmem:s24+$0x10A60] =	vst.add.f32.msk $0xffff, v37  }
0x590: {  	s23 =	simm.s32 $0x0;
	s25 =	rddreg [dreg:$0xa];
	[tilespmem:s24+$0x10640] =	vst.add.f32.msk $0xffff, v23  }
0x591: {  	[hbm4b:s25+s23] =	stream.linear.scatter [tilespmem:s19], [sflag:$0x2], $0x4000, $0x38;
	[tilespmem:$0x18600] =	vst v63  }
0x592: {  	_ =	swait.ge [sflag:s20], $0x4000  }
0x593: {  	[sflag:s20] =	ssyncset.done $0x0  }
0x594: {  	[sflag:s20] =	ssyncadd.s32 $0xFFFFC000  }
0x595: {  	_ =	swait.ge [sflag:s20], $0x4000  }
0x596: {  	s26 =	sand.u32 $0x3800, s23;
	s23 =	sand.u32 $0x380, s23;
	[sflag:s20] =	ssyncset.done $0x0  }
0x597: {  	s23 =	sor.u32 s23, s26;
	[sflag:s20] =	ssyncadd.s32 $0xFFFFC000  }
0x598: {  	v23 =	vld [tilespmem:s23+$0x4A70]  }
0x599: {  	v50 =	vld [tilespmem:s23+$0x4600]  }
0x59a: {  	v51 =	vld [tilespmem:s23+$0x4610]  }
0x59b: {  	v52 =	vld [tilespmem:s23+$0x4620]  }
0x59c: {  	v53 =	vld [tilespmem:s23+$0x4630]  }
0x59d: {  	v54 =	vld [tilespmem:s23+$0x4640]  }
0x59e: {  	v55 =	vld [tilespmem:s23+$0x4650]  }
0x59f: {  	v56 =	vld [tilespmem:s23+$0x4660]  }
0x5a0: {  	v57 =	vld [tilespmem:s23+$0x4670]  }
0x5a1: {  	v58 =	vld [tilespmem:s23+$0x4A00]  }
0x5a2: {  	v59 =	vld [tilespmem:s23+$0x4A10]  }
0x5a3: {  	v60 =	vld [tilespmem:s23+$0x4A20]  }
0x5a4: {  	v61 =	vld [tilespmem:s23+$0x4A30]  }
0x5a5: {  	v62 =	vld [tilespmem:s23+$0x4A40]  }
0x5a6: {  	v63 =	vld [tilespmem:s23+$0x4A50]  }
0x5a7: {  	[tilespmem:s23+$0xA70] =	vst.add.f32.msk $0xffff, v23  }
0x5a8: {  	v23 =	vld [tilespmem:s23+$0x4A60]  }
0x5a9: {  	[tilespmem:s23+$0x600] =	vst.add.f32.msk $0xffff, v50  }
0x5aa: {  	[tilespmem:s23+$0x610] =	vst.add.f32.msk $0xffff, v51  }
0x5ab: {  	[tilespmem:s23+$0x620] =	vst.add.f32.msk $0xffff, v52  }
0x5ac: {  	[tilespmem:s23+$0x630] =	vst.add.f32.msk $0xffff, v53  }
0x5ad: {  	[tilespmem:s23+$0x640] =	vst.add.f32.msk $0xffff, v54  }
0x5ae: {  	[tilespmem:s23+$0x650] =	vst.add.f32.msk $0xffff, v55  }
0x5af: {  	[tilespmem:s23+$0x660] =	vst.add.f32.msk $0xffff, v56  }
0x5b0: {  	[tilespmem:s23+$0x670] =	vst.add.f32.msk $0xffff, v57  }
0x5b1: {  	[tilespmem:s23+$0xA00] =	vst.add.f32.msk $0xffff, v58  }
0x5b2: {  	[tilespmem:s23+$0xA10] =	vst.add.f32.msk $0xffff, v59  }
0x5b3: {  	[tilespmem:s23+$0xA20] =	vst.add.f32.msk $0xffff, v60  }
0x5b4: {  	[tilespmem:s23+$0xA30] =	vst.add.f32.msk $0xffff, v61  }
0x5b5: {  	s24 =	simm.s32 $0x80;
	s25 =	simm.s32 $0x100;
	[tilespmem:s23+$0xA40] =	vst.add.f32.msk $0xffff, v62  }
0x5b6: {  	s28 =	sand.u32 $0x380, s24;
	s26 =	sand.u32 $0x3800, s25;
	s25 =	simm.s32 $0x200;
	[tilespmem:s23+$0xA50] =	vst.add.f32.msk $0xffff, v63  }
.LBB2_14:
0x5b7: {  	p0 =	sne.s32 s25, $0x3F00;
	[tilespmem:s23+$0xA60] =	vst.add.f32.msk $0xffff, v23;
	s23 =	sor.u32 s28, s26  }
0x5b8: {  	v23 =	vld [tilespmem:s23+$0x4A70]  }
0x5b9: {  	v24 =	vld [tilespmem:s23+$0x4600]  }
0x5ba: {  	v25 =	vld [tilespmem:s23+$0x4610]  }
0x5bb: {  	v26 =	vld [tilespmem:s23+$0x4620]  }
0x5bc: {  	v27 =	vld [tilespmem:s23+$0x4630]  }
0x5bd: {  	[tilespmem:s23+$0xA70] =	vst.add.f32.msk $0xffff, v23  }
0x5be: {  	v28 =	vld [tilespmem:s23+$0x4640]  }
0x5bf: {  	v29 =	vld [tilespmem:s23+$0x4650]  }
0x5c0: {  	v30 =	vld [tilespmem:s23+$0x4660]  }
0x5c1: {  	v31 =	vld [tilespmem:s23+$0x4670]  }
0x5c2: {  	v32 =	vld [tilespmem:s23+$0x4A00]  }
0x5c3: {  	v33 =	vld [tilespmem:s23+$0x4A10]  }
0x5c4: {  	v34 =	vld [tilespmem:s23+$0x4A20]  }
0x5c5: {  	v35 =	vld [tilespmem:s23+$0x4A30]  }
0x5c6: {  	v36 =	vld [tilespmem:s23+$0x4A40]  }
0x5c7: {  	v37 =	vld [tilespmem:s23+$0x4A50]  }
0x5c8: {  	v23 =	vld [tilespmem:s23+$0x4A60]  }
0x5c9: {  	[tilespmem:s23+$0x600] =	vst.add.f32.msk $0xffff, v24  }
0x5ca: {  	[tilespmem:s23+$0x610] =	vst.add.f32.msk $0xffff, v25  }
0x5cb: {  	[tilespmem:s23+$0x620] =	vst.add.f32.msk $0xffff, v26  }
0x5cc: {  	[tilespmem:s23+$0x630] =	vst.add.f32.msk $0xffff, v27  }
0x5cd: {  	[tilespmem:s23+$0x640] =	vst.add.f32.msk $0xffff, v28  }
0x5ce: {  	[tilespmem:s23+$0x650] =	vst.add.f32.msk $0xffff, v29  }
0x5cf: {  	[tilespmem:s23+$0x660] =	vst.add.f32.msk $0xffff, v30  }
0x5d0: {  	[tilespmem:s23+$0x670] =	vst.add.f32.msk $0xffff, v31  }
0x5d1: {  	[tilespmem:s23+$0xA00] =	vst.add.f32.msk $0xffff, v32  }
.Ltmp6:
0x5d2: {  	[tilespmem:s23+$0xA10] =	vst.add.f32.msk $0xffff, v33;
	(pc) =	sbr.rel @p0 .LBB2_14-.Ltmp6, $4  }
0x5d3: {  	[tilespmem:s23+$0xA20] =	vst.add.f32.msk $0xffff, v34  }
0x5d4: {  	[tilespmem:s23+$0xA30] =	vst.add.f32.msk $0xffff, v35  }
0x5d5: {  	s24 =	sadd.s32 $0x80, s24;
	[tilespmem:s23+$0xA40] =	vst.add.f32.msk $0xffff, v36  }
0x5d6: {  	s26 =	sand.u32 $0x3800, s25;
	s25 =	sadd.s32 $0x100, s25;
	s28 =	sand.u32 $0x380, s24;
	[tilespmem:s23+$0xA50] =	vst.add.f32.msk $0xffff, v37  }
0x5d7: {  	s24 =	sor.u32 s28, s26;
	[tilespmem:s23+$0xA60] =	vst.add.f32.msk $0xffff, v23  }
0x5d8: {  	v23 =	vld [tilespmem:s24+$0x4A70]  }
0x5d9: {  	v24 =	vld [tilespmem:s24+$0x4600]  }
0x5da: {  	v25 =	vld [tilespmem:s24+$0x4610]  }
0x5db: {  	v26 =	vld [tilespmem:s24+$0x4620]  }
0x5dc: {  	v27 =	vld [tilespmem:s24+$0x4630]  }
0x5dd: {  	v28 =	vld [tilespmem:s24+$0x4650]  }
0x5de: {  	v29 =	vld [tilespmem:s24+$0x4660]  }
0x5df: {  	v30 =	vld [tilespmem:s24+$0x4670]  }
0x5e0: {  	v31 =	vld [tilespmem:s24+$0x4A00]  }
0x5e1: {  	v32 =	vld [tilespmem:s24+$0x4A10]  }
0x5e2: {  	v33 =	vld [tilespmem:s24+$0x4A20]  }
0x5e3: {  	v34 =	vld [tilespmem:s24+$0x4A30]  }
0x5e4: {  	v35 =	vld [tilespmem:s24+$0x4A40]  }
0x5e5: {  	v36 =	vld [tilespmem:s24+$0x4A50]  }
0x5e6: {  	v37 =	vld [tilespmem:s24+$0x4A60]  }
0x5e7: {  	[tilespmem:s24+$0xA70] =	vst.add.f32.msk $0xffff, v23  }
0x5e8: {  	v23 =	vld [tilespmem:s24+$0x4640]  }
0x5e9: {  	[tilespmem:s24+$0x600] =	vst.add.f32.msk $0xffff, v24  }
0x5ea: {  	[tilespmem:s24+$0x610] =	vst.add.f32.msk $0xffff, v25  }
0x5eb: {  	[tilespmem:s24+$0x620] =	vst.add.f32.msk $0xffff, v26  }
0x5ec: {  	[tilespmem:s24+$0x630] =	vst.add.f32.msk $0xffff, v27  }
0x5ed: {  	[tilespmem:s24+$0x650] =	vst.add.f32.msk $0xffff, v28  }
0x5ee: {  	[tilespmem:s24+$0x660] =	vst.add.f32.msk $0xffff, v29  }
0x5ef: {  	[tilespmem:s24+$0x670] =	vst.add.f32.msk $0xffff, v30  }
0x5f0: {  	[tilespmem:s24+$0xA00] =	vst.add.f32.msk $0xffff, v31  }
0x5f1: {  	[tilespmem:s24+$0xA10] =	vst.add.f32.msk $0xffff, v32  }
0x5f2: {  	[tilespmem:s24+$0xA20] =	vst.add.f32.msk $0xffff, v33  }
0x5f3: {  	[tilespmem:s24+$0xA30] =	vst.add.f32.msk $0xffff, v34  }
0x5f4: {  	[tilespmem:s24+$0xA40] =	vst.add.f32.msk $0xffff, v35  }
0x5f5: {  	[tilespmem:s24+$0xA50] =	vst.add.f32.msk $0xffff, v36  }
0x5f6: {  	[tilespmem:s24+$0xA60] =	vst.add.f32.msk $0xffff, v37  }
0x5f7: {  	s23 =	simm.s32 $0x0;
	s25 =	rddreg [dreg:$0xb];
	[tilespmem:s24+$0x640] =	vst.add.f32.msk $0xffff, v23  }
0x5f8: {  	[hbm4b:s25+s23] =	stream.linear.scatter [tilespmem:s15], [sflag:$0x2], $0x4000, $0x38;
	[tilespmem:$0x18600] =	vst v63  }
0x5f9: {  	_ =	swait.ge [sflag:s20], $0x4000  }
0x5fa: {  	[sflag:s20] =	ssyncset.done $0x0  }
0x5fb: {  	[sflag:s20] =	ssyncadd.s32 $0xFFFFC000  }
0x5fc: {  	_ =	swait.ge [sflag:s20], $0x4000  }
0x5fd: {  	s26 =	sand.u32 $0x3800, s23;
	s23 =	sand.u32 $0x380, s23;
	[sflag:s20] =	ssyncset.done $0x0  }
0x5fe: {  	s23 =	sor.u32 s23, s26;
	[sflag:s20] =	ssyncadd.s32 $0xFFFFC000  }
0x5ff: {  	v23 =	vld [tilespmem:s23+$0xCA70]  }
0x600: {  	v50 =	vld [tilespmem:s23+$0xC600]  }
0x601: {  	v51 =	vld [tilespmem:s23+$0xC610]  }
0x602: {  	v52 =	vld [tilespmem:s23+$0xC620]  }
0x603: {  	v53 =	vld [tilespmem:s23+$0xC630]  }
0x604: {  	v54 =	vld [tilespmem:s23+$0xC640]  }
0x605: {  	v55 =	vld [tilespmem:s23+$0xC650]  }
0x606: {  	v56 =	vld [tilespmem:s23+$0xC660]  }
0x607: {  	v57 =	vld [tilespmem:s23+$0xC670]  }
0x608: {  	v58 =	vld [tilespmem:s23+$0xCA00]  }
0x609: {  	v59 =	vld [tilespmem:s23+$0xCA10]  }
0x60a: {  	v60 =	vld [tilespmem:s23+$0xCA20]  }
0x60b: {  	v61 =	vld [tilespmem:s23+$0xCA30]  }
0x60c: {  	v62 =	vld [tilespmem:s23+$0xCA40]  }
0x60d: {  	v63 =	vld [tilespmem:s23+$0xCA50]  }
0x60e: {  	[tilespmem:s23+$0x8A70] =	vst.add.f32.msk $0xffff, v23  }
0x60f: {  	v23 =	vld [tilespmem:s23+$0xCA60]  }
0x610: {  	[tilespmem:s23+$0x8600] =	vst.add.f32.msk $0xffff, v50  }
0x611: {  	[tilespmem:s23+$0x8610] =	vst.add.f32.msk $0xffff, v51  }
0x612: {  	[tilespmem:s23+$0x8620] =	vst.add.f32.msk $0xffff, v52  }
0x613: {  	[tilespmem:s23+$0x8630] =	vst.add.f32.msk $0xffff, v53  }
0x614: {  	[tilespmem:s23+$0x8640] =	vst.add.f32.msk $0xffff, v54  }
0x615: {  	[tilespmem:s23+$0x8650] =	vst.add.f32.msk $0xffff, v55  }
0x616: {  	[tilespmem:s23+$0x8660] =	vst.add.f32.msk $0xffff, v56  }
0x617: {  	[tilespmem:s23+$0x8670] =	vst.add.f32.msk $0xffff, v57  }
0x618: {  	[tilespmem:s23+$0x8A00] =	vst.add.f32.msk $0xffff, v58  }
0x619: {  	[tilespmem:s23+$0x8A10] =	vst.add.f32.msk $0xffff, v59  }
0x61a: {  	[tilespmem:s23+$0x8A20] =	vst.add.f32.msk $0xffff, v60  }
0x61b: {  	[tilespmem:s23+$0x8A30] =	vst.add.f32.msk $0xffff, v61  }
0x61c: {  	s24 =	simm.s32 $0x80;
	s25 =	simm.s32 $0x100;
	[tilespmem:s23+$0x8A40] =	vst.add.f32.msk $0xffff, v62  }
0x61d: {  	s28 =	sand.u32 $0x380, s24;
	s26 =	sand.u32 $0x3800, s25;
	s25 =	simm.s32 $0x200;
	[tilespmem:s23+$0x8A50] =	vst.add.f32.msk $0xffff, v63  }
.LBB2_16:
0x61e: {  	p0 =	sne.s32 s25, $0x3F00;
	[tilespmem:s23+$0x8A60] =	vst.add.f32.msk $0xffff, v23;
	s23 =	sor.u32 s28, s26  }
0x61f: {  	v23 =	vld [tilespmem:s23+$0xCA70]  }
0x620: {  	v24 =	vld [tilespmem:s23+$0xC600]  }
0x621: {  	v25 =	vld [tilespmem:s23+$0xC610]  }
0x622: {  	v26 =	vld [tilespmem:s23+$0xC620]  }
0x623: {  	v27 =	vld [tilespmem:s23+$0xC630]  }
0x624: {  	[tilespmem:s23+$0x8A70] =	vst.add.f32.msk $0xffff, v23  }
0x625: {  	v28 =	vld [tilespmem:s23+$0xC640]  }
0x626: {  	v29 =	vld [tilespmem:s23+$0xC650]  }
0x627: {  	v30 =	vld [tilespmem:s23+$0xC660]  }
0x628: {  	v31 =	vld [tilespmem:s23+$0xC670]  }
0x629: {  	v32 =	vld [tilespmem:s23+$0xCA00]  }
0x62a: {  	v33 =	vld [tilespmem:s23+$0xCA10]  }
0x62b: {  	v34 =	vld [tilespmem:s23+$0xCA20]  }
0x62c: {  	v35 =	vld [tilespmem:s23+$0xCA30]  }
0x62d: {  	v36 =	vld [tilespmem:s23+$0xCA40]  }
0x62e: {  	v37 =	vld [tilespmem:s23+$0xCA50]  }
0x62f: {  	v23 =	vld [tilespmem:s23+$0xCA60]  }
0x630: {  	[tilespmem:s23+$0x8600] =	vst.add.f32.msk $0xffff, v24  }
0x631: {  	[tilespmem:s23+$0x8610] =	vst.add.f32.msk $0xffff, v25  }
0x632: {  	[tilespmem:s23+$0x8620] =	vst.add.f32.msk $0xffff, v26  }
0x633: {  	[tilespmem:s23+$0x8630] =	vst.add.f32.msk $0xffff, v27  }
0x634: {  	[tilespmem:s23+$0x8640] =	vst.add.f32.msk $0xffff, v28  }
0x635: {  	[tilespmem:s23+$0x8650] =	vst.add.f32.msk $0xffff, v29  }
0x636: {  	[tilespmem:s23+$0x8660] =	vst.add.f32.msk $0xffff, v30  }
0x637: {  	[tilespmem:s23+$0x8670] =	vst.add.f32.msk $0xffff, v31  }
0x638: {  	[tilespmem:s23+$0x8A00] =	vst.add.f32.msk $0xffff, v32  }
.Ltmp7:
0x639: {  	[tilespmem:s23+$0x8A10] =	vst.add.f32.msk $0xffff, v33;
	(pc) =	sbr.rel @p0 .LBB2_16-.Ltmp7, $4  }
0x63a: {  	[tilespmem:s23+$0x8A20] =	vst.add.f32.msk $0xffff, v34  }
0x63b: {  	[tilespmem:s23+$0x8A30] =	vst.add.f32.msk $0xffff, v35  }
0x63c: {  	s24 =	sadd.s32 $0x80, s24;
	[tilespmem:s23+$0x8A40] =	vst.add.f32.msk $0xffff, v36  }
0x63d: {  	s26 =	sand.u32 $0x3800, s25;
	s25 =	sadd.s32 $0x100, s25;
	s28 =	sand.u32 $0x380, s24;
	[tilespmem:s23+$0x8A50] =	vst.add.f32.msk $0xffff, v37  }
0x63e: {  	s24 =	sor.u32 s28, s26;
	[tilespmem:s23+$0x8A60] =	vst.add.f32.msk $0xffff, v23  }
0x63f: {  	v23 =	vld [tilespmem:s24+$0xCA70]  }
0x640: {  	v24 =	vld [tilespmem:s24+$0xC600]  }
0x641: {  	v25 =	vld [tilespmem:s24+$0xC610]  }
0x642: {  	v26 =	vld [tilespmem:s24+$0xC620]  }
0x643: {  	v27 =	vld [tilespmem:s24+$0xC630]  }
0x644: {  	v28 =	vld [tilespmem:s24+$0xC650]  }
0x645: {  	v29 =	vld [tilespmem:s24+$0xC660]  }
0x646: {  	v30 =	vld [tilespmem:s24+$0xC670]  }
0x647: {  	v31 =	vld [tilespmem:s24+$0xCA00]  }
0x648: {  	v32 =	vld [tilespmem:s24+$0xCA10]  }
0x649: {  	v33 =	vld [tilespmem:s24+$0xCA20]  }
0x64a: {  	v34 =	vld [tilespmem:s24+$0xCA30]  }
0x64b: {  	v35 =	vld [tilespmem:s24+$0xCA40]  }
0x64c: {  	v36 =	vld [tilespmem:s24+$0xCA50]  }
0x64d: {  	v37 =	vld [tilespmem:s24+$0xCA60]  }
0x64e: {  	[tilespmem:s24+$0x8A70] =	vst.add.f32.msk $0xffff, v23  }
0x64f: {  	v23 =	vld [tilespmem:s24+$0xC640]  }
0x650: {  	[tilespmem:s24+$0x8600] =	vst.add.f32.msk $0xffff, v24  }
0x651: {  	[tilespmem:s24+$0x8610] =	vst.add.f32.msk $0xffff, v25  }
0x652: {  	[tilespmem:s24+$0x8620] =	vst.add.f32.msk $0xffff, v26  }
0x653: {  	[tilespmem:s24+$0x8630] =	vst.add.f32.msk $0xffff, v27  }
0x654: {  	[tilespmem:s24+$0x8650] =	vst.add.f32.msk $0xffff, v28  }
0x655: {  	[tilespmem:s24+$0x8660] =	vst.add.f32.msk $0xffff, v29  }
0x656: {  	[tilespmem:s24+$0x8670] =	vst.add.f32.msk $0xffff, v30  }
0x657: {  	[tilespmem:s24+$0x8A00] =	vst.add.f32.msk $0xffff, v31  }
0x658: {  	[tilespmem:s24+$0x8A10] =	vst.add.f32.msk $0xffff, v32  }
0x659: {  	[tilespmem:s24+$0x8A20] =	vst.add.f32.msk $0xffff, v33  }
0x65a: {  	[tilespmem:s24+$0x8A30] =	vst.add.f32.msk $0xffff, v34  }
0x65b: {  	[tilespmem:s24+$0x8A40] =	vst.add.f32.msk $0xffff, v35  }
0x65c: {  	[tilespmem:s24+$0x8A50] =	vst.add.f32.msk $0xffff, v36  }
0x65d: {  	[tilespmem:s24+$0x8A60] =	vst.add.f32.msk $0xffff, v37  }
0x65e: {  	s26 =	rddreg [dreg:$0xc];
	[tilespmem:s24+$0x8640] =	vst.add.f32.msk $0xffff, v23  }
0x65f: {  	[hbm4b:s26+s2] =	stream.linear.scatter [tilespmem:s0], [sflag:$0x2], $0x4000, $0x38;
	[tilespmem:$0x18600] =	vst v63  }
0x660: {  	_ =	swait.ge [sflag:s21], $0x4000  }
0x661: {  	[sflag:s21] =	ssyncset.done $0x0  }
0x662: {  	[sflag:s21] =	ssyncadd.s32 $0xFFFFC000  }
0x663: {  	_ =	swait.ge [sflag:s21], $0x4000  }
0x664: {  	[sflag:s21] =	ssyncset.done $0x0  }
0x665: {  	[sflag:s21] =	ssyncadd.s32 $0xFFFFC000  }
0x666: {  	_ =	swait.ge [sflag:s21], $0x4000  }
0x667: {  	s22 =	sadd.s32 $0x1, s22;
	s28 =	rddreg [dreg:$0xd]  }
0x668: {  	p0 =	sne.s32 s22, s28  }
.Ltmp8:
0x669: {  	_ = 	snop;
	(pc) =	sbr.rel @p0 .LBB2_1-.Ltmp8, $3  }
0x66a: {  	_ =	sdelay $0x1  }
0x66b: {  	[sflag:s21] =	ssyncset.done $0x0  }
0x66c: {  	[sflag:s21] =	ssyncadd.s32 $0xFFFFC000  }
0x66d: {  	_ =	sfence.sel $0x180000  }
0x66e: {  	[bflag:$0x0] =	sbarrier.arrive $0xFFFF  }
0x66f: {  	_ =	strace $0x90000047  }
0x670: {  	s0 =	stileid.u32;
	[bflag:$0x2] =	sbarrier.arrive $0xFFFF  }
0x671: {  	p0 =	sne.s32 s0, $0x0;
	s0 =	rddreg [dreg:$0x3]  }
0x672: {  	s0 =	sadd.s32 @!p0 $0x100000, s0  }
0x673: {  	[sflag:s0] =	ssyncadd.tile.s32 @!p0 $0x1;
	_ =	shalt  }
.Lfunc_end2:
_tile_overlayer_lowered:
.L_overlay_start_2:
0x674: {  	(tag) =	ssettag $0x2  }
0x675: {  	s0 =	rddreg [dreg:$0x0];
	s2 =	stileid.u32  }
0x676: {  	s1 =	rddreg [dreg:$0x1];
	p0 =	sne.s32 s2, $0x0  }
0x677: {  	s3 =	rddreg [dreg:$0x2];
	[bflag:$0x3] =	sbarrier.arrive $0xFFFF;
	s2 =	simm.s32 @!p0 $0x1C03  }
0x678: {  	[timem:s3], [sflag:s2] =	dma.local @!p0 [hbm:s0], s1  }
0x679: {  	s0 =	simm.s32 @!p0 $0x3  }
0x67a: {  	_ =	swait.ge @!p0 [sflag:s0], s1  }
0x67b: {  	s1 =	ssub.s32 @!p0 $0x0, s1;
	[sflag:s0] =	ssyncset.done @!p0 $0x0  }
0x67c: {  	[sflag:s0] =	ssyncadd.s32 @!p0 s1  }
0x67d: {  	[bflag:$0x3] =	sbarrier.arrive $0xFFFF  }
0x67e: {  	_ =	shalt  }

</sc_bundles>
